<compile_context>
chip_gen: v7x
topology: tpu7x:2x2x1
jax: 0.10.2.dev20260603
libtpu: 0.0.44.dev20260713+nightly
codegen_flags: <defaults>
</compile_context>

<pallas_src>
import functools

import jax
import jax.numpy as jnp
from jax import lax
from jax.experimental import pallas as pl
from jax.experimental.pallas import tpu as pltpu
from jax.experimental.pallas import tpu_sc as plsc

M = 10000
D = 128
E = 160000
MP = 10240
EP = 163840
EPT = EP // 32
NCH = EPT // 128
NR = 10016
RPT = 640
RLAST = NR - 15 * RPT
BQ = 256
BK = 256
NBQ = MP // BQ
NBK = MP // BK
KEY_SHIFT = 14


def _leaky(x):
    return jnp.maximum(x, 0.0) + 0.01 * jnp.minimum(x, 0.0)


def _proj_body(z_b, wgT, wqT, wkT, wcT, a1, a2, wg_o, q_o, k_o, c_o, u_o, v_o,
               qn_o, kn_o):
    zb = z_b[...]
    wg = jnp.dot(zb, wgT[...], preferred_element_type=jnp.float32)
    wg_o[...] = wg
    q = jnp.dot(zb, wqT[...], preferred_element_type=jnp.float32)
    q_o[...] = q
    k = jnp.dot(zb, wkT[...], preferred_element_type=jnp.float32)
    k_o[...] = k
    c_o[...] = jnp.dot(zb, wcT[...], preferred_element_type=jnp.float32)
    u_o[...] = jnp.dot(wg, a1[...], preferred_element_type=jnp.float32)
    v_o[...] = jnp.dot(wg, a2[...], preferred_element_type=jnp.float32)
    qn_o[...] = jnp.sqrt(jnp.sum(q * q, axis=1, keepdims=True))
    kn_o[...] = jnp.sqrt(jnp.sum(k * k, axis=1, keepdims=True))


def _projections(zp, wgT, wqT, wkT, wcT, a1, a2):
    full = pl.BlockSpec((D, D), lambda i: (0, 0))
    colv = pl.BlockSpec((D, 1), lambda i: (0, 0))
    row = pl.BlockSpec((BQ, D), lambda i: (i, 0))
    rowv = pl.BlockSpec((BQ, 1), lambda i: (i, 0))
    mat = jax.ShapeDtypeStruct((MP, D), jnp.float32)
    vec = jax.ShapeDtypeStruct((MP, 1), jnp.float32)
    return pl.pallas_call(
        _proj_body,
        grid=(NBQ,),
        in_specs=[row, full, full, full, full, colv, colv],
        out_specs=[row, row, row, row, rowv, rowv, rowv, rowv],
        out_shape=[mat, mat, mat, mat, vec, vec, vec, vec],
    )(zp, wgT, wqT, wkT, wcT, a1, a2)


def _sc_body(wg_hbm, u_hbm, v_hbm, vmax_hbm, s2d_hbm, d2d_hbm, dl2d_hbm,
             zmat_hbm, zvec_hbm,
             local_out, denom_out,
             vm_v, es0, es1, s2v, d2v, dl2v, uvals_v, vvals_v,
             rows0, rows1, gs0, gs1, ss0, ss1,
             u_sp, v_sp, local_sp, denom_sp):
    esb = (es0, es1)
    rows = (rows0, rows1)
    gsem = (gs0, gs1)
    ssem = (ss0, ss1)
    c = lax.axis_index("c")
    s = lax.axis_index("s")
    w = s * 2 + c

    @pl.when(s < 15)
    def _():
        pltpu.sync_copy(zmat_hbm.at[pl.ds(s * RPT, RPT)],
                        local_sp.at[pl.ds(s * RPT, RPT)])

    @pl.when(s == 15)
    def _():
        pltpu.sync_copy(zmat_hbm.at[pl.ds(15 * RPT, RLAST)],
                        local_sp.at[pl.ds(15 * RPT, RLAST)])

    pltpu.sync_copy(zvec_hbm.at[pl.ds(s * RPT, RPT)],
                    denom_sp.at[pl.ds(s * RPT, RPT)])

    pltpu.sync_copy(u_hbm.at[pl.ds(s * RPT, RPT)],
                    u_sp.at[pl.ds(s * RPT, RPT)])
    pltpu.sync_copy(v_hbm.at[pl.ds(s * RPT, RPT)],
                    v_sp.at[pl.ds(s * RPT, RPT)])

    pltpu.sync_copy(vmax_hbm, vm_v)
    pltpu.sync_copy(s2d_hbm.at[pl.ds(w * NCH, NCH)], s2v)
    pltpu.sync_copy(d2d_hbm.at[pl.ds(w * NCH, NCH)], d2v)
    pltpu.sync_copy(dl2d_hbm.at[pl.ds(w * NCH, NCH)], dl2v)

    vmaxb = vm_v[...]

    plsc.subcore_barrier()

    def compute_es(jj, dst):
        pltpu.sync_copy(u_sp.at[s2v.at[jj]], uvals_v)
        pltpu.sync_copy(v_sp.at[d2v.at[jj]], vvals_v)
        for g in range(8):
            us = uvals_v[pl.ds(g * 16, 16)]
            vd = vvals_v[pl.ds(g * 16, 16)]
            e = _leaky(us + vd)
            shift = _leaky(us + vmaxb)
            dst[pl.ds(g * 16, 16)] = jnp.exp(e - shift)
        pltpu.sync_copy(dst, denom_sp.at[s2v.at[jj]], add=True)

    pltpu.async_copy(wg_hbm.at[dl2v.at[0]], rows[0], gsem[0])
    compute_es(0, esb[0])

    def pair(g2, carry):
        for bb in range(2):
            j = g2 * 2 + bb
            ob = 1 - bb

            @pl.when(j >= 1)
            def _():
                pltpu.make_async_copy(
                    rows[ob], local_sp.at[s2v.at[j - 1]], ssem[ob]).wait()

            @pl.when(j + 1 < NCH)
            def _():
                pltpu.async_copy(wg_hbm.at[dl2v.at[j + 1]], rows[ob],
                                 gsem[ob])
                compute_es(j + 1, esb[ob])

            pltpu.make_async_copy(
                wg_hbm.at[dl2v.at[j]], rows[bb], gsem[bb]).wait()

            def scale(rg, cc):
                evg = esb[bb][pl.ds(rg * 16, 16)]
                for rr in range(16):
                    ev = lax.gather(
                        evg, jnp.full((16, 1), rr, jnp.int32),
                        lax.GatherDimensionNumbers(
                            offset_dims=(), collapsed_slice_dims=(0,),
                            start_index_map=(0,)),
                        (1,), mode=lax.GatherScatterMode.PROMISE_IN_BOUNDS)
                    r = rg * 16 + rr
                    for gg in range(D // 16):
                        rows[bb][r, pl.ds(gg * 16, 16)] = (
                            rows[bb][r, pl.ds(gg * 16, 16)] * ev)
                return cc
            lax.fori_loop(0, 8, scale, 0)

            pltpu.async_copy(rows[bb], local_sp.at[s2v.at[j]], ssem[bb],
                             add=True)
        return carry
    lax.fori_loop(0, NCH // 2, pair, 0)

    pltpu.make_async_copy(
        rows[1], local_sp.at[s2v.at[NCH - 1]], ssem[1]).wait()

    plsc.subcore_barrier()

    @pl.when(s < 15)
    def _():
        pltpu.sync_copy(local_sp.at[pl.ds(s * RPT, RPT)],
                        local_out.at[c].at[pl.ds(s * RPT, RPT)])

    @pl.when(s == 15)
    def _():
        pltpu.sync_copy(local_sp.at[pl.ds(15 * RPT, RLAST)],
                        local_out.at[c].at[pl.ds(15 * RPT, RLAST)])

    pltpu.sync_copy(denom_sp.at[pl.ds(s * RPT, RPT)],
                    denom_out.at[c].at[pl.ds(s * RPT, RPT)])


def _sc_local(wg, u1, v1, vmax16, s2d, d2d, dl2d, zmat, zvec):
    mesh = plsc.VectorSubcoreMesh(core_axis_name="c", subcore_axis_name="s",
                                  num_cores=2, num_subcores=16)
    return pl.kernel(
        _sc_body,
        out_type=(jax.ShapeDtypeStruct((2, MP, D), jnp.float32),
                  jax.ShapeDtypeStruct((2, MP), jnp.float32)),
        mesh=mesh,
        scratch_types=[
            pltpu.VMEM((16,), jnp.float32),
            pltpu.VMEM((128,), jnp.float32),
            pltpu.VMEM((128,), jnp.float32),
            pltpu.VMEM((NCH, 128), jnp.int32),
            pltpu.VMEM((NCH, 128), jnp.int32),
            pltpu.VMEM((NCH, 128), jnp.int32),
            pltpu.VMEM((128,), jnp.float32),
            pltpu.VMEM((128,), jnp.float32),
            pltpu.VMEM((128, D), jnp.float32),
            pltpu.VMEM((128, D), jnp.float32),
            pltpu.SemaphoreType.DMA,
            pltpu.SemaphoreType.DMA,
            pltpu.SemaphoreType.DMA,
            pltpu.SemaphoreType.DMA,
            pltpu.VMEM_SHARED((MP,), jnp.float32),
            pltpu.VMEM_SHARED((MP,), jnp.float32),
            pltpu.VMEM_SHARED((NR, D), jnp.float32),
            pltpu.VMEM_SHARED((MP,), jnp.float32),
        ],
        compiler_params=pltpu.CompilerParams(needs_layout_passes=False),
        cost_estimate=pl.CostEstimate(flops=4 * EP * D,
                                      bytes_accessed=2 * EP * D * 4,
                                      transcendentals=EP),
    )(wg, u1, v1, vmax16, s2d, d2d, dl2d, zmat, zvec)


def _flash_body(q_b, k_b, c_b, bnd_b, o_b, acc, lv):
    j = pl.program_id(1)

    @pl.when(j == 0)
    def _():
        acc[...] = jnp.zeros_like(acc)
        lv[...] = jnp.zeros_like(lv)

    s = lax.dot_general(q_b[...], k_b[...], (((1,), (1,)), ((), ())),
                        preferred_element_type=jnp.float32)
    p = jnp.exp(s - bnd_b[...])
    lv[...] = lv[...] + jnp.sum(p, axis=1, keepdims=True)
    acc[...] = acc[...] + jnp.dot(p.astype(jnp.bfloat16), c_b[...],
                                  preferred_element_type=jnp.float32)

    @pl.when(j == NBK - 1)
    def _():
        pad = jnp.exp(-bnd_b[...]) * float(MP - M)
        o_b[...] = acc[...] / (lv[...] - pad)


def _flash(q, k, c, bound):
    rowi = pl.BlockSpec((BQ, D), lambda i, j: (i, 0))
    rowj = pl.BlockSpec((BK, D), lambda i, j: (j, 0))
    veci = pl.BlockSpec((BQ, 1), lambda i, j: (i, 0))
    return pl.pallas_call(
        _flash_body,
        grid=(NBQ, NBK),
        in_specs=[rowi, rowj, rowj, veci],
        out_specs=rowi,
        out_shape=jax.ShapeDtypeStruct((MP, D), jnp.float32),
        scratch_shapes=[
            pltpu.VMEM((BQ, D), jnp.float32),
            pltpu.VMEM((BQ, 1), jnp.float32),
        ],
        compiler_params=pltpu.CompilerParams(
            dimension_semantics=("parallel", "arbitrary")),
    )(q, k, c, bound)


def _epilogue_body(g_b, z_b, l0_b, l1_b, dn_b, o_b):
    dn = dn_b[...]
    dn = jnp.where(dn == 0.0, 1.0, dn)
    local = (l0_b[...] + l1_b[...]) / dn
    o_b[...] = _leaky(local + g_b[...] + z_b[...])


def _epilogue(glob, zp, l0, l1, dn):
    rowi = pl.BlockSpec((BQ, D), lambda i: (i, 0))
    veci = pl.BlockSpec((BQ, 1), lambda i: (i, 0))
    return pl.pallas_call(
        _epilogue_body,
        grid=(NBQ,),
        in_specs=[rowi, rowi, rowi, rowi, veci],
        out_specs=rowi,
        out_shape=jax.ShapeDtypeStruct((MP, D), jnp.float32),
    )(glob, zp, l0, l1, dn)


def kernel(z, edge_index, Wg, a, Wc, Wq, Wk):
    m, d = z.shape
    assert (m, d, edge_index.shape[1]) == (M, D, E)

    zp = jnp.pad(z, ((0, MP - m), (0, 0)))
    a1 = a[:d].reshape(d, 1).astype(jnp.float32)
    a2 = a[d:].reshape(d, 1).astype(jnp.float32)
    wg, q, k, c, u2, v2, qn, kn = _projections(
        zp, Wg.T, Wq.T, Wk.T, Wc.T, a1, a2)
    u1 = u2.reshape(MP)
    v1 = v2.reshape(MP)
    vmax16 = jnp.full((16,), jnp.max(v2), jnp.float32)

    src = edge_index[0].astype(jnp.int32)
    dst = edge_index[1].astype(jnp.int32)
    sk = jnp.sort((src << KEY_SHIFT) | dst)
    ssrc = sk >> KEY_SHIFT
    sdst = sk & ((1 << KEY_SHIFT) - 1)
    first = jnp.concatenate(
        [jnp.ones((1,), bool), sk[1:] != sk[:-1]])
    sdstl = jnp.where(first, sdst, M)
    padv = jnp.full((EP - E,), M, jnp.int32)
    ssrc = jnp.concatenate([ssrc, padv])
    sdst = jnp.concatenate([sdst, padv])
    sdstl = jnp.concatenate([sdstl, padv])

    zmat = jnp.zeros((NR, D), jnp.float32)
    zvec = jnp.zeros((MP,), jnp.float32)
    localp, denomp = _sc_local(
        wg, u1, v1, vmax16,
        ssrc.reshape(EP // 128, 128), sdst.reshape(EP // 128, 128),
        sdstl.reshape(EP // 128, 128), zmat, zvec)

    scale = 1.0 / (float(D) ** 0.5)
    bound = qn * (jnp.max(kn) * scale)
    glob = _flash((q * scale).astype(jnp.bfloat16), k.astype(jnp.bfloat16),
                  c.astype(jnp.bfloat16), bound)
    dn = (denomp[0] + denomp[1]).reshape(MP, 1)
    out = _epilogue(glob, zp, localp[0], localp[1], dn)
    return out[:m]

# --- scband reference (transcript-rebuilt; emitter-appended) ---
"""Pipeline reference for scband-cross-modal-gnnlayer-83889301225719 (READ-ONLY COPY).

The authoritative reference and input builder live on the scoring server;
editing this copy changes nothing except your own understanding.
"""

import jax, jax.numpy as jnp
import numpy as np

M = 10000
D = 128
E = 160000


def setup_inputs(seed: int = 0) -> dict:
    key = jax.random.key(seed)
    ks = jax.random.split(key, 7)
    z = jax.random.normal(ks[0], (M, D), dtype=jnp.float32)
    edge_index = jax.random.randint(ks[1], (2, E), 0, M, dtype=jnp.int32)
    s = 1.0 / np.sqrt(D)
    Wg = jax.random.normal(ks[2], (D, D), dtype=jnp.float32) * s
    a = jax.random.normal(ks[3], (2 * D,), dtype=jnp.float32)
    Wc = jax.random.normal(ks[4], (D, D), dtype=jnp.float32) * s
    Wq = jax.random.normal(ks[5], (D, D), dtype=jnp.float32) * s
    Wk = jax.random.normal(ks[6], (D, D), dtype=jnp.float32) * s
    return {"z": z, "edge_index": edge_index, "Wg": Wg, "a": a, "Wc": Wc, "Wq": Wq, "Wk": Wk}


def reference(z, edge_index, Wg, a, Wc, Wq, Wk):
    m, d = z.shape
    # nn.Linear(d, d, bias=False): y = x @ W.T
    wg = z @ Wg.T
    src = edge_index[0]
    dst = edge_index[1]
    # e_ij = leaky_relu(a . [wg_i ; wg_j]) computed per edge (vectorized form of the
    # original per-edge loop; e depends only on (i, j) so duplicate edges agree)
    e = jax.nn.leaky_relu(wg[src] @ a[:d] + wg[dst] @ a[d:])
    # per-source-row softmax over neighbor entries (gather semantics: duplicates counted,
    # matching torch's alpha[i, nbrs] = softmax(alpha[i, nbrs]))
    seg_max = jax.ops.segment_max(e, src, num_segments=m)
    e_shift = jnp.exp(e - seg_max[src])
    denom = jax.ops.segment_sum(e_shift, src, num_segments=m)
    coef = e_shift / denom[src]
    alpha = jnp.zeros((m, m), dtype=z.dtype).at[src, dst].set(coef)
    local = alpha @ wg
    q = z @ Wq.T
    k = z @ Wk.T
    beta = jax.nn.softmax((q @ k.T) / jnp.asarray(d, z.dtype) ** 0.5, axis=-1)
    global_msg = beta @ (z @ Wc.T)
    return jax.nn.leaky_relu(local + global_msg + z)

if __name__ == "__main__":
    import jax
    _d = setup_inputs()
    print(jax.jit(kernel)(*tuple(_d.values())))

</pallas_src>

<mosaic_0001>
#map = affine_map<(d0, d1) -> (0, 0)>
#map1 = affine_map<(d0, d1) -> (0)>
#map2 = affine_map<(d0, d1) -> (0, 0, 0)>
module attributes {stable_mosaic.version = 14 : i64} {
  func.func @_sc_body(%arg0: i32, %arg1: i32, %arg2: memref<10240x128xf32, #tpu.memory_space<hbm>>, %arg3: memref<10240xf32, #tpu.memory_space<hbm>>, %arg4: memref<10240xf32, #tpu.memory_space<hbm>>, %arg5: memref<16xf32, #tpu.memory_space<hbm>>, %arg6: memref<1280x128xi32, #tpu.memory_space<hbm>>, %arg7: memref<1280x128xi32, #tpu.memory_space<hbm>>, %arg8: memref<1280x128xi32, #tpu.memory_space<hbm>>, %arg9: memref<10016x128xf32, #tpu.memory_space<hbm>>, %arg10: memref<10240xf32, #tpu.memory_space<hbm>>, %arg11: memref<2x10240x128xf32, #tpu.memory_space<hbm>>, %arg12: memref<2x10240xf32, #tpu.memory_space<hbm>>, %arg13: memref<16xf32, #tpu.memory_space<vmem>>, %arg14: memref<128xf32, #tpu.memory_space<vmem>>, %arg15: memref<128xf32, #tpu.memory_space<vmem>>, %arg16: memref<40x128xi32, #tpu.memory_space<vmem>>, %arg17: memref<40x128xi32, #tpu.memory_space<vmem>>, %arg18: memref<40x128xi32, #tpu.memory_space<vmem>>, %arg19: memref<128xf32, #tpu.memory_space<vmem>>, %arg20: memref<128xf32, #tpu.memory_space<vmem>>, %arg21: memref<128x128xf32, #tpu.memory_space<vmem>>, %arg22: memref<128x128xf32, #tpu.memory_space<vmem>>, %arg23: memref<!tpu.dma_semaphore, #tpu.memory_space<semaphore_mem>>, %arg24: memref<!tpu.dma_semaphore, #tpu.memory_space<semaphore_mem>>, %arg25: memref<!tpu.dma_semaphore, #tpu.memory_space<semaphore_mem>>, %arg26: memref<!tpu.dma_semaphore, #tpu.memory_space<semaphore_mem>>, %arg27: memref<10240xf32, #tpu.memory_space<vmem_shared>>, %arg28: memref<10240xf32, #tpu.memory_space<vmem_shared>>, %arg29: memref<10016x128xf32, #tpu.memory_space<vmem_shared>>, %arg30: memref<10240xf32, #tpu.memory_space<vmem_shared>>) attributes {dimension_semantics = [#tpu.dimension_semantics<core_parallel>, #tpu.dimension_semantics<subcore_parallel>], iteration_bounds = array<i64: 2, 16>, scalar_prefetch = 0 : i64, scratch_operands = 18 : i64, tpu.core_type = #tpu.core_type<sc_vector_subcore>, window_params = [{transform_indices = #map}, {transform_indices = #map1}, {transform_indices = #map1}, {transform_indices = #map1}, {transform_indices = #map}, {transform_indices = #map}, {transform_indices = #map}, {transform_indices = #map}, {transform_indices = #map1}, {transform_indices = #map2}, {transform_indices = #map}]} {
    %mul3A = arith.constant 2 : i32
    %mul3A_0 = arith.muli %arg1, %mul3A : i32
    %add3A = arith.addi %mul3A_0, %arg0 : i32
    %lt3A = arith.constant 15 : i32
    %lt3A_1 = arith.cmpi slt, %arg1, %lt3A : i32
    %convert_element_type3A = arith.extui %lt3A_1 : i1 to i32
    %cond3A = arith.constant 0 : i32
    %cond3A_2 = arith.cmpi ne, %convert_element_type3A, %cond3A : i32
    scf.if %cond3A_2 {
      %mul3A_295 = arith.constant 640 : i32
      %mul3A_296 = arith.muli %arg1, %mul3A_295 : i32
      %mul3A_297 = arith.constant 640 : i32
      %mul3A_298 = arith.muli %arg1, %mul3A_297 : i32
      "tpu.region"() ({
        %run_scoped3A_299 = tpu.sem_alloc : memref<!tpu.dma_semaphore, #tpu.memory_space<semaphore_mem>>
        %dma_start3A_300 = arith.constant 0 : i32
        %dma_start3A_301 = tpu.memref_slice %arg29[%mul3A_298, %dma_start3A_300] : memref<10016x128xf32, #tpu.memory_space<vmem_shared>> -> memref<640x128xf32, #tpu.memory_space<vmem_shared>>
        %dma_start3A_302 = arith.constant 0 : i32
        %dma_start3A_303 = tpu.memref_slice %arg9[%mul3A_296, %dma_start3A_302] : memref<10016x128xf32, #tpu.memory_space<hbm>> -> memref<640x128xf32, #tpu.memory_space<hbm>>
        tpu.enqueue_dma source(%dma_start3A_303 : memref<640x128xf32, #tpu.memory_space<hbm>>) target(%dma_start3A_301 : memref<640x128xf32, #tpu.memory_space<vmem_shared>>) target_semaphore(%run_scoped3A_299 : memref<!tpu.dma_semaphore, #tpu.memory_space<semaphore_mem>>)
        %dma_wait3A_304 = arith.constant 0 : i32
        %dma_wait3A_305 = tpu.memref_slice %arg29[%mul3A_298, %dma_wait3A_304] : memref<10016x128xf32, #tpu.memory_space<vmem_shared>> -> memref<640x128xf32, #tpu.memory_space<vmem_shared>>
        %dma_wait3A_306 = arith.constant 0 : i32
        %dma_wait3A_307 = tpu.memref_slice %arg9[%mul3A_296, %dma_wait3A_306] : memref<10016x128xf32, #tpu.memory_space<hbm>> -> memref<640x128xf32, #tpu.memory_space<hbm>>
        tpu.wait_dma2 semaphore(%run_scoped3A_299 : memref<!tpu.dma_semaphore, #tpu.memory_space<semaphore_mem>>) src(%dma_wait3A_307 : memref<640x128xf32, #tpu.memory_space<hbm>>) dst(%dma_wait3A_305 : memref<640x128xf32, #tpu.memory_space<vmem_shared>>)
        tpu.yield
      }) : () -> ()
    } else {
    }
    %eq3A = arith.constant 15 : i32
    %eq3A_3 = arith.cmpi eq, %arg1, %eq3A : i32
    %convert_element_type3A_4 = arith.extui %eq3A_3 : i1 to i32
    %cond3A_5 = arith.constant 0 : i32
    %cond3A_6 = arith.cmpi ne, %convert_element_type3A_4, %cond3A_5 : i32
    scf.if %cond3A_6 {
      "tpu.region"() ({
        %run_scoped3A_295 = tpu.sem_alloc : memref<!tpu.dma_semaphore, #tpu.memory_space<semaphore_mem>>
        %dma_start3A_296 = arith.constant 9600 : i32
        %dma_start3A_297 = arith.constant 0 : i32
        %dma_start3A_298 = tpu.memref_slice %arg29[%dma_start3A_296, %dma_start3A_297] : memref<10016x128xf32, #tpu.memory_space<vmem_shared>> -> memref<416x128xf32, #tpu.memory_space<vmem_shared>>
        %dma_start3A_299 = arith.constant 9600 : i32
        %dma_start3A_300 = arith.constant 0 : i32
        %dma_start3A_301 = tpu.memref_slice %arg9[%dma_start3A_299, %dma_start3A_300] : memref<10016x128xf32, #tpu.memory_space<hbm>> -> memref<416x128xf32, #tpu.memory_space<hbm>>
        tpu.enqueue_dma source(%dma_start3A_301 : memref<416x128xf32, #tpu.memory_space<hbm>>) target(%dma_start3A_298 : memref<416x128xf32, #tpu.memory_space<vmem_shared>>) target_semaphore(%run_scoped3A_295 : memref<!tpu.dma_semaphore, #tpu.memory_space<semaphore_mem>>)
        %dma_wait3A_302 = arith.constant 9600 : i32
        %dma_wait3A_303 = arith.constant 0 : i32
        %dma_wait3A_304 = tpu.memref_slice %arg29[%dma_wait3A_302, %dma_wait3A_303] : memref<10016x128xf32, #tpu.memory_space<vmem_shared>> -> memref<416x128xf32, #tpu.memory_space<vmem_shared>>
        %dma_wait3A_305 = arith.constant 9600 : i32
        %dma_wait3A_306 = arith.constant 0 : i32
        %dma_wait3A_307 = tpu.memref_slice %arg9[%dma_wait3A_305, %dma_wait3A_306] : memref<10016x128xf32, #tpu.memory_space<hbm>> -> memref<416x128xf32, #tpu.memory_space<hbm>>
        tpu.wait_dma2 semaphore(%run_scoped3A_295 : memref<!tpu.dma_semaphore, #tpu.memory_space<semaphore_mem>>) src(%dma_wait3A_307 : memref<416x128xf32, #tpu.memory_space<hbm>>) dst(%dma_wait3A_304 : memref<416x128xf32, #tpu.memory_space<vmem_shared>>)
        tpu.yield
      }) : () -> ()
    } else {
    }
    %mul3A_7 = arith.constant 640 : i32
    %mul3A_8 = arith.muli %arg1, %mul3A_7 : i32
    %mul3A_9 = arith.constant 640 : i32
    %mul3A_10 = arith.muli %arg1, %mul3A_9 : i32
    "tpu.region"() ({
      %run_scoped3A_295 = tpu.sem_alloc : memref<!tpu.dma_semaphore, #tpu.memory_space<semaphore_mem>>
      %dma_start3A_296 = tpu.memref_slice %arg30[%mul3A_10] : memref<10240xf32, #tpu.memory_space<vmem_shared>> -> memref<640xf32, #tpu.memory_space<vmem_shared>>
      %dma_start3A_297 = tpu.memref_slice %arg10[%mul3A_8] : memref<10240xf32, #tpu.memory_space<hbm>> -> memref<640xf32, #tpu.memory_space<hbm>>
      tpu.enqueue_dma source(%dma_start3A_297 : memref<640xf32, #tpu.memory_space<hbm>>) target(%dma_start3A_296 : memref<640xf32, #tpu.memory_space<vmem_shared>>) target_semaphore(%run_scoped3A_295 : memref<!tpu.dma_semaphore, #tpu.memory_space<semaphore_mem>>)
      %dma_wait3A_298 = tpu.memref_slice %arg30[%mul3A_10] : memref<10240xf32, #tpu.memory_space<vmem_shared>> -> memref<640xf32, #tpu.memory_space<vmem_shared>>
      %dma_wait3A_299 = tpu.memref_slice %arg10[%mul3A_8] : memref<10240xf32, #tpu.memory_space<hbm>> -> memref<640xf32, #tpu.memory_space<hbm>>
      tpu.wait_dma2 semaphore(%run_scoped3A_295 : memref<!tpu.dma_semaphore, #tpu.memory_space<semaphore_mem>>) src(%dma_wait3A_299 : memref<640xf32, #tpu.memory_space<hbm>>) dst(%dma_wait3A_298 : memref<640xf32, #tpu.memory_space<vmem_shared>>)
      tpu.yield
    }) : () -> ()
    %mul3A_11 = arith.constant 640 : i32
    %mul3A_12 = arith.muli %arg1, %mul3A_11 : i32
    %mul3A_13 = arith.constant 640 : i32
    %mul3A_14 = arith.muli %arg1, %mul3A_13 : i32
    "tpu.region"() ({
      %run_scoped3A_295 = tpu.sem_alloc : memref<!tpu.dma_semaphore, #tpu.memory_space<semaphore_mem>>
      %dma_start3A_296 = tpu.memref_slice %arg27[%mul3A_14] : memref<10240xf32, #tpu.memory_space<vmem_shared>> -> memref<640xf32, #tpu.memory_space<vmem_shared>>
      %dma_start3A_297 = tpu.memref_slice %arg3[%mul3A_12] : memref<10240xf32, #tpu.memory_space<hbm>> -> memref<640xf32, #tpu.memory_space<hbm>>
      tpu.enqueue_dma source(%dma_start3A_297 : memref<640xf32, #tpu.memory_space<hbm>>) target(%dma_start3A_296 : memref<640xf32, #tpu.memory_space<vmem_shared>>) target_semaphore(%run_scoped3A_295 : memref<!tpu.dma_semaphore, #tpu.memory_space<semaphore_mem>>)
      %dma_wait3A_298 = tpu.memref_slice %arg27[%mul3A_14] : memref<10240xf32, #tpu.memory_space<vmem_shared>> -> memref<640xf32, #tpu.memory_space<vmem_shared>>
      %dma_wait3A_299 = tpu.memref_slice %arg3[%mul3A_12] : memref<10240xf32, #tpu.memory_space<hbm>> -> memref<640xf32, #tpu.memory_space<hbm>>
      tpu.wait_dma2 semaphore(%run_scoped3A_295 : memref<!tpu.dma_semaphore, #tpu.memory_space<semaphore_mem>>) src(%dma_wait3A_299 : memref<640xf32, #tpu.memory_space<hbm>>) dst(%dma_wait3A_298 : memref<640xf32, #tpu.memory_space<vmem_shared>>)
      tpu.yield
    }) : () -> ()
    %mul3A_15 = arith.constant 640 : i32
    %mul3A_16 = arith.muli %arg1, %mul3A_15 : i32
    %mul3A_17 = arith.constant 640 : i32
    %mul3A_18 = arith.muli %arg1, %mul3A_17 : i32
    "tpu.region"() ({
      %run_scoped3A_295 = tpu.sem_alloc : memref<!tpu.dma_semaphore, #tpu.memory_space<semaphore_mem>>
      %dma_start3A_296 = tpu.memref_slice %arg28[%mul3A_18] : memref<10240xf32, #tpu.memory_space<vmem_shared>> -> memref<640xf32, #tpu.memory_space<vmem_shared>>
      %dma_start3A_297 = tpu.memref_slice %arg4[%mul3A_16] : memref<10240xf32, #tpu.memory_space<hbm>> -> memref<640xf32, #tpu.memory_space<hbm>>
      tpu.enqueue_dma source(%dma_start3A_297 : memref<640xf32, #tpu.memory_space<hbm>>) target(%dma_start3A_296 : memref<640xf32, #tpu.memory_space<vmem_shared>>) target_semaphore(%run_scoped3A_295 : memref<!tpu.dma_semaphore, #tpu.memory_space<semaphore_mem>>)
      %dma_wait3A_298 = tpu.memref_slice %arg28[%mul3A_18] : memref<10240xf32, #tpu.memory_space<vmem_shared>> -> memref<640xf32, #tpu.memory_space<vmem_shared>>
      %dma_wait3A_299 = tpu.memref_slice %arg4[%mul3A_16] : memref<10240xf32, #tpu.memory_space<hbm>> -> memref<640xf32, #tpu.memory_space<hbm>>
      tpu.wait_dma2 semaphore(%run_scoped3A_295 : memref<!tpu.dma_semaphore, #tpu.memory_space<semaphore_mem>>) src(%dma_wait3A_299 : memref<640xf32, #tpu.memory_space<hbm>>) dst(%dma_wait3A_298 : memref<640xf32, #tpu.memory_space<vmem_shared>>)
      tpu.yield
    }) : () -> ()
    "tpu.region"() ({
      %run_scoped3A_295 = tpu.sem_alloc : memref<!tpu.dma_semaphore, #tpu.memory_space<semaphore_mem>>
      tpu.enqueue_dma source(%arg5 : memref<16xf32, #tpu.memory_space<hbm>>) target(%arg13 : memref<16xf32, #tpu.memory_space<vmem>>) target_semaphore(%run_scoped3A_295 : memref<!tpu.dma_semaphore, #tpu.memory_space<semaphore_mem>>)
      tpu.wait_dma2 semaphore(%run_scoped3A_295 : memref<!tpu.dma_semaphore, #tpu.memory_space<semaphore_mem>>) src(%arg5 : memref<16xf32, #tpu.memory_space<hbm>>) dst(%arg13 : memref<16xf32, #tpu.memory_space<vmem>>)
      tpu.yield
    }) : () -> ()
    %mul3A_19 = arith.constant 40 : i32
    %mul3A_20 = arith.muli %add3A, %mul3A_19 : i32
    "tpu.region"() ({
      %run_scoped3A_295 = tpu.sem_alloc : memref<!tpu.dma_semaphore, #tpu.memory_space<semaphore_mem>>
      %dma_start3A_296 = arith.constant 0 : i32
      %dma_start3A_297 = tpu.memref_slice %arg6[%mul3A_20, %dma_start3A_296] : memref<1280x128xi32, #tpu.memory_space<hbm>> -> memref<40x128xi32, #tpu.memory_space<hbm>>
      %dma_start3A_298 = arith.constant 0 : i32
      %dma_start3A_299 = tpu.memref_slice %arg6[%mul3A_20, %dma_start3A_298] : memref<1280x128xi32, #tpu.memory_space<hbm>> -> memref<40x128xi32, #tpu.memory_space<hbm>>
      tpu.enqueue_dma source(%dma_start3A_299 : memref<40x128xi32, #tpu.memory_space<hbm>>) target(%arg16 : memref<40x128xi32, #tpu.memory_space<vmem>>) target_semaphore(%run_scoped3A_295 : memref<!tpu.dma_semaphore, #tpu.memory_space<semaphore_mem>>)
      %dma_wait3A_300 = arith.constant 0 : i32
      %dma_wait3A_301 = tpu.memref_slice %arg6[%mul3A_20, %dma_wait3A_300] : memref<1280x128xi32, #tpu.memory_space<hbm>> -> memref<40x128xi32, #tpu.memory_space<hbm>>
      %dma_wait3A_302 = arith.constant 0 : i32
      %dma_wait3A_303 = tpu.memref_slice %arg6[%mul3A_20, %dma_wait3A_302] : memref<1280x128xi32, #tpu.memory_space<hbm>> -> memref<40x128xi32, #tpu.memory_space<hbm>>
      tpu.wait_dma2 semaphore(%run_scoped3A_295 : memref<!tpu.dma_semaphore, #tpu.memory_space<semaphore_mem>>) src(%dma_wait3A_303 : memref<40x128xi32, #tpu.memory_space<hbm>>) dst(%arg16 : memref<40x128xi32, #tpu.memory_space<vmem>>)
      tpu.yield
    }) : () -> ()
    %mul3A_21 = arith.constant 40 : i32
    %mul3A_22 = arith.muli %add3A, %mul3A_21 : i32
    "tpu.region"() ({
      %run_scoped3A_295 = tpu.sem_alloc : memref<!tpu.dma_semaphore, #tpu.memory_space<semaphore_mem>>
      %dma_start3A_296 = arith.constant 0 : i32
      %dma_start3A_297 = tpu.memref_slice %arg7[%mul3A_22, %dma_start3A_296] : memref<1280x128xi32, #tpu.memory_space<hbm>> -> memref<40x128xi32, #tpu.memory_space<hbm>>
      %dma_start3A_298 = arith.constant 0 : i32
      %dma_start3A_299 = tpu.memref_slice %arg7[%mul3A_22, %dma_start3A_298] : memref<1280x128xi32, #tpu.memory_space<hbm>> -> memref<40x128xi32, #tpu.memory_space<hbm>>
      tpu.enqueue_dma source(%dma_start3A_299 : memref<40x128xi32, #tpu.memory_space<hbm>>) target(%arg17 : memref<40x128xi32, #tpu.memory_space<vmem>>) target_semaphore(%run_scoped3A_295 : memref<!tpu.dma_semaphore, #tpu.memory_space<semaphore_mem>>)
      %dma_wait3A_300 = arith.constant 0 : i32
      %dma_wait3A_301 = tpu.memref_slice %arg7[%mul3A_22, %dma_wait3A_300] : memref<1280x128xi32, #tpu.memory_space<hbm>> -> memref<40x128xi32, #tpu.memory_space<hbm>>
      %dma_wait3A_302 = arith.constant 0 : i32
      %dma_wait3A_303 = tpu.memref_slice %arg7[%mul3A_22, %dma_wait3A_302] : memref<1280x128xi32, #tpu.memory_space<hbm>> -> memref<40x128xi32, #tpu.memory_space<hbm>>
      tpu.wait_dma2 semaphore(%run_scoped3A_295 : memref<!tpu.dma_semaphore, #tpu.memory_space<semaphore_mem>>) src(%dma_wait3A_303 : memref<40x128xi32, #tpu.memory_space<hbm>>) dst(%arg17 : memref<40x128xi32, #tpu.memory_space<vmem>>)
      tpu.yield
    }) : () -> ()
    %mul3A_23 = arith.constant 40 : i32
    %mul3A_24 = arith.muli %add3A, %mul3A_23 : i32
    "tpu.region"() ({
      %run_scoped3A_295 = tpu.sem_alloc : memref<!tpu.dma_semaphore, #tpu.memory_space<semaphore_mem>>
      %dma_start3A_296 = arith.constant 0 : i32
      %dma_start3A_297 = tpu.memref_slice %arg8[%mul3A_24, %dma_start3A_296] : memref<1280x128xi32, #tpu.memory_space<hbm>> -> memref<40x128xi32, #tpu.memory_space<hbm>>
      %dma_start3A_298 = arith.constant 0 : i32
      %dma_start3A_299 = tpu.memref_slice %arg8[%mul3A_24, %dma_start3A_298] : memref<1280x128xi32, #tpu.memory_space<hbm>> -> memref<40x128xi32, #tpu.memory_space<hbm>>
      tpu.enqueue_dma source(%dma_start3A_299 : memref<40x128xi32, #tpu.memory_space<hbm>>) target(%arg18 : memref<40x128xi32, #tpu.memory_space<vmem>>) target_semaphore(%run_scoped3A_295 : memref<!tpu.dma_semaphore, #tpu.memory_space<semaphore_mem>>)
      %dma_wait3A_300 = arith.constant 0 : i32
      %dma_wait3A_301 = tpu.memref_slice %arg8[%mul3A_24, %dma_wait3A_300] : memref<1280x128xi32, #tpu.memory_space<hbm>> -> memref<40x128xi32, #tpu.memory_space<hbm>>
      %dma_wait3A_302 = arith.constant 0 : i32
      %dma_wait3A_303 = tpu.memref_slice %arg8[%mul3A_24, %dma_wait3A_302] : memref<1280x128xi32, #tpu.memory_space<hbm>> -> memref<40x128xi32, #tpu.memory_space<hbm>>
      tpu.wait_dma2 semaphore(%run_scoped3A_295 : memref<!tpu.dma_semaphore, #tpu.memory_space<semaphore_mem>>) src(%dma_wait3A_303 : memref<40x128xi32, #tpu.memory_space<hbm>>) dst(%arg18 : memref<40x128xi32, #tpu.memory_space<vmem>>)
      tpu.yield
    }) : () -> ()
    %get3A = arith.constant 0 : index
    %get3A_25 = tpu.vector_load %arg13[%get3A] {strides = array<i32>} : memref<16xf32, #tpu.memory_space<vmem>>, vector<16xf32>,
    %barrier3A = arith.constant 0 : index
    tpu.barrier barrier_id(%barrier3A)
    %dma_start3A = arith.constant 0 : i32
    %dma_start3A_26 = arith.constant 0 : i32
    %dma_start3A_27 = tpu.memref_slice %arg18[%dma_start3A, %dma_start3A_26] : memref<40x128xi32, #tpu.memory_space<vmem>> -> memref<1x128xi32, #tpu.memory_space<vmem>>
    %dma_start3A_28 = tpu.memref_squeeze %dma_start3A_27 : memref<1x128xi32, #tpu.memory_space<vmem>> -> memref<128xi32, #tpu.memory_space<vmem>>
    %dma_start3A_29 = arith.constant 0 : i32
    %dma_start3A_30 = arith.constant 0 : i32
    %dma_start3A_31 = tpu.memref_slice %arg2[%dma_start3A_29, %dma_start3A_30] : memref<10240x128xf32, #tpu.memory_space<hbm>> -> memref<10240x128xf32, #tpu.memory_space<hbm>>
    tpu.enqueue_indirect_dma source(%dma_start3A_31 : memref<10240x128xf32, #tpu.memory_space<hbm>>) target(%arg21 : memref<128x128xf32, #tpu.memory_space<vmem>>) offsets(%dma_start3A_28 : memref<128xi32, #tpu.memory_space<vmem>>) semaphore(%arg23 : memref<!tpu.dma_semaphore, #tpu.memory_space<semaphore_mem>>)
    %run_scoped3A = arith.constant 0 : i32
    "tpu.region"() ({
      %run_scoped3A_295 = tpu.sem_alloc : memref<!tpu.dma_semaphore, #tpu.memory_space<semaphore_mem>>
      %dma_start3A_296 = arith.constant 0 : i32
      %dma_start3A_297 = tpu.memref_slice %arg16[%run_scoped3A, %dma_start3A_296] : memref<40x128xi32, #tpu.memory_space<vmem>> -> memref<1x128xi32, #tpu.memory_space<vmem>>
      %dma_start3A_298 = tpu.memref_squeeze %dma_start3A_297 : memref<1x128xi32, #tpu.memory_space<vmem>> -> memref<128xi32, #tpu.memory_space<vmem>>
      %dma_start3A_299 = arith.constant 0 : i32
      %dma_start3A_300 = tpu.memref_slice %arg27[%dma_start3A_299] : memref<10240xf32, #tpu.memory_space<vmem_shared>> -> memref<10240xf32, #tpu.memory_space<vmem_shared>>
      tpu.enqueue_indirect_dma source(%dma_start3A_300 : memref<10240xf32, #tpu.memory_space<vmem_shared>>) target(%arg19 : memref<128xf32, #tpu.memory_space<vmem>>) offsets(%dma_start3A_298 : memref<128xi32, #tpu.memory_space<vmem>>) semaphore(%run_scoped3A_295 : memref<!tpu.dma_semaphore, #tpu.memory_space<semaphore_mem>>)
      %dma_wait3A_301 = arith.constant 0 : i32
      %dma_wait3A_302 = tpu.memref_slice %arg16[%run_scoped3A, %dma_wait3A_301] : memref<40x128xi32, #tpu.memory_space<vmem>> -> memref<1x128xi32, #tpu.memory_space<vmem>>
      %dma_wait3A_303 = tpu.memref_squeeze %dma_wait3A_302 : memref<1x128xi32, #tpu.memory_space<vmem>> -> memref<128xi32, #tpu.memory_space<vmem>>
      %dma_wait3A_304 = arith.constant 0 : i32
      %dma_wait3A_305 = tpu.memref_slice %arg27[%dma_wait3A_304] : memref<10240xf32, #tpu.memory_space<vmem_shared>> -> memref<10240xf32, #tpu.memory_space<vmem_shared>>
      tpu.wait_indirect_dma semaphore(%run_scoped3A_295 : memref<!tpu.dma_semaphore, #tpu.memory_space<semaphore_mem>>) src(%dma_wait3A_305 : memref<10240xf32, #tpu.memory_space<vmem_shared>>) dst(%arg19 : memref<128xf32, #tpu.memory_space<vmem>>)
      tpu.yield
    }) : () -> ()
    %run_scoped3A_32 = arith.constant 0 : i32
    "tpu.region"() ({
      %run_scoped3A_295 = tpu.sem_alloc : memref<!tpu.dma_semaphore, #tpu.memory_space<semaphore_mem>>
      %dma_start3A_296 = arith.constant 0 : i32
      %dma_start3A_297 = tpu.memref_slice %arg17[%run_scoped3A_32, %dma_start3A_296] : memref<40x128xi32, #tpu.memory_space<vmem>> -> memref<1x128xi32, #tpu.memory_space<vmem>>
      %dma_start3A_298 = tpu.memref_squeeze %dma_start3A_297 : memref<1x128xi32, #tpu.memory_space<vmem>> -> memref<128xi32, #tpu.memory_space<vmem>>
      %dma_start3A_299 = arith.constant 0 : i32
      %dma_start3A_300 = tpu.memref_slice %arg28[%dma_start3A_299] : memref<10240xf32, #tpu.memory_space<vmem_shared>> -> memref<10240xf32, #tpu.memory_space<vmem_shared>>
      tpu.enqueue_indirect_dma source(%dma_start3A_300 : memref<10240xf32, #tpu.memory_space<vmem_shared>>) target(%arg20 : memref<128xf32, #tpu.memory_space<vmem>>) offsets(%dma_start3A_298 : memref<128xi32, #tpu.memory_space<vmem>>) semaphore(%run_scoped3A_295 : memref<!tpu.dma_semaphore, #tpu.memory_space<semaphore_mem>>)
      %dma_wait3A_301 = arith.constant 0 : i32
      %dma_wait3A_302 = tpu.memref_slice %arg17[%run_scoped3A_32, %dma_wait3A_301] : memref<40x128xi32, #tpu.memory_space<vmem>> -> memref<1x128xi32, #tpu.memory_space<vmem>>
      %dma_wait3A_303 = tpu.memref_squeeze %dma_wait3A_302 : memref<1x128xi32, #tpu.memory_space<vmem>> -> memref<128xi32, #tpu.memory_space<vmem>>
      %dma_wait3A_304 = arith.constant 0 : i32
      %dma_wait3A_305 = tpu.memref_slice %arg28[%dma_wait3A_304] : memref<10240xf32, #tpu.memory_space<vmem_shared>> -> memref<10240xf32, #tpu.memory_space<vmem_shared>>
      tpu.wait_indirect_dma semaphore(%run_scoped3A_295 : memref<!tpu.dma_semaphore, #tpu.memory_space<semaphore_mem>>) src(%dma_wait3A_305 : memref<10240xf32, #tpu.memory_space<vmem_shared>>) dst(%arg20 : memref<128xf32, #tpu.memory_space<vmem>>)
      tpu.yield
    }) : () -> ()
    %get3A_33 = arith.constant 0 : index
    %get3A_34 = tpu.vector_load %arg19[%get3A_33] {strides = array<i32>} : memref<128xf32, #tpu.memory_space<vmem>>, vector<16xf32>,
    %get3A_35 = arith.constant 0 : index
    %get3A_36 = tpu.vector_load %arg20[%get3A_35] {strides = array<i32>} : memref<128xf32, #tpu.memory_space<vmem>>, vector<16xf32>,
    %add3A_37 = arith.addf %get3A_34, %get3A_36 : vector<16xf32>
    %max3A = arith.constant 0.000000e+00 : f32
    %max3A_38 = vector.broadcast %max3A : f32 to vector<16xf32>
    %max3A_39 = arith.maximumf %add3A_37, %max3A_38 : vector<16xf32>
    %min3A = arith.constant 0.000000e+00 : f32
    %min3A_40 = vector.broadcast %min3A : f32 to vector<16xf32>
    %min3A_41 = arith.minimumf %add3A_37, %min3A_40 : vector<16xf32>
    %mul3A_42 = arith.constant 0.00999999977 : f32
    %mul3A_43 = vector.broadcast %mul3A_42 : f32 to vector<16xf32>
    %mul3A_44 = arith.mulf %mul3A_43, %min3A_41 : vector<16xf32>
    %add3A_45 = arith.addf %max3A_39, %mul3A_44 : vector<16xf32>
    %add3A_46 = arith.addf %get3A_34, %get3A_25 : vector<16xf32>
    %max3A_47 = arith.constant 0.000000e+00 : f32
    %max3A_48 = vector.broadcast %max3A_47 : f32 to vector<16xf32>
    %max3A_49 = arith.maximumf %add3A_46, %max3A_48 : vector<16xf32>
    %min3A_50 = arith.constant 0.000000e+00 : f32
    %min3A_51 = vector.broadcast %min3A_50 : f32 to vector<16xf32>
    %min3A_52 = arith.minimumf %add3A_46, %min3A_51 : vector<16xf32>
    %mul3A_53 = arith.constant 0.00999999977 : f32
    %mul3A_54 = vector.broadcast %mul3A_53 : f32 to vector<16xf32>
    %mul3A_55 = arith.mulf %mul3A_54, %min3A_52 : vector<16xf32>
    %add3A_56 = arith.addf %max3A_49, %mul3A_55 : vector<16xf32>
    %sub3A = arith.subf %add3A_45, %add3A_56 : vector<16xf32>
    %exp3A = math.exp %sub3A : vector<16xf32>
    %swap3A = arith.constant 0 : index
    %swap3A_57 = tpu.vector_load %arg14[%swap3A] {strides = array<i32>} : memref<128xf32, #tpu.memory_space<vmem>>, vector<16xf32>,
    tpu.vector_store %arg14[%swap3A], %exp3A {strides = array<i32>} : memref<128xf32, #tpu.memory_space<vmem>>, vector<16xf32>,
    %get3A_58 = arith.constant 16 : index
    %get3A_59 = tpu.vector_load %arg19[%get3A_58] {strides = array<i32>} : memref<128xf32, #tpu.memory_space<vmem>>, vector<16xf32>,
    %get3A_60 = arith.constant 16 : index
    %get3A_61 = tpu.vector_load %arg20[%get3A_60] {strides = array<i32>} : memref<128xf32, #tpu.memory_space<vmem>>, vector<16xf32>,
    %add3A_62 = arith.addf %get3A_59, %get3A_61 : vector<16xf32>
    %max3A_63 = arith.constant 0.000000e+00 : f32
    %max3A_64 = vector.broadcast %max3A_63 : f32 to vector<16xf32>
    %max3A_65 = arith.maximumf %add3A_62, %max3A_64 : vector<16xf32>
    %min3A_66 = arith.constant 0.000000e+00 : f32
    %min3A_67 = vector.broadcast %min3A_66 : f32 to vector<16xf32>
    %min3A_68 = arith.minimumf %add3A_62, %min3A_67 : vector<16xf32>
    %mul3A_69 = arith.constant 0.00999999977 : f32
    %mul3A_70 = vector.broadcast %mul3A_69 : f32 to vector<16xf32>
    %mul3A_71 = arith.mulf %mul3A_70, %min3A_68 : vector<16xf32>
    %add3A_72 = arith.addf %max3A_65, %mul3A_71 : vector<16xf32>
    %add3A_73 = arith.addf %get3A_59, %get3A_25 : vector<16xf32>
    %max3A_74 = arith.constant 0.000000e+00 : f32
    %max3A_75 = vector.broadcast %max3A_74 : f32 to vector<16xf32>
    %max3A_76 = arith.maximumf %add3A_73, %max3A_75 : vector<16xf32>
    %min3A_77 = arith.constant 0.000000e+00 : f32
    %min3A_78 = vector.broadcast %min3A_77 : f32 to vector<16xf32>
    %min3A_79 = arith.minimumf %add3A_73, %min3A_78 : vector<16xf32>
    %mul3A_80 = arith.constant 0.00999999977 : f32
    %mul3A_81 = vector.broadcast %mul3A_80 : f32 to vector<16xf32>
    %mul3A_82 = arith.mulf %mul3A_81, %min3A_79 : vector<16xf32>
    %add3A_83 = arith.addf %max3A_76, %mul3A_82 : vector<16xf32>
    %sub3A_84 = arith.subf %add3A_72, %add3A_83 : vector<16xf32>
    %exp3A_85 = math.exp %sub3A_84 : vector<16xf32>
    %swap3A_86 = arith.constant 16 : index
    %swap3A_87 = tpu.vector_load %arg14[%swap3A_86] {strides = array<i32>} : memref<128xf32, #tpu.memory_space<vmem>>, vector<16xf32>,
    tpu.vector_store %arg14[%swap3A_86], %exp3A_85 {strides = array<i32>} : memref<128xf32, #tpu.memory_space<vmem>>, vector<16xf32>,
    %get3A_88 = arith.constant 32 : index
    %get3A_89 = tpu.vector_load %arg19[%get3A_88] {strides = array<i32>} : memref<128xf32, #tpu.memory_space<vmem>>, vector<16xf32>,
    %get3A_90 = arith.constant 32 : index
    %get3A_91 = tpu.vector_load %arg20[%get3A_90] {strides = array<i32>} : memref<128xf32, #tpu.memory_space<vmem>>, vector<16xf32>,
    %add3A_92 = arith.addf %get3A_89, %get3A_91 : vector<16xf32>
    %max3A_93 = arith.constant 0.000000e+00 : f32
    %max3A_94 = vector.broadcast %max3A_93 : f32 to vector<16xf32>
    %max3A_95 = arith.maximumf %add3A_92, %max3A_94 : vector<16xf32>
    %min3A_96 = arith.constant 0.000000e+00 : f32
    %min3A_97 = vector.broadcast %min3A_96 : f32 to vector<16xf32>
    %min3A_98 = arith.minimumf %add3A_92, %min3A_97 : vector<16xf32>
    %mul3A_99 = arith.constant 0.00999999977 : f32
    %mul3A_100 = vector.broadcast %mul3A_99 : f32 to vector<16xf32>
    %mul3A_101 = arith.mulf %mul3A_100, %min3A_98 : vector<16xf32>
    %add3A_102 = arith.addf %max3A_95, %mul3A_101 : vector<16xf32>
    %add3A_103 = arith.addf %get3A_89, %get3A_25 : vector<16xf32>
    %max3A_104 = arith.constant 0.000000e+00 : f32
    %max3A_105 = vector.broadcast %max3A_104 : f32 to vector<16xf32>
    %max3A_106 = arith.maximumf %add3A_103, %max3A_105 : vector<16xf32>
    %min3A_107 = arith.constant 0.000000e+00 : f32
    %min3A_108 = vector.broadcast %min3A_107 : f32 to vector<16xf32>
    %min3A_109 = arith.minimumf %add3A_103, %min3A_108 : vector<16xf32>
    %mul3A_110 = arith.constant 0.00999999977 : f32
    %mul3A_111 = vector.broadcast %mul3A_110 : f32 to vector<16xf32>
    %mul3A_112 = arith.mulf %mul3A_111, %min3A_109 : vector<16xf32>
    %add3A_113 = arith.addf %max3A_106, %mul3A_112 : vector<16xf32>
    %sub3A_114 = arith.subf %add3A_102, %add3A_113 : vector<16xf32>
    %exp3A_115 = math.exp %sub3A_114 : vector<16xf32>
    %swap3A_116 = arith.constant 32 : index
    %swap3A_117 = tpu.vector_load %arg14[%swap3A_116] {strides = array<i32>} : memref<128xf32, #tpu.memory_space<vmem>>, vector<16xf32>,
    tpu.vector_store %arg14[%swap3A_116], %exp3A_115 {strides = array<i32>} : memref<128xf32, #tpu.memory_space<vmem>>, vector<16xf32>,
    %get3A_118 = arith.constant 48 : index
    %get3A_119 = tpu.vector_load %arg19[%get3A_118] {strides = array<i32>} : memref<128xf32, #tpu.memory_space<vmem>>, vector<16xf32>,
    %get3A_120 = arith.constant 48 : index
    %get3A_121 = tpu.vector_load %arg20[%get3A_120] {strides = array<i32>} : memref<128xf32, #tpu.memory_space<vmem>>, vector<16xf32>,
    %add3A_122 = arith.addf %get3A_119, %get3A_121 : vector<16xf32>
    %max3A_123 = arith.constant 0.000000e+00 : f32
    %max3A_124 = vector.broadcast %max3A_123 : f32 to vector<16xf32>
    %max3A_125 = arith.maximumf %add3A_122, %max3A_124 : vector<16xf32>
    %min3A_126 = arith.constant 0.000000e+00 : f32
    %min3A_127 = vector.broadcast %min3A_126 : f32 to vector<16xf32>
    %min3A_128 = arith.minimumf %add3A_122, %min3A_127 : vector<16xf32>
    %mul3A_129 = arith.constant 0.00999999977 : f32
    %mul3A_130 = vector.broadcast %mul3A_129 : f32 to vector<16xf32>
    %mul3A_131 = arith.mulf %mul3A_130, %min3A_128 : vector<16xf32>
    %add3A_132 = arith.addf %max3A_125, %mul3A_131 : vector<16xf32>
    %add3A_133 = arith.addf %get3A_119, %get3A_25 : vector<16xf32>
    %max3A_134 = arith.constant 0.000000e+00 : f32
    %max3A_135 = vector.broadcast %max3A_134 : f32 to vector<16xf32>
    %max3A_136 = arith.maximumf %add3A_133, %max3A_135 : vector<16xf32>
    %min3A_137 = arith.constant 0.000000e+00 : f32
    %min3A_138 = vector.broadcast %min3A_137 : f32 to vector<16xf32>
    %min3A_139 = arith.minimumf %add3A_133, %min3A_138 : vector<16xf32>
    %mul3A_140 = arith.constant 0.00999999977 : f32
    %mul3A_141 = vector.broadcast %mul3A_140 : f32 to vector<16xf32>
    %mul3A_142 = arith.mulf %mul3A_141, %min3A_139 : vector<16xf32>
    %add3A_143 = arith.addf %max3A_136, %mul3A_142 : vector<16xf32>
    %sub3A_144 = arith.subf %add3A_132, %add3A_143 : vector<16xf32>
    %exp3A_145 = math.exp %sub3A_144 : vector<16xf32>
    %swap3A_146 = arith.constant 48 : index
    %swap3A_147 = tpu.vector_load %arg14[%swap3A_146] {strides = array<i32>} : memref<128xf32, #tpu.memory_space<vmem>>, vector<16xf32>,
    tpu.vector_store %arg14[%swap3A_146], %exp3A_145 {strides = array<i32>} : memref<128xf32, #tpu.memory_space<vmem>>, vector<16xf32>,
    %get3A_148 = arith.constant 64 : index
    %get3A_149 = tpu.vector_load %arg19[%get3A_148] {strides = array<i32>} : memref<128xf32, #tpu.memory_space<vmem>>, vector<16xf32>,
    %get3A_150 = arith.constant 64 : index
    %get3A_151 = tpu.vector_load %arg20[%get3A_150] {strides = array<i32>} : memref<128xf32, #tpu.memory_space<vmem>>, vector<16xf32>,
    %add3A_152 = arith.addf %get3A_149, %get3A_151 : vector<16xf32>
    %max3A_153 = arith.constant 0.000000e+00 : f32
    %max3A_154 = vector.broadcast %max3A_153 : f32 to vector<16xf32>
    %max3A_155 = arith.maximumf %add3A_152, %max3A_154 : vector<16xf32>
    %min3A_156 = arith.constant 0.000000e+00 : f32
    %min3A_157 = vector.broadcast %min3A_156 : f32 to vector<16xf32>
    %min3A_158 = arith.minimumf %add3A_152, %min3A_157 : vector<16xf32>
    %mul3A_159 = arith.constant 0.00999999977 : f32
    %mul3A_160 = vector.broadcast %mul3A_159 : f32 to vector<16xf32>
    %mul3A_161 = arith.mulf %mul3A_160, %min3A_158 : vector<16xf32>
    %add3A_162 = arith.addf %max3A_155, %mul3A_161 : vector<16xf32>
    %add3A_163 = arith.addf %get3A_149, %get3A_25 : vector<16xf32>
    %max3A_164 = arith.constant 0.000000e+00 : f32
    %max3A_165 = vector.broadcast %max3A_164 : f32 to vector<16xf32>
    %max3A_166 = arith.maximumf %add3A_163, %max3A_165 : vector<16xf32>
    %min3A_167 = arith.constant 0.000000e+00 : f32
    %min3A_168 = vector.broadcast %min3A_167 : f32 to vector<16xf32>
    %min3A_169 = arith.minimumf %add3A_163, %min3A_168 : vector<16xf32>
    %mul3A_170 = arith.constant 0.00999999977 : f32
    %mul3A_171 = vector.broadcast %mul3A_170 : f32 to vector<16xf32>
    %mul3A_172 = arith.mulf %mul3A_171, %min3A_169 : vector<16xf32>
    %add3A_173 = arith.addf %max3A_166, %mul3A_172 : vector<16xf32>
    %sub3A_174 = arith.subf %add3A_162, %add3A_173 : vector<16xf32>
    %exp3A_175 = math.exp %sub3A_174 : vector<16xf32>
    %swap3A_176 = arith.constant 64 : index
    %swap3A_177 = tpu.vector_load %arg14[%swap3A_176] {strides = array<i32>} : memref<128xf32, #tpu.memory_space<vmem>>, vector<16xf32>,
    tpu.vector_store %arg14[%swap3A_176], %exp3A_175 {strides = array<i32>} : memref<128xf32, #tpu.memory_space<vmem>>, vector<16xf32>,
    %get3A_178 = arith.constant 80 : index
    %get3A_179 = tpu.vector_load %arg19[%get3A_178] {strides = array<i32>} : memref<128xf32, #tpu.memory_space<vmem>>, vector<16xf32>,
    %get3A_180 = arith.constant 80 : index
    %get3A_181 = tpu.vector_load %arg20[%get3A_180] {strides = array<i32>} : memref<128xf32, #tpu.memory_space<vmem>>, vector<16xf32>,
    %add3A_182 = arith.addf %get3A_179, %get3A_181 : vector<16xf32>
    %max3A_183 = arith.constant 0.000000e+00 : f32
    %max3A_184 = vector.broadcast %max3A_183 : f32 to vector<16xf32>
    %max3A_185 = arith.maximumf %add3A_182, %max3A_184 : vector<16xf32>
    %min3A_186 = arith.constant 0.000000e+00 : f32
    %min3A_187 = vector.broadcast %min3A_186 : f32 to vector<16xf32>
    %min3A_188 = arith.minimumf %add3A_182, %min3A_187 : vector<16xf32>
    %mul3A_189 = arith.constant 0.00999999977 : f32
    %mul3A_190 = vector.broadcast %mul3A_189 : f32 to vector<16xf32>
    %mul3A_191 = arith.mulf %mul3A_190, %min3A_188 : vector<16xf32>
    %add3A_192 = arith.addf %max3A_185, %mul3A_191 : vector<16xf32>
    %add3A_193 = arith.addf %get3A_179, %get3A_25 : vector<16xf32>
    %max3A_194 = arith.constant 0.000000e+00 : f32
    %max3A_195 = vector.broadcast %max3A_194 : f32 to vector<16xf32>
    %max3A_196 = arith.maximumf %add3A_193, %max3A_195 : vector<16xf32>
    %min3A_197 = arith.constant 0.000000e+00 : f32
    %min3A_198 = vector.broadcast %min3A_197 : f32 to vector<16xf32>
    %min3A_199 = arith.minimumf %add3A_193, %min3A_198 : vector<16xf32>
    %mul3A_200 = arith.constant 0.00999999977 : f32
    %mul3A_201 = vector.broadcast %mul3A_200 : f32 to vector<16xf32>
    %mul3A_202 = arith.mulf %mul3A_201, %min3A_199 : vector<16xf32>
    %add3A_203 = arith.addf %max3A_196, %mul3A_202 : vector<16xf32>
    %sub3A_204 = arith.subf %add3A_192, %add3A_203 : vector<16xf32>
    %exp3A_205 = math.exp %sub3A_204 : vector<16xf32>
    %swap3A_206 = arith.constant 80 : index
    %swap3A_207 = tpu.vector_load %arg14[%swap3A_206] {strides = array<i32>} : memref<128xf32, #tpu.memory_space<vmem>>, vector<16xf32>,
    tpu.vector_store %arg14[%swap3A_206], %exp3A_205 {strides = array<i32>} : memref<128xf32, #tpu.memory_space<vmem>>, vector<16xf32>,
    %get3A_208 = arith.constant 96 : index
    %get3A_209 = tpu.vector_load %arg19[%get3A_208] {strides = array<i32>} : memref<128xf32, #tpu.memory_space<vmem>>, vector<16xf32>,
    %get3A_210 = arith.constant 96 : index
    %get3A_211 = tpu.vector_load %arg20[%get3A_210] {strides = array<i32>} : memref<128xf32, #tpu.memory_space<vmem>>, vector<16xf32>,
    %add3A_212 = arith.addf %get3A_209, %get3A_211 : vector<16xf32>
    %max3A_213 = arith.constant 0.000000e+00 : f32
    %max3A_214 = vector.broadcast %max3A_213 : f32 to vector<16xf32>
    %max3A_215 = arith.maximumf %add3A_212, %max3A_214 : vector<16xf32>
    %min3A_216 = arith.constant 0.000000e+00 : f32
    %min3A_217 = vector.broadcast %min3A_216 : f32 to vector<16xf32>
    %min3A_218 = arith.minimumf %add3A_212, %min3A_217 : vector<16xf32>
    %mul3A_219 = arith.constant 0.00999999977 : f32
    %mul3A_220 = vector.broadcast %mul3A_219 : f32 to vector<16xf32>
    %mul3A_221 = arith.mulf %mul3A_220, %min3A_218 : vector<16xf32>
    %add3A_222 = arith.addf %max3A_215, %mul3A_221 : vector<16xf32>
    %add3A_223 = arith.addf %get3A_209, %get3A_25 : vector<16xf32>
    %max3A_224 = arith.constant 0.000000e+00 : f32
    %max3A_225 = vector.broadcast %max3A_224 : f32 to vector<16xf32>
    %max3A_226 = arith.maximumf %add3A_223, %max3A_225 : vector<16xf32>
    %min3A_227 = arith.constant 0.000000e+00 : f32
    %min3A_228 = vector.broadcast %min3A_227 : f32 to vector<16xf32>
    %min3A_229 = arith.minimumf %add3A_223, %min3A_228 : vector<16xf32>
    %mul3A_230 = arith.constant 0.00999999977 : f32
    %mul3A_231 = vector.broadcast %mul3A_230 : f32 to vector<16xf32>
    %mul3A_232 = arith.mulf %mul3A_231, %min3A_229 : vector<16xf32>
    %add3A_233 = arith.addf %max3A_226, %mul3A_232 : vector<16xf32>
    %sub3A_234 = arith.subf %add3A_222, %add3A_233 : vector<16xf32>
    %exp3A_235 = math.exp %sub3A_234 : vector<16xf32>
    %swap3A_236 = arith.constant 96 : index
    %swap3A_237 = tpu.vector_load %arg14[%swap3A_236] {strides = array<i32>} : memref<128xf32, #tpu.memory_space<vmem>>, vector<16xf32>,
    tpu.vector_store %arg14[%swap3A_236], %exp3A_235 {strides = array<i32>} : memref<128xf32, #tpu.memory_space<vmem>>, vector<16xf32>,
    %get3A_238 = arith.constant 112 : index
    %get3A_239 = tpu.vector_load %arg19[%get3A_238] {strides = array<i32>} : memref<128xf32, #tpu.memory_space<vmem>>, vector<16xf32>,
    %get3A_240 = arith.constant 112 : index
    %get3A_241 = tpu.vector_load %arg20[%get3A_240] {strides = array<i32>} : memref<128xf32, #tpu.memory_space<vmem>>, vector<16xf32>,
    %add3A_242 = arith.addf %get3A_239, %get3A_241 : vector<16xf32>
    %max3A_243 = arith.constant 0.000000e+00 : f32
    %max3A_244 = vector.broadcast %max3A_243 : f32 to vector<16xf32>
    %max3A_245 = arith.maximumf %add3A_242, %max3A_244 : vector<16xf32>
    %min3A_246 = arith.constant 0.000000e+00 : f32
    %min3A_247 = vector.broadcast %min3A_246 : f32 to vector<16xf32>
    %min3A_248 = arith.minimumf %add3A_242, %min3A_247 : vector<16xf32>
    %mul3A_249 = arith.constant 0.00999999977 : f32
    %mul3A_250 = vector.broadcast %mul3A_249 : f32 to vector<16xf32>
    %mul3A_251 = arith.mulf %mul3A_250, %min3A_248 : vector<16xf32>
    %add3A_252 = arith.addf %max3A_245, %mul3A_251 : vector<16xf32>
    %add3A_253 = arith.addf %get3A_239, %get3A_25 : vector<16xf32>
    %max3A_254 = arith.constant 0.000000e+00 : f32
    %max3A_255 = vector.broadcast %max3A_254 : f32 to vector<16xf32>
    %max3A_256 = arith.maximumf %add3A_253, %max3A_255 : vector<16xf32>
    %min3A_257 = arith.constant 0.000000e+00 : f32
    %min3A_258 = vector.broadcast %min3A_257 : f32 to vector<16xf32>
    %min3A_259 = arith.minimumf %add3A_253, %min3A_258 : vector<16xf32>
    %mul3A_260 = arith.constant 0.00999999977 : f32
    %mul3A_261 = vector.broadcast %mul3A_260 : f32 to vector<16xf32>
    %mul3A_262 = arith.mulf %mul3A_261, %min3A_259 : vector<16xf32>
    %add3A_263 = arith.addf %max3A_256, %mul3A_262 : vector<16xf32>
    %sub3A_264 = arith.subf %add3A_252, %add3A_263 : vector<16xf32>
    %exp3A_265 = math.exp %sub3A_264 : vector<16xf32>
    %swap3A_266 = arith.constant 112 : index
    %swap3A_267 = tpu.vector_load %arg14[%swap3A_266] {strides = array<i32>} : memref<128xf32, #tpu.memory_space<vmem>>, vector<16xf32>,
    tpu.vector_store %arg14[%swap3A_266], %exp3A_265 {strides = array<i32>} : memref<128xf32, #tpu.memory_space<vmem>>, vector<16xf32>,
    %run_scoped3A_268 = arith.constant 0 : i32
    "tpu.region"() ({
      %run_scoped3A_295 = tpu.sem_alloc : memref<!tpu.dma_semaphore, #tpu.memory_space<semaphore_mem>>
      %dma_start3A_296 = arith.constant 0 : i32
      %dma_start3A_297 = tpu.memref_slice %arg16[%run_scoped3A_268, %dma_start3A_296] : memref<40x128xi32, #tpu.memory_space<vmem>> -> memref<1x128xi32, #tpu.memory_space<vmem>>
      %dma_start3A_298 = tpu.memref_squeeze %dma_start3A_297 : memref<1x128xi32, #tpu.memory_space<vmem>> -> memref<128xi32, #tpu.memory_space<vmem>>
      %dma_start3A_299 = arith.constant 0 : i32
      %dma_start3A_300 = tpu.memref_slice %arg30[%dma_start3A_299] : memref<10240xf32, #tpu.memory_space<vmem_shared>> -> memref<10240xf32, #tpu.memory_space<vmem_shared>>
      tpu.enqueue_indirect_dma source(%arg14 : memref<128xf32, #tpu.memory_space<vmem>>) target(%dma_start3A_300 : memref<10240xf32, #tpu.memory_space<vmem_shared>>) offsets(%dma_start3A_298 : memref<128xi32, #tpu.memory_space<vmem>>) semaphore(%run_scoped3A_295 : memref<!tpu.dma_semaphore, #tpu.memory_space<semaphore_mem>>) {add = true}
      %dma_wait3A_301 = arith.constant 0 : i32
      %dma_wait3A_302 = tpu.memref_slice %arg16[%run_scoped3A_268, %dma_wait3A_301] : memref<40x128xi32, #tpu.memory_space<vmem>> -> memref<1x128xi32, #tpu.memory_space<vmem>>
      %dma_wait3A_303 = tpu.memref_squeeze %dma_wait3A_302 : memref<1x128xi32, #tpu.memory_space<vmem>> -> memref<128xi32, #tpu.memory_space<vmem>>
      %dma_wait3A_304 = arith.constant 0 : i32
      %dma_wait3A_305 = tpu.memref_slice %arg30[%dma_wait3A_304] : memref<10240xf32, #tpu.memory_space<vmem_shared>> -> memref<10240xf32, #tpu.memory_space<vmem_shared>>
      tpu.wait_indirect_dma semaphore(%run_scoped3A_295 : memref<!tpu.dma_semaphore, #tpu.memory_space<semaphore_mem>>) src(%arg14 : memref<128xf32, #tpu.memory_space<vmem>>) dst(%dma_wait3A_305 : memref<10240xf32, #tpu.memory_space<vmem_shared>>)
      tpu.yield
    }) : () -> ()
    %scan3A = arith.constant 0 : i32
    %scan3A_269 = arith.constant 0 : i32
    %scan3A_270 = arith.constant 20 : i32
    %scan3A_271 = arith.addi %scan3A_269, %scan3A_270 : i32
    %scan3A_272 = arith.constant 1 : i32
    scf.for %scan3A_295 = %scan3A_269 to %scan3A_271 step %scan3A_272  : i32 {
      %mul3A_296 = arith.constant 2 : i32
      %mul3A_297 = arith.muli %scan3A_295, %mul3A_296 : i32
      %add3A_298 = arith.constant 0 : i32
      %add3A_299 = arith.addi %mul3A_297, %add3A_298 : i32
      %ge3A = arith.constant 1 : i32
      %ge3A_300 = arith.cmpi sge, %add3A_299, %ge3A : i32
      %convert_element_type3A_301 = arith.extui %ge3A_300 : i1 to i32
      %cond3A_302 = arith.constant 0 : i32
      %cond3A_303 = arith.cmpi ne, %convert_element_type3A_301, %cond3A_302 : i32
      scf.if %cond3A_303 {
        %sub3A_363 = arith.constant 1 : i32
        %sub3A_364 = arith.subi %add3A_299, %sub3A_363 : i32
        %dma_wait3A_365 = arith.constant 0 : i32
        %dma_wait3A_366 = tpu.memref_slice %arg16[%sub3A_364, %dma_wait3A_365] : memref<40x128xi32, #tpu.memory_space<vmem>> -> memref<1x128xi32, #tpu.memory_space<vmem>>
        %dma_wait3A_367 = tpu.memref_squeeze %dma_wait3A_366 : memref<1x128xi32, #tpu.memory_space<vmem>> -> memref<128xi32, #tpu.memory_space<vmem>>
        %dma_wait3A_368 = arith.constant 0 : i32
        %dma_wait3A_369 = arith.constant 0 : i32
        %dma_wait3A_370 = tpu.memref_slice %arg29[%dma_wait3A_368, %dma_wait3A_369] : memref<10016x128xf32, #tpu.memory_space<vmem_shared>> -> memref<10016x128xf32, #tpu.memory_space<vmem_shared>>
        tpu.wait_indirect_dma semaphore(%arg26 : memref<!tpu.dma_semaphore, #tpu.memory_space<semaphore_mem>>) src(%arg22 : memref<128x128xf32, #tpu.memory_space<vmem>>) dst(%dma_wait3A_370 : memref<10016x128xf32, #tpu.memory_space<vmem_shared>>)
      } else {
      }
      %add3A_304 = arith.constant 1 : i32
      %add3A_305 = arith.addi %add3A_299, %add3A_304 : i32
      %lt3A_306 = arith.constant 40 : i32
      %lt3A_307 = arith.cmpi slt, %add3A_305, %lt3A_306 : i32
      %convert_element_type3A_308 = arith.extui %lt3A_307 : i1 to i32
      %cond3A_309 = arith.constant 0 : i32
      %cond3A_310 = arith.cmpi ne, %convert_element_type3A_308, %cond3A_309 : i32
      scf.if %cond3A_310 {
        %add3A_363 = arith.constant 1 : i32
        %add3A_364 = arith.addi %add3A_299, %add3A_363 : i32
        %dma_start3A_365 = arith.constant 0 : i32
        %dma_start3A_366 = tpu.memref_slice %arg18[%add3A_364, %dma_start3A_365] : memref<40x128xi32, #tpu.memory_space<vmem>> -> memref<1x128xi32, #tpu.memory_space<vmem>>
        %dma_start3A_367 = tpu.memref_squeeze %dma_start3A_366 : memref<1x128xi32, #tpu.memory_space<vmem>> -> memref<128xi32, #tpu.memory_space<vmem>>
        %dma_start3A_368 = arith.constant 0 : i32
        %dma_start3A_369 = arith.constant 0 : i32
        %dma_start3A_370 = tpu.memref_slice %arg2[%dma_start3A_368, %dma_start3A_369] : memref<10240x128xf32, #tpu.memory_space<hbm>> -> memref<10240x128xf32, #tpu.memory_space<hbm>>
        tpu.enqueue_indirect_dma source(%dma_start3A_370 : memref<10240x128xf32, #tpu.memory_space<hbm>>) target(%arg22 : memref<128x128xf32, #tpu.memory_space<vmem>>) offsets(%dma_start3A_367 : memref<128xi32, #tpu.memory_space<vmem>>) semaphore(%arg24 : memref<!tpu.dma_semaphore, #tpu.memory_space<semaphore_mem>>)
        %add3A_371 = arith.constant 1 : i32
        %add3A_372 = arith.addi %add3A_299, %add3A_371 : i32
        "tpu.region"() ({
          %run_scoped3A_613 = tpu.sem_alloc : memref<!tpu.dma_semaphore, #tpu.memory_space<semaphore_mem>>
          %dma_start3A_614 = arith.constant 0 : i32
          %dma_start3A_615 = tpu.memref_slice %arg16[%add3A_372, %dma_start3A_614] : memref<40x128xi32, #tpu.memory_space<vmem>> -> memref<1x128xi32, #tpu.memory_space<vmem>>
          %dma_start3A_616 = tpu.memref_squeeze %dma_start3A_615 : memref<1x128xi32, #tpu.memory_space<vmem>> -> memref<128xi32, #tpu.memory_space<vmem>>
          %dma_start3A_617 = arith.constant 0 : i32
          %dma_start3A_618 = tpu.memref_slice %arg27[%dma_start3A_617] : memref<10240xf32, #tpu.memory_space<vmem_shared>> -> memref<10240xf32, #tpu.memory_space<vmem_shared>>
          tpu.enqueue_indirect_dma source(%dma_start3A_618 : memref<10240xf32, #tpu.memory_space<vmem_shared>>) target(%arg19 : memref<128xf32, #tpu.memory_space<vmem>>) offsets(%dma_start3A_616 : memref<128xi32, #tpu.memory_space<vmem>>) semaphore(%run_scoped3A_613 : memref<!tpu.dma_semaphore, #tpu.memory_space<semaphore_mem>>)
          %dma_wait3A_619 = arith.constant 0 : i32
          %dma_wait3A_620 = tpu.memref_slice %arg16[%add3A_372, %dma_wait3A_619] : memref<40x128xi32, #tpu.memory_space<vmem>> -> memref<1x128xi32, #tpu.memory_space<vmem>>
          %dma_wait3A_621 = tpu.memref_squeeze %dma_wait3A_620 : memref<1x128xi32, #tpu.memory_space<vmem>> -> memref<128xi32, #tpu.memory_space<vmem>>
          %dma_wait3A_622 = arith.constant 0 : i32
          %dma_wait3A_623 = tpu.memref_slice %arg27[%dma_wait3A_622] : memref<10240xf32, #tpu.memory_space<vmem_shared>> -> memref<10240xf32, #tpu.memory_space<vmem_shared>>
          tpu.wait_indirect_dma semaphore(%run_scoped3A_613 : memref<!tpu.dma_semaphore, #tpu.memory_space<semaphore_mem>>) src(%dma_wait3A_623 : memref<10240xf32, #tpu.memory_space<vmem_shared>>) dst(%arg19 : memref<128xf32, #tpu.memory_space<vmem>>)
          tpu.yield
        }) : () -> ()
        "tpu.region"() ({
          %run_scoped3A_613 = tpu.sem_alloc : memref<!tpu.dma_semaphore, #tpu.memory_space<semaphore_mem>>
          %dma_start3A_614 = arith.constant 0 : i32
          %dma_start3A_615 = tpu.memref_slice %arg17[%add3A_372, %dma_start3A_614] : memref<40x128xi32, #tpu.memory_space<vmem>> -> memref<1x128xi32, #tpu.memory_space<vmem>>
          %dma_start3A_616 = tpu.memref_squeeze %dma_start3A_615 : memref<1x128xi32, #tpu.memory_space<vmem>> -> memref<128xi32, #tpu.memory_space<vmem>>
          %dma_start3A_617 = arith.constant 0 : i32
          %dma_start3A_618 = tpu.memref_slice %arg28[%dma_start3A_617] : memref<10240xf32, #tpu.memory_space<vmem_shared>> -> memref<10240xf32, #tpu.memory_space<vmem_shared>>
          tpu.enqueue_indirect_dma source(%dma_start3A_618 : memref<10240xf32, #tpu.memory_space<vmem_shared>>) target(%arg20 : memref<128xf32, #tpu.memory_space<vmem>>) offsets(%dma_start3A_616 : memref<128xi32, #tpu.memory_space<vmem>>) semaphore(%run_scoped3A_613 : memref<!tpu.dma_semaphore, #tpu.memory_space<semaphore_mem>>)
          %dma_wait3A_619 = arith.constant 0 : i32
          %dma_wait3A_620 = tpu.memref_slice %arg17[%add3A_372, %dma_wait3A_619] : memref<40x128xi32, #tpu.memory_space<vmem>> -> memref<1x128xi32, #tpu.memory_space<vmem>>
          %dma_wait3A_621 = tpu.memref_squeeze %dma_wait3A_620 : memref<1x128xi32, #tpu.memory_space<vmem>> -> memref<128xi32, #tpu.memory_space<vmem>>
          %dma_wait3A_622 = arith.constant 0 : i32
          %dma_wait3A_623 = tpu.memref_slice %arg28[%dma_wait3A_622] : memref<10240xf32, #tpu.memory_space<vmem_shared>> -> memref<10240xf32, #tpu.memory_space<vmem_shared>>
          tpu.wait_indirect_dma semaphore(%run_scoped3A_613 : memref<!tpu.dma_semaphore, #tpu.memory_space<semaphore_mem>>) src(%dma_wait3A_623 : memref<10240xf32, #tpu.memory_space<vmem_shared>>) dst(%arg20 : memref<128xf32, #tpu.memory_space<vmem>>)
          tpu.yield
        }) : () -> ()
        %get3A_373 = arith.constant 0 : index
        %get3A_374 = tpu.vector_load %arg19[%get3A_373] {strides = array<i32>} : memref<128xf32, #tpu.memory_space<vmem>>, vector<16xf32>,
        %get3A_375 = arith.constant 0 : index
        %get3A_376 = tpu.vector_load %arg20[%get3A_375] {strides = array<i32>} : memref<128xf32, #tpu.memory_space<vmem>>, vector<16xf32>,
        %add3A_377 = arith.addf %get3A_374, %get3A_376 : vector<16xf32>
        %max3A_378 = arith.constant 0.000000e+00 : f32
        %max3A_379 = vector.broadcast %max3A_378 : f32 to vector<16xf32>
        %max3A_380 = arith.maximumf %add3A_377, %max3A_379 : vector<16xf32>
        %min3A_381 = arith.constant 0.000000e+00 : f32
        %min3A_382 = vector.broadcast %min3A_381 : f32 to vector<16xf32>
        %min3A_383 = arith.minimumf %add3A_377, %min3A_382 : vector<16xf32>
        %mul3A_384 = arith.constant 0.00999999977 : f32
        %mul3A_385 = vector.broadcast %mul3A_384 : f32 to vector<16xf32>
        %mul3A_386 = arith.mulf %mul3A_385, %min3A_383 : vector<16xf32>
        %add3A_387 = arith.addf %max3A_380, %mul3A_386 : vector<16xf32>
        %add3A_388 = arith.addf %get3A_374, %get3A_25 : vector<16xf32>
        %max3A_389 = arith.constant 0.000000e+00 : f32
        %max3A_390 = vector.broadcast %max3A_389 : f32 to vector<16xf32>
        %max3A_391 = arith.maximumf %add3A_388, %max3A_390 : vector<16xf32>
        %min3A_392 = arith.constant 0.000000e+00 : f32
        %min3A_393 = vector.broadcast %min3A_392 : f32 to vector<16xf32>
        %min3A_394 = arith.minimumf %add3A_388, %min3A_393 : vector<16xf32>
        %mul3A_395 = arith.constant 0.00999999977 : f32
        %mul3A_396 = vector.broadcast %mul3A_395 : f32 to vector<16xf32>
        %mul3A_397 = arith.mulf %mul3A_396, %min3A_394 : vector<16xf32>
        %add3A_398 = arith.addf %max3A_391, %mul3A_397 : vector<16xf32>
        %sub3A_399 = arith.subf %add3A_387, %add3A_398 : vector<16xf32>
        %exp3A_400 = math.exp %sub3A_399 : vector<16xf32>
        %swap3A_401 = arith.constant 0 : index
        %swap3A_402 = tpu.vector_load %arg15[%swap3A_401] {strides = array<i32>} : memref<128xf32, #tpu.memory_space<vmem>>, vector<16xf32>,
        tpu.vector_store %arg15[%swap3A_401], %exp3A_400 {strides = array<i32>} : memref<128xf32, #tpu.memory_space<vmem>>, vector<16xf32>,
        %get3A_403 = arith.constant 16 : index
        %get3A_404 = tpu.vector_load %arg19[%get3A_403] {strides = array<i32>} : memref<128xf32, #tpu.memory_space<vmem>>, vector<16xf32>,
        %get3A_405 = arith.constant 16 : index
        %get3A_406 = tpu.vector_load %arg20[%get3A_405] {strides = array<i32>} : memref<128xf32, #tpu.memory_space<vmem>>, vector<16xf32>,
        %add3A_407 = arith.addf %get3A_404, %get3A_406 : vector<16xf32>
        %max3A_408 = arith.constant 0.000000e+00 : f32
        %max3A_409 = vector.broadcast %max3A_408 : f32 to vector<16xf32>
        %max3A_410 = arith.maximumf %add3A_407, %max3A_409 : vector<16xf32>
        %min3A_411 = arith.constant 0.000000e+00 : f32
        %min3A_412 = vector.broadcast %min3A_411 : f32 to vector<16xf32>
        %min3A_413 = arith.minimumf %add3A_407, %min3A_412 : vector<16xf32>
        %mul3A_414 = arith.constant 0.00999999977 : f32
        %mul3A_415 = vector.broadcast %mul3A_414 : f32 to vector<16xf32>
        %mul3A_416 = arith.mulf %mul3A_415, %min3A_413 : vector<16xf32>
        %add3A_417 = arith.addf %max3A_410, %mul3A_416 : vector<16xf32>
        %add3A_418 = arith.addf %get3A_404, %get3A_25 : vector<16xf32>
        %max3A_419 = arith.constant 0.000000e+00 : f32
        %max3A_420 = vector.broadcast %max3A_419 : f32 to vector<16xf32>
        %max3A_421 = arith.maximumf %add3A_418, %max3A_420 : vector<16xf32>
        %min3A_422 = arith.constant 0.000000e+00 : f32
        %min3A_423 = vector.broadcast %min3A_422 : f32 to vector<16xf32>
        %min3A_424 = arith.minimumf %add3A_418, %min3A_423 : vector<16xf32>
        %mul3A_425 = arith.constant 0.00999999977 : f32
        %mul3A_426 = vector.broadcast %mul3A_425 : f32 to vector<16xf32>
        %mul3A_427 = arith.mulf %mul3A_426, %min3A_424 : vector<16xf32>
        %add3A_428 = arith.addf %max3A_421, %mul3A_427 : vector<16xf32>
        %sub3A_429 = arith.subf %add3A_417, %add3A_428 : vector<16xf32>
        %exp3A_430 = math.exp %sub3A_429 : vector<16xf32>
        %swap3A_431 = arith.constant 16 : index
        %swap3A_432 = tpu.vector_load %arg15[%swap3A_431] {strides = array<i32>} : memref<128xf32, #tpu.memory_space<vmem>>, vector<16xf32>,
        tpu.vector_store %arg15[%swap3A_431], %exp3A_430 {strides = array<i32>} : memref<128xf32, #tpu.memory_space<vmem>>, vector<16xf32>,
        %get3A_433 = arith.constant 32 : index
        %get3A_434 = tpu.vector_load %arg19[%get3A_433] {strides = array<i32>} : memref<128xf32, #tpu.memory_space<vmem>>, vector<16xf32>,
        %get3A_435 = arith.constant 32 : index
        %get3A_436 = tpu.vector_load %arg20[%get3A_435] {strides = array<i32>} : memref<128xf32, #tpu.memory_space<vmem>>, vector<16xf32>,
        %add3A_437 = arith.addf %get3A_434, %get3A_436 : vector<16xf32>
        %max3A_438 = arith.constant 0.000000e+00 : f32
        %max3A_439 = vector.broadcast %max3A_438 : f32 to vector<16xf32>
        %max3A_440 = arith.maximumf %add3A_437, %max3A_439 : vector<16xf32>
        %min3A_441 = arith.constant 0.000000e+00 : f32
        %min3A_442 = vector.broadcast %min3A_441 : f32 to vector<16xf32>
        %min3A_443 = arith.minimumf %add3A_437, %min3A_442 : vector<16xf32>
        %mul3A_444 = arith.constant 0.00999999977 : f32
        %mul3A_445 = vector.broadcast %mul3A_444 : f32 to vector<16xf32>
        %mul3A_446 = arith.mulf %mul3A_445, %min3A_443 : vector<16xf32>
        %add3A_447 = arith.addf %max3A_440, %mul3A_446 : vector<16xf32>
        %add3A_448 = arith.addf %get3A_434, %get3A_25 : vector<16xf32>
        %max3A_449 = arith.constant 0.000000e+00 : f32
        %max3A_450 = vector.broadcast %max3A_449 : f32 to vector<16xf32>
        %max3A_451 = arith.maximumf %add3A_448, %max3A_450 : vector<16xf32>
        %min3A_452 = arith.constant 0.000000e+00 : f32
        %min3A_453 = vector.broadcast %min3A_452 : f32 to vector<16xf32>
        %min3A_454 = arith.minimumf %add3A_448, %min3A_453 : vector<16xf32>
        %mul3A_455 = arith.constant 0.00999999977 : f32
        %mul3A_456 = vector.broadcast %mul3A_455 : f32 to vector<16xf32>
        %mul3A_457 = arith.mulf %mul3A_456, %min3A_454 : vector<16xf32>
        %add3A_458 = arith.addf %max3A_451, %mul3A_457 : vector<16xf32>
        %sub3A_459 = arith.subf %add3A_447, %add3A_458 : vector<16xf32>
        %exp3A_460 = math.exp %sub3A_459 : vector<16xf32>
        %swap3A_461 = arith.constant 32 : index
        %swap3A_462 = tpu.vector_load %arg15[%swap3A_461] {strides = array<i32>} : memref<128xf32, #tpu.memory_space<vmem>>, vector<16xf32>,
        tpu.vector_store %arg15[%swap3A_461], %exp3A_460 {strides = array<i32>} : memref<128xf32, #tpu.memory_space<vmem>>, vector<16xf32>,
        %get3A_463 = arith.constant 48 : index
        %get3A_464 = tpu.vector_load %arg19[%get3A_463] {strides = array<i32>} : memref<128xf32, #tpu.memory_space<vmem>>, vector<16xf32>,
        %get3A_465 = arith.constant 48 : index
        %get3A_466 = tpu.vector_load %arg20[%get3A_465] {strides = array<i32>} : memref<128xf32, #tpu.memory_space<vmem>>, vector<16xf32>,
        %add3A_467 = arith.addf %get3A_464, %get3A_466 : vector<16xf32>
        %max3A_468 = arith.constant 0.000000e+00 : f32
        %max3A_469 = vector.broadcast %max3A_468 : f32 to vector<16xf32>
        %max3A_470 = arith.maximumf %add3A_467, %max3A_469 : vector<16xf32>
        %min3A_471 = arith.constant 0.000000e+00 : f32
        %min3A_472 = vector.broadcast %min3A_471 : f32 to vector<16xf32>
        %min3A_473 = arith.minimumf %add3A_467, %min3A_472 : vector<16xf32>
        %mul3A_474 = arith.constant 0.00999999977 : f32
        %mul3A_475 = vector.broadcast %mul3A_474 : f32 to vector<16xf32>
        %mul3A_476 = arith.mulf %mul3A_475, %min3A_473 : vector<16xf32>
        %add3A_477 = arith.addf %max3A_470, %mul3A_476 : vector<16xf32>
        %add3A_478 = arith.addf %get3A_464, %get3A_25 : vector<16xf32>
        %max3A_479 = arith.constant 0.000000e+00 : f32
        %max3A_480 = vector.broadcast %max3A_479 : f32 to vector<16xf32>
        %max3A_481 = arith.maximumf %add3A_478, %max3A_480 : vector<16xf32>
        %min3A_482 = arith.constant 0.000000e+00 : f32
        %min3A_483 = vector.broadcast %min3A_482 : f32 to vector<16xf32>
        %min3A_484 = arith.minimumf %add3A_478, %min3A_483 : vector<16xf32>
        %mul3A_485 = arith.constant 0.00999999977 : f32
        %mul3A_486 = vector.broadcast %mul3A_485 : f32 to vector<16xf32>
        %mul3A_487 = arith.mulf %mul3A_486, %min3A_484 : vector<16xf32>
        %add3A_488 = arith.addf %max3A_481, %mul3A_487 : vector<16xf32>
        %sub3A_489 = arith.subf %add3A_477, %add3A_488 : vector<16xf32>
        %exp3A_490 = math.exp %sub3A_489 : vector<16xf32>
        %swap3A_491 = arith.constant 48 : index
        %swap3A_492 = tpu.vector_load %arg15[%swap3A_491] {strides = array<i32>} : memref<128xf32, #tpu.memory_space<vmem>>, vector<16xf32>,
        tpu.vector_store %arg15[%swap3A_491], %exp3A_490 {strides = array<i32>} : memref<128xf32, #tpu.memory_space<vmem>>, vector<16xf32>,
        %get3A_493 = arith.constant 64 : index
        %get3A_494 = tpu.vector_load %arg19[%get3A_493] {strides = array<i32>} : memref<128xf32, #tpu.memory_space<vmem>>, vector<16xf32>,
        %get3A_495 = arith.constant 64 : index
        %get3A_496 = tpu.vector_load %arg20[%get3A_495] {strides = array<i32>} : memref<128xf32, #tpu.memory_space<vmem>>, vector<16xf32>,
        %add3A_497 = arith.addf %get3A_494, %get3A_496 : vector<16xf32>
        %max3A_498 = arith.constant 0.000000e+00 : f32
        %max3A_499 = vector.broadcast %max3A_498 : f32 to vector<16xf32>
        %max3A_500 = arith.maximumf %add3A_497, %max3A_499 : vector<16xf32>
        %min3A_501 = arith.constant 0.000000e+00 : f32
        %min3A_502 = vector.broadcast %min3A_501 : f32 to vector<16xf32>
        %min3A_503 = arith.minimumf %add3A_497, %min3A_502 : vector<16xf32>
        %mul3A_504 = arith.constant 0.00999999977 : f32
        %mul3A_505 = vector.broadcast %mul3A_504 : f32 to vector<16xf32>
        %mul3A_506 = arith.mulf %mul3A_505, %min3A_503 : vector<16xf32>
        %add3A_507 = arith.addf %max3A_500, %mul3A_506 : vector<16xf32>
        %add3A_508 = arith.addf %get3A_494, %get3A_25 : vector<16xf32>
        %max3A_509 = arith.constant 0.000000e+00 : f32
        %max3A_510 = vector.broadcast %max3A_509 : f32 to vector<16xf32>
        %max3A_511 = arith.maximumf %add3A_508, %max3A_510 : vector<16xf32>
        %min3A_512 = arith.constant 0.000000e+00 : f32
        %min3A_513 = vector.broadcast %min3A_512 : f32 to vector<16xf32>
        %min3A_514 = arith.minimumf %add3A_508, %min3A_513 : vector<16xf32>
        %mul3A_515 = arith.constant 0.00999999977 : f32
        %mul3A_516 = vector.broadcast %mul3A_515 : f32 to vector<16xf32>
        %mul3A_517 = arith.mulf %mul3A_516, %min3A_514 : vector<16xf32>
        %add3A_518 = arith.addf %max3A_511, %mul3A_517 : vector<16xf32>
        %sub3A_519 = arith.subf %add3A_507, %add3A_518 : vector<16xf32>
        %exp3A_520 = math.exp %sub3A_519 : vector<16xf32>
        %swap3A_521 = arith.constant 64 : index
        %swap3A_522 = tpu.vector_load %arg15[%swap3A_521] {strides = array<i32>} : memref<128xf32, #tpu.memory_space<vmem>>, vector<16xf32>,
        tpu.vector_store %arg15[%swap3A_521], %exp3A_520 {strides = array<i32>} : memref<128xf32, #tpu.memory_space<vmem>>, vector<16xf32>,
        %get3A_523 = arith.constant 80 : index
        %get3A_524 = tpu.vector_load %arg19[%get3A_523] {strides = array<i32>} : memref<128xf32, #tpu.memory_space<vmem>>, vector<16xf32>,
        %get3A_525 = arith.constant 80 : index
        %get3A_526 = tpu.vector_load %arg20[%get3A_525] {strides = array<i32>} : memref<128xf32, #tpu.memory_space<vmem>>, vector<16xf32>,
        %add3A_527 = arith.addf %get3A_524, %get3A_526 : vector<16xf32>
        %max3A_528 = arith.constant 0.000000e+00 : f32
        %max3A_529 = vector.broadcast %max3A_528 : f32 to vector<16xf32>
        %max3A_530 = arith.maximumf %add3A_527, %max3A_529 : vector<16xf32>
        %min3A_531 = arith.constant 0.000000e+00 : f32
        %min3A_532 = vector.broadcast %min3A_531 : f32 to vector<16xf32>
        %min3A_533 = arith.minimumf %add3A_527, %min3A_532 : vector<16xf32>
        %mul3A_534 = arith.constant 0.00999999977 : f32
        %mul3A_535 = vector.broadcast %mul3A_534 : f32 to vector<16xf32>
        %mul3A_536 = arith.mulf %mul3A_535, %min3A_533 : vector<16xf32>
        %add3A_537 = arith.addf %max3A_530, %mul3A_536 : vector<16xf32>
        %add3A_538 = arith.addf %get3A_524, %get3A_25 : vector<16xf32>
        %max3A_539 = arith.constant 0.000000e+00 : f32
        %max3A_540 = vector.broadcast %max3A_539 : f32 to vector<16xf32>
        %max3A_541 = arith.maximumf %add3A_538, %max3A_540 : vector<16xf32>
        %min3A_542 = arith.constant 0.000000e+00 : f32
        %min3A_543 = vector.broadcast %min3A_542 : f32 to vector<16xf32>
        %min3A_544 = arith.minimumf %add3A_538, %min3A_543 : vector<16xf32>
        %mul3A_545 = arith.constant 0.00999999977 : f32
        %mul3A_546 = vector.broadcast %mul3A_545 : f32 to vector<16xf32>
        %mul3A_547 = arith.mulf %mul3A_546, %min3A_544 : vector<16xf32>
        %add3A_548 = arith.addf %max3A_541, %mul3A_547 : vector<16xf32>
        %sub3A_549 = arith.subf %add3A_537, %add3A_548 : vector<16xf32>
        %exp3A_550 = math.exp %sub3A_549 : vector<16xf32>
        %swap3A_551 = arith.constant 80 : index
        %swap3A_552 = tpu.vector_load %arg15[%swap3A_551] {strides = array<i32>} : memref<128xf32, #tpu.memory_space<vmem>>, vector<16xf32>,
        tpu.vector_store %arg15[%swap3A_551], %exp3A_550 {strides = array<i32>} : memref<128xf32, #tpu.memory_space<vmem>>, vector<16xf32>,
        %get3A_553 = arith.constant 96 : index
        %get3A_554 = tpu.vector_load %arg19[%get3A_553] {strides = array<i32>} : memref<128xf32, #tpu.memory_space<vmem>>, vector<16xf32>,
        %get3A_555 = arith.constant 96 : index
        %get3A_556 = tpu.vector_load %arg20[%get3A_555] {strides = array<i32>} : memref<128xf32, #tpu.memory_space<vmem>>, vector<16xf32>,
        %add3A_557 = arith.addf %get3A_554, %get3A_556 : vector<16xf32>
        %max3A_558 = arith.constant 0.000000e+00 : f32
        %max3A_559 = vector.broadcast %max3A_558 : f32 to vector<16xf32>
        %max3A_560 = arith.maximumf %add3A_557, %max3A_559 : vector<16xf32>
        %min3A_561 = arith.constant 0.000000e+00 : f32
        %min3A_562 = vector.broadcast %min3A_561 : f32 to vector<16xf32>
        %min3A_563 = arith.minimumf %add3A_557, %min3A_562 : vector<16xf32>
        %mul3A_564 = arith.constant 0.00999999977 : f32
        %mul3A_565 = vector.broadcast %mul3A_564 : f32 to vector<16xf32>
        %mul3A_566 = arith.mulf %mul3A_565, %min3A_563 : vector<16xf32>
        %add3A_567 = arith.addf %max3A_560, %mul3A_566 : vector<16xf32>
        %add3A_568 = arith.addf %get3A_554, %get3A_25 : vector<16xf32>
        %max3A_569 = arith.constant 0.000000e+00 : f32
        %max3A_570 = vector.broadcast %max3A_569 : f32 to vector<16xf32>
        %max3A_571 = arith.maximumf %add3A_568, %max3A_570 : vector<16xf32>
        %min3A_572 = arith.constant 0.000000e+00 : f32
        %min3A_573 = vector.broadcast %min3A_572 : f32 to vector<16xf32>
        %min3A_574 = arith.minimumf %add3A_568, %min3A_573 : vector<16xf32>
        %mul3A_575 = arith.constant 0.00999999977 : f32
        %mul3A_576 = vector.broadcast %mul3A_575 : f32 to vector<16xf32>
        %mul3A_577 = arith.mulf %mul3A_576, %min3A_574 : vector<16xf32>
        %add3A_578 = arith.addf %max3A_571, %mul3A_577 : vector<16xf32>
        %sub3A_579 = arith.subf %add3A_567, %add3A_578 : vector<16xf32>
        %exp3A_580 = math.exp %sub3A_579 : vector<16xf32>
        %swap3A_581 = arith.constant 96 : index
        %swap3A_582 = tpu.vector_load %arg15[%swap3A_581] {strides = array<i32>} : memref<128xf32, #tpu.memory_space<vmem>>, vector<16xf32>,
        tpu.vector_store %arg15[%swap3A_581], %exp3A_580 {strides = array<i32>} : memref<128xf32, #tpu.memory_space<vmem>>, vector<16xf32>,
        %get3A_583 = arith.constant 112 : index
        %get3A_584 = tpu.vector_load %arg19[%get3A_583] {strides = array<i32>} : memref<128xf32, #tpu.memory_space<vmem>>, vector<16xf32>,
        %get3A_585 = arith.constant 112 : index
        %get3A_586 = tpu.vector_load %arg20[%get3A_585] {strides = array<i32>} : memref<128xf32, #tpu.memory_space<vmem>>, vector<16xf32>,
        %add3A_587 = arith.addf %get3A_584, %get3A_586 : vector<16xf32>
        %max3A_588 = arith.constant 0.000000e+00 : f32
        %max3A_589 = vector.broadcast %max3A_588 : f32 to vector<16xf32>
        %max3A_590 = arith.maximumf %add3A_587, %max3A_589 : vector<16xf32>
        %min3A_591 = arith.constant 0.000000e+00 : f32
        %min3A_592 = vector.broadcast %min3A_591 : f32 to vector<16xf32>
        %min3A_593 = arith.minimumf %add3A_587, %min3A_592 : vector<16xf32>
        %mul3A_594 = arith.constant 0.00999999977 : f32
        %mul3A_595 = vector.broadcast %mul3A_594 : f32 to vector<16xf32>
        %mul3A_596 = arith.mulf %mul3A_595, %min3A_593 : vector<16xf32>
        %add3A_597 = arith.addf %max3A_590, %mul3A_596 : vector<16xf32>
        %add3A_598 = arith.addf %get3A_584, %get3A_25 : vector<16xf32>
        %max3A_599 = arith.constant 0.000000e+00 : f32
        %max3A_600 = vector.broadcast %max3A_599 : f32 to vector<16xf32>
        %max3A_601 = arith.maximumf %add3A_598, %max3A_600 : vector<16xf32>
        %min3A_602 = arith.constant 0.000000e+00 : f32
        %min3A_603 = vector.broadcast %min3A_602 : f32 to vector<16xf32>
        %min3A_604 = arith.minimumf %add3A_598, %min3A_603 : vector<16xf32>
        %mul3A_605 = arith.constant 0.00999999977 : f32
        %mul3A_606 = vector.broadcast %mul3A_605 : f32 to vector<16xf32>
        %mul3A_607 = arith.mulf %mul3A_606, %min3A_604 : vector<16xf32>
        %add3A_608 = arith.addf %max3A_601, %mul3A_607 : vector<16xf32>
        %sub3A_609 = arith.subf %add3A_597, %add3A_608 : vector<16xf32>
        %exp3A_610 = math.exp %sub3A_609 : vector<16xf32>
        %swap3A_611 = arith.constant 112 : index
        %swap3A_612 = tpu.vector_load %arg15[%swap3A_611] {strides = array<i32>} : memref<128xf32, #tpu.memory_space<vmem>>, vector<16xf32>,
        tpu.vector_store %arg15[%swap3A_611], %exp3A_610 {strides = array<i32>} : memref<128xf32, #tpu.memory_space<vmem>>, vector<16xf32>,
        "tpu.region"() ({
          %run_scoped3A_613 = tpu.sem_alloc : memref<!tpu.dma_semaphore, #tpu.memory_space<semaphore_mem>>
          %dma_start3A_614 = arith.constant 0 : i32
          %dma_start3A_615 = tpu.memref_slice %arg16[%add3A_372, %dma_start3A_614] : memref<40x128xi32, #tpu.memory_space<vmem>> -> memref<1x128xi32, #tpu.memory_space<vmem>>
          %dma_start3A_616 = tpu.memref_squeeze %dma_start3A_615 : memref<1x128xi32, #tpu.memory_space<vmem>> -> memref<128xi32, #tpu.memory_space<vmem>>
          %dma_start3A_617 = arith.constant 0 : i32
          %dma_start3A_618 = tpu.memref_slice %arg30[%dma_start3A_617] : memref<10240xf32, #tpu.memory_space<vmem_shared>> -> memref<10240xf32, #tpu.memory_space<vmem_shared>>
          tpu.enqueue_indirect_dma source(%arg15 : memref<128xf32, #tpu.memory_space<vmem>>) target(%dma_start3A_618 : memref<10240xf32, #tpu.memory_space<vmem_shared>>) offsets(%dma_start3A_616 : memref<128xi32, #tpu.memory_space<vmem>>) semaphore(%run_scoped3A_613 : memref<!tpu.dma_semaphore, #tpu.memory_space<semaphore_mem>>) {add = true}
          %dma_wait3A_619 = arith.constant 0 : i32
          %dma_wait3A_620 = tpu.memref_slice %arg16[%add3A_372, %dma_wait3A_619] : memref<40x128xi32, #tpu.memory_space<vmem>> -> memref<1x128xi32, #tpu.memory_space<vmem>>
          %dma_wait3A_621 = tpu.memref_squeeze %dma_wait3A_620 : memref<1x128xi32, #tpu.memory_space<vmem>> -> memref<128xi32, #tpu.memory_space<vmem>>
          %dma_wait3A_622 = arith.constant 0 : i32
          %dma_wait3A_623 = tpu.memref_slice %arg30[%dma_wait3A_622] : memref<10240xf32, #tpu.memory_space<vmem_shared>> -> memref<10240xf32, #tpu.memory_space<vmem_shared>>
          tpu.wait_indirect_dma semaphore(%run_scoped3A_613 : memref<!tpu.dma_semaphore, #tpu.memory_space<semaphore_mem>>) src(%arg15 : memref<128xf32, #tpu.memory_space<vmem>>) dst(%dma_wait3A_623 : memref<10240xf32, #tpu.memory_space<vmem_shared>>)
          tpu.yield
        }) : () -> ()
      } else {
      }
      %dma_wait3A_311 = arith.constant 0 : i32
      %dma_wait3A_312 = tpu.memref_slice %arg18[%add3A_299, %dma_wait3A_311] : memref<40x128xi32, #tpu.memory_space<vmem>> -> memref<1x128xi32, #tpu.memory_space<vmem>>
      %dma_wait3A_313 = tpu.memref_squeeze %dma_wait3A_312 : memref<1x128xi32, #tpu.memory_space<vmem>> -> memref<128xi32, #tpu.memory_space<vmem>>
      %dma_wait3A_314 = arith.constant 0 : i32
      %dma_wait3A_315 = arith.constant 0 : i32
      %dma_wait3A_316 = tpu.memref_slice %arg2[%dma_wait3A_314, %dma_wait3A_315] : memref<10240x128xf32, #tpu.memory_space<hbm>> -> memref<10240x128xf32, #tpu.memory_space<hbm>>
      tpu.wait_indirect_dma semaphore(%arg23 : memref<!tpu.dma_semaphore, #tpu.memory_space<semaphore_mem>>) src(%dma_wait3A_316 : memref<10240x128xf32, #tpu.memory_space<hbm>>) dst(%arg21 : memref<128x128xf32, #tpu.memory_space<vmem>>)
      %scan3A_317 = arith.constant 0 : i32
      %scan3A_318 = arith.constant 0 : i32
      %scan3A_319 = arith.constant 8 : i32
      %scan3A_320 = arith.addi %scan3A_318, %scan3A_319 : i32
      %scan3A_321 = arith.constant 1 : i32
      scf.for %scan3A_363 = %scan3A_318 to %scan3A_320 step %scan3A_321  : i32 {
        %mul3A_364 = arith.constant 16 : i32
        %mul3A_365 = arith.muli %scan3A_363, %mul3A_364 : i32
        %get3A_366 = arith.index_cast %mul3A_365 : i32 to index
        %get3A_367 = tpu.vector_load %arg14[%get3A_366] {strides = array<i32>} : memref<128xf32, #tpu.memory_space<vmem>>, vector<16xf32>,
        %broadcast_in_dim3A = arith.constant 0 : i32
        %broadcast_in_dim3A_368 = vector.broadcast %broadcast_in_dim3A : i32 to vector<16x1xi32>
        %gather3A = vector.shape_cast %broadcast_in_dim3A_368 : vector<16x1xi32> to vector<16xi32>
        %gather3A_369 = tpu.dynamic_gather %get3A_367[%gather3A] in [0] : vector<16xf32>, vector<16xi32> -> vector<16xf32>
        %mul3A_370 = arith.constant 16 : i32
        %mul3A_371 = arith.muli %scan3A_363, %mul3A_370 : i32
        %add3A_372 = arith.constant 0 : i32
        %add3A_373 = arith.addi %mul3A_371, %add3A_372 : i32
        %get3A_374 = arith.index_cast %add3A_373 : i32 to index
        %get3A_375 = arith.constant 0 : index
        %get3A_376 = tpu.vector_load %arg21[%get3A_374, %get3A_375] {strides = array<i32>} : memref<128x128xf32, #tpu.memory_space<vmem>>, vector<16xf32>,
        %mul3A_377 = arith.mulf %get3A_376, %gather3A_369 : vector<16xf32>
        %swap3A_378 = arith.index_cast %add3A_373 : i32 to index
        %swap3A_379 = arith.constant 0 : index
        %swap3A_380 = tpu.vector_load %arg21[%swap3A_378, %swap3A_379] {strides = array<i32>} : memref<128x128xf32, #tpu.memory_space<vmem>>, vector<16xf32>,
        tpu.vector_store %arg21[%swap3A_378, %swap3A_379], %mul3A_377 {strides = array<i32>} : memref<128x128xf32, #tpu.memory_space<vmem>>, vector<16xf32>,
        %get3A_381 = arith.index_cast %add3A_373 : i32 to index
        %get3A_382 = arith.constant 16 : index
        %get3A_383 = tpu.vector_load %arg21[%get3A_381, %get3A_382] {strides = array<i32>} : memref<128x128xf32, #tpu.memory_space<vmem>>, vector<16xf32>,
        %mul3A_384 = arith.mulf %get3A_383, %gather3A_369 : vector<16xf32>
        %swap3A_385 = arith.index_cast %add3A_373 : i32 to index
        %swap3A_386 = arith.constant 16 : index
        %swap3A_387 = tpu.vector_load %arg21[%swap3A_385, %swap3A_386] {strides = array<i32>} : memref<128x128xf32, #tpu.memory_space<vmem>>, vector<16xf32>,
        tpu.vector_store %arg21[%swap3A_385, %swap3A_386], %mul3A_384 {strides = array<i32>} : memref<128x128xf32, #tpu.memory_space<vmem>>, vector<16xf32>,
        %get3A_388 = arith.index_cast %add3A_373 : i32 to index
        %get3A_389 = arith.constant 32 : index
        %get3A_390 = tpu.vector_load %arg21[%get3A_388, %get3A_389] {strides = array<i32>} : memref<128x128xf32, #tpu.memory_space<vmem>>, vector<16xf32>,
        %mul3A_391 = arith.mulf %get3A_390, %gather3A_369 : vector<16xf32>
        %swap3A_392 = arith.index_cast %add3A_373 : i32 to index
        %swap3A_393 = arith.constant 32 : index
        %swap3A_394 = tpu.vector_load %arg21[%swap3A_392, %swap3A_393] {strides = array<i32>} : memref<128x128xf32, #tpu.memory_space<vmem>>, vector<16xf32>,
        tpu.vector_store %arg21[%swap3A_392, %swap3A_393], %mul3A_391 {strides = array<i32>} : memref<128x128xf32, #tpu.memory_space<vmem>>, vector<16xf32>,
        %get3A_395 = arith.index_cast %add3A_373 : i32 to index
        %get3A_396 = arith.constant 48 : index
        %get3A_397 = tpu.vector_load %arg21[%get3A_395, %get3A_396] {strides = array<i32>} : memref<128x128xf32, #tpu.memory_space<vmem>>, vector<16xf32>,
        %mul3A_398 = arith.mulf %get3A_397, %gather3A_369 : vector<16xf32>
        %swap3A_399 = arith.index_cast %add3A_373 : i32 to index
        %swap3A_400 = arith.constant 48 : index
        %swap3A_401 = tpu.vector_load %arg21[%swap3A_399, %swap3A_400] {strides = array<i32>} : memref<128x128xf32, #tpu.memory_space<vmem>>, vector<16xf32>,
        tpu.vector_store %arg21[%swap3A_399, %swap3A_400], %mul3A_398 {strides = array<i32>} : memref<128x128xf32, #tpu.memory_space<vmem>>, vector<16xf32>,
        %get3A_402 = arith.index_cast %add3A_373 : i32 to index
        %get3A_403 = arith.constant 64 : index
        %get3A_404 = tpu.vector_load %arg21[%get3A_402, %get3A_403] {strides = array<i32>} : memref<128x128xf32, #tpu.memory_space<vmem>>, vector<16xf32>,
        %mul3A_405 = arith.mulf %get3A_404, %gather3A_369 : vector<16xf32>
        %swap3A_406 = arith.index_cast %add3A_373 : i32 to index
        %swap3A_407 = arith.constant 64 : index
        %swap3A_408 = tpu.vector_load %arg21[%swap3A_406, %swap3A_407] {strides = array<i32>} : memref<128x128xf32, #tpu.memory_space<vmem>>, vector<16xf32>,
        tpu.vector_store %arg21[%swap3A_406, %swap3A_407], %mul3A_405 {strides = array<i32>} : memref<128x128xf32, #tpu.memory_space<vmem>>, vector<16xf32>,
        %get3A_409 = arith.index_cast %add3A_373 : i32 to index
        %get3A_410 = arith.constant 80 : index
        %get3A_411 = tpu.vector_load %arg21[%get3A_409, %get3A_410] {strides = array<i32>} : memref<128x128xf32, #tpu.memory_space<vmem>>, vector<16xf32>,
        %mul3A_412 = arith.mulf %get3A_411, %gather3A_369 : vector<16xf32>
        %swap3A_413 = arith.index_cast %add3A_373 : i32 to index
        %swap3A_414 = arith.constant 80 : index
        %swap3A_415 = tpu.vector_load %arg21[%swap3A_413, %swap3A_414] {strides = array<i32>} : memref<128x128xf32, #tpu.memory_space<vmem>>, vector<16xf32>,
        tpu.vector_store %arg21[%swap3A_413, %swap3A_414], %mul3A_412 {strides = array<i32>} : memref<128x128xf32, #tpu.memory_space<vmem>>, vector<16xf32>,
        %get3A_416 = arith.index_cast %add3A_373 : i32 to index
        %get3A_417 = arith.constant 96 : index
        %get3A_418 = tpu.vector_load %arg21[%get3A_416, %get3A_417] {strides = array<i32>} : memref<128x128xf32, #tpu.memory_space<vmem>>, vector<16xf32>,
        %mul3A_419 = arith.mulf %get3A_418, %gather3A_369 : vector<16xf32>
        %swap3A_420 = arith.index_cast %add3A_373 : i32 to index
        %swap3A_421 = arith.constant 96 : index
        %swap3A_422 = tpu.vector_load %arg21[%swap3A_420, %swap3A_421] {strides = array<i32>} : memref<128x128xf32, #tpu.memory_space<vmem>>, vector<16xf32>,
        tpu.vector_store %arg21[%swap3A_420, %swap3A_421], %mul3A_419 {strides = array<i32>} : memref<128x128xf32, #tpu.memory_space<vmem>>, vector<16xf32>,
        %get3A_423 = arith.index_cast %add3A_373 : i32 to index
        %get3A_424 = arith.constant 112 : index
        %get3A_425 = tpu.vector_load %arg21[%get3A_423, %get3A_424] {strides = array<i32>} : memref<128x128xf32, #tpu.memory_space<vmem>>, vector<16xf32>,
        %mul3A_426 = arith.mulf %get3A_425, %gather3A_369 : vector<16xf32>
        %swap3A_427 = arith.index_cast %add3A_373 : i32 to index
        %swap3A_428 = arith.constant 112 : index
        %swap3A_429 = tpu.vector_load %arg21[%swap3A_427, %swap3A_428] {strides = array<i32>} : memref<128x128xf32, #tpu.memory_space<vmem>>, vector<16xf32>,
        tpu.vector_store %arg21[%swap3A_427, %swap3A_428], %mul3A_426 {strides = array<i32>} : memref<128x128xf32, #tpu.memory_space<vmem>>, vector<16xf32>,
        %broadcast_in_dim3A_430 = arith.constant 1 : i32
        %broadcast_in_dim3A_431 = vector.broadcast %broadcast_in_dim3A_430 : i32 to vector<16x1xi32>
        %gather3A_432 = vector.shape_cast %broadcast_in_dim3A_431 : vector<16x1xi32> to vector<16xi32>
        %gather3A_433 = tpu.dynamic_gather %get3A_367[%gather3A_432] in [0] : vector<16xf32>, vector<16xi32> -> vector<16xf32>
        %mul3A_434 = arith.constant 16 : i32
        %mul3A_435 = arith.muli %scan3A_363, %mul3A_434 : i32
        %add3A_436 = arith.constant 1 : i32
        %add3A_437 = arith.addi %mul3A_435, %add3A_436 : i32
        %get3A_438 = arith.index_cast %add3A_437 : i32 to index
        %get3A_439 = arith.constant 0 : index
        %get3A_440 = tpu.vector_load %arg21[%get3A_438, %get3A_439] {strides = array<i32>} : memref<128x128xf32, #tpu.memory_space<vmem>>, vector<16xf32>,
        %mul3A_441 = arith.mulf %get3A_440, %gather3A_433 : vector<16xf32>
        %swap3A_442 = arith.index_cast %add3A_437 : i32 to index
        %swap3A_443 = arith.constant 0 : index
        %swap3A_444 = tpu.vector_load %arg21[%swap3A_442, %swap3A_443] {strides = array<i32>} : memref<128x128xf32, #tpu.memory_space<vmem>>, vector<16xf32>,
        tpu.vector_store %arg21[%swap3A_442, %swap3A_443], %mul3A_441 {strides = array<i32>} : memref<128x128xf32, #tpu.memory_space<vmem>>, vector<16xf32>,
        %get3A_445 = arith.index_cast %add3A_437 : i32 to index
        %get3A_446 = arith.constant 16 : index
        %get3A_447 = tpu.vector_load %arg21[%get3A_445, %get3A_446] {strides = array<i32>} : memref<128x128xf32, #tpu.memory_space<vmem>>, vector<16xf32>,
        %mul3A_448 = arith.mulf %get3A_447, %gather3A_433 : vector<16xf32>
        %swap3A_449 = arith.index_cast %add3A_437 : i32 to index
        %swap3A_450 = arith.constant 16 : index
        %swap3A_451 = tpu.vector_load %arg21[%swap3A_449, %swap3A_450] {strides = array<i32>} : memref<128x128xf32, #tpu.memory_space<vmem>>, vector<16xf32>,
        tpu.vector_store %arg21[%swap3A_449, %swap3A_450], %mul3A_448 {strides = array<i32>} : memref<128x128xf32, #tpu.memory_space<vmem>>, vector<16xf32>,
        %get3A_452 = arith.index_cast %add3A_437 : i32 to index
        %get3A_453 = arith.constant 32 : index
        %get3A_454 = tpu.vector_load %arg21[%get3A_452, %get3A_453] {strides = array<i32>} : memref<128x128xf32, #tpu.memory_space<vmem>>, vector<16xf32>,
        %mul3A_455 = arith.mulf %get3A_454, %gather3A_433 : vector<16xf32>
        %swap3A_456 = arith.index_cast %add3A_437 : i32 to index
        %swap3A_457 = arith.constant 32 : index
        %swap3A_458 = tpu.vector_load %arg21[%swap3A_456, %swap3A_457] {strides = array<i32>} : memref<128x128xf32, #tpu.memory_space<vmem>>, vector<16xf32>,
        tpu.vector_store %arg21[%swap3A_456, %swap3A_457], %mul3A_455 {strides = array<i32>} : memref<128x128xf32, #tpu.memory_space<vmem>>, vector<16xf32>,
        %get3A_459 = arith.index_cast %add3A_437 : i32 to index
        %get3A_460 = arith.constant 48 : index
        %get3A_461 = tpu.vector_load %arg21[%get3A_459, %get3A_460] {strides = array<i32>} : memref<128x128xf32, #tpu.memory_space<vmem>>, vector<16xf32>,
        %mul3A_462 = arith.mulf %get3A_461, %gather3A_433 : vector<16xf32>
        %swap3A_463 = arith.index_cast %add3A_437 : i32 to index
        %swap3A_464 = arith.constant 48 : index
        %swap3A_465 = tpu.vector_load %arg21[%swap3A_463, %swap3A_464] {strides = array<i32>} : memref<128x128xf32, #tpu.memory_space<vmem>>, vector<16xf32>,
        tpu.vector_store %arg21[%swap3A_463, %swap3A_464], %mul3A_462 {strides = array<i32>} : memref<128x128xf32, #tpu.memory_space<vmem>>, vector<16xf32>,
        %get3A_466 = arith.index_cast %add3A_437 : i32 to index
        %get3A_467 = arith.constant 64 : index
        %get3A_468 = tpu.vector_load %arg21[%get3A_466, %get3A_467] {strides = array<i32>} : memref<128x128xf32, #tpu.memory_space<vmem>>, vector<16xf32>,
        %mul3A_469 = arith.mulf %get3A_468, %gather3A_433 : vector<16xf32>
        %swap3A_470 = arith.index_cast %add3A_437 : i32 to index
        %swap3A_471 = arith.constant 64 : index
        %swap3A_472 = tpu.vector_load %arg21[%swap3A_470, %swap3A_471] {strides = array<i32>} : memref<128x128xf32, #tpu.memory_space<vmem>>, vector<16xf32>,
        tpu.vector_store %arg21[%swap3A_470, %swap3A_471], %mul3A_469 {strides = array<i32>} : memref<128x128xf32, #tpu.memory_space<vmem>>, vector<16xf32>,
        %get3A_473 = arith.index_cast %add3A_437 : i32 to index
        %get3A_474 = arith.constant 80 : index
        %get3A_475 = tpu.vector_load %arg21[%get3A_473, %get3A_474] {strides = array<i32>} : memref<128x128xf32, #tpu.memory_space<vmem>>, vector<16xf32>,
        %mul3A_476 = arith.mulf %get3A_475, %gather3A_433 : vector<16xf32>
        %swap3A_477 = arith.index_cast %add3A_437 : i32 to index
        %swap3A_478 = arith.constant 80 : index
        %swap3A_479 = tpu.vector_load %arg21[%swap3A_477, %swap3A_478] {strides = array<i32>} : memref<128x128xf32, #tpu.memory_space<vmem>>, vector<16xf32>,
        tpu.vector_store %arg21[%swap3A_477, %swap3A_478], %mul3A_476 {strides = array<i32>} : memref<128x128xf32, #tpu.memory_space<vmem>>, vector<16xf32>,
        %get3A_480 = arith.index_cast %add3A_437 : i32 to index
        %get3A_481 = arith.constant 96 : index
        %get3A_482 = tpu.vector_load %arg21[%get3A_480, %get3A_481] {strides = array<i32>} : memref<128x128xf32, #tpu.memory_space<vmem>>, vector<16xf32>,
        %mul3A_483 = arith.mulf %get3A_482, %gather3A_433 : vector<16xf32>
        %swap3A_484 = arith.index_cast %add3A_437 : i32 to index
        %swap3A_485 = arith.constant 96 : index
        %swap3A_486 = tpu.vector_load %arg21[%swap3A_484, %swap3A_485] {strides = array<i32>} : memref<128x128xf32, #tpu.memory_space<vmem>>, vector<16xf32>,
        tpu.vector_store %arg21[%swap3A_484, %swap3A_485], %mul3A_483 {strides = array<i32>} : memref<128x128xf32, #tpu.memory_space<vmem>>, vector<16xf32>,
        %get3A_487 = arith.index_cast %add3A_437 : i32 to index
        %get3A_488 = arith.constant 112 : index
        %get3A_489 = tpu.vector_load %arg21[%get3A_487, %get3A_488] {strides = array<i32>} : memref<128x128xf32, #tpu.memory_space<vmem>>, vector<16xf32>,
        %mul3A_490 = arith.mulf %get3A_489, %gather3A_433 : vector<16xf32>
        %swap3A_491 = arith.index_cast %add3A_437 : i32 to index
        %swap3A_492 = arith.constant 112 : index
        %swap3A_493 = tpu.vector_load %arg21[%swap3A_491, %swap3A_492] {strides = array<i32>} : memref<128x128xf32, #tpu.memory_space<vmem>>, vector<16xf32>,
        tpu.vector_store %arg21[%swap3A_491, %swap3A_492], %mul3A_490 {strides = array<i32>} : memref<128x128xf32, #tpu.memory_space<vmem>>, vector<16xf32>,
        %broadcast_in_dim3A_494 = arith.constant 2 : i32
        %broadcast_in_dim3A_495 = vector.broadcast %broadcast_in_dim3A_494 : i32 to vector<16x1xi32>
        %gather3A_496 = vector.shape_cast %broadcast_in_dim3A_495 : vector<16x1xi32> to vector<16xi32>
        %gather3A_497 = tpu.dynamic_gather %get3A_367[%gather3A_496] in [0] : vector<16xf32>, vector<16xi32> -> vector<16xf32>
        %mul3A_498 = arith.constant 16 : i32
        %mul3A_499 = arith.muli %scan3A_363, %mul3A_498 : i32
        %add3A_500 = arith.constant 2 : i32
        %add3A_501 = arith.addi %mul3A_499, %add3A_500 : i32
        %get3A_502 = arith.index_cast %add3A_501 : i32 to index
        %get3A_503 = arith.constant 0 : index
        %get3A_504 = tpu.vector_load %arg21[%get3A_502, %get3A_503] {strides = array<i32>} : memref<128x128xf32, #tpu.memory_space<vmem>>, vector<16xf32>,
        %mul3A_505 = arith.mulf %get3A_504, %gather3A_497 : vector<16xf32>
        %swap3A_506 = arith.index_cast %add3A_501 : i32 to index
        %swap3A_507 = arith.constant 0 : index
        %swap3A_508 = tpu.vector_load %arg21[%swap3A_506, %swap3A_507] {strides = array<i32>} : memref<128x128xf32, #tpu.memory_space<vmem>>, vector<16xf32>,
        tpu.vector_store %arg21[%swap3A_506, %swap3A_507], %mul3A_505 {strides = array<i32>} : memref<128x128xf32, #tpu.memory_space<vmem>>, vector<16xf32>,
        %get3A_509 = arith.index_cast %add3A_501 : i32 to index
        %get3A_510 = arith.constant 16 : index
        %get3A_511 = tpu.vector_load %arg21[%get3A_509, %get3A_510] {strides = array<i32>} : memref<128x128xf32, #tpu.memory_space<vmem>>, vector<16xf32>,
        %mul3A_512 = arith.mulf %get3A_511, %gather3A_497 : vector<16xf32>
        %swap3A_513 = arith.index_cast %add3A_501 : i32 to index
        %swap3A_514 = arith.constant 16 : index
        %swap3A_515 = tpu.vector_load %arg21[%swap3A_513, %swap3A_514] {strides = array<i32>} : memref<128x128xf32, #tpu.memory_space<vmem>>, vector<16xf32>,
        tpu.vector_store %arg21[%swap3A_513, %swap3A_514], %mul3A_512 {strides = array<i32>} : memref<128x128xf32, #tpu.memory_space<vmem>>, vector<16xf32>,
        %get3A_516 = arith.index_cast %add3A_501 : i32 to index
        %get3A_517 = arith.constant 32 : index
        %get3A_518 = tpu.vector_load %arg21[%get3A_516, %get3A_517] {strides = array<i32>} : memref<128x128xf32, #tpu.memory_space<vmem>>, vector<16xf32>,
        %mul3A_519 = arith.mulf %get3A_518, %gather3A_497 : vector<16xf32>
        %swap3A_520 = arith.index_cast %add3A_501 : i32 to index
        %swap3A_521 = arith.constant 32 : index
        %swap3A_522 = tpu.vector_load %arg21[%swap3A_520, %swap3A_521] {strides = array<i32>} : memref<128x128xf32, #tpu.memory_space<vmem>>, vector<16xf32>,
        tpu.vector_store %arg21[%swap3A_520, %swap3A_521], %mul3A_519 {strides = array<i32>} : memref<128x128xf32, #tpu.memory_space<vmem>>, vector<16xf32>,
        %get3A_523 = arith.index_cast %add3A_501 : i32 to index
        %get3A_524 = arith.constant 48 : index
        %get3A_525 = tpu.vector_load %arg21[%get3A_523, %get3A_524] {strides = array<i32>} : memref<128x128xf32, #tpu.memory_space<vmem>>, vector<16xf32>,
        %mul3A_526 = arith.mulf %get3A_525, %gather3A_497 : vector<16xf32>
        %swap3A_527 = arith.index_cast %add3A_501 : i32 to index
        %swap3A_528 = arith.constant 48 : index
        %swap3A_529 = tpu.vector_load %arg21[%swap3A_527, %swap3A_528] {strides = array<i32>} : memref<128x128xf32, #tpu.memory_space<vmem>>, vector<16xf32>,
        tpu.vector_store %arg21[%swap3A_527, %swap3A_528], %mul3A_526 {strides = array<i32>} : memref<128x128xf32, #tpu.memory_space<vmem>>, vector<16xf32>,
        %get3A_530 = arith.index_cast %add3A_501 : i32 to index
        %get3A_531 = arith.constant 64 : index
        %get3A_532 = tpu.vector_load %arg21[%get3A_530, %get3A_531] {strides = array<i32>} : memref<128x128xf32, #tpu.memory_space<vmem>>, vector<16xf32>,
        %mul3A_533 = arith.mulf %get3A_532, %gather3A_497 : vector<16xf32>
        %swap3A_534 = arith.index_cast %add3A_501 : i32 to index
        %swap3A_535 = arith.constant 64 : index
        %swap3A_536 = tpu.vector_load %arg21[%swap3A_534, %swap3A_535] {strides = array<i32>} : memref<128x128xf32, #tpu.memory_space<vmem>>, vector<16xf32>,
        tpu.vector_store %arg21[%swap3A_534, %swap3A_535], %mul3A_533 {strides = array<i32>} : memref<128x128xf32, #tpu.memory_space<vmem>>, vector<16xf32>,
        %get3A_537 = arith.index_cast %add3A_501 : i32 to index
        %get3A_538 = arith.constant 80 : index
        %get3A_539 = tpu.vector_load %arg21[%get3A_537, %get3A_538] {strides = array<i32>} : memref<128x128xf32, #tpu.memory_space<vmem>>, vector<16xf32>,
        %mul3A_540 = arith.mulf %get3A_539, %gather3A_497 : vector<16xf32>
        %swap3A_541 = arith.index_cast %add3A_501 : i32 to index
        %swap3A_542 = arith.constant 80 : index
        %swap3A_543 = tpu.vector_load %arg21[%swap3A_541, %swap3A_542] {strides = array<i32>} : memref<128x128xf32, #tpu.memory_space<vmem>>, vector<16xf32>,
        tpu.vector_store %arg21[%swap3A_541, %swap3A_542], %mul3A_540 {strides = array<i32>} : memref<128x128xf32, #tpu.memory_space<vmem>>, vector<16xf32>,
        %get3A_544 = arith.index_cast %add3A_501 : i32 to index
        %get3A_545 = arith.constant 96 : index
        %get3A_546 = tpu.vector_load %arg21[%get3A_544, %get3A_545] {strides = array<i32>} : memref<128x128xf32, #tpu.memory_space<vmem>>, vector<16xf32>,
        %mul3A_547 = arith.mulf %get3A_546, %gather3A_497 : vector<16xf32>
        %swap3A_548 = arith.index_cast %add3A_501 : i32 to index
        %swap3A_549 = arith.constant 96 : index
        %swap3A_550 = tpu.vector_load %arg21[%swap3A_548, %swap3A_549] {strides = array<i32>} : memref<128x128xf32, #tpu.memory_space<vmem>>, vector<16xf32>,
        tpu.vector_store %arg21[%swap3A_548, %swap3A_549], %mul3A_547 {strides = array<i32>} : memref<128x128xf32, #tpu.memory_space<vmem>>, vector<16xf32>,
        %get3A_551 = arith.index_cast %add3A_501 : i32 to index
        %get3A_552 = arith.constant 112 : index
        %get3A_553 = tpu.vector_load %arg21[%get3A_551, %get3A_552] {strides = array<i32>} : memref<128x128xf32, #tpu.memory_space<vmem>>, vector<16xf32>,
        %mul3A_554 = arith.mulf %get3A_553, %gather3A_497 : vector<16xf32>
        %swap3A_555 = arith.index_cast %add3A_501 : i32 to index
        %swap3A_556 = arith.constant 112 : index
        %swap3A_557 = tpu.vector_load %arg21[%swap3A_555, %swap3A_556] {strides = array<i32>} : memref<128x128xf32, #tpu.memory_space<vmem>>, vector<16xf32>,
        tpu.vector_store %arg21[%swap3A_555, %swap3A_556], %mul3A_554 {strides = array<i32>} : memref<128x128xf32, #tpu.memory_space<vmem>>, vector<16xf32>,
        %broadcast_in_dim3A_558 = arith.constant 3 : i32
        %broadcast_in_dim3A_559 = vector.broadcast %broadcast_in_dim3A_558 : i32 to vector<16x1xi32>
        %gather3A_560 = vector.shape_cast %broadcast_in_dim3A_559 : vector<16x1xi32> to vector<16xi32>
        %gather3A_561 = tpu.dynamic_gather %get3A_367[%gather3A_560] in [0] : vector<16xf32>, vector<16xi32> -> vector<16xf32>
        %mul3A_562 = arith.constant 16 : i32
        %mul3A_563 = arith.muli %scan3A_363, %mul3A_562 : i32
        %add3A_564 = arith.constant 3 : i32
        %add3A_565 = arith.addi %mul3A_563, %add3A_564 : i32
        %get3A_566 = arith.index_cast %add3A_565 : i32 to index
        %get3A_567 = arith.constant 0 : index
        %get3A_568 = tpu.vector_load %arg21[%get3A_566, %get3A_567] {strides = array<i32>} : memref<128x128xf32, #tpu.memory_space<vmem>>, vector<16xf32>,
        %mul3A_569 = arith.mulf %get3A_568, %gather3A_561 : vector<16xf32>
        %swap3A_570 = arith.index_cast %add3A_565 : i32 to index
        %swap3A_571 = arith.constant 0 : index
        %swap3A_572 = tpu.vector_load %arg21[%swap3A_570, %swap3A_571] {strides = array<i32>} : memref<128x128xf32, #tpu.memory_space<vmem>>, vector<16xf32>,
        tpu.vector_store %arg21[%swap3A_570, %swap3A_571], %mul3A_569 {strides = array<i32>} : memref<128x128xf32, #tpu.memory_space<vmem>>, vector<16xf32>,
        %get3A_573 = arith.index_cast %add3A_565 : i32 to index
        %get3A_574 = arith.constant 16 : index
        %get3A_575 = tpu.vector_load %arg21[%get3A_573, %get3A_574] {strides = array<i32>} : memref<128x128xf32, #tpu.memory_space<vmem>>, vector<16xf32>,
        %mul3A_576 = arith.mulf %get3A_575, %gather3A_561 : vector<16xf32>
        %swap3A_577 = arith.index_cast %add3A_565 : i32 to index
        %swap3A_578 = arith.constant 16 : index
        %swap3A_579 = tpu.vector_load %arg21[%swap3A_577, %swap3A_578] {strides = array<i32>} : memref<128x128xf32, #tpu.memory_space<vmem>>, vector<16xf32>,
        tpu.vector_store %arg21[%swap3A_577, %swap3A_578], %mul3A_576 {strides = array<i32>} : memref<128x128xf32, #tpu.memory_space<vmem>>, vector<16xf32>,
        %get3A_580 = arith.index_cast %add3A_565 : i32 to index
        %get3A_581 = arith.constant 32 : index
        %get3A_582 = tpu.vector_load %arg21[%get3A_580, %get3A_581] {strides = array<i32>} : memref<128x128xf32, #tpu.memory_space<vmem>>, vector<16xf32>,
        %mul3A_583 = arith.mulf %get3A_582, %gather3A_561 : vector<16xf32>
        %swap3A_584 = arith.index_cast %add3A_565 : i32 to index
        %swap3A_585 = arith.constant 32 : index
        %swap3A_586 = tpu.vector_load %arg21[%swap3A_584, %swap3A_585] {strides = array<i32>} : memref<128x128xf32, #tpu.memory_space<vmem>>, vector<16xf32>,
        tpu.vector_store %arg21[%swap3A_584, %swap3A_585], %mul3A_583 {strides = array<i32>} : memref<128x128xf32, #tpu.memory_space<vmem>>, vector<16xf32>,
        %get3A_587 = arith.index_cast %add3A_565 : i32 to index
        %get3A_588 = arith.constant 48 : index
        %get3A_589 = tpu.vector_load %arg21[%get3A_587, %get3A_588] {strides = array<i32>} : memref<128x128xf32, #tpu.memory_space<vmem>>, vector<16xf32>,
        %mul3A_590 = arith.mulf %get3A_589, %gather3A_561 : vector<16xf32>
        %swap3A_591 = arith.index_cast %add3A_565 : i32 to index
        %swap3A_592 = arith.constant 48 : index
        %swap3A_593 = tpu.vector_load %arg21[%swap3A_591, %swap3A_592] {strides = array<i32>} : memref<128x128xf32, #tpu.memory_space<vmem>>, vector<16xf32>,
        tpu.vector_store %arg21[%swap3A_591, %swap3A_592], %mul3A_590 {strides = array<i32>} : memref<128x128xf32, #tpu.memory_space<vmem>>, vector<16xf32>,
        %get3A_594 = arith.index_cast %add3A_565 : i32 to index
        %get3A_595 = arith.constant 64 : index
        %get3A_596 = tpu.vector_load %arg21[%get3A_594, %get3A_595] {strides = array<i32>} : memref<128x128xf32, #tpu.memory_space<vmem>>, vector<16xf32>,
        %mul3A_597 = arith.mulf %get3A_596, %gather3A_561 : vector<16xf32>
        %swap3A_598 = arith.index_cast %add3A_565 : i32 to index
        %swap3A_599 = arith.constant 64 : index
        %swap3A_600 = tpu.vector_load %arg21[%swap3A_598, %swap3A_599] {strides = array<i32>} : memref<128x128xf32, #tpu.memory_space<vmem>>, vector<16xf32>,
        tpu.vector_store %arg21[%swap3A_598, %swap3A_599], %mul3A_597 {strides = array<i32>} : memref<128x128xf32, #tpu.memory_space<vmem>>, vector<16xf32>,
        %get3A_601 = arith.index_cast %add3A_565 : i32 to index
        %get3A_602 = arith.constant 80 : index
        %get3A_603 = tpu.vector_load %arg21[%get3A_601, %get3A_602] {strides = array<i32>} : memref<128x128xf32, #tpu.memory_space<vmem>>, vector<16xf32>,
        %mul3A_604 = arith.mulf %get3A_603, %gather3A_561 : vector<16xf32>
        %swap3A_605 = arith.index_cast %add3A_565 : i32 to index
        %swap3A_606 = arith.constant 80 : index
        %swap3A_607 = tpu.vector_load %arg21[%swap3A_605, %swap3A_606] {strides = array<i32>} : memref<128x128xf32, #tpu.memory_space<vmem>>, vector<16xf32>,
        tpu.vector_store %arg21[%swap3A_605, %swap3A_606], %mul3A_604 {strides = array<i32>} : memref<128x128xf32, #tpu.memory_space<vmem>>, vector<16xf32>,
        %get3A_608 = arith.index_cast %add3A_565 : i32 to index
        %get3A_609 = arith.constant 96 : index
        %get3A_610 = tpu.vector_load %arg21[%get3A_608, %get3A_609] {strides = array<i32>} : memref<128x128xf32, #tpu.memory_space<vmem>>, vector<16xf32>,
        %mul3A_611 = arith.mulf %get3A_610, %gather3A_561 : vector<16xf32>
        %swap3A_612 = arith.index_cast %add3A_565 : i32 to index
        %swap3A_613 = arith.constant 96 : index
        %swap3A_614 = tpu.vector_load %arg21[%swap3A_612, %swap3A_613] {strides = array<i32>} : memref<128x128xf32, #tpu.memory_space<vmem>>, vector<16xf32>,
        tpu.vector_store %arg21[%swap3A_612, %swap3A_613], %mul3A_611 {strides = array<i32>} : memref<128x128xf32, #tpu.memory_space<vmem>>, vector<16xf32>,
        %get3A_615 = arith.index_cast %add3A_565 : i32 to index
        %get3A_616 = arith.constant 112 : index
        %get3A_617 = tpu.vector_load %arg21[%get3A_615, %get3A_616] {strides = array<i32>} : memref<128x128xf32, #tpu.memory_space<vmem>>, vector<16xf32>,
        %mul3A_618 = arith.mulf %get3A_617, %gather3A_561 : vector<16xf32>
        %swap3A_619 = arith.index_cast %add3A_565 : i32 to index
        %swap3A_620 = arith.constant 112 : index
        %swap3A_621 = tpu.vector_load %arg21[%swap3A_619, %swap3A_620] {strides = array<i32>} : memref<128x128xf32, #tpu.memory_space<vmem>>, vector<16xf32>,
        tpu.vector_store %arg21[%swap3A_619, %swap3A_620], %mul3A_618 {strides = array<i32>} : memref<128x128xf32, #tpu.memory_space<vmem>>, vector<16xf32>,
        %broadcast_in_dim3A_622 = arith.constant 4 : i32
        %broadcast_in_dim3A_623 = vector.broadcast %broadcast_in_dim3A_622 : i32 to vector<16x1xi32>
        %gather3A_624 = vector.shape_cast %broadcast_in_dim3A_623 : vector<16x1xi32> to vector<16xi32>
        %gather3A_625 = tpu.dynamic_gather %get3A_367[%gather3A_624] in [0] : vector<16xf32>, vector<16xi32> -> vector<16xf32>
        %mul3A_626 = arith.constant 16 : i32
        %mul3A_627 = arith.muli %scan3A_363, %mul3A_626 : i32
        %add3A_628 = arith.constant 4 : i32
        %add3A_629 = arith.addi %mul3A_627, %add3A_628 : i32
        %get3A_630 = arith.index_cast %add3A_629 : i32 to index
        %get3A_631 = arith.constant 0 : index
        %get3A_632 = tpu.vector_load %arg21[%get3A_630, %get3A_631] {strides = array<i32>} : memref<128x128xf32, #tpu.memory_space<vmem>>, vector<16xf32>,
        %mul3A_633 = arith.mulf %get3A_632, %gather3A_625 : vector<16xf32>
        %swap3A_634 = arith.index_cast %add3A_629 : i32 to index
        %swap3A_635 = arith.constant 0 : index
        %swap3A_636 = tpu.vector_load %arg21[%swap3A_634, %swap3A_635] {strides = array<i32>} : memref<128x128xf32, #tpu.memory_space<vmem>>, vector<16xf32>,
        tpu.vector_store %arg21[%swap3A_634, %swap3A_635], %mul3A_633 {strides = array<i32>} : memref<128x128xf32, #tpu.memory_space<vmem>>, vector<16xf32>,
        %get3A_637 = arith.index_cast %add3A_629 : i32 to index
        %get3A_638 = arith.constant 16 : index
        %get3A_639 = tpu.vector_load %arg21[%get3A_637, %get3A_638] {strides = array<i32>} : memref<128x128xf32, #tpu.memory_space<vmem>>, vector<16xf32>,
        %mul3A_640 = arith.mulf %get3A_639, %gather3A_625 : vector<16xf32>
        %swap3A_641 = arith.index_cast %add3A_629 : i32 to index
        %swap3A_642 = arith.constant 16 : index
        %swap3A_643 = tpu.vector_load %arg21[%swap3A_641, %swap3A_642] {strides = array<i32>} : memref<128x128xf32, #tpu.memory_space<vmem>>, vector<16xf32>,
        tpu.vector_store %arg21[%swap3A_641, %swap3A_642], %mul3A_640 {strides = array<i32>} : memref<128x128xf32, #tpu.memory_space<vmem>>, vector<16xf32>,
        %get3A_644 = arith.index_cast %add3A_629 : i32 to index
        %get3A_645 = arith.constant 32 : index
        %get3A_646 = tpu.vector_load %arg21[%get3A_644, %get3A_645] {strides = array<i32>} : memref<128x128xf32, #tpu.memory_space<vmem>>, vector<16xf32>,
        %mul3A_647 = arith.mulf %get3A_646, %gather3A_625 : vector<16xf32>
        %swap3A_648 = arith.index_cast %add3A_629 : i32 to index
        %swap3A_649 = arith.constant 32 : index
        %swap3A_650 = tpu.vector_load %arg21[%swap3A_648, %swap3A_649] {strides = array<i32>} : memref<128x128xf32, #tpu.memory_space<vmem>>, vector<16xf32>,
        tpu.vector_store %arg21[%swap3A_648, %swap3A_649], %mul3A_647 {strides = array<i32>} : memref<128x128xf32, #tpu.memory_space<vmem>>, vector<16xf32>,
        %get3A_651 = arith.index_cast %add3A_629 : i32 to index
        %get3A_652 = arith.constant 48 : index
        %get3A_653 = tpu.vector_load %arg21[%get3A_651, %get3A_652] {strides = array<i32>} : memref<128x128xf32, #tpu.memory_space<vmem>>, vector<16xf32>,
        %mul3A_654 = arith.mulf %get3A_653, %gather3A_625 : vector<16xf32>
        %swap3A_655 = arith.index_cast %add3A_629 : i32 to index
        %swap3A_656 = arith.constant 48 : index
        %swap3A_657 = tpu.vector_load %arg21[%swap3A_655, %swap3A_656] {strides = array<i32>} : memref<128x128xf32, #tpu.memory_space<vmem>>, vector<16xf32>,
        tpu.vector_store %arg21[%swap3A_655, %swap3A_656], %mul3A_654 {strides = array<i32>} : memref<128x128xf32, #tpu.memory_space<vmem>>, vector<16xf32>,
        %get3A_658 = arith.index_cast %add3A_629 : i32 to index
        %get3A_659 = arith.constant 64 : index
        %get3A_660 = tpu.vector_load %arg21[%get3A_658, %get3A_659] {strides = array<i32>} : memref<128x128xf32, #tpu.memory_space<vmem>>, vector<16xf32>,
        %mul3A_661 = arith.mulf %get3A_660, %gather3A_625 : vector<16xf32>
        %swap3A_662 = arith.index_cast %add3A_629 : i32 to index
        %swap3A_663 = arith.constant 64 : index
        %swap3A_664 = tpu.vector_load %arg21[%swap3A_662, %swap3A_663] {strides = array<i32>} : memref<128x128xf32, #tpu.memory_space<vmem>>, vector<16xf32>,
        tpu.vector_store %arg21[%swap3A_662, %swap3A_663], %mul3A_661 {strides = array<i32>} : memref<128x128xf32, #tpu.memory_space<vmem>>, vector<16xf32>,
        %get3A_665 = arith.index_cast %add3A_629 : i32 to index
        %get3A_666 = arith.constant 80 : index
        %get3A_667 = tpu.vector_load %arg21[%get3A_665, %get3A_666] {strides = array<i32>} : memref<128x128xf32, #tpu.memory_space<vmem>>, vector<16xf32>,
        %mul3A_668 = arith.mulf %get3A_667, %gather3A_625 : vector<16xf32>
        %swap3A_669 = arith.index_cast %add3A_629 : i32 to index
        %swap3A_670 = arith.constant 80 : index
        %swap3A_671 = tpu.vector_load %arg21[%swap3A_669, %swap3A_670] {strides = array<i32>} : memref<128x128xf32, #tpu.memory_space<vmem>>, vector<16xf32>,
        tpu.vector_store %arg21[%swap3A_669, %swap3A_670], %mul3A_668 {strides = array<i32>} : memref<128x128xf32, #tpu.memory_space<vmem>>, vector<16xf32>,
        %get3A_672 = arith.index_cast %add3A_629 : i32 to index
        %get3A_673 = arith.constant 96 : index
        %get3A_674 = tpu.vector_load %arg21[%get3A_672, %get3A_673] {strides = array<i32>} : memref<128x128xf32, #tpu.memory_space<vmem>>, vector<16xf32>,
        %mul3A_675 = arith.mulf %get3A_674, %gather3A_625 : vector<16xf32>
        %swap3A_676 = arith.index_cast %add3A_629 : i32 to index
        %swap3A_677 = arith.constant 96 : index
        %swap3A_678 = tpu.vector_load %arg21[%swap3A_676, %swap3A_677] {strides = array<i32>} : memref<128x128xf32, #tpu.memory_space<vmem>>, vector<16xf32>,
        tpu.vector_store %arg21[%swap3A_676, %swap3A_677], %mul3A_675 {strides = array<i32>} : memref<128x128xf32, #tpu.memory_space<vmem>>, vector<16xf32>,
        %get3A_679 = arith.index_cast %add3A_629 : i32 to index
        %get3A_680 = arith.constant 112 : index
        %get3A_681 = tpu.vector_load %arg21[%get3A_679, %get3A_680] {strides = array<i32>} : memref<128x128xf32, #tpu.memory_space<vmem>>, vector<16xf32>,
        %mul3A_682 = arith.mulf %get3A_681, %gather3A_625 : vector<16xf32>
        %swap3A_683 = arith.index_cast %add3A_629 : i32 to index
        %swap3A_684 = arith.constant 112 : index
        %swap3A_685 = tpu.vector_load %arg21[%swap3A_683, %swap3A_684] {strides = array<i32>} : memref<128x128xf32, #tpu.memory_space<vmem>>, vector<16xf32>,
        tpu.vector_store %arg21[%swap3A_683, %swap3A_684], %mul3A_682 {strides = array<i32>} : memref<128x128xf32, #tpu.memory_space<vmem>>, vector<16xf32>,
        %broadcast_in_dim3A_686 = arith.constant 5 : i32
        %broadcast_in_dim3A_687 = vector.broadcast %broadcast_in_dim3A_686 : i32 to vector<16x1xi32>
        %gather3A_688 = vector.shape_cast %broadcast_in_dim3A_687 : vector<16x1xi32> to vector<16xi32>
        %gather3A_689 = tpu.dynamic_gather %get3A_367[%gather3A_688] in [0] : vector<16xf32>, vector<16xi32> -> vector<16xf32>
        %mul3A_690 = arith.constant 16 : i32
        %mul3A_691 = arith.muli %scan3A_363, %mul3A_690 : i32
        %add3A_692 = arith.constant 5 : i32
        %add3A_693 = arith.addi %mul3A_691, %add3A_692 : i32
        %get3A_694 = arith.index_cast %add3A_693 : i32 to index
        %get3A_695 = arith.constant 0 : index
        %get3A_696 = tpu.vector_load %arg21[%get3A_694, %get3A_695] {strides = array<i32>} : memref<128x128xf32, #tpu.memory_space<vmem>>, vector<16xf32>,
        %mul3A_697 = arith.mulf %get3A_696, %gather3A_689 : vector<16xf32>
        %swap3A_698 = arith.index_cast %add3A_693 : i32 to index
        %swap3A_699 = arith.constant 0 : index
        %swap3A_700 = tpu.vector_load %arg21[%swap3A_698, %swap3A_699] {strides = array<i32>} : memref<128x128xf32, #tpu.memory_space<vmem>>, vector<16xf32>,
        tpu.vector_store %arg21[%swap3A_698, %swap3A_699], %mul3A_697 {strides = array<i32>} : memref<128x128xf32, #tpu.memory_space<vmem>>, vector<16xf32>,
        %get3A_701 = arith.index_cast %add3A_693 : i32 to index
        %get3A_702 = arith.constant 16 : index
        %get3A_703 = tpu.vector_load %arg21[%get3A_701, %get3A_702] {strides = array<i32>} : memref<128x128xf32, #tpu.memory_space<vmem>>, vector<16xf32>,
        %mul3A_704 = arith.mulf %get3A_703, %gather3A_689 : vector<16xf32>
        %swap3A_705 = arith.index_cast %add3A_693 : i32 to index
        %swap3A_706 = arith.constant 16 : index
        %swap3A_707 = tpu.vector_load %arg21[%swap3A_705, %swap3A_706] {strides = array<i32>} : memref<128x128xf32, #tpu.memory_space<vmem>>, vector<16xf32>,
        tpu.vector_store %arg21[%swap3A_705, %swap3A_706], %mul3A_704 {strides = array<i32>} : memref<128x128xf32, #tpu.memory_space<vmem>>, vector<16xf32>,
        %get3A_708 = arith.index_cast %add3A_693 : i32 to index
        %get3A_709 = arith.constant 32 : index
        %get3A_710 = tpu.vector_load %arg21[%get3A_708, %get3A_709] {strides = array<i32>} : memref<128x128xf32, #tpu.memory_space<vmem>>, vector<16xf32>,
        %mul3A_711 = arith.mulf %get3A_710, %gather3A_689 : vector<16xf32>
        %swap3A_712 = arith.index_cast %add3A_693 : i32 to index
        %swap3A_713 = arith.constant 32 : index
        %swap3A_714 = tpu.vector_load %arg21[%swap3A_712, %swap3A_713] {strides = array<i32>} : memref<128x128xf32, #tpu.memory_space<vmem>>, vector<16xf32>,
        tpu.vector_store %arg21[%swap3A_712, %swap3A_713], %mul3A_711 {strides = array<i32>} : memref<128x128xf32, #tpu.memory_space<vmem>>, vector<16xf32>,
        %get3A_715 = arith.index_cast %add3A_693 : i32 to index
        %get3A_716 = arith.constant 48 : index
        %get3A_717 = tpu.vector_load %arg21[%get3A_715, %get3A_716] {strides = array<i32>} : memref<128x128xf32, #tpu.memory_space<vmem>>, vector<16xf32>,
        %mul3A_718 = arith.mulf %get3A_717, %gather3A_689 : vector<16xf32>
        %swap3A_719 = arith.index_cast %add3A_693 : i32 to index
        %swap3A_720 = arith.constant 48 : index
        %swap3A_721 = tpu.vector_load %arg21[%swap3A_719, %swap3A_720] {strides = array<i32>} : memref<128x128xf32, #tpu.memory_space<vmem>>, vector<16xf32>,
        tpu.vector_store %arg21[%swap3A_719, %swap3A_720], %mul3A_718 {strides = array<i32>} : memref<128x128xf32, #tpu.memory_space<vmem>>, vector<16xf32>,
        %get3A_722 = arith.index_cast %add3A_693 : i32 to index
        %get3A_723 = arith.constant 64 : index
        %get3A_724 = tpu.vector_load %arg21[%get3A_722, %get3A_723] {strides = array<i32>} : memref<128x128xf32, #tpu.memory_space<vmem>>, vector<16xf32>,
        %mul3A_725 = arith.mulf %get3A_724, %gather3A_689 : vector<16xf32>
        %swap3A_726 = arith.index_cast %add3A_693 : i32 to index
        %swap3A_727 = arith.constant 64 : index
        %swap3A_728 = tpu.vector_load %arg21[%swap3A_726, %swap3A_727] {strides = array<i32>} : memref<128x128xf32, #tpu.memory_space<vmem>>, vector<16xf32>,
        tpu.vector_store %arg21[%swap3A_726, %swap3A_727], %mul3A_725 {strides = array<i32>} : memref<128x128xf32, #tpu.memory_space<vmem>>, vector<16xf32>,
        %get3A_729 = arith.index_cast %add3A_693 : i32 to index
        %get3A_730 = arith.constant 80 : index
        %get3A_731 = tpu.vector_load %arg21[%get3A_729, %get3A_730] {strides = array<i32>} : memref<128x128xf32, #tpu.memory_space<vmem>>, vector<16xf32>,
        %mul3A_732 = arith.mulf %get3A_731, %gather3A_689 : vector<16xf32>
        %swap3A_733 = arith.index_cast %add3A_693 : i32 to index
        %swap3A_734 = arith.constant 80 : index
        %swap3A_735 = tpu.vector_load %arg21[%swap3A_733, %swap3A_734] {strides = array<i32>} : memref<128x128xf32, #tpu.memory_space<vmem>>, vector<16xf32>,
        tpu.vector_store %arg21[%swap3A_733, %swap3A_734], %mul3A_732 {strides = array<i32>} : memref<128x128xf32, #tpu.memory_space<vmem>>, vector<16xf32>,
        %get3A_736 = arith.index_cast %add3A_693 : i32 to index
        %get3A_737 = arith.constant 96 : index
        %get3A_738 = tpu.vector_load %arg21[%get3A_736, %get3A_737] {strides = array<i32>} : memref<128x128xf32, #tpu.memory_space<vmem>>, vector<16xf32>,
        %mul3A_739 = arith.mulf %get3A_738, %gather3A_689 : vector<16xf32>
        %swap3A_740 = arith.index_cast %add3A_693 : i32 to index
        %swap3A_741 = arith.constant 96 : index
        %swap3A_742 = tpu.vector_load %arg21[%swap3A_740, %swap3A_741] {strides = array<i32>} : memref<128x128xf32, #tpu.memory_space<vmem>>, vector<16xf32>,
        tpu.vector_store %arg21[%swap3A_740, %swap3A_741], %mul3A_739 {strides = array<i32>} : memref<128x128xf32, #tpu.memory_space<vmem>>, vector<16xf32>,
        %get3A_743 = arith.index_cast %add3A_693 : i32 to index
        %get3A_744 = arith.constant 112 : index
        %get3A_745 = tpu.vector_load %arg21[%get3A_743, %get3A_744] {strides = array<i32>} : memref<128x128xf32, #tpu.memory_space<vmem>>, vector<16xf32>,
        %mul3A_746 = arith.mulf %get3A_745, %gather3A_689 : vector<16xf32>
        %swap3A_747 = arith.index_cast %add3A_693 : i32 to index
        %swap3A_748 = arith.constant 112 : index
        %swap3A_749 = tpu.vector_load %arg21[%swap3A_747, %swap3A_748] {strides = array<i32>} : memref<128x128xf32, #tpu.memory_space<vmem>>, vector<16xf32>,
        tpu.vector_store %arg21[%swap3A_747, %swap3A_748], %mul3A_746 {strides = array<i32>} : memref<128x128xf32, #tpu.memory_space<vmem>>, vector<16xf32>,
        %broadcast_in_dim3A_750 = arith.constant 6 : i32
        %broadcast_in_dim3A_751 = vector.broadcast %broadcast_in_dim3A_750 : i32 to vector<16x1xi32>
        %gather3A_752 = vector.shape_cast %broadcast_in_dim3A_751 : vector<16x1xi32> to vector<16xi32>
        %gather3A_753 = tpu.dynamic_gather %get3A_367[%gather3A_752] in [0] : vector<16xf32>, vector<16xi32> -> vector<16xf32>
        %mul3A_754 = arith.constant 16 : i32
        %mul3A_755 = arith.muli %scan3A_363, %mul3A_754 : i32
        %add3A_756 = arith.constant 6 : i32
        %add3A_757 = arith.addi %mul3A_755, %add3A_756 : i32
        %get3A_758 = arith.index_cast %add3A_757 : i32 to index
        %get3A_759 = arith.constant 0 : index
        %get3A_760 = tpu.vector_load %arg21[%get3A_758, %get3A_759] {strides = array<i32>} : memref<128x128xf32, #tpu.memory_space<vmem>>, vector<16xf32>,
        %mul3A_761 = arith.mulf %get3A_760, %gather3A_753 : vector<16xf32>
        %swap3A_762 = arith.index_cast %add3A_757 : i32 to index
        %swap3A_763 = arith.constant 0 : index
        %swap3A_764 = tpu.vector_load %arg21[%swap3A_762, %swap3A_763] {strides = array<i32>} : memref<128x128xf32, #tpu.memory_space<vmem>>, vector<16xf32>,
        tpu.vector_store %arg21[%swap3A_762, %swap3A_763], %mul3A_761 {strides = array<i32>} : memref<128x128xf32, #tpu.memory_space<vmem>>, vector<16xf32>,
        %get3A_765 = arith.index_cast %add3A_757 : i32 to index
        %get3A_766 = arith.constant 16 : index
        %get3A_767 = tpu.vector_load %arg21[%get3A_765, %get3A_766] {strides = array<i32>} : memref<128x128xf32, #tpu.memory_space<vmem>>, vector<16xf32>,
        %mul3A_768 = arith.mulf %get3A_767, %gather3A_753 : vector<16xf32>
        %swap3A_769 = arith.index_cast %add3A_757 : i32 to index
        %swap3A_770 = arith.constant 16 : index
        %swap3A_771 = tpu.vector_load %arg21[%swap3A_769, %swap3A_770] {strides = array<i32>} : memref<128x128xf32, #tpu.memory_space<vmem>>, vector<16xf32>,
        tpu.vector_store %arg21[%swap3A_769, %swap3A_770], %mul3A_768 {strides = array<i32>} : memref<128x128xf32, #tpu.memory_space<vmem>>, vector<16xf32>,
        %get3A_772 = arith.index_cast %add3A_757 : i32 to index
        %get3A_773 = arith.constant 32 : index
        %get3A_774 = tpu.vector_load %arg21[%get3A_772, %get3A_773] {strides = array<i32>} : memref<128x128xf32, #tpu.memory_space<vmem>>, vector<16xf32>,
        %mul3A_775 = arith.mulf %get3A_774, %gather3A_753 : vector<16xf32>
        %swap3A_776 = arith.index_cast %add3A_757 : i32 to index
        %swap3A_777 = arith.constant 32 : index
        %swap3A_778 = tpu.vector_load %arg21[%swap3A_776, %swap3A_777] {strides = array<i32>} : memref<128x128xf32, #tpu.memory_space<vmem>>, vector<16xf32>,
        tpu.vector_store %arg21[%swap3A_776, %swap3A_777], %mul3A_775 {strides = array<i32>} : memref<128x128xf32, #tpu.memory_space<vmem>>, vector<16xf32>,
        %get3A_779 = arith.index_cast %add3A_757 : i32 to index
        %get3A_780 = arith.constant 48 : index
        %get3A_781 = tpu.vector_load %arg21[%get3A_779, %get3A_780] {strides = array<i32>} : memref<128x128xf32, #tpu.memory_space<vmem>>, vector<16xf32>,
        %mul3A_782 = arith.mulf %get3A_781, %gather3A_753 : vector<16xf32>
        %swap3A_783 = arith.index_cast %add3A_757 : i32 to index
        %swap3A_784 = arith.constant 48 : index
        %swap3A_785 = tpu.vector_load %arg21[%swap3A_783, %swap3A_784] {strides = array<i32>} : memref<128x128xf32, #tpu.memory_space<vmem>>, vector<16xf32>,
        tpu.vector_store %arg21[%swap3A_783, %swap3A_784], %mul3A_782 {strides = array<i32>} : memref<128x128xf32, #tpu.memory_space<vmem>>, vector<16xf32>,
        %get3A_786 = arith.index_cast %add3A_757 : i32 to index
        %get3A_787 = arith.constant 64 : index
        %get3A_788 = tpu.vector_load %arg21[%get3A_786, %get3A_787] {strides = array<i32>} : memref<128x128xf32, #tpu.memory_space<vmem>>, vector<16xf32>,
        %mul3A_789 = arith.mulf %get3A_788, %gather3A_753 : vector<16xf32>
        %swap3A_790 = arith.index_cast %add3A_757 : i32 to index
        %swap3A_791 = arith.constant 64 : index
        %swap3A_792 = tpu.vector_load %arg21[%swap3A_790, %swap3A_791] {strides = array<i32>} : memref<128x128xf32, #tpu.memory_space<vmem>>, vector<16xf32>,
        tpu.vector_store %arg21[%swap3A_790, %swap3A_791], %mul3A_789 {strides = array<i32>} : memref<128x128xf32, #tpu.memory_space<vmem>>, vector<16xf32>,
        %get3A_793 = arith.index_cast %add3A_757 : i32 to index
        %get3A_794 = arith.constant 80 : index
        %get3A_795 = tpu.vector_load %arg21[%get3A_793, %get3A_794] {strides = array<i32>} : memref<128x128xf32, #tpu.memory_space<vmem>>, vector<16xf32>,
        %mul3A_796 = arith.mulf %get3A_795, %gather3A_753 : vector<16xf32>
        %swap3A_797 = arith.index_cast %add3A_757 : i32 to index
        %swap3A_798 = arith.constant 80 : index
        %swap3A_799 = tpu.vector_load %arg21[%swap3A_797, %swap3A_798] {strides = array<i32>} : memref<128x128xf32, #tpu.memory_space<vmem>>, vector<16xf32>,
        tpu.vector_store %arg21[%swap3A_797, %swap3A_798], %mul3A_796 {strides = array<i32>} : memref<128x128xf32, #tpu.memory_space<vmem>>, vector<16xf32>,
        %get3A_800 = arith.index_cast %add3A_757 : i32 to index
        %get3A_801 = arith.constant 96 : index
        %get3A_802 = tpu.vector_load %arg21[%get3A_800, %get3A_801] {strides = array<i32>} : memref<128x128xf32, #tpu.memory_space<vmem>>, vector<16xf32>,
        %mul3A_803 = arith.mulf %get3A_802, %gather3A_753 : vector<16xf32>
        %swap3A_804 = arith.index_cast %add3A_757 : i32 to index
        %swap3A_805 = arith.constant 96 : index
        %swap3A_806 = tpu.vector_load %arg21[%swap3A_804, %swap3A_805] {strides = array<i32>} : memref<128x128xf32, #tpu.memory_space<vmem>>, vector<16xf32>,
        tpu.vector_store %arg21[%swap3A_804, %swap3A_805], %mul3A_803 {strides = array<i32>} : memref<128x128xf32, #tpu.memory_space<vmem>>, vector<16xf32>,
        %get3A_807 = arith.index_cast %add3A_757 : i32 to index
        %get3A_808 = arith.constant 112 : index
        %get3A_809 = tpu.vector_load %arg21[%get3A_807, %get3A_808] {strides = array<i32>} : memref<128x128xf32, #tpu.memory_space<vmem>>, vector<16xf32>,
        %mul3A_810 = arith.mulf %get3A_809, %gather3A_753 : vector<16xf32>
        %swap3A_811 = arith.index_cast %add3A_757 : i32 to index
        %swap3A_812 = arith.constant 112 : index
        %swap3A_813 = tpu.vector_load %arg21[%swap3A_811, %swap3A_812] {strides = array<i32>} : memref<128x128xf32, #tpu.memory_space<vmem>>, vector<16xf32>,
        tpu.vector_store %arg21[%swap3A_811, %swap3A_812], %mul3A_810 {strides = array<i32>} : memref<128x128xf32, #tpu.memory_space<vmem>>, vector<16xf32>,
        %broadcast_in_dim3A_814 = arith.constant 7 : i32
        %broadcast_in_dim3A_815 = vector.broadcast %broadcast_in_dim3A_814 : i32 to vector<16x1xi32>
        %gather3A_816 = vector.shape_cast %broadcast_in_dim3A_815 : vector<16x1xi32> to vector<16xi32>
        %gather3A_817 = tpu.dynamic_gather %get3A_367[%gather3A_816] in [0] : vector<16xf32>, vector<16xi32> -> vector<16xf32>
        %mul3A_818 = arith.constant 16 : i32
        %mul3A_819 = arith.muli %scan3A_363, %mul3A_818 : i32
        %add3A_820 = arith.constant 7 : i32
        %add3A_821 = arith.addi %mul3A_819, %add3A_820 : i32
        %get3A_822 = arith.index_cast %add3A_821 : i32 to index
        %get3A_823 = arith.constant 0 : index
        %get3A_824 = tpu.vector_load %arg21[%get3A_822, %get3A_823] {strides = array<i32>} : memref<128x128xf32, #tpu.memory_space<vmem>>, vector<16xf32>,
        %mul3A_825 = arith.mulf %get3A_824, %gather3A_817 : vector<16xf32>
        %swap3A_826 = arith.index_cast %add3A_821 : i32 to index
        %swap3A_827 = arith.constant 0 : index
        %swap3A_828 = tpu.vector_load %arg21[%swap3A_826, %swap3A_827] {strides = array<i32>} : memref<128x128xf32, #tpu.memory_space<vmem>>, vector<16xf32>,
        tpu.vector_store %arg21[%swap3A_826, %swap3A_827], %mul3A_825 {strides = array<i32>} : memref<128x128xf32, #tpu.memory_space<vmem>>, vector<16xf32>,
        %get3A_829 = arith.index_cast %add3A_821 : i32 to index
        %get3A_830 = arith.constant 16 : index
        %get3A_831 = tpu.vector_load %arg21[%get3A_829, %get3A_830] {strides = array<i32>} : memref<128x128xf32, #tpu.memory_space<vmem>>, vector<16xf32>,
        %mul3A_832 = arith.mulf %get3A_831, %gather3A_817 : vector<16xf32>
        %swap3A_833 = arith.index_cast %add3A_821 : i32 to index
        %swap3A_834 = arith.constant 16 : index
        %swap3A_835 = tpu.vector_load %arg21[%swap3A_833, %swap3A_834] {strides = array<i32>} : memref<128x128xf32, #tpu.memory_space<vmem>>, vector<16xf32>,
        tpu.vector_store %arg21[%swap3A_833, %swap3A_834], %mul3A_832 {strides = array<i32>} : memref<128x128xf32, #tpu.memory_space<vmem>>, vector<16xf32>,
        %get3A_836 = arith.index_cast %add3A_821 : i32 to index
        %get3A_837 = arith.constant 32 : index
        %get3A_838 = tpu.vector_load %arg21[%get3A_836, %get3A_837] {strides = array<i32>} : memref<128x128xf32, #tpu.memory_space<vmem>>, vector<16xf32>,
        %mul3A_839 = arith.mulf %get3A_838, %gather3A_817 : vector<16xf32>
        %swap3A_840 = arith.index_cast %add3A_821 : i32 to index
        %swap3A_841 = arith.constant 32 : index
        %swap3A_842 = tpu.vector_load %arg21[%swap3A_840, %swap3A_841] {strides = array<i32>} : memref<128x128xf32, #tpu.memory_space<vmem>>, vector<16xf32>,
        tpu.vector_store %arg21[%swap3A_840, %swap3A_841], %mul3A_839 {strides = array<i32>} : memref<128x128xf32, #tpu.memory_space<vmem>>, vector<16xf32>,
        %get3A_843 = arith.index_cast %add3A_821 : i32 to index
        %get3A_844 = arith.constant 48 : index
        %get3A_845 = tpu.vector_load %arg21[%get3A_843, %get3A_844] {strides = array<i32>} : memref<128x128xf32, #tpu.memory_space<vmem>>, vector<16xf32>,
        %mul3A_846 = arith.mulf %get3A_845, %gather3A_817 : vector<16xf32>
        %swap3A_847 = arith.index_cast %add3A_821 : i32 to index
        %swap3A_848 = arith.constant 48 : index
        %swap3A_849 = tpu.vector_load %arg21[%swap3A_847, %swap3A_848] {strides = array<i32>} : memref<128x128xf32, #tpu.memory_space<vmem>>, vector<16xf32>,
        tpu.vector_store %arg21[%swap3A_847, %swap3A_848], %mul3A_846 {strides = array<i32>} : memref<128x128xf32, #tpu.memory_space<vmem>>, vector<16xf32>,
        %get3A_850 = arith.index_cast %add3A_821 : i32 to index
        %get3A_851 = arith.constant 64 : index
        %get3A_852 = tpu.vector_load %arg21[%get3A_850, %get3A_851] {strides = array<i32>} : memref<128x128xf32, #tpu.memory_space<vmem>>, vector<16xf32>,
        %mul3A_853 = arith.mulf %get3A_852, %gather3A_817 : vector<16xf32>
        %swap3A_854 = arith.index_cast %add3A_821 : i32 to index
        %swap3A_855 = arith.constant 64 : index
        %swap3A_856 = tpu.vector_load %arg21[%swap3A_854, %swap3A_855] {strides = array<i32>} : memref<128x128xf32, #tpu.memory_space<vmem>>, vector<16xf32>,
        tpu.vector_store %arg21[%swap3A_854, %swap3A_855], %mul3A_853 {strides = array<i32>} : memref<128x128xf32, #tpu.memory_space<vmem>>, vector<16xf32>,
        %get3A_857 = arith.index_cast %add3A_821 : i32 to index
        %get3A_858 = arith.constant 80 : index
        %get3A_859 = tpu.vector_load %arg21[%get3A_857, %get3A_858] {strides = array<i32>} : memref<128x128xf32, #tpu.memory_space<vmem>>, vector<16xf32>,
        %mul3A_860 = arith.mulf %get3A_859, %gather3A_817 : vector<16xf32>
        %swap3A_861 = arith.index_cast %add3A_821 : i32 to index
        %swap3A_862 = arith.constant 80 : index
        %swap3A_863 = tpu.vector_load %arg21[%swap3A_861, %swap3A_862] {strides = array<i32>} : memref<128x128xf32, #tpu.memory_space<vmem>>, vector<16xf32>,
        tpu.vector_store %arg21[%swap3A_861, %swap3A_862], %mul3A_860 {strides = array<i32>} : memref<128x128xf32, #tpu.memory_space<vmem>>, vector<16xf32>,
        %get3A_864 = arith.index_cast %add3A_821 : i32 to index
        %get3A_865 = arith.constant 96 : index
        %get3A_866 = tpu.vector_load %arg21[%get3A_864, %get3A_865] {strides = array<i32>} : memref<128x128xf32, #tpu.memory_space<vmem>>, vector<16xf32>,
        %mul3A_867 = arith.mulf %get3A_866, %gather3A_817 : vector<16xf32>
        %swap3A_868 = arith.index_cast %add3A_821 : i32 to index
        %swap3A_869 = arith.constant 96 : index
        %swap3A_870 = tpu.vector_load %arg21[%swap3A_868, %swap3A_869] {strides = array<i32>} : memref<128x128xf32, #tpu.memory_space<vmem>>, vector<16xf32>,
        tpu.vector_store %arg21[%swap3A_868, %swap3A_869], %mul3A_867 {strides = array<i32>} : memref<128x128xf32, #tpu.memory_space<vmem>>, vector<16xf32>,
        %get3A_871 = arith.index_cast %add3A_821 : i32 to index
        %get3A_872 = arith.constant 112 : index
        %get3A_873 = tpu.vector_load %arg21[%get3A_871, %get3A_872] {strides = array<i32>} : memref<128x128xf32, #tpu.memory_space<vmem>>, vector<16xf32>,
        %mul3A_874 = arith.mulf %get3A_873, %gather3A_817 : vector<16xf32>
        %swap3A_875 = arith.index_cast %add3A_821 : i32 to index
        %swap3A_876 = arith.constant 112 : index
        %swap3A_877 = tpu.vector_load %arg21[%swap3A_875, %swap3A_876] {strides = array<i32>} : memref<128x128xf32, #tpu.memory_space<vmem>>, vector<16xf32>,
        tpu.vector_store %arg21[%swap3A_875, %swap3A_876], %mul3A_874 {strides = array<i32>} : memref<128x128xf32, #tpu.memory_space<vmem>>, vector<16xf32>,
        %broadcast_in_dim3A_878 = arith.constant 8 : i32
        %broadcast_in_dim3A_879 = vector.broadcast %broadcast_in_dim3A_878 : i32 to vector<16x1xi32>
        %gather3A_880 = vector.shape_cast %broadcast_in_dim3A_879 : vector<16x1xi32> to vector<16xi32>
        %gather3A_881 = tpu.dynamic_gather %get3A_367[%gather3A_880] in [0] : vector<16xf32>, vector<16xi32> -> vector<16xf32>
        %mul3A_882 = arith.constant 16 : i32
        %mul3A_883 = arith.muli %scan3A_363, %mul3A_882 : i32
        %add3A_884 = arith.constant 8 : i32
        %add3A_885 = arith.addi %mul3A_883, %add3A_884 : i32
        %get3A_886 = arith.index_cast %add3A_885 : i32 to index
        %get3A_887 = arith.constant 0 : index
        %get3A_888 = tpu.vector_load %arg21[%get3A_886, %get3A_887] {strides = array<i32>} : memref<128x128xf32, #tpu.memory_space<vmem>>, vector<16xf32>,
        %mul3A_889 = arith.mulf %get3A_888, %gather3A_881 : vector<16xf32>
        %swap3A_890 = arith.index_cast %add3A_885 : i32 to index
        %swap3A_891 = arith.constant 0 : index
        %swap3A_892 = tpu.vector_load %arg21[%swap3A_890, %swap3A_891] {strides = array<i32>} : memref<128x128xf32, #tpu.memory_space<vmem>>, vector<16xf32>,
        tpu.vector_store %arg21[%swap3A_890, %swap3A_891], %mul3A_889 {strides = array<i32>} : memref<128x128xf32, #tpu.memory_space<vmem>>, vector<16xf32>,
        %get3A_893 = arith.index_cast %add3A_885 : i32 to index
        %get3A_894 = arith.constant 16 : index
        %get3A_895 = tpu.vector_load %arg21[%get3A_893, %get3A_894] {strides = array<i32>} : memref<128x128xf32, #tpu.memory_space<vmem>>, vector<16xf32>,
        %mul3A_896 = arith.mulf %get3A_895, %gather3A_881 : vector<16xf32>
        %swap3A_897 = arith.index_cast %add3A_885 : i32 to index
        %swap3A_898 = arith.constant 16 : index
        %swap3A_899 = tpu.vector_load %arg21[%swap3A_897, %swap3A_898] {strides = array<i32>} : memref<128x128xf32, #tpu.memory_space<vmem>>, vector<16xf32>,
        tpu.vector_store %arg21[%swap3A_897, %swap3A_898], %mul3A_896 {strides = array<i32>} : memref<128x128xf32, #tpu.memory_space<vmem>>, vector<16xf32>,
        %get3A_900 = arith.index_cast %add3A_885 : i32 to index
        %get3A_901 = arith.constant 32 : index
        %get3A_902 = tpu.vector_load %arg21[%get3A_900, %get3A_901] {strides = array<i32>} : memref<128x128xf32, #tpu.memory_space<vmem>>, vector<16xf32>,
        %mul3A_903 = arith.mulf %get3A_902, %gather3A_881 : vector<16xf32>
        %swap3A_904 = arith.index_cast %add3A_885 : i32 to index
        %swap3A_905 = arith.constant 32 : index
        %swap3A_906 = tpu.vector_load %arg21[%swap3A_904, %swap3A_905] {strides = array<i32>} : memref<128x128xf32, #tpu.memory_space<vmem>>, vector<16xf32>,
        tpu.vector_store %arg21[%swap3A_904, %swap3A_905], %mul3A_903 {strides = array<i32>} : memref<128x128xf32, #tpu.memory_space<vmem>>, vector<16xf32>,
        %get3A_907 = arith.index_cast %add3A_885 : i32 to index
        %get3A_908 = arith.constant 48 : index
        %get3A_909 = tpu.vector_load %arg21[%get3A_907, %get3A_908] {strides = array<i32>} : memref<128x128xf32, #tpu.memory_space<vmem>>, vector<16xf32>,
        %mul3A_910 = arith.mulf %get3A_909, %gather3A_881 : vector<16xf32>
        %swap3A_911 = arith.index_cast %add3A_885 : i32 to index
        %swap3A_912 = arith.constant 48 : index
        %swap3A_913 = tpu.vector_load %arg21[%swap3A_911, %swap3A_912] {strides = array<i32>} : memref<128x128xf32, #tpu.memory_space<vmem>>, vector<16xf32>,
        tpu.vector_store %arg21[%swap3A_911, %swap3A_912], %mul3A_910 {strides = array<i32>} : memref<128x128xf32, #tpu.memory_space<vmem>>, vector<16xf32>,
        %get3A_914 = arith.index_cast %add3A_885 : i32 to index
        %get3A_915 = arith.constant 64 : index
        %get3A_916 = tpu.vector_load %arg21[%get3A_914, %get3A_915] {strides = array<i32>} : memref<128x128xf32, #tpu.memory_space<vmem>>, vector<16xf32>,
        %mul3A_917 = arith.mulf %get3A_916, %gather3A_881 : vector<16xf32>
        %swap3A_918 = arith.index_cast %add3A_885 : i32 to index
        %swap3A_919 = arith.constant 64 : index
        %swap3A_920 = tpu.vector_load %arg21[%swap3A_918, %swap3A_919] {strides = array<i32>} : memref<128x128xf32, #tpu.memory_space<vmem>>, vector<16xf32>,
        tpu.vector_store %arg21[%swap3A_918, %swap3A_919], %mul3A_917 {strides = array<i32>} : memref<128x128xf32, #tpu.memory_space<vmem>>, vector<16xf32>,
        %get3A_921 = arith.index_cast %add3A_885 : i32 to index
        %get3A_922 = arith.constant 80 : index
        %get3A_923 = tpu.vector_load %arg21[%get3A_921, %get3A_922] {strides = array<i32>} : memref<128x128xf32, #tpu.memory_space<vmem>>, vector<16xf32>,
        %mul3A_924 = arith.mulf %get3A_923, %gather3A_881 : vector<16xf32>
        %swap3A_925 = arith.index_cast %add3A_885 : i32 to index
        %swap3A_926 = arith.constant 80 : index
        %swap3A_927 = tpu.vector_load %arg21[%swap3A_925, %swap3A_926] {strides = array<i32>} : memref<128x128xf32, #tpu.memory_space<vmem>>, vector<16xf32>,
        tpu.vector_store %arg21[%swap3A_925, %swap3A_926], %mul3A_924 {strides = array<i32>} : memref<128x128xf32, #tpu.memory_space<vmem>>, vector<16xf32>,
        %get3A_928 = arith.index_cast %add3A_885 : i32 to index
        %get3A_929 = arith.constant 96 : index
        %get3A_930 = tpu.vector_load %arg21[%get3A_928, %get3A_929] {strides = array<i32>} : memref<128x128xf32, #tpu.memory_space<vmem>>, vector<16xf32>,
        %mul3A_931 = arith.mulf %get3A_930, %gather3A_881 : vector<16xf32>
        %swap3A_932 = arith.index_cast %add3A_885 : i32 to index
        %swap3A_933 = arith.constant 96 : index
        %swap3A_934 = tpu.vector_load %arg21[%swap3A_932, %swap3A_933] {strides = array<i32>} : memref<128x128xf32, #tpu.memory_space<vmem>>, vector<16xf32>,
        tpu.vector_store %arg21[%swap3A_932, %swap3A_933], %mul3A_931 {strides = array<i32>} : memref<128x128xf32, #tpu.memory_space<vmem>>, vector<16xf32>,
        %get3A_935 = arith.index_cast %add3A_885 : i32 to index
        %get3A_936 = arith.constant 112 : index
        %get3A_937 = tpu.vector_load %arg21[%get3A_935, %get3A_936] {strides = array<i32>} : memref<128x128xf32, #tpu.memory_space<vmem>>, vector<16xf32>,
        %mul3A_938 = arith.mulf %get3A_937, %gather3A_881 : vector<16xf32>
        %swap3A_939 = arith.index_cast %add3A_885 : i32 to index
        %swap3A_940 = arith.constant 112 : index
        %swap3A_941 = tpu.vector_load %arg21[%swap3A_939, %swap3A_940] {strides = array<i32>} : memref<128x128xf32, #tpu.memory_space<vmem>>, vector<16xf32>,
        tpu.vector_store %arg21[%swap3A_939, %swap3A_940], %mul3A_938 {strides = array<i32>} : memref<128x128xf32, #tpu.memory_space<vmem>>, vector<16xf32>,
        %broadcast_in_dim3A_942 = arith.constant 9 : i32
        %broadcast_in_dim3A_943 = vector.broadcast %broadcast_in_dim3A_942 : i32 to vector<16x1xi32>
        %gather3A_944 = vector.shape_cast %broadcast_in_dim3A_943 : vector<16x1xi32> to vector<16xi32>
        %gather3A_945 = tpu.dynamic_gather %get3A_367[%gather3A_944] in [0] : vector<16xf32>, vector<16xi32> -> vector<16xf32>
        %mul3A_946 = arith.constant 16 : i32
        %mul3A_947 = arith.muli %scan3A_363, %mul3A_946 : i32
        %add3A_948 = arith.constant 9 : i32
        %add3A_949 = arith.addi %mul3A_947, %add3A_948 : i32
        %get3A_950 = arith.index_cast %add3A_949 : i32 to index
        %get3A_951 = arith.constant 0 : index
        %get3A_952 = tpu.vector_load %arg21[%get3A_950, %get3A_951] {strides = array<i32>} : memref<128x128xf32, #tpu.memory_space<vmem>>, vector<16xf32>,
        %mul3A_953 = arith.mulf %get3A_952, %gather3A_945 : vector<16xf32>
        %swap3A_954 = arith.index_cast %add3A_949 : i32 to index
        %swap3A_955 = arith.constant 0 : index
        %swap3A_956 = tpu.vector_load %arg21[%swap3A_954, %swap3A_955] {strides = array<i32>} : memref<128x128xf32, #tpu.memory_space<vmem>>, vector<16xf32>,
        tpu.vector_store %arg21[%swap3A_954, %swap3A_955], %mul3A_953 {strides = array<i32>} : memref<128x128xf32, #tpu.memory_space<vmem>>, vector<16xf32>,
        %get3A_957 = arith.index_cast %add3A_949 : i32 to index
        %get3A_958 = arith.constant 16 : index
        %get3A_959 = tpu.vector_load %arg21[%get3A_957, %get3A_958] {strides = array<i32>} : memref<128x128xf32, #tpu.memory_space<vmem>>, vector<16xf32>,
        %mul3A_960 = arith.mulf %get3A_959, %gather3A_945 : vector<16xf32>
        %swap3A_961 = arith.index_cast %add3A_949 : i32 to index
        %swap3A_962 = arith.constant 16 : index
        %swap3A_963 = tpu.vector_load %arg21[%swap3A_961, %swap3A_962] {strides = array<i32>} : memref<128x128xf32, #tpu.memory_space<vmem>>, vector<16xf32>,
        tpu.vector_store %arg21[%swap3A_961, %swap3A_962], %mul3A_960 {strides = array<i32>} : memref<128x128xf32, #tpu.memory_space<vmem>>, vector<16xf32>,
        %get3A_964 = arith.index_cast %add3A_949 : i32 to index
        %get3A_965 = arith.constant 32 : index
        %get3A_966 = tpu.vector_load %arg21[%get3A_964, %get3A_965] {strides = array<i32>} : memref<128x128xf32, #tpu.memory_space<vmem>>, vector<16xf32>,
        %mul3A_967 = arith.mulf %get3A_966, %gather3A_945 : vector<16xf32>
        %swap3A_968 = arith.index_cast %add3A_949 : i32 to index
        %swap3A_969 = arith.constant 32 : index
        %swap3A_970 = tpu.vector_load %arg21[%swap3A_968, %swap3A_969] {strides = array<i32>} : memref<128x128xf32, #tpu.memory_space<vmem>>, vector<16xf32>,
        tpu.vector_store %arg21[%swap3A_968, %swap3A_969], %mul3A_967 {strides = array<i32>} : memref<128x128xf32, #tpu.memory_space<vmem>>, vector<16xf32>,
        %get3A_971 = arith.index_cast %add3A_949 : i32 to index
        %get3A_972 = arith.constant 48 : index
        %get3A_973 = tpu.vector_load %arg21[%get3A_971, %get3A_972] {strides = array<i32>} : memref<128x128xf32, #tpu.memory_space<vmem>>, vector<16xf32>,
        %mul3A_974 = arith.mulf %get3A_973, %gather3A_945 : vector<16xf32>
        %swap3A_975 = arith.index_cast %add3A_949 : i32 to index
        %swap3A_976 = arith.constant 48 : index
        %swap3A_977 = tpu.vector_load %arg21[%swap3A_975, %swap3A_976] {strides = array<i32>} : memref<128x128xf32, #tpu.memory_space<vmem>>, vector<16xf32>,
        tpu.vector_store %arg21[%swap3A_975, %swap3A_976], %mul3A_974 {strides = array<i32>} : memref<128x128xf32, #tpu.memory_space<vmem>>, vector<16xf32>,
        %get3A_978 = arith.index_cast %add3A_949 : i32 to index
        %get3A_979 = arith.constant 64 : index
        %get3A_980 = tpu.vector_load %arg21[%get3A_978, %get3A_979] {strides = array<i32>} : memref<128x128xf32, #tpu.memory_space<vmem>>, vector<16xf32>,
        %mul3A_981 = arith.mulf %get3A_980, %gather3A_945 : vector<16xf32>
        %swap3A_982 = arith.index_cast %add3A_949 : i32 to index
        %swap3A_983 = arith.constant 64 : index
        %swap3A_984 = tpu.vector_load %arg21[%swap3A_982, %swap3A_983] {strides = array<i32>} : memref<128x128xf32, #tpu.memory_space<vmem>>, vector<16xf32>,
        tpu.vector_store %arg21[%swap3A_982, %swap3A_983], %mul3A_981 {strides = array<i32>} : memref<128x128xf32, #tpu.memory_space<vmem>>, vector<16xf32>,
        %get3A_985 = arith.index_cast %add3A_949 : i32 to index
        %get3A_986 = arith.constant 80 : index
        %get3A_987 = tpu.vector_load %arg21[%get3A_985, %get3A_986] {strides = array<i32>} : memref<128x128xf32, #tpu.memory_space<vmem>>, vector<16xf32>,
        %mul3A_988 = arith.mulf %get3A_987, %gather3A_945 : vector<16xf32>
        %swap3A_989 = arith.index_cast %add3A_949 : i32 to index
        %swap3A_990 = arith.constant 80 : index
        %swap3A_991 = tpu.vector_load %arg21[%swap3A_989, %swap3A_990] {strides = array<i32>} : memref<128x128xf32, #tpu.memory_space<vmem>>, vector<16xf32>,
        tpu.vector_store %arg21[%swap3A_989, %swap3A_990], %mul3A_988 {strides = array<i32>} : memref<128x128xf32, #tpu.memory_space<vmem>>, vector<16xf32>,
        %get3A_992 = arith.index_cast %add3A_949 : i32 to index
        %get3A_993 = arith.constant 96 : index
        %get3A_994 = tpu.vector_load %arg21[%get3A_992, %get3A_993] {strides = array<i32>} : memref<128x128xf32, #tpu.memory_space<vmem>>, vector<16xf32>,
        %mul3A_995 = arith.mulf %get3A_994, %gather3A_945 : vector<16xf32>
        %swap3A_996 = arith.index_cast %add3A_949 : i32 to index
        %swap3A_997 = arith.constant 96 : index
        %swap3A_998 = tpu.vector_load %arg21[%swap3A_996, %swap3A_997] {strides = array<i32>} : memref<128x128xf32, #tpu.memory_space<vmem>>, vector<16xf32>,
        tpu.vector_store %arg21[%swap3A_996, %swap3A_997], %mul3A_995 {strides = array<i32>} : memref<128x128xf32, #tpu.memory_space<vmem>>, vector<16xf32>,
        %get3A_999 = arith.index_cast %add3A_949 : i32 to index
        %get3A_1000 = arith.constant 112 : index
        %get3A_1001 = tpu.vector_load %arg21[%get3A_999, %get3A_1000] {strides = array<i32>} : memref<128x128xf32, #tpu.memory_space<vmem>>, vector<16xf32>,
        %mul3A_1002 = arith.mulf %get3A_1001, %gather3A_945 : vector<16xf32>
        %swap3A_1003 = arith.index_cast %add3A_949 : i32 to index
        %swap3A_1004 = arith.constant 112 : index
        %swap3A_1005 = tpu.vector_load %arg21[%swap3A_1003, %swap3A_1004] {strides = array<i32>} : memref<128x128xf32, #tpu.memory_space<vmem>>, vector<16xf32>,
        tpu.vector_store %arg21[%swap3A_1003, %swap3A_1004], %mul3A_1002 {strides = array<i32>} : memref<128x128xf32, #tpu.memory_space<vmem>>, vector<16xf32>,
        %broadcast_in_dim3A_1006 = arith.constant 10 : i32
        %broadcast_in_dim3A_1007 = vector.broadcast %broadcast_in_dim3A_1006 : i32 to vector<16x1xi32>
        %gather3A_1008 = vector.shape_cast %broadcast_in_dim3A_1007 : vector<16x1xi32> to vector<16xi32>
        %gather3A_1009 = tpu.dynamic_gather %get3A_367[%gather3A_1008] in [0] : vector<16xf32>, vector<16xi32> -> vector<16xf32>
        %mul3A_1010 = arith.constant 16 : i32
        %mul3A_1011 = arith.muli %scan3A_363, %mul3A_1010 : i32
        %add3A_1012 = arith.constant 10 : i32
        %add3A_1013 = arith.addi %mul3A_1011, %add3A_1012 : i32
        %get3A_1014 = arith.index_cast %add3A_1013 : i32 to index
        %get3A_1015 = arith.constant 0 : index
        %get3A_1016 = tpu.vector_load %arg21[%get3A_1014, %get3A_1015] {strides = array<i32>} : memref<128x128xf32, #tpu.memory_space<vmem>>, vector<16xf32>,
        %mul3A_1017 = arith.mulf %get3A_1016, %gather3A_1009 : vector<16xf32>
        %swap3A_1018 = arith.index_cast %add3A_1013 : i32 to index
        %swap3A_1019 = arith.constant 0 : index
        %swap3A_1020 = tpu.vector_load %arg21[%swap3A_1018, %swap3A_1019] {strides = array<i32>} : memref<128x128xf32, #tpu.memory_space<vmem>>, vector<16xf32>,
        tpu.vector_store %arg21[%swap3A_1018, %swap3A_1019], %mul3A_1017 {strides = array<i32>} : memref<128x128xf32, #tpu.memory_space<vmem>>, vector<16xf32>,
        %get3A_1021 = arith.index_cast %add3A_1013 : i32 to index
        %get3A_1022 = arith.constant 16 : index
        %get3A_1023 = tpu.vector_load %arg21[%get3A_1021, %get3A_1022] {strides = array<i32>} : memref<128x128xf32, #tpu.memory_space<vmem>>, vector<16xf32>,
        %mul3A_1024 = arith.mulf %get3A_1023, %gather3A_1009 : vector<16xf32>
        %swap3A_1025 = arith.index_cast %add3A_1013 : i32 to index
        %swap3A_1026 = arith.constant 16 : index
        %swap3A_1027 = tpu.vector_load %arg21[%swap3A_1025, %swap3A_1026] {strides = array<i32>} : memref<128x128xf32, #tpu.memory_space<vmem>>, vector<16xf32>,
        tpu.vector_store %arg21[%swap3A_1025, %swap3A_1026], %mul3A_1024 {strides = array<i32>} : memref<128x128xf32, #tpu.memory_space<vmem>>, vector<16xf32>,
        %get3A_1028 = arith.index_cast %add3A_1013 : i32 to index
        %get3A_1029 = arith.constant 32 : index
        %get3A_1030 = tpu.vector_load %arg21[%get3A_1028, %get3A_1029] {strides = array<i32>} : memref<128x128xf32, #tpu.memory_space<vmem>>, vector<16xf32>,
        %mul3A_1031 = arith.mulf %get3A_1030, %gather3A_1009 : vector<16xf32>
        %swap3A_1032 = arith.index_cast %add3A_1013 : i32 to index
        %swap3A_1033 = arith.constant 32 : index
        %swap3A_1034 = tpu.vector_load %arg21[%swap3A_1032, %swap3A_1033] {strides = array<i32>} : memref<128x128xf32, #tpu.memory_space<vmem>>, vector<16xf32>,
        tpu.vector_store %arg21[%swap3A_1032, %swap3A_1033], %mul3A_1031 {strides = array<i32>} : memref<128x128xf32, #tpu.memory_space<vmem>>, vector<16xf32>,
        %get3A_1035 = arith.index_cast %add3A_1013 : i32 to index
        %get3A_1036 = arith.constant 48 : index
        %get3A_1037 = tpu.vector_load %arg21[%get3A_1035, %get3A_1036] {strides = array<i32>} : memref<128x128xf32, #tpu.memory_space<vmem>>, vector<16xf32>,
        %mul3A_1038 = arith.mulf %get3A_1037, %gather3A_1009 : vector<16xf32>
        %swap3A_1039 = arith.index_cast %add3A_1013 : i32 to index
        %swap3A_1040 = arith.constant 48 : index
        %swap3A_1041 = tpu.vector_load %arg21[%swap3A_1039, %swap3A_1040] {strides = array<i32>} : memref<128x128xf32, #tpu.memory_space<vmem>>, vector<16xf32>,
        tpu.vector_store %arg21[%swap3A_1039, %swap3A_1040], %mul3A_1038 {strides = array<i32>} : memref<128x128xf32, #tpu.memory_space<vmem>>, vector<16xf32>,
        %get3A_1042 = arith.index_cast %add3A_1013 : i32 to index
        %get3A_1043 = arith.constant 64 : index
        %get3A_1044 = tpu.vector_load %arg21[%get3A_1042, %get3A_1043] {strides = array<i32>} : memref<128x128xf32, #tpu.memory_space<vmem>>, vector<16xf32>,
        %mul3A_1045 = arith.mulf %get3A_1044, %gather3A_1009 : vector<16xf32>
        %swap3A_1046 = arith.index_cast %add3A_1013 : i32 to index
        %swap3A_1047 = arith.constant 64 : index
        %swap3A_1048 = tpu.vector_load %arg21[%swap3A_1046, %swap3A_1047] {strides = array<i32>} : memref<128x128xf32, #tpu.memory_space<vmem>>, vector<16xf32>,
        tpu.vector_store %arg21[%swap3A_1046, %swap3A_1047], %mul3A_1045 {strides = array<i32>} : memref<128x128xf32, #tpu.memory_space<vmem>>, vector<16xf32>,
        %get3A_1049 = arith.index_cast %add3A_1013 : i32 to index
        %get3A_1050 = arith.constant 80 : index
        %get3A_1051 = tpu.vector_load %arg21[%get3A_1049, %get3A_1050] {strides = array<i32>} : memref<128x128xf32, #tpu.memory_space<vmem>>, vector<16xf32>,
        %mul3A_1052 = arith.mulf %get3A_1051, %gather3A_1009 : vector<16xf32>
        %swap3A_1053 = arith.index_cast %add3A_1013 : i32 to index
        %swap3A_1054 = arith.constant 80 : index
        %swap3A_1055 = tpu.vector_load %arg21[%swap3A_1053, %swap3A_1054] {strides = array<i32>} : memref<128x128xf32, #tpu.memory_space<vmem>>, vector<16xf32>,
        tpu.vector_store %arg21[%swap3A_1053, %swap3A_1054], %mul3A_1052 {strides = array<i32>} : memref<128x128xf32, #tpu.memory_space<vmem>>, vector<16xf32>,
        %get3A_1056 = arith.index_cast %add3A_1013 : i32 to index
        %get3A_1057 = arith.constant 96 : index
        %get3A_1058 = tpu.vector_load %arg21[%get3A_1056, %get3A_1057] {strides = array<i32>} : memref<128x128xf32, #tpu.memory_space<vmem>>, vector<16xf32>,
        %mul3A_1059 = arith.mulf %get3A_1058, %gather3A_1009 : vector<16xf32>
        %swap3A_1060 = arith.index_cast %add3A_1013 : i32 to index
        %swap3A_1061 = arith.constant 96 : index
        %swap3A_1062 = tpu.vector_load %arg21[%swap3A_1060, %swap3A_1061] {strides = array<i32>} : memref<128x128xf32, #tpu.memory_space<vmem>>, vector<16xf32>,
        tpu.vector_store %arg21[%swap3A_1060, %swap3A_1061], %mul3A_1059 {strides = array<i32>} : memref<128x128xf32, #tpu.memory_space<vmem>>, vector<16xf32>,
        %get3A_1063 = arith.index_cast %add3A_1013 : i32 to index
        %get3A_1064 = arith.constant 112 : index
        %get3A_1065 = tpu.vector_load %arg21[%get3A_1063, %get3A_1064] {strides = array<i32>} : memref<128x128xf32, #tpu.memory_space<vmem>>, vector<16xf32>,
        %mul3A_1066 = arith.mulf %get3A_1065, %gather3A_1009 : vector<16xf32>
        %swap3A_1067 = arith.index_cast %add3A_1013 : i32 to index
        %swap3A_1068 = arith.constant 112 : index
        %swap3A_1069 = tpu.vector_load %arg21[%swap3A_1067, %swap3A_1068] {strides = array<i32>} : memref<128x128xf32, #tpu.memory_space<vmem>>, vector<16xf32>,
        tpu.vector_store %arg21[%swap3A_1067, %swap3A_1068], %mul3A_1066 {strides = array<i32>} : memref<128x128xf32, #tpu.memory_space<vmem>>, vector<16xf32>,
        %broadcast_in_dim3A_1070 = arith.constant 11 : i32
        %broadcast_in_dim3A_1071 = vector.broadcast %broadcast_in_dim3A_1070 : i32 to vector<16x1xi32>
        %gather3A_1072 = vector.shape_cast %broadcast_in_dim3A_1071 : vector<16x1xi32> to vector<16xi32>
        %gather3A_1073 = tpu.dynamic_gather %get3A_367[%gather3A_1072] in [0] : vector<16xf32>, vector<16xi32> -> vector<16xf32>
        %mul3A_1074 = arith.constant 16 : i32
        %mul3A_1075 = arith.muli %scan3A_363, %mul3A_1074 : i32
        %add3A_1076 = arith.constant 11 : i32
        %add3A_1077 = arith.addi %mul3A_1075, %add3A_1076 : i32
        %get3A_1078 = arith.index_cast %add3A_1077 : i32 to index
        %get3A_1079 = arith.constant 0 : index
        %get3A_1080 = tpu.vector_load %arg21[%get3A_1078, %get3A_1079] {strides = array<i32>} : memref<128x128xf32, #tpu.memory_space<vmem>>, vector<16xf32>,
        %mul3A_1081 = arith.mulf %get3A_1080, %gather3A_1073 : vector<16xf32>
        %swap3A_1082 = arith.index_cast %add3A_1077 : i32 to index
        %swap3A_1083 = arith.constant 0 : index
        %swap3A_1084 = tpu.vector_load %arg21[%swap3A_1082, %swap3A_1083] {strides = array<i32>} : memref<128x128xf32, #tpu.memory_space<vmem>>, vector<16xf32>,
        tpu.vector_store %arg21[%swap3A_1082, %swap3A_1083], %mul3A_1081 {strides = array<i32>} : memref<128x128xf32, #tpu.memory_space<vmem>>, vector<16xf32>,
        %get3A_1085 = arith.index_cast %add3A_1077 : i32 to index
        %get3A_1086 = arith.constant 16 : index
        %get3A_1087 = tpu.vector_load %arg21[%get3A_1085, %get3A_1086] {strides = array<i32>} : memref<128x128xf32, #tpu.memory_space<vmem>>, vector<16xf32>,
        %mul3A_1088 = arith.mulf %get3A_1087, %gather3A_1073 : vector<16xf32>
        %swap3A_1089 = arith.index_cast %add3A_1077 : i32 to index
        %swap3A_1090 = arith.constant 16 : index
        %swap3A_1091 = tpu.vector_load %arg21[%swap3A_1089, %swap3A_1090] {strides = array<i32>} : memref<128x128xf32, #tpu.memory_space<vmem>>, vector<16xf32>,
        tpu.vector_store %arg21[%swap3A_1089, %swap3A_1090], %mul3A_1088 {strides = array<i32>} : memref<128x128xf32, #tpu.memory_space<vmem>>, vector<16xf32>,
        %get3A_1092 = arith.index_cast %add3A_1077 : i32 to index
        %get3A_1093 = arith.constant 32 : index
        %get3A_1094 = tpu.vector_load %arg21[%get3A_1092, %get3A_1093] {strides = array<i32>} : memref<128x128xf32, #tpu.memory_space<vmem>>, vector<16xf32>,
        %mul3A_1095 = arith.mulf %get3A_1094, %gather3A_1073 : vector<16xf32>
        %swap3A_1096 = arith.index_cast %add3A_1077 : i32 to index
        %swap3A_1097 = arith.constant 32 : index
        %swap3A_1098 = tpu.vector_load %arg21[%swap3A_1096, %swap3A_1097] {strides = array<i32>} : memref<128x128xf32, #tpu.memory_space<vmem>>, vector<16xf32>,
        tpu.vector_store %arg21[%swap3A_1096, %swap3A_1097], %mul3A_1095 {strides = array<i32>} : memref<128x128xf32, #tpu.memory_space<vmem>>, vector<16xf32>,
        %get3A_1099 = arith.index_cast %add3A_1077 : i32 to index
        %get3A_1100 = arith.constant 48 : index
        %get3A_1101 = tpu.vector_load %arg21[%get3A_1099, %get3A_1100] {strides = array<i32>} : memref<128x128xf32, #tpu.memory_space<vmem>>, vector<16xf32>,
        %mul3A_1102 = arith.mulf %get3A_1101, %gather3A_1073 : vector<16xf32>
        %swap3A_1103 = arith.index_cast %add3A_1077 : i32 to index
        %swap3A_1104 = arith.constant 48 : index
        %swap3A_1105 = tpu.vector_load %arg21[%swap3A_1103, %swap3A_1104] {strides = array<i32>} : memref<128x128xf32, #tpu.memory_space<vmem>>, vector<16xf32>,
        tpu.vector_store %arg21[%swap3A_1103, %swap3A_1104], %mul3A_1102 {strides = array<i32>} : memref<128x128xf32, #tpu.memory_space<vmem>>, vector<16xf32>,
        %get3A_1106 = arith.index_cast %add3A_1077 : i32 to index
        %get3A_1107 = arith.constant 64 : index
        %get3A_1108 = tpu.vector_load %arg21[%get3A_1106, %get3A_1107] {strides = array<i32>} : memref<128x128xf32, #tpu.memory_space<vmem>>, vector<16xf32>,
        %mul3A_1109 = arith.mulf %get3A_1108, %gather3A_1073 : vector<16xf32>
        %swap3A_1110 = arith.index_cast %add3A_1077 : i32 to index
        %swap3A_1111 = arith.constant 64 : index
        %swap3A_1112 = tpu.vector_load %arg21[%swap3A_1110, %swap3A_1111] {strides = array<i32>} : memref<128x128xf32, #tpu.memory_space<vmem>>, vector<16xf32>,
        tpu.vector_store %arg21[%swap3A_1110, %swap3A_1111], %mul3A_1109 {strides = array<i32>} : memref<128x128xf32, #tpu.memory_space<vmem>>, vector<16xf32>,
        %get3A_1113 = arith.index_cast %add3A_1077 : i32 to index
        %get3A_1114 = arith.constant 80 : index
        %get3A_1115 = tpu.vector_load %arg21[%get3A_1113, %get3A_1114] {strides = array<i32>} : memref<128x128xf32, #tpu.memory_space<vmem>>, vector<16xf32>,
        %mul3A_1116 = arith.mulf %get3A_1115, %gather3A_1073 : vector<16xf32>
        %swap3A_1117 = arith.index_cast %add3A_1077 : i32 to index
        %swap3A_1118 = arith.constant 80 : index
        %swap3A_1119 = tpu.vector_load %arg21[%swap3A_1117, %swap3A_1118] {strides = array<i32>} : memref<128x128xf32, #tpu.memory_space<vmem>>, vector<16xf32>,
        tpu.vector_store %arg21[%swap3A_1117, %swap3A_1118], %mul3A_1116 {strides = array<i32>} : memref<128x128xf32, #tpu.memory_space<vmem>>, vector<16xf32>,
        %get3A_1120 = arith.index_cast %add3A_1077 : i32 to index
        %get3A_1121 = arith.constant 96 : index
        %get3A_1122 = tpu.vector_load %arg21[%get3A_1120, %get3A_1121] {strides = array<i32>} : memref<128x128xf32, #tpu.memory_space<vmem>>, vector<16xf32>,
        %mul3A_1123 = arith.mulf %get3A_1122, %gather3A_1073 : vector<16xf32>
        %swap3A_1124 = arith.index_cast %add3A_1077 : i32 to index
        %swap3A_1125 = arith.constant 96 : index
        %swap3A_1126 = tpu.vector_load %arg21[%swap3A_1124, %swap3A_1125] {strides = array<i32>} : memref<128x128xf32, #tpu.memory_space<vmem>>, vector<16xf32>,
        tpu.vector_store %arg21[%swap3A_1124, %swap3A_1125], %mul3A_1123 {strides = array<i32>} : memref<128x128xf32, #tpu.memory_space<vmem>>, vector<16xf32>,
        %get3A_1127 = arith.index_cast %add3A_1077 : i32 to index
        %get3A_1128 = arith.constant 112 : index
        %get3A_1129 = tpu.vector_load %arg21[%get3A_1127, %get3A_1128] {strides = array<i32>} : memref<128x128xf32, #tpu.memory_space<vmem>>, vector<16xf32>,
        %mul3A_1130 = arith.mulf %get3A_1129, %gather3A_1073 : vector<16xf32>
        %swap3A_1131 = arith.index_cast %add3A_1077 : i32 to index
        %swap3A_1132 = arith.constant 112 : index
        %swap3A_1133 = tpu.vector_load %arg21[%swap3A_1131, %swap3A_1132] {strides = array<i32>} : memref<128x128xf32, #tpu.memory_space<vmem>>, vector<16xf32>,
        tpu.vector_store %arg21[%swap3A_1131, %swap3A_1132], %mul3A_1130 {strides = array<i32>} : memref<128x128xf32, #tpu.memory_space<vmem>>, vector<16xf32>,
        %broadcast_in_dim3A_1134 = arith.constant 12 : i32
        %broadcast_in_dim3A_1135 = vector.broadcast %broadcast_in_dim3A_1134 : i32 to vector<16x1xi32>
        %gather3A_1136 = vector.shape_cast %broadcast_in_dim3A_1135 : vector<16x1xi32> to vector<16xi32>
        %gather3A_1137 = tpu.dynamic_gather %get3A_367[%gather3A_1136] in [0] : vector<16xf32>, vector<16xi32> -> vector<16xf32>
        %mul3A_1138 = arith.constant 16 : i32
        %mul3A_1139 = arith.muli %scan3A_363, %mul3A_1138 : i32
        %add3A_1140 = arith.constant 12 : i32
        %add3A_1141 = arith.addi %mul3A_1139, %add3A_1140 : i32
        %get3A_1142 = arith.index_cast %add3A_1141 : i32 to index
        %get3A_1143 = arith.constant 0 : index
        %get3A_1144 = tpu.vector_load %arg21[%get3A_1142, %get3A_1143] {strides = array<i32>} : memref<128x128xf32, #tpu.memory_space<vmem>>, vector<16xf32>,
        %mul3A_1145 = arith.mulf %get3A_1144, %gather3A_1137 : vector<16xf32>
        %swap3A_1146 = arith.index_cast %add3A_1141 : i32 to index
        %swap3A_1147 = arith.constant 0 : index
        %swap3A_1148 = tpu.vector_load %arg21[%swap3A_1146, %swap3A_1147] {strides = array<i32>} : memref<128x128xf32, #tpu.memory_space<vmem>>, vector<16xf32>,
        tpu.vector_store %arg21[%swap3A_1146, %swap3A_1147], %mul3A_1145 {strides = array<i32>} : memref<128x128xf32, #tpu.memory_space<vmem>>, vector<16xf32>,
        %get3A_1149 = arith.index_cast %add3A_1141 : i32 to index
        %get3A_1150 = arith.constant 16 : index
        %get3A_1151 = tpu.vector_load %arg21[%get3A_1149, %get3A_1150] {strides = array<i32>} : memref<128x128xf32, #tpu.memory_space<vmem>>, vector<16xf32>,
        %mul3A_1152 = arith.mulf %get3A_1151, %gather3A_1137 : vector<16xf32>
        %swap3A_1153 = arith.index_cast %add3A_1141 : i32 to index
        %swap3A_1154 = arith.constant 16 : index
        %swap3A_1155 = tpu.vector_load %arg21[%swap3A_1153, %swap3A_1154] {strides = array<i32>} : memref<128x128xf32, #tpu.memory_space<vmem>>, vector<16xf32>,
        tpu.vector_store %arg21[%swap3A_1153, %swap3A_1154], %mul3A_1152 {strides = array<i32>} : memref<128x128xf32, #tpu.memory_space<vmem>>, vector<16xf32>,
        %get3A_1156 = arith.index_cast %add3A_1141 : i32 to index
        %get3A_1157 = arith.constant 32 : index
        %get3A_1158 = tpu.vector_load %arg21[%get3A_1156, %get3A_1157] {strides = array<i32>} : memref<128x128xf32, #tpu.memory_space<vmem>>, vector<16xf32>,
        %mul3A_1159 = arith.mulf %get3A_1158, %gather3A_1137 : vector<16xf32>
        %swap3A_1160 = arith.index_cast %add3A_1141 : i32 to index
        %swap3A_1161 = arith.constant 32 : index
        %swap3A_1162 = tpu.vector_load %arg21[%swap3A_1160, %swap3A_1161] {strides = array<i32>} : memref<128x128xf32, #tpu.memory_space<vmem>>, vector<16xf32>,
        tpu.vector_store %arg21[%swap3A_1160, %swap3A_1161], %mul3A_1159 {strides = array<i32>} : memref<128x128xf32, #tpu.memory_space<vmem>>, vector<16xf32>,
        %get3A_1163 = arith.index_cast %add3A_1141 : i32 to index
        %get3A_1164 = arith.constant 48 : index
        %get3A_1165 = tpu.vector_load %arg21[%get3A_1163, %get3A_1164] {strides = array<i32>} : memref<128x128xf32, #tpu.memory_space<vmem>>, vector<16xf32>,
        %mul3A_1166 = arith.mulf %get3A_1165, %gather3A_1137 : vector<16xf32>
        %swap3A_1167 = arith.index_cast %add3A_1141 : i32 to index
        %swap3A_1168 = arith.constant 48 : index
        %swap3A_1169 = tpu.vector_load %arg21[%swap3A_1167, %swap3A_1168] {strides = array<i32>} : memref<128x128xf32, #tpu.memory_space<vmem>>, vector<16xf32>,
        tpu.vector_store %arg21[%swap3A_1167, %swap3A_1168], %mul3A_1166 {strides = array<i32>} : memref<128x128xf32, #tpu.memory_space<vmem>>, vector<16xf32>,
        %get3A_1170 = arith.index_cast %add3A_1141 : i32 to index
        %get3A_1171 = arith.constant 64 : index
        %get3A_1172 = tpu.vector_load %arg21[%get3A_1170, %get3A_1171] {strides = array<i32>} : memref<128x128xf32, #tpu.memory_space<vmem>>, vector<16xf32>,
        %mul3A_1173 = arith.mulf %get3A_1172, %gather3A_1137 : vector<16xf32>
        %swap3A_1174 = arith.index_cast %add3A_1141 : i32 to index
        %swap3A_1175 = arith.constant 64 : index
        %swap3A_1176 = tpu.vector_load %arg21[%swap3A_1174, %swap3A_1175] {strides = array<i32>} : memref<128x128xf32, #tpu.memory_space<vmem>>, vector<16xf32>,
        tpu.vector_store %arg21[%swap3A_1174, %swap3A_1175], %mul3A_1173 {strides = array<i32>} : memref<128x128xf32, #tpu.memory_space<vmem>>, vector<16xf32>,
        %get3A_1177 = arith.index_cast %add3A_1141 : i32 to index
        %get3A_1178 = arith.constant 80 : index
        %get3A_1179 = tpu.vector_load %arg21[%get3A_1177, %get3A_1178] {strides = array<i32>} : memref<128x128xf32, #tpu.memory_space<vmem>>, vector<16xf32>,
        %mul3A_1180 = arith.mulf %get3A_1179, %gather3A_1137 : vector<16xf32>
        %swap3A_1181 = arith.index_cast %add3A_1141 : i32 to index
        %swap3A_1182 = arith.constant 80 : index
        %swap3A_1183 = tpu.vector_load %arg21[%swap3A_1181, %swap3A_1182] {strides = array<i32>} : memref<128x128xf32, #tpu.memory_space<vmem>>, vector<16xf32>,
        tpu.vector_store %arg21[%swap3A_1181, %swap3A_1182], %mul3A_1180 {strides = array<i32>} : memref<128x128xf32, #tpu.memory_space<vmem>>, vector<16xf32>,
        %get3A_1184 = arith.index_cast %add3A_1141 : i32 to index
        %get3A_1185 = arith.constant 96 : index
        %get3A_1186 = tpu.vector_load %arg21[%get3A_1184, %get3A_1185] {strides = array<i32>} : memref<128x128xf32, #tpu.memory_space<vmem>>, vector<16xf32>,
        %mul3A_1187 = arith.mulf %get3A_1186, %gather3A_1137 : vector<16xf32>
        %swap3A_1188 = arith.index_cast %add3A_1141 : i32 to index
        %swap3A_1189 = arith.constant 96 : index
        %swap3A_1190 = tpu.vector_load %arg21[%swap3A_1188, %swap3A_1189] {strides = array<i32>} : memref<128x128xf32, #tpu.memory_space<vmem>>, vector<16xf32>,
        tpu.vector_store %arg21[%swap3A_1188, %swap3A_1189], %mul3A_1187 {strides = array<i32>} : memref<128x128xf32, #tpu.memory_space<vmem>>, vector<16xf32>,
        %get3A_1191 = arith.index_cast %add3A_1141 : i32 to index
        %get3A_1192 = arith.constant 112 : index
        %get3A_1193 = tpu.vector_load %arg21[%get3A_1191, %get3A_1192] {strides = array<i32>} : memref<128x128xf32, #tpu.memory_space<vmem>>, vector<16xf32>,
        %mul3A_1194 = arith.mulf %get3A_1193, %gather3A_1137 : vector<16xf32>
        %swap3A_1195 = arith.index_cast %add3A_1141 : i32 to index
        %swap3A_1196 = arith.constant 112 : index
        %swap3A_1197 = tpu.vector_load %arg21[%swap3A_1195, %swap3A_1196] {strides = array<i32>} : memref<128x128xf32, #tpu.memory_space<vmem>>, vector<16xf32>,
        tpu.vector_store %arg21[%swap3A_1195, %swap3A_1196], %mul3A_1194 {strides = array<i32>} : memref<128x128xf32, #tpu.memory_space<vmem>>, vector<16xf32>,
        %broadcast_in_dim3A_1198 = arith.constant 13 : i32
        %broadcast_in_dim3A_1199 = vector.broadcast %broadcast_in_dim3A_1198 : i32 to vector<16x1xi32>
        %gather3A_1200 = vector.shape_cast %broadcast_in_dim3A_1199 : vector<16x1xi32> to vector<16xi32>
        %gather3A_1201 = tpu.dynamic_gather %get3A_367[%gather3A_1200] in [0] : vector<16xf32>, vector<16xi32> -> vector<16xf32>
        %mul3A_1202 = arith.constant 16 : i32
        %mul3A_1203 = arith.muli %scan3A_363, %mul3A_1202 : i32
        %add3A_1204 = arith.constant 13 : i32
        %add3A_1205 = arith.addi %mul3A_1203, %add3A_1204 : i32
        %get3A_1206 = arith.index_cast %add3A_1205 : i32 to index
        %get3A_1207 = arith.constant 0 : index
        %get3A_1208 = tpu.vector_load %arg21[%get3A_1206, %get3A_1207] {strides = array<i32>} : memref<128x128xf32, #tpu.memory_space<vmem>>, vector<16xf32>,
        %mul3A_1209 = arith.mulf %get3A_1208, %gather3A_1201 : vector<16xf32>
        %swap3A_1210 = arith.index_cast %add3A_1205 : i32 to index
        %swap3A_1211 = arith.constant 0 : index
        %swap3A_1212 = tpu.vector_load %arg21[%swap3A_1210, %swap3A_1211] {strides = array<i32>} : memref<128x128xf32, #tpu.memory_space<vmem>>, vector<16xf32>,
        tpu.vector_store %arg21[%swap3A_1210, %swap3A_1211], %mul3A_1209 {strides = array<i32>} : memref<128x128xf32, #tpu.memory_space<vmem>>, vector<16xf32>,
        %get3A_1213 = arith.index_cast %add3A_1205 : i32 to index
        %get3A_1214 = arith.constant 16 : index
        %get3A_1215 = tpu.vector_load %arg21[%get3A_1213, %get3A_1214] {strides = array<i32>} : memref<128x128xf32, #tpu.memory_space<vmem>>, vector<16xf32>,
        %mul3A_1216 = arith.mulf %get3A_1215, %gather3A_1201 : vector<16xf32>
        %swap3A_1217 = arith.index_cast %add3A_1205 : i32 to index
        %swap3A_1218 = arith.constant 16 : index
        %swap3A_1219 = tpu.vector_load %arg21[%swap3A_1217, %swap3A_1218] {strides = array<i32>} : memref<128x128xf32, #tpu.memory_space<vmem>>, vector<16xf32>,
        tpu.vector_store %arg21[%swap3A_1217, %swap3A_1218], %mul3A_1216 {strides = array<i32>} : memref<128x128xf32, #tpu.memory_space<vmem>>, vector<16xf32>,
        %get3A_1220 = arith.index_cast %add3A_1205 : i32 to index
        %get3A_1221 = arith.constant 32 : index
        %get3A_1222 = tpu.vector_load %arg21[%get3A_1220, %get3A_1221] {strides = array<i32>} : memref<128x128xf32, #tpu.memory_space<vmem>>, vector<16xf32>,
        %mul3A_1223 = arith.mulf %get3A_1222, %gather3A_1201 : vector<16xf32>
        %swap3A_1224 = arith.index_cast %add3A_1205 : i32 to index
        %swap3A_1225 = arith.constant 32 : index
        %swap3A_1226 = tpu.vector_load %arg21[%swap3A_1224, %swap3A_1225] {strides = array<i32>} : memref<128x128xf32, #tpu.memory_space<vmem>>, vector<16xf32>,
        tpu.vector_store %arg21[%swap3A_1224, %swap3A_1225], %mul3A_1223 {strides = array<i32>} : memref<128x128xf32, #tpu.memory_space<vmem>>, vector<16xf32>,
        %get3A_1227 = arith.index_cast %add3A_1205 : i32 to index
        %get3A_1228 = arith.constant 48 : index
        %get3A_1229 = tpu.vector_load %arg21[%get3A_1227, %get3A_1228] {strides = array<i32>} : memref<128x128xf32, #tpu.memory_space<vmem>>, vector<16xf32>,
        %mul3A_1230 = arith.mulf %get3A_1229, %gather3A_1201 : vector<16xf32>
        %swap3A_1231 = arith.index_cast %add3A_1205 : i32 to index
        %swap3A_1232 = arith.constant 48 : index
        %swap3A_1233 = tpu.vector_load %arg21[%swap3A_1231, %swap3A_1232] {strides = array<i32>} : memref<128x128xf32, #tpu.memory_space<vmem>>, vector<16xf32>,
        tpu.vector_store %arg21[%swap3A_1231, %swap3A_1232], %mul3A_1230 {strides = array<i32>} : memref<128x128xf32, #tpu.memory_space<vmem>>, vector<16xf32>,
        %get3A_1234 = arith.index_cast %add3A_1205 : i32 to index
        %get3A_1235 = arith.constant 64 : index
        %get3A_1236 = tpu.vector_load %arg21[%get3A_1234, %get3A_1235] {strides = array<i32>} : memref<128x128xf32, #tpu.memory_space<vmem>>, vector<16xf32>,
        %mul3A_1237 = arith.mulf %get3A_1236, %gather3A_1201 : vector<16xf32>
        %swap3A_1238 = arith.index_cast %add3A_1205 : i32 to index
        %swap3A_1239 = arith.constant 64 : index
        %swap3A_1240 = tpu.vector_load %arg21[%swap3A_1238, %swap3A_1239] {strides = array<i32>} : memref<128x128xf32, #tpu.memory_space<vmem>>, vector<16xf32>,
        tpu.vector_store %arg21[%swap3A_1238, %swap3A_1239], %mul3A_1237 {strides = array<i32>} : memref<128x128xf32, #tpu.memory_space<vmem>>, vector<16xf32>,
        %get3A_1241 = arith.index_cast %add3A_1205 : i32 to index
        %get3A_1242 = arith.constant 80 : index
        %get3A_1243 = tpu.vector_load %arg21[%get3A_1241, %get3A_1242] {strides = array<i32>} : memref<128x128xf32, #tpu.memory_space<vmem>>, vector<16xf32>,
        %mul3A_1244 = arith.mulf %get3A_1243, %gather3A_1201 : vector<16xf32>
        %swap3A_1245 = arith.index_cast %add3A_1205 : i32 to index
        %swap3A_1246 = arith.constant 80 : index
        %swap3A_1247 = tpu.vector_load %arg21[%swap3A_1245, %swap3A_1246] {strides = array<i32>} : memref<128x128xf32, #tpu.memory_space<vmem>>, vector<16xf32>,
        tpu.vector_store %arg21[%swap3A_1245, %swap3A_1246], %mul3A_1244 {strides = array<i32>} : memref<128x128xf32, #tpu.memory_space<vmem>>, vector<16xf32>,
        %get3A_1248 = arith.index_cast %add3A_1205 : i32 to index
        %get3A_1249 = arith.constant 96 : index
        %get3A_1250 = tpu.vector_load %arg21[%get3A_1248, %get3A_1249] {strides = array<i32>} : memref<128x128xf32, #tpu.memory_space<vmem>>, vector<16xf32>,
        %mul3A_1251 = arith.mulf %get3A_1250, %gather3A_1201 : vector<16xf32>
        %swap3A_1252 = arith.index_cast %add3A_1205 : i32 to index
        %swap3A_1253 = arith.constant 96 : index
        %swap3A_1254 = tpu.vector_load %arg21[%swap3A_1252, %swap3A_1253] {strides = array<i32>} : memref<128x128xf32, #tpu.memory_space<vmem>>, vector<16xf32>,
        tpu.vector_store %arg21[%swap3A_1252, %swap3A_1253], %mul3A_1251 {strides = array<i32>} : memref<128x128xf32, #tpu.memory_space<vmem>>, vector<16xf32>,
        %get3A_1255 = arith.index_cast %add3A_1205 : i32 to index
        %get3A_1256 = arith.constant 112 : index
        %get3A_1257 = tpu.vector_load %arg21[%get3A_1255, %get3A_1256] {strides = array<i32>} : memref<128x128xf32, #tpu.memory_space<vmem>>, vector<16xf32>,
        %mul3A_1258 = arith.mulf %get3A_1257, %gather3A_1201 : vector<16xf32>
        %swap3A_1259 = arith.index_cast %add3A_1205 : i32 to index
        %swap3A_1260 = arith.constant 112 : index
        %swap3A_1261 = tpu.vector_load %arg21[%swap3A_1259, %swap3A_1260] {strides = array<i32>} : memref<128x128xf32, #tpu.memory_space<vmem>>, vector<16xf32>,
        tpu.vector_store %arg21[%swap3A_1259, %swap3A_1260], %mul3A_1258 {strides = array<i32>} : memref<128x128xf32, #tpu.memory_space<vmem>>, vector<16xf32>,
        %broadcast_in_dim3A_1262 = arith.constant 14 : i32
        %broadcast_in_dim3A_1263 = vector.broadcast %broadcast_in_dim3A_1262 : i32 to vector<16x1xi32>
        %gather3A_1264 = vector.shape_cast %broadcast_in_dim3A_1263 : vector<16x1xi32> to vector<16xi32>
        %gather3A_1265 = tpu.dynamic_gather %get3A_367[%gather3A_1264] in [0] : vector<16xf32>, vector<16xi32> -> vector<16xf32>
        %mul3A_1266 = arith.constant 16 : i32
        %mul3A_1267 = arith.muli %scan3A_363, %mul3A_1266 : i32
        %add3A_1268 = arith.constant 14 : i32
        %add3A_1269 = arith.addi %mul3A_1267, %add3A_1268 : i32
        %get3A_1270 = arith.index_cast %add3A_1269 : i32 to index
        %get3A_1271 = arith.constant 0 : index
        %get3A_1272 = tpu.vector_load %arg21[%get3A_1270, %get3A_1271] {strides = array<i32>} : memref<128x128xf32, #tpu.memory_space<vmem>>, vector<16xf32>,
        %mul3A_1273 = arith.mulf %get3A_1272, %gather3A_1265 : vector<16xf32>
        %swap3A_1274 = arith.index_cast %add3A_1269 : i32 to index
        %swap3A_1275 = arith.constant 0 : index
        %swap3A_1276 = tpu.vector_load %arg21[%swap3A_1274, %swap3A_1275] {strides = array<i32>} : memref<128x128xf32, #tpu.memory_space<vmem>>, vector<16xf32>,
        tpu.vector_store %arg21[%swap3A_1274, %swap3A_1275], %mul3A_1273 {strides = array<i32>} : memref<128x128xf32, #tpu.memory_space<vmem>>, vector<16xf32>,
        %get3A_1277 = arith.index_cast %add3A_1269 : i32 to index
        %get3A_1278 = arith.constant 16 : index
        %get3A_1279 = tpu.vector_load %arg21[%get3A_1277, %get3A_1278] {strides = array<i32>} : memref<128x128xf32, #tpu.memory_space<vmem>>, vector<16xf32>,
        %mul3A_1280 = arith.mulf %get3A_1279, %gather3A_1265 : vector<16xf32>
        %swap3A_1281 = arith.index_cast %add3A_1269 : i32 to index
        %swap3A_1282 = arith.constant 16 : index
        %swap3A_1283 = tpu.vector_load %arg21[%swap3A_1281, %swap3A_1282] {strides = array<i32>} : memref<128x128xf32, #tpu.memory_space<vmem>>, vector<16xf32>,
        tpu.vector_store %arg21[%swap3A_1281, %swap3A_1282], %mul3A_1280 {strides = array<i32>} : memref<128x128xf32, #tpu.memory_space<vmem>>, vector<16xf32>,
        %get3A_1284 = arith.index_cast %add3A_1269 : i32 to index
        %get3A_1285 = arith.constant 32 : index
        %get3A_1286 = tpu.vector_load %arg21[%get3A_1284, %get3A_1285] {strides = array<i32>} : memref<128x128xf32, #tpu.memory_space<vmem>>, vector<16xf32>,
        %mul3A_1287 = arith.mulf %get3A_1286, %gather3A_1265 : vector<16xf32>
        %swap3A_1288 = arith.index_cast %add3A_1269 : i32 to index
        %swap3A_1289 = arith.constant 32 : index
        %swap3A_1290 = tpu.vector_load %arg21[%swap3A_1288, %swap3A_1289] {strides = array<i32>} : memref<128x128xf32, #tpu.memory_space<vmem>>, vector<16xf32>,
        tpu.vector_store %arg21[%swap3A_1288, %swap3A_1289], %mul3A_1287 {strides = array<i32>} : memref<128x128xf32, #tpu.memory_space<vmem>>, vector<16xf32>,
        %get3A_1291 = arith.index_cast %add3A_1269 : i32 to index
        %get3A_1292 = arith.constant 48 : index
        %get3A_1293 = tpu.vector_load %arg21[%get3A_1291, %get3A_1292] {strides = array<i32>} : memref<128x128xf32, #tpu.memory_space<vmem>>, vector<16xf32>,
        %mul3A_1294 = arith.mulf %get3A_1293, %gather3A_1265 : vector<16xf32>
        %swap3A_1295 = arith.index_cast %add3A_1269 : i32 to index
        %swap3A_1296 = arith.constant 48 : index
        %swap3A_1297 = tpu.vector_load %arg21[%swap3A_1295, %swap3A_1296] {strides = array<i32>} : memref<128x128xf32, #tpu.memory_space<vmem>>, vector<16xf32>,
        tpu.vector_store %arg21[%swap3A_1295, %swap3A_1296], %mul3A_1294 {strides = array<i32>} : memref<128x128xf32, #tpu.memory_space<vmem>>, vector<16xf32>,
        %get3A_1298 = arith.index_cast %add3A_1269 : i32 to index
        %get3A_1299 = arith.constant 64 : index
        %get3A_1300 = tpu.vector_load %arg21[%get3A_1298, %get3A_1299] {strides = array<i32>} : memref<128x128xf32, #tpu.memory_space<vmem>>, vector<16xf32>,
        %mul3A_1301 = arith.mulf %get3A_1300, %gather3A_1265 : vector<16xf32>
        %swap3A_1302 = arith.index_cast %add3A_1269 : i32 to index
        %swap3A_1303 = arith.constant 64 : index
        %swap3A_1304 = tpu.vector_load %arg21[%swap3A_1302, %swap3A_1303] {strides = array<i32>} : memref<128x128xf32, #tpu.memory_space<vmem>>, vector<16xf32>,
        tpu.vector_store %arg21[%swap3A_1302, %swap3A_1303], %mul3A_1301 {strides = array<i32>} : memref<128x128xf32, #tpu.memory_space<vmem>>, vector<16xf32>,
        %get3A_1305 = arith.index_cast %add3A_1269 : i32 to index
        %get3A_1306 = arith.constant 80 : index
        %get3A_1307 = tpu.vector_load %arg21[%get3A_1305, %get3A_1306] {strides = array<i32>} : memref<128x128xf32, #tpu.memory_space<vmem>>, vector<16xf32>,
        %mul3A_1308 = arith.mulf %get3A_1307, %gather3A_1265 : vector<16xf32>
        %swap3A_1309 = arith.index_cast %add3A_1269 : i32 to index
        %swap3A_1310 = arith.constant 80 : index
        %swap3A_1311 = tpu.vector_load %arg21[%swap3A_1309, %swap3A_1310] {strides = array<i32>} : memref<128x128xf32, #tpu.memory_space<vmem>>, vector<16xf32>,
        tpu.vector_store %arg21[%swap3A_1309, %swap3A_1310], %mul3A_1308 {strides = array<i32>} : memref<128x128xf32, #tpu.memory_space<vmem>>, vector<16xf32>,
        %get3A_1312 = arith.index_cast %add3A_1269 : i32 to index
        %get3A_1313 = arith.constant 96 : index
        %get3A_1314 = tpu.vector_load %arg21[%get3A_1312, %get3A_1313] {strides = array<i32>} : memref<128x128xf32, #tpu.memory_space<vmem>>, vector<16xf32>,
        %mul3A_1315 = arith.mulf %get3A_1314, %gather3A_1265 : vector<16xf32>
        %swap3A_1316 = arith.index_cast %add3A_1269 : i32 to index
        %swap3A_1317 = arith.constant 96 : index
        %swap3A_1318 = tpu.vector_load %arg21[%swap3A_1316, %swap3A_1317] {strides = array<i32>} : memref<128x128xf32, #tpu.memory_space<vmem>>, vector<16xf32>,
        tpu.vector_store %arg21[%swap3A_1316, %swap3A_1317], %mul3A_1315 {strides = array<i32>} : memref<128x128xf32, #tpu.memory_space<vmem>>, vector<16xf32>,
        %get3A_1319 = arith.index_cast %add3A_1269 : i32 to index
        %get3A_1320 = arith.constant 112 : index
        %get3A_1321 = tpu.vector_load %arg21[%get3A_1319, %get3A_1320] {strides = array<i32>} : memref<128x128xf32, #tpu.memory_space<vmem>>, vector<16xf32>,
        %mul3A_1322 = arith.mulf %get3A_1321, %gather3A_1265 : vector<16xf32>
        %swap3A_1323 = arith.index_cast %add3A_1269 : i32 to index
        %swap3A_1324 = arith.constant 112 : index
        %swap3A_1325 = tpu.vector_load %arg21[%swap3A_1323, %swap3A_1324] {strides = array<i32>} : memref<128x128xf32, #tpu.memory_space<vmem>>, vector<16xf32>,
        tpu.vector_store %arg21[%swap3A_1323, %swap3A_1324], %mul3A_1322 {strides = array<i32>} : memref<128x128xf32, #tpu.memory_space<vmem>>, vector<16xf32>,
        %broadcast_in_dim3A_1326 = arith.constant 15 : i32
        %broadcast_in_dim3A_1327 = vector.broadcast %broadcast_in_dim3A_1326 : i32 to vector<16x1xi32>
        %gather3A_1328 = vector.shape_cast %broadcast_in_dim3A_1327 : vector<16x1xi32> to vector<16xi32>
        %gather3A_1329 = tpu.dynamic_gather %get3A_367[%gather3A_1328] in [0] : vector<16xf32>, vector<16xi32> -> vector<16xf32>
        %mul3A_1330 = arith.constant 16 : i32
        %mul3A_1331 = arith.muli %scan3A_363, %mul3A_1330 : i32
        %add3A_1332 = arith.constant 15 : i32
        %add3A_1333 = arith.addi %mul3A_1331, %add3A_1332 : i32
        %get3A_1334 = arith.index_cast %add3A_1333 : i32 to index
        %get3A_1335 = arith.constant 0 : index
        %get3A_1336 = tpu.vector_load %arg21[%get3A_1334, %get3A_1335] {strides = array<i32>} : memref<128x128xf32, #tpu.memory_space<vmem>>, vector<16xf32>,
        %mul3A_1337 = arith.mulf %get3A_1336, %gather3A_1329 : vector<16xf32>
        %swap3A_1338 = arith.index_cast %add3A_1333 : i32 to index
        %swap3A_1339 = arith.constant 0 : index
        %swap3A_1340 = tpu.vector_load %arg21[%swap3A_1338, %swap3A_1339] {strides = array<i32>} : memref<128x128xf32, #tpu.memory_space<vmem>>, vector<16xf32>,
        tpu.vector_store %arg21[%swap3A_1338, %swap3A_1339], %mul3A_1337 {strides = array<i32>} : memref<128x128xf32, #tpu.memory_space<vmem>>, vector<16xf32>,
        %get3A_1341 = arith.index_cast %add3A_1333 : i32 to index
        %get3A_1342 = arith.constant 16 : index
        %get3A_1343 = tpu.vector_load %arg21[%get3A_1341, %get3A_1342] {strides = array<i32>} : memref<128x128xf32, #tpu.memory_space<vmem>>, vector<16xf32>,
        %mul3A_1344 = arith.mulf %get3A_1343, %gather3A_1329 : vector<16xf32>
        %swap3A_1345 = arith.index_cast %add3A_1333 : i32 to index
        %swap3A_1346 = arith.constant 16 : index
        %swap3A_1347 = tpu.vector_load %arg21[%swap3A_1345, %swap3A_1346] {strides = array<i32>} : memref<128x128xf32, #tpu.memory_space<vmem>>, vector<16xf32>,
        tpu.vector_store %arg21[%swap3A_1345, %swap3A_1346], %mul3A_1344 {strides = array<i32>} : memref<128x128xf32, #tpu.memory_space<vmem>>, vector<16xf32>,
        %get3A_1348 = arith.index_cast %add3A_1333 : i32 to index
        %get3A_1349 = arith.constant 32 : index
        %get3A_1350 = tpu.vector_load %arg21[%get3A_1348, %get3A_1349] {strides = array<i32>} : memref<128x128xf32, #tpu.memory_space<vmem>>, vector<16xf32>,
        %mul3A_1351 = arith.mulf %get3A_1350, %gather3A_1329 : vector<16xf32>
        %swap3A_1352 = arith.index_cast %add3A_1333 : i32 to index
        %swap3A_1353 = arith.constant 32 : index
        %swap3A_1354 = tpu.vector_load %arg21[%swap3A_1352, %swap3A_1353] {strides = array<i32>} : memref<128x128xf32, #tpu.memory_space<vmem>>, vector<16xf32>,
        tpu.vector_store %arg21[%swap3A_1352, %swap3A_1353], %mul3A_1351 {strides = array<i32>} : memref<128x128xf32, #tpu.memory_space<vmem>>, vector<16xf32>,
        %get3A_1355 = arith.index_cast %add3A_1333 : i32 to index
        %get3A_1356 = arith.constant 48 : index
        %get3A_1357 = tpu.vector_load %arg21[%get3A_1355, %get3A_1356] {strides = array<i32>} : memref<128x128xf32, #tpu.memory_space<vmem>>, vector<16xf32>,
        %mul3A_1358 = arith.mulf %get3A_1357, %gather3A_1329 : vector<16xf32>
        %swap3A_1359 = arith.index_cast %add3A_1333 : i32 to index
        %swap3A_1360 = arith.constant 48 : index
        %swap3A_1361 = tpu.vector_load %arg21[%swap3A_1359, %swap3A_1360] {strides = array<i32>} : memref<128x128xf32, #tpu.memory_space<vmem>>, vector<16xf32>,
        tpu.vector_store %arg21[%swap3A_1359, %swap3A_1360], %mul3A_1358 {strides = array<i32>} : memref<128x128xf32, #tpu.memory_space<vmem>>, vector<16xf32>,
        %get3A_1362 = arith.index_cast %add3A_1333 : i32 to index
        %get3A_1363 = arith.constant 64 : index
        %get3A_1364 = tpu.vector_load %arg21[%get3A_1362, %get3A_1363] {strides = array<i32>} : memref<128x128xf32, #tpu.memory_space<vmem>>, vector<16xf32>,
        %mul3A_1365 = arith.mulf %get3A_1364, %gather3A_1329 : vector<16xf32>
        %swap3A_1366 = arith.index_cast %add3A_1333 : i32 to index
        %swap3A_1367 = arith.constant 64 : index
        %swap3A_1368 = tpu.vector_load %arg21[%swap3A_1366, %swap3A_1367] {strides = array<i32>} : memref<128x128xf32, #tpu.memory_space<vmem>>, vector<16xf32>,
        tpu.vector_store %arg21[%swap3A_1366, %swap3A_1367], %mul3A_1365 {strides = array<i32>} : memref<128x128xf32, #tpu.memory_space<vmem>>, vector<16xf32>,
        %get3A_1369 = arith.index_cast %add3A_1333 : i32 to index
        %get3A_1370 = arith.constant 80 : index
        %get3A_1371 = tpu.vector_load %arg21[%get3A_1369, %get3A_1370] {strides = array<i32>} : memref<128x128xf32, #tpu.memory_space<vmem>>, vector<16xf32>,
        %mul3A_1372 = arith.mulf %get3A_1371, %gather3A_1329 : vector<16xf32>
        %swap3A_1373 = arith.index_cast %add3A_1333 : i32 to index
        %swap3A_1374 = arith.constant 80 : index
        %swap3A_1375 = tpu.vector_load %arg21[%swap3A_1373, %swap3A_1374] {strides = array<i32>} : memref<128x128xf32, #tpu.memory_space<vmem>>, vector<16xf32>,
        tpu.vector_store %arg21[%swap3A_1373, %swap3A_1374], %mul3A_1372 {strides = array<i32>} : memref<128x128xf32, #tpu.memory_space<vmem>>, vector<16xf32>,
        %get3A_1376 = arith.index_cast %add3A_1333 : i32 to index
        %get3A_1377 = arith.constant 96 : index
        %get3A_1378 = tpu.vector_load %arg21[%get3A_1376, %get3A_1377] {strides = array<i32>} : memref<128x128xf32, #tpu.memory_space<vmem>>, vector<16xf32>,
        %mul3A_1379 = arith.mulf %get3A_1378, %gather3A_1329 : vector<16xf32>
        %swap3A_1380 = arith.index_cast %add3A_1333 : i32 to index
        %swap3A_1381 = arith.constant 96 : index
        %swap3A_1382 = tpu.vector_load %arg21[%swap3A_1380, %swap3A_1381] {strides = array<i32>} : memref<128x128xf32, #tpu.memory_space<vmem>>, vector<16xf32>,
        tpu.vector_store %arg21[%swap3A_1380, %swap3A_1381], %mul3A_1379 {strides = array<i32>} : memref<128x128xf32, #tpu.memory_space<vmem>>, vector<16xf32>,
        %get3A_1383 = arith.index_cast %add3A_1333 : i32 to index
        %get3A_1384 = arith.constant 112 : index
        %get3A_1385 = tpu.vector_load %arg21[%get3A_1383, %get3A_1384] {strides = array<i32>} : memref<128x128xf32, #tpu.memory_space<vmem>>, vector<16xf32>,
        %mul3A_1386 = arith.mulf %get3A_1385, %gather3A_1329 : vector<16xf32>
        %swap3A_1387 = arith.index_cast %add3A_1333 : i32 to index
        %swap3A_1388 = arith.constant 112 : index
        %swap3A_1389 = tpu.vector_load %arg21[%swap3A_1387, %swap3A_1388] {strides = array<i32>} : memref<128x128xf32, #tpu.memory_space<vmem>>, vector<16xf32>,
        tpu.vector_store %arg21[%swap3A_1387, %swap3A_1388], %mul3A_1386 {strides = array<i32>} : memref<128x128xf32, #tpu.memory_space<vmem>>, vector<16xf32>,
      }
      %scan3A_322 = arith.constant 8 : i32
      %dma_start3A_323 = arith.constant 0 : i32
      %dma_start3A_324 = tpu.memref_slice %arg16[%add3A_299, %dma_start3A_323] : memref<40x128xi32, #tpu.memory_space<vmem>> -> memref<1x128xi32, #tpu.memory_space<vmem>>
      %dma_start3A_325 = tpu.memref_squeeze %dma_start3A_324 : memref<1x128xi32, #tpu.memory_space<vmem>> -> memref<128xi32, #tpu.memory_space<vmem>>
      %dma_start3A_326 = arith.constant 0 : i32
      %dma_start3A_327 = arith.constant 0 : i32
      %dma_start3A_328 = tpu.memref_slice %arg29[%dma_start3A_326, %dma_start3A_327] : memref<10016x128xf32, #tpu.memory_space<vmem_shared>> -> memref<10016x128xf32, #tpu.memory_space<vmem_shared>>
      tpu.enqueue_indirect_dma source(%arg21 : memref<128x128xf32, #tpu.memory_space<vmem>>) target(%dma_start3A_328 : memref<10016x128xf32, #tpu.memory_space<vmem_shared>>) offsets(%dma_start3A_325 : memref<128xi32, #tpu.memory_space<vmem>>) semaphore(%arg25 : memref<!tpu.dma_semaphore, #tpu.memory_space<semaphore_mem>>) {add = true}
      %mul3A_329 = arith.constant 2 : i32
      %mul3A_330 = arith.muli %scan3A_295, %mul3A_329 : i32
      %add3A_331 = arith.constant 1 : i32
      %add3A_332 = arith.addi %mul3A_330, %add3A_331 : i32
      %ge3A_333 = arith.constant 1 : i32
      %ge3A_334 = arith.cmpi sge, %add3A_332, %ge3A_333 : i32
      %convert_element_type3A_335 = arith.extui %ge3A_334 : i1 to i32
      %cond3A_336 = arith.constant 0 : i32
      %cond3A_337 = arith.cmpi ne, %convert_element_type3A_335, %cond3A_336 : i32
      scf.if %cond3A_337 {
        %sub3A_363 = arith.constant 1 : i32
        %sub3A_364 = arith.subi %add3A_332, %sub3A_363 : i32
        %dma_wait3A_365 = arith.constant 0 : i32
        %dma_wait3A_366 = tpu.memref_slice %arg16[%sub3A_364, %dma_wait3A_365] : memref<40x128xi32, #tpu.memory_space<vmem>> -> memref<1x128xi32, #tpu.memory_space<vmem>>
        %dma_wait3A_367 = tpu.memref_squeeze %dma_wait3A_366 : memref<1x128xi32, #tpu.memory_space<vmem>> -> memref<128xi32, #tpu.memory_space<vmem>>
        %dma_wait3A_368 = arith.constant 0 : i32
        %dma_wait3A_369 = arith.constant 0 : i32
        %dma_wait3A_370 = tpu.memref_slice %arg29[%dma_wait3A_368, %dma_wait3A_369] : memref<10016x128xf32, #tpu.memory_space<vmem_shared>> -> memref<10016x128xf32, #tpu.memory_space<vmem_shared>>
        tpu.wait_indirect_dma semaphore(%arg25 : memref<!tpu.dma_semaphore, #tpu.memory_space<semaphore_mem>>) src(%arg21 : memref<128x128xf32, #tpu.memory_space<vmem>>) dst(%dma_wait3A_370 : memref<10016x128xf32, #tpu.memory_space<vmem_shared>>)
      } else {
      }
      %add3A_338 = arith.constant 1 : i32
      %add3A_339 = arith.addi %add3A_332, %add3A_338 : i32
      %lt3A_340 = arith.constant 40 : i32
      %lt3A_341 = arith.cmpi slt, %add3A_339, %lt3A_340 : i32
      %convert_element_type3A_342 = arith.extui %lt3A_341 : i1 to i32
      %cond3A_343 = arith.constant 0 : i32
      %cond3A_344 = arith.cmpi ne, %convert_element_type3A_342, %cond3A_343 : i32
      scf.if %cond3A_344 {
        %add3A_363 = arith.constant 1 : i32
        %add3A_364 = arith.addi %add3A_332, %add3A_363 : i32
        %dma_start3A_365 = arith.constant 0 : i32
        %dma_start3A_366 = tpu.memref_slice %arg18[%add3A_364, %dma_start3A_365] : memref<40x128xi32, #tpu.memory_space<vmem>> -> memref<1x128xi32, #tpu.memory_space<vmem>>
        %dma_start3A_367 = tpu.memref_squeeze %dma_start3A_366 : memref<1x128xi32, #tpu.memory_space<vmem>> -> memref<128xi32, #tpu.memory_space<vmem>>
        %dma_start3A_368 = arith.constant 0 : i32
        %dma_start3A_369 = arith.constant 0 : i32
        %dma_start3A_370 = tpu.memref_slice %arg2[%dma_start3A_368, %dma_start3A_369] : memref<10240x128xf32, #tpu.memory_space<hbm>> -> memref<10240x128xf32, #tpu.memory_space<hbm>>
        tpu.enqueue_indirect_dma source(%dma_start3A_370 : memref<10240x128xf32, #tpu.memory_space<hbm>>) target(%arg21 : memref<128x128xf32, #tpu.memory_space<vmem>>) offsets(%dma_start3A_367 : memref<128xi32, #tpu.memory_space<vmem>>) semaphore(%arg23 : memref<!tpu.dma_semaphore, #tpu.memory_space<semaphore_mem>>)
        %add3A_371 = arith.constant 1 : i32
        %add3A_372 = arith.addi %add3A_332, %add3A_371 : i32
        "tpu.region"() ({
          %run_scoped3A_613 = tpu.sem_alloc : memref<!tpu.dma_semaphore, #tpu.memory_space<semaphore_mem>>
          %dma_start3A_614 = arith.constant 0 : i32
          %dma_start3A_615 = tpu.memref_slice %arg16[%add3A_372, %dma_start3A_614] : memref<40x128xi32, #tpu.memory_space<vmem>> -> memref<1x128xi32, #tpu.memory_space<vmem>>
          %dma_start3A_616 = tpu.memref_squeeze %dma_start3A_615 : memref<1x128xi32, #tpu.memory_space<vmem>> -> memref<128xi32, #tpu.memory_space<vmem>>
          %dma_start3A_617 = arith.constant 0 : i32
          %dma_start3A_618 = tpu.memref_slice %arg27[%dma_start3A_617] : memref<10240xf32, #tpu.memory_space<vmem_shared>> -> memref<10240xf32, #tpu.memory_space<vmem_shared>>
          tpu.enqueue_indirect_dma source(%dma_start3A_618 : memref<10240xf32, #tpu.memory_space<vmem_shared>>) target(%arg19 : memref<128xf32, #tpu.memory_space<vmem>>) offsets(%dma_start3A_616 : memref<128xi32, #tpu.memory_space<vmem>>) semaphore(%run_scoped3A_613 : memref<!tpu.dma_semaphore, #tpu.memory_space<semaphore_mem>>)
          %dma_wait3A_619 = arith.constant 0 : i32
          %dma_wait3A_620 = tpu.memref_slice %arg16[%add3A_372, %dma_wait3A_619] : memref<40x128xi32, #tpu.memory_space<vmem>> -> memref<1x128xi32, #tpu.memory_space<vmem>>
          %dma_wait3A_621 = tpu.memref_squeeze %dma_wait3A_620 : memref<1x128xi32, #tpu.memory_space<vmem>> -> memref<128xi32, #tpu.memory_space<vmem>>
          %dma_wait3A_622 = arith.constant 0 : i32
          %dma_wait3A_623 = tpu.memref_slice %arg27[%dma_wait3A_622] : memref<10240xf32, #tpu.memory_space<vmem_shared>> -> memref<10240xf32, #tpu.memory_space<vmem_shared>>
          tpu.wait_indirect_dma semaphore(%run_scoped3A_613 : memref<!tpu.dma_semaphore, #tpu.memory_space<semaphore_mem>>) src(%dma_wait3A_623 : memref<10240xf32, #tpu.memory_space<vmem_shared>>) dst(%arg19 : memref<128xf32, #tpu.memory_space<vmem>>)
          tpu.yield
        }) : () -> ()
        "tpu.region"() ({
          %run_scoped3A_613 = tpu.sem_alloc : memref<!tpu.dma_semaphore, #tpu.memory_space<semaphore_mem>>
          %dma_start3A_614 = arith.constant 0 : i32
          %dma_start3A_615 = tpu.memref_slice %arg17[%add3A_372, %dma_start3A_614] : memref<40x128xi32, #tpu.memory_space<vmem>> -> memref<1x128xi32, #tpu.memory_space<vmem>>
          %dma_start3A_616 = tpu.memref_squeeze %dma_start3A_615 : memref<1x128xi32, #tpu.memory_space<vmem>> -> memref<128xi32, #tpu.memory_space<vmem>>
          %dma_start3A_617 = arith.constant 0 : i32
          %dma_start3A_618 = tpu.memref_slice %arg28[%dma_start3A_617] : memref<10240xf32, #tpu.memory_space<vmem_shared>> -> memref<10240xf32, #tpu.memory_space<vmem_shared>>
          tpu.enqueue_indirect_dma source(%dma_start3A_618 : memref<10240xf32, #tpu.memory_space<vmem_shared>>) target(%arg20 : memref<128xf32, #tpu.memory_space<vmem>>) offsets(%dma_start3A_616 : memref<128xi32, #tpu.memory_space<vmem>>) semaphore(%run_scoped3A_613 : memref<!tpu.dma_semaphore, #tpu.memory_space<semaphore_mem>>)
          %dma_wait3A_619 = arith.constant 0 : i32
          %dma_wait3A_620 = tpu.memref_slice %arg17[%add3A_372, %dma_wait3A_619] : memref<40x128xi32, #tpu.memory_space<vmem>> -> memref<1x128xi32, #tpu.memory_space<vmem>>
          %dma_wait3A_621 = tpu.memref_squeeze %dma_wait3A_620 : memref<1x128xi32, #tpu.memory_space<vmem>> -> memref<128xi32, #tpu.memory_space<vmem>>
          %dma_wait3A_622 = arith.constant 0 : i32
          %dma_wait3A_623 = tpu.memref_slice %arg28[%dma_wait3A_622] : memref<10240xf32, #tpu.memory_space<vmem_shared>> -> memref<10240xf32, #tpu.memory_space<vmem_shared>>
          tpu.wait_indirect_dma semaphore(%run_scoped3A_613 : memref<!tpu.dma_semaphore, #tpu.memory_space<semaphore_mem>>) src(%dma_wait3A_623 : memref<10240xf32, #tpu.memory_space<vmem_shared>>) dst(%arg20 : memref<128xf32, #tpu.memory_space<vmem>>)
          tpu.yield
        }) : () -> ()
        %get3A_373 = arith.constant 0 : index
        %get3A_374 = tpu.vector_load %arg19[%get3A_373] {strides = array<i32>} : memref<128xf32, #tpu.memory_space<vmem>>, vector<16xf32>,
        %get3A_375 = arith.constant 0 : index
        %get3A_376 = tpu.vector_load %arg20[%get3A_375] {strides = array<i32>} : memref<128xf32, #tpu.memory_space<vmem>>, vector<16xf32>,
        %add3A_377 = arith.addf %get3A_374, %get3A_376 : vector<16xf32>
        %max3A_378 = arith.constant 0.000000e+00 : f32
        %max3A_379 = vector.broadcast %max3A_378 : f32 to vector<16xf32>
        %max3A_380 = arith.maximumf %add3A_377, %max3A_379 : vector<16xf32>
        %min3A_381 = arith.constant 0.000000e+00 : f32
        %min3A_382 = vector.broadcast %min3A_381 : f32 to vector<16xf32>
        %min3A_383 = arith.minimumf %add3A_377, %min3A_382 : vector<16xf32>
        %mul3A_384 = arith.constant 0.00999999977 : f32
        %mul3A_385 = vector.broadcast %mul3A_384 : f32 to vector<16xf32>
        %mul3A_386 = arith.mulf %mul3A_385, %min3A_383 : vector<16xf32>
        %add3A_387 = arith.addf %max3A_380, %mul3A_386 : vector<16xf32>
        %add3A_388 = arith.addf %get3A_374, %get3A_25 : vector<16xf32>
        %max3A_389 = arith.constant 0.000000e+00 : f32
        %max3A_390 = vector.broadcast %max3A_389 : f32 to vector<16xf32>
        %max3A_391 = arith.maximumf %add3A_388, %max3A_390 : vector<16xf32>
        %min3A_392 = arith.constant 0.000000e+00 : f32
        %min3A_393 = vector.broadcast %min3A_392 : f32 to vector<16xf32>
        %min3A_394 = arith.minimumf %add3A_388, %min3A_393 : vector<16xf32>
        %mul3A_395 = arith.constant 0.00999999977 : f32
        %mul3A_396 = vector.broadcast %mul3A_395 : f32 to vector<16xf32>
        %mul3A_397 = arith.mulf %mul3A_396, %min3A_394 : vector<16xf32>
        %add3A_398 = arith.addf %max3A_391, %mul3A_397 : vector<16xf32>
        %sub3A_399 = arith.subf %add3A_387, %add3A_398 : vector<16xf32>
        %exp3A_400 = math.exp %sub3A_399 : vector<16xf32>
        %swap3A_401 = arith.constant 0 : index
        %swap3A_402 = tpu.vector_load %arg14[%swap3A_401] {strides = array<i32>} : memref<128xf32, #tpu.memory_space<vmem>>, vector<16xf32>,
        tpu.vector_store %arg14[%swap3A_401], %exp3A_400 {strides = array<i32>} : memref<128xf32, #tpu.memory_space<vmem>>, vector<16xf32>,
        %get3A_403 = arith.constant 16 : index
        %get3A_404 = tpu.vector_load %arg19[%get3A_403] {strides = array<i32>} : memref<128xf32, #tpu.memory_space<vmem>>, vector<16xf32>,
        %get3A_405 = arith.constant 16 : index
        %get3A_406 = tpu.vector_load %arg20[%get3A_405] {strides = array<i32>} : memref<128xf32, #tpu.memory_space<vmem>>, vector<16xf32>,
        %add3A_407 = arith.addf %get3A_404, %get3A_406 : vector<16xf32>
        %max3A_408 = arith.constant 0.000000e+00 : f32
        %max3A_409 = vector.broadcast %max3A_408 : f32 to vector<16xf32>
        %max3A_410 = arith.maximumf %add3A_407, %max3A_409 : vector<16xf32>
        %min3A_411 = arith.constant 0.000000e+00 : f32
        %min3A_412 = vector.broadcast %min3A_411 : f32 to vector<16xf32>
        %min3A_413 = arith.minimumf %add3A_407, %min3A_412 : vector<16xf32>
        %mul3A_414 = arith.constant 0.00999999977 : f32
        %mul3A_415 = vector.broadcast %mul3A_414 : f32 to vector<16xf32>
        %mul3A_416 = arith.mulf %mul3A_415, %min3A_413 : vector<16xf32>
        %add3A_417 = arith.addf %max3A_410, %mul3A_416 : vector<16xf32>
        %add3A_418 = arith.addf %get3A_404, %get3A_25 : vector<16xf32>
        %max3A_419 = arith.constant 0.000000e+00 : f32
        %max3A_420 = vector.broadcast %max3A_419 : f32 to vector<16xf32>
        %max3A_421 = arith.maximumf %add3A_418, %max3A_420 : vector<16xf32>
        %min3A_422 = arith.constant 0.000000e+00 : f32
        %min3A_423 = vector.broadcast %min3A_422 : f32 to vector<16xf32>
        %min3A_424 = arith.minimumf %add3A_418, %min3A_423 : vector<16xf32>
        %mul3A_425 = arith.constant 0.00999999977 : f32
        %mul3A_426 = vector.broadcast %mul3A_425 : f32 to vector<16xf32>
        %mul3A_427 = arith.mulf %mul3A_426, %min3A_424 : vector<16xf32>
        %add3A_428 = arith.addf %max3A_421, %mul3A_427 : vector<16xf32>
        %sub3A_429 = arith.subf %add3A_417, %add3A_428 : vector<16xf32>
        %exp3A_430 = math.exp %sub3A_429 : vector<16xf32>
        %swap3A_431 = arith.constant 16 : index
        %swap3A_432 = tpu.vector_load %arg14[%swap3A_431] {strides = array<i32>} : memref<128xf32, #tpu.memory_space<vmem>>, vector<16xf32>,
        tpu.vector_store %arg14[%swap3A_431], %exp3A_430 {strides = array<i32>} : memref<128xf32, #tpu.memory_space<vmem>>, vector<16xf32>,
        %get3A_433 = arith.constant 32 : index
        %get3A_434 = tpu.vector_load %arg19[%get3A_433] {strides = array<i32>} : memref<128xf32, #tpu.memory_space<vmem>>, vector<16xf32>,
        %get3A_435 = arith.constant 32 : index
        %get3A_436 = tpu.vector_load %arg20[%get3A_435] {strides = array<i32>} : memref<128xf32, #tpu.memory_space<vmem>>, vector<16xf32>,
        %add3A_437 = arith.addf %get3A_434, %get3A_436 : vector<16xf32>
        %max3A_438 = arith.constant 0.000000e+00 : f32
        %max3A_439 = vector.broadcast %max3A_438 : f32 to vector<16xf32>
        %max3A_440 = arith.maximumf %add3A_437, %max3A_439 : vector<16xf32>
        %min3A_441 = arith.constant 0.000000e+00 : f32
        %min3A_442 = vector.broadcast %min3A_441 : f32 to vector<16xf32>
        %min3A_443 = arith.minimumf %add3A_437, %min3A_442 : vector<16xf32>
        %mul3A_444 = arith.constant 0.00999999977 : f32
        %mul3A_445 = vector.broadcast %mul3A_444 : f32 to vector<16xf32>
        %mul3A_446 = arith.mulf %mul3A_445, %min3A_443 : vector<16xf32>
        %add3A_447 = arith.addf %max3A_440, %mul3A_446 : vector<16xf32>
        %add3A_448 = arith.addf %get3A_434, %get3A_25 : vector<16xf32>
        %max3A_449 = arith.constant 0.000000e+00 : f32
        %max3A_450 = vector.broadcast %max3A_449 : f32 to vector<16xf32>
        %max3A_451 = arith.maximumf %add3A_448, %max3A_450 : vector<16xf32>
        %min3A_452 = arith.constant 0.000000e+00 : f32
        %min3A_453 = vector.broadcast %min3A_452 : f32 to vector<16xf32>
        %min3A_454 = arith.minimumf %add3A_448, %min3A_453 : vector<16xf32>
        %mul3A_455 = arith.constant 0.00999999977 : f32
        %mul3A_456 = vector.broadcast %mul3A_455 : f32 to vector<16xf32>
        %mul3A_457 = arith.mulf %mul3A_456, %min3A_454 : vector<16xf32>
        %add3A_458 = arith.addf %max3A_451, %mul3A_457 : vector<16xf32>
        %sub3A_459 = arith.subf %add3A_447, %add3A_458 : vector<16xf32>
        %exp3A_460 = math.exp %sub3A_459 : vector<16xf32>
        %swap3A_461 = arith.constant 32 : index
        %swap3A_462 = tpu.vector_load %arg14[%swap3A_461] {strides = array<i32>} : memref<128xf32, #tpu.memory_space<vmem>>, vector<16xf32>,
        tpu.vector_store %arg14[%swap3A_461], %exp3A_460 {strides = array<i32>} : memref<128xf32, #tpu.memory_space<vmem>>, vector<16xf32>,
        %get3A_463 = arith.constant 48 : index
        %get3A_464 = tpu.vector_load %arg19[%get3A_463] {strides = array<i32>} : memref<128xf32, #tpu.memory_space<vmem>>, vector<16xf32>,
        %get3A_465 = arith.constant 48 : index
        %get3A_466 = tpu.vector_load %arg20[%get3A_465] {strides = array<i32>} : memref<128xf32, #tpu.memory_space<vmem>>, vector<16xf32>,
        %add3A_467 = arith.addf %get3A_464, %get3A_466 : vector<16xf32>
        %max3A_468 = arith.constant 0.000000e+00 : f32
        %max3A_469 = vector.broadcast %max3A_468 : f32 to vector<16xf32>
        %max3A_470 = arith.maximumf %add3A_467, %max3A_469 : vector<16xf32>
        %min3A_471 = arith.constant 0.000000e+00 : f32
        %min3A_472 = vector.broadcast %min3A_471 : f32 to vector<16xf32>
        %min3A_473 = arith.minimumf %add3A_467, %min3A_472 : vector<16xf32>
        %mul3A_474 = arith.constant 0.00999999977 : f32
        %mul3A_475 = vector.broadcast %mul3A_474 : f32 to vector<16xf32>
        %mul3A_476 = arith.mulf %mul3A_475, %min3A_473 : vector<16xf32>
        %add3A_477 = arith.addf %max3A_470, %mul3A_476 : vector<16xf32>
        %add3A_478 = arith.addf %get3A_464, %get3A_25 : vector<16xf32>
        %max3A_479 = arith.constant 0.000000e+00 : f32
        %max3A_480 = vector.broadcast %max3A_479 : f32 to vector<16xf32>
        %max3A_481 = arith.maximumf %add3A_478, %max3A_480 : vector<16xf32>
        %min3A_482 = arith.constant 0.000000e+00 : f32
        %min3A_483 = vector.broadcast %min3A_482 : f32 to vector<16xf32>
        %min3A_484 = arith.minimumf %add3A_478, %min3A_483 : vector<16xf32>
        %mul3A_485 = arith.constant 0.00999999977 : f32
        %mul3A_486 = vector.broadcast %mul3A_485 : f32 to vector<16xf32>
        %mul3A_487 = arith.mulf %mul3A_486, %min3A_484 : vector<16xf32>
        %add3A_488 = arith.addf %max3A_481, %mul3A_487 : vector<16xf32>
        %sub3A_489 = arith.subf %add3A_477, %add3A_488 : vector<16xf32>
        %exp3A_490 = math.exp %sub3A_489 : vector<16xf32>
        %swap3A_491 = arith.constant 48 : index
        %swap3A_492 = tpu.vector_load %arg14[%swap3A_491] {strides = array<i32>} : memref<128xf32, #tpu.memory_space<vmem>>, vector<16xf32>,
        tpu.vector_store %arg14[%swap3A_491], %exp3A_490 {strides = array<i32>} : memref<128xf32, #tpu.memory_space<vmem>>, vector<16xf32>,
        %get3A_493 = arith.constant 64 : index
        %get3A_494 = tpu.vector_load %arg19[%get3A_493] {strides = array<i32>} : memref<128xf32, #tpu.memory_space<vmem>>, vector<16xf32>,
        %get3A_495 = arith.constant 64 : index
        %get3A_496 = tpu.vector_load %arg20[%get3A_495] {strides = array<i32>} : memref<128xf32, #tpu.memory_space<vmem>>, vector<16xf32>,
        %add3A_497 = arith.addf %get3A_494, %get3A_496 : vector<16xf32>
        %max3A_498 = arith.constant 0.000000e+00 : f32
        %max3A_499 = vector.broadcast %max3A_498 : f32 to vector<16xf32>
        %max3A_500 = arith.maximumf %add3A_497, %max3A_499 : vector<16xf32>
        %min3A_501 = arith.constant 0.000000e+00 : f32
        %min3A_502 = vector.broadcast %min3A_501 : f32 to vector<16xf32>
        %min3A_503 = arith.minimumf %add3A_497, %min3A_502 : vector<16xf32>
        %mul3A_504 = arith.constant 0.00999999977 : f32
        %mul3A_505 = vector.broadcast %mul3A_504 : f32 to vector<16xf32>
        %mul3A_506 = arith.mulf %mul3A_505, %min3A_503 : vector<16xf32>
        %add3A_507 = arith.addf %max3A_500, %mul3A_506 : vector<16xf32>
        %add3A_508 = arith.addf %get3A_494, %get3A_25 : vector<16xf32>
        %max3A_509 = arith.constant 0.000000e+00 : f32
        %max3A_510 = vector.broadcast %max3A_509 : f32 to vector<16xf32>
        %max3A_511 = arith.maximumf %add3A_508, %max3A_510 : vector<16xf32>
        %min3A_512 = arith.constant 0.000000e+00 : f32
        %min3A_513 = vector.broadcast %min3A_512 : f32 to vector<16xf32>
        %min3A_514 = arith.minimumf %add3A_508, %min3A_513 : vector<16xf32>
        %mul3A_515 = arith.constant 0.00999999977 : f32
        %mul3A_516 = vector.broadcast %mul3A_515 : f32 to vector<16xf32>
        %mul3A_517 = arith.mulf %mul3A_516, %min3A_514 : vector<16xf32>
        %add3A_518 = arith.addf %max3A_511, %mul3A_517 : vector<16xf32>
        %sub3A_519 = arith.subf %add3A_507, %add3A_518 : vector<16xf32>
        %exp3A_520 = math.exp %sub3A_519 : vector<16xf32>
        %swap3A_521 = arith.constant 64 : index
        %swap3A_522 = tpu.vector_load %arg14[%swap3A_521] {strides = array<i32>} : memref<128xf32, #tpu.memory_space<vmem>>, vector<16xf32>,
        tpu.vector_store %arg14[%swap3A_521], %exp3A_520 {strides = array<i32>} : memref<128xf32, #tpu.memory_space<vmem>>, vector<16xf32>,
        %get3A_523 = arith.constant 80 : index
        %get3A_524 = tpu.vector_load %arg19[%get3A_523] {strides = array<i32>} : memref<128xf32, #tpu.memory_space<vmem>>, vector<16xf32>,
        %get3A_525 = arith.constant 80 : index
        %get3A_526 = tpu.vector_load %arg20[%get3A_525] {strides = array<i32>} : memref<128xf32, #tpu.memory_space<vmem>>, vector<16xf32>,
        %add3A_527 = arith.addf %get3A_524, %get3A_526 : vector<16xf32>
        %max3A_528 = arith.constant 0.000000e+00 : f32
        %max3A_529 = vector.broadcast %max3A_528 : f32 to vector<16xf32>
        %max3A_530 = arith.maximumf %add3A_527, %max3A_529 : vector<16xf32>
        %min3A_531 = arith.constant 0.000000e+00 : f32
        %min3A_532 = vector.broadcast %min3A_531 : f32 to vector<16xf32>
        %min3A_533 = arith.minimumf %add3A_527, %min3A_532 : vector<16xf32>
        %mul3A_534 = arith.constant 0.00999999977 : f32
        %mul3A_535 = vector.broadcast %mul3A_534 : f32 to vector<16xf32>
        %mul3A_536 = arith.mulf %mul3A_535, %min3A_533 : vector<16xf32>
        %add3A_537 = arith.addf %max3A_530, %mul3A_536 : vector<16xf32>
        %add3A_538 = arith.addf %get3A_524, %get3A_25 : vector<16xf32>
        %max3A_539 = arith.constant 0.000000e+00 : f32
        %max3A_540 = vector.broadcast %max3A_539 : f32 to vector<16xf32>
        %max3A_541 = arith.maximumf %add3A_538, %max3A_540 : vector<16xf32>
        %min3A_542 = arith.constant 0.000000e+00 : f32
        %min3A_543 = vector.broadcast %min3A_542 : f32 to vector<16xf32>
        %min3A_544 = arith.minimumf %add3A_538, %min3A_543 : vector<16xf32>
        %mul3A_545 = arith.constant 0.00999999977 : f32
        %mul3A_546 = vector.broadcast %mul3A_545 : f32 to vector<16xf32>
        %mul3A_547 = arith.mulf %mul3A_546, %min3A_544 : vector<16xf32>
        %add3A_548 = arith.addf %max3A_541, %mul3A_547 : vector<16xf32>
        %sub3A_549 = arith.subf %add3A_537, %add3A_548 : vector<16xf32>
        %exp3A_550 = math.exp %sub3A_549 : vector<16xf32>
        %swap3A_551 = arith.constant 80 : index
        %swap3A_552 = tpu.vector_load %arg14[%swap3A_551] {strides = array<i32>} : memref<128xf32, #tpu.memory_space<vmem>>, vector<16xf32>,
        tpu.vector_store %arg14[%swap3A_551], %exp3A_550 {strides = array<i32>} : memref<128xf32, #tpu.memory_space<vmem>>, vector<16xf32>,
        %get3A_553 = arith.constant 96 : index
        %get3A_554 = tpu.vector_load %arg19[%get3A_553] {strides = array<i32>} : memref<128xf32, #tpu.memory_space<vmem>>, vector<16xf32>,
        %get3A_555 = arith.constant 96 : index
        %get3A_556 = tpu.vector_load %arg20[%get3A_555] {strides = array<i32>} : memref<128xf32, #tpu.memory_space<vmem>>, vector<16xf32>,
        %add3A_557 = arith.addf %get3A_554, %get3A_556 : vector<16xf32>
        %max3A_558 = arith.constant 0.000000e+00 : f32
        %max3A_559 = vector.broadcast %max3A_558 : f32 to vector<16xf32>
        %max3A_560 = arith.maximumf %add3A_557, %max3A_559 : vector<16xf32>
        %min3A_561 = arith.constant 0.000000e+00 : f32
        %min3A_562 = vector.broadcast %min3A_561 : f32 to vector<16xf32>
        %min3A_563 = arith.minimumf %add3A_557, %min3A_562 : vector<16xf32>
        %mul3A_564 = arith.constant 0.00999999977 : f32
        %mul3A_565 = vector.broadcast %mul3A_564 : f32 to vector<16xf32>
        %mul3A_566 = arith.mulf %mul3A_565, %min3A_563 : vector<16xf32>
        %add3A_567 = arith.addf %max3A_560, %mul3A_566 : vector<16xf32>
        %add3A_568 = arith.addf %get3A_554, %get3A_25 : vector<16xf32>
        %max3A_569 = arith.constant 0.000000e+00 : f32
        %max3A_570 = vector.broadcast %max3A_569 : f32 to vector<16xf32>
        %max3A_571 = arith.maximumf %add3A_568, %max3A_570 : vector<16xf32>
        %min3A_572 = arith.constant 0.000000e+00 : f32
        %min3A_573 = vector.broadcast %min3A_572 : f32 to vector<16xf32>
        %min3A_574 = arith.minimumf %add3A_568, %min3A_573 : vector<16xf32>
        %mul3A_575 = arith.constant 0.00999999977 : f32
        %mul3A_576 = vector.broadcast %mul3A_575 : f32 to vector<16xf32>
        %mul3A_577 = arith.mulf %mul3A_576, %min3A_574 : vector<16xf32>
        %add3A_578 = arith.addf %max3A_571, %mul3A_577 : vector<16xf32>
        %sub3A_579 = arith.subf %add3A_567, %add3A_578 : vector<16xf32>
        %exp3A_580 = math.exp %sub3A_579 : vector<16xf32>
        %swap3A_581 = arith.constant 96 : index
        %swap3A_582 = tpu.vector_load %arg14[%swap3A_581] {strides = array<i32>} : memref<128xf32, #tpu.memory_space<vmem>>, vector<16xf32>,
        tpu.vector_store %arg14[%swap3A_581], %exp3A_580 {strides = array<i32>} : memref<128xf32, #tpu.memory_space<vmem>>, vector<16xf32>,
        %get3A_583 = arith.constant 112 : index
        %get3A_584 = tpu.vector_load %arg19[%get3A_583] {strides = array<i32>} : memref<128xf32, #tpu.memory_space<vmem>>, vector<16xf32>,
        %get3A_585 = arith.constant 112 : index
        %get3A_586 = tpu.vector_load %arg20[%get3A_585] {strides = array<i32>} : memref<128xf32, #tpu.memory_space<vmem>>, vector<16xf32>,
        %add3A_587 = arith.addf %get3A_584, %get3A_586 : vector<16xf32>
        %max3A_588 = arith.constant 0.000000e+00 : f32
        %max3A_589 = vector.broadcast %max3A_588 : f32 to vector<16xf32>
        %max3A_590 = arith.maximumf %add3A_587, %max3A_589 : vector<16xf32>
        %min3A_591 = arith.constant 0.000000e+00 : f32
        %min3A_592 = vector.broadcast %min3A_591 : f32 to vector<16xf32>
        %min3A_593 = arith.minimumf %add3A_587, %min3A_592 : vector<16xf32>
        %mul3A_594 = arith.constant 0.00999999977 : f32
        %mul3A_595 = vector.broadcast %mul3A_594 : f32 to vector<16xf32>
        %mul3A_596 = arith.mulf %mul3A_595, %min3A_593 : vector<16xf32>
        %add3A_597 = arith.addf %max3A_590, %mul3A_596 : vector<16xf32>
        %add3A_598 = arith.addf %get3A_584, %get3A_25 : vector<16xf32>
        %max3A_599 = arith.constant 0.000000e+00 : f32
        %max3A_600 = vector.broadcast %max3A_599 : f32 to vector<16xf32>
        %max3A_601 = arith.maximumf %add3A_598, %max3A_600 : vector<16xf32>
        %min3A_602 = arith.constant 0.000000e+00 : f32
        %min3A_603 = vector.broadcast %min3A_602 : f32 to vector<16xf32>
        %min3A_604 = arith.minimumf %add3A_598, %min3A_603 : vector<16xf32>
        %mul3A_605 = arith.constant 0.00999999977 : f32
        %mul3A_606 = vector.broadcast %mul3A_605 : f32 to vector<16xf32>
        %mul3A_607 = arith.mulf %mul3A_606, %min3A_604 : vector<16xf32>
        %add3A_608 = arith.addf %max3A_601, %mul3A_607 : vector<16xf32>
        %sub3A_609 = arith.subf %add3A_597, %add3A_608 : vector<16xf32>
        %exp3A_610 = math.exp %sub3A_609 : vector<16xf32>
        %swap3A_611 = arith.constant 112 : index
        %swap3A_612 = tpu.vector_load %arg14[%swap3A_611] {strides = array<i32>} : memref<128xf32, #tpu.memory_space<vmem>>, vector<16xf32>,
        tpu.vector_store %arg14[%swap3A_611], %exp3A_610 {strides = array<i32>} : memref<128xf32, #tpu.memory_space<vmem>>, vector<16xf32>,
        "tpu.region"() ({
          %run_scoped3A_613 = tpu.sem_alloc : memref<!tpu.dma_semaphore, #tpu.memory_space<semaphore_mem>>
          %dma_start3A_614 = arith.constant 0 : i32
          %dma_start3A_615 = tpu.memref_slice %arg16[%add3A_372, %dma_start3A_614] : memref<40x128xi32, #tpu.memory_space<vmem>> -> memref<1x128xi32, #tpu.memory_space<vmem>>
          %dma_start3A_616 = tpu.memref_squeeze %dma_start3A_615 : memref<1x128xi32, #tpu.memory_space<vmem>> -> memref<128xi32, #tpu.memory_space<vmem>>
          %dma_start3A_617 = arith.constant 0 : i32
          %dma_start3A_618 = tpu.memref_slice %arg30[%dma_start3A_617] : memref<10240xf32, #tpu.memory_space<vmem_shared>> -> memref<10240xf32, #tpu.memory_space<vmem_shared>>
          tpu.enqueue_indirect_dma source(%arg14 : memref<128xf32, #tpu.memory_space<vmem>>) target(%dma_start3A_618 : memref<10240xf32, #tpu.memory_space<vmem_shared>>) offsets(%dma_start3A_616 : memref<128xi32, #tpu.memory_space<vmem>>) semaphore(%run_scoped3A_613 : memref<!tpu.dma_semaphore, #tpu.memory_space<semaphore_mem>>) {add = true}
          %dma_wait3A_619 = arith.constant 0 : i32
          %dma_wait3A_620 = tpu.memref_slice %arg16[%add3A_372, %dma_wait3A_619] : memref<40x128xi32, #tpu.memory_space<vmem>> -> memref<1x128xi32, #tpu.memory_space<vmem>>
          %dma_wait3A_621 = tpu.memref_squeeze %dma_wait3A_620 : memref<1x128xi32, #tpu.memory_space<vmem>> -> memref<128xi32, #tpu.memory_space<vmem>>
          %dma_wait3A_622 = arith.constant 0 : i32
          %dma_wait3A_623 = tpu.memref_slice %arg30[%dma_wait3A_622] : memref<10240xf32, #tpu.memory_space<vmem_shared>> -> memref<10240xf32, #tpu.memory_space<vmem_shared>>
          tpu.wait_indirect_dma semaphore(%run_scoped3A_613 : memref<!tpu.dma_semaphore, #tpu.memory_space<semaphore_mem>>) src(%arg14 : memref<128xf32, #tpu.memory_space<vmem>>) dst(%dma_wait3A_623 : memref<10240xf32, #tpu.memory_space<vmem_shared>>)
          tpu.yield
        }) : () -> ()
      } else {
      }
      %dma_wait3A_345 = arith.constant 0 : i32
      %dma_wait3A_346 = tpu.memref_slice %arg18[%add3A_332, %dma_wait3A_345] : memref<40x128xi32, #tpu.memory_space<vmem>> -> memref<1x128xi32, #tpu.memory_space<vmem>>
      %dma_wait3A_347 = tpu.memref_squeeze %dma_wait3A_346 : memref<1x128xi32, #tpu.memory_space<vmem>> -> memref<128xi32, #tpu.memory_space<vmem>>
      %dma_wait3A_348 = arith.constant 0 : i32
      %dma_wait3A_349 = arith.constant 0 : i32
      %dma_wait3A_350 = tpu.memref_slice %arg2[%dma_wait3A_348, %dma_wait3A_349] : memref<10240x128xf32, #tpu.memory_space<hbm>> -> memref<10240x128xf32, #tpu.memory_space<hbm>>
      tpu.wait_indirect_dma semaphore(%arg24 : memref<!tpu.dma_semaphore, #tpu.memory_space<semaphore_mem>>) src(%dma_wait3A_350 : memref<10240x128xf32, #tpu.memory_space<hbm>>) dst(%arg22 : memref<128x128xf32, #tpu.memory_space<vmem>>)
      %scan3A_351 = arith.constant 0 : i32
      %scan3A_352 = arith.constant 0 : i32
      %scan3A_353 = arith.constant 8 : i32
      %scan3A_354 = arith.addi %scan3A_352, %scan3A_353 : i32
      %scan3A_355 = arith.constant 1 : i32
      scf.for %scan3A_363 = %scan3A_352 to %scan3A_354 step %scan3A_355  : i32 {
        %mul3A_364 = arith.constant 16 : i32
        %mul3A_365 = arith.muli %scan3A_363, %mul3A_364 : i32
        %get3A_366 = arith.index_cast %mul3A_365 : i32 to index
        %get3A_367 = tpu.vector_load %arg15[%get3A_366] {strides = array<i32>} : memref<128xf32, #tpu.memory_space<vmem>>, vector<16xf32>,
        %broadcast_in_dim3A = arith.constant 0 : i32
        %broadcast_in_dim3A_368 = vector.broadcast %broadcast_in_dim3A : i32 to vector<16x1xi32>
        %gather3A = vector.shape_cast %broadcast_in_dim3A_368 : vector<16x1xi32> to vector<16xi32>
        %gather3A_369 = tpu.dynamic_gather %get3A_367[%gather3A] in [0] : vector<16xf32>, vector<16xi32> -> vector<16xf32>
        %mul3A_370 = arith.constant 16 : i32
        %mul3A_371 = arith.muli %scan3A_363, %mul3A_370 : i32
        %add3A_372 = arith.constant 0 : i32
        %add3A_373 = arith.addi %mul3A_371, %add3A_372 : i32
        %get3A_374 = arith.index_cast %add3A_373 : i32 to index
        %get3A_375 = arith.constant 0 : index
        %get3A_376 = tpu.vector_load %arg22[%get3A_374, %get3A_375] {strides = array<i32>} : memref<128x128xf32, #tpu.memory_space<vmem>>, vector<16xf32>,
        %mul3A_377 = arith.mulf %get3A_376, %gather3A_369 : vector<16xf32>
        %swap3A_378 = arith.index_cast %add3A_373 : i32 to index
        %swap3A_379 = arith.constant 0 : index
        %swap3A_380 = tpu.vector_load %arg22[%swap3A_378, %swap3A_379] {strides = array<i32>} : memref<128x128xf32, #tpu.memory_space<vmem>>, vector<16xf32>,
        tpu.vector_store %arg22[%swap3A_378, %swap3A_379], %mul3A_377 {strides = array<i32>} : memref<128x128xf32, #tpu.memory_space<vmem>>, vector<16xf32>,
        %get3A_381 = arith.index_cast %add3A_373 : i32 to index
        %get3A_382 = arith.constant 16 : index
        %get3A_383 = tpu.vector_load %arg22[%get3A_381, %get3A_382] {strides = array<i32>} : memref<128x128xf32, #tpu.memory_space<vmem>>, vector<16xf32>,
        %mul3A_384 = arith.mulf %get3A_383, %gather3A_369 : vector<16xf32>
        %swap3A_385 = arith.index_cast %add3A_373 : i32 to index
        %swap3A_386 = arith.constant 16 : index
        %swap3A_387 = tpu.vector_load %arg22[%swap3A_385, %swap3A_386] {strides = array<i32>} : memref<128x128xf32, #tpu.memory_space<vmem>>, vector<16xf32>,
        tpu.vector_store %arg22[%swap3A_385, %swap3A_386], %mul3A_384 {strides = array<i32>} : memref<128x128xf32, #tpu.memory_space<vmem>>, vector<16xf32>,
        %get3A_388 = arith.index_cast %add3A_373 : i32 to index
        %get3A_389 = arith.constant 32 : index
        %get3A_390 = tpu.vector_load %arg22[%get3A_388, %get3A_389] {strides = array<i32>} : memref<128x128xf32, #tpu.memory_space<vmem>>, vector<16xf32>,
        %mul3A_391 = arith.mulf %get3A_390, %gather3A_369 : vector<16xf32>
        %swap3A_392 = arith.index_cast %add3A_373 : i32 to index
        %swap3A_393 = arith.constant 32 : index
        %swap3A_394 = tpu.vector_load %arg22[%swap3A_392, %swap3A_393] {strides = array<i32>} : memref<128x128xf32, #tpu.memory_space<vmem>>, vector<16xf32>,
        tpu.vector_store %arg22[%swap3A_392, %swap3A_393], %mul3A_391 {strides = array<i32>} : memref<128x128xf32, #tpu.memory_space<vmem>>, vector<16xf32>,
        %get3A_395 = arith.index_cast %add3A_373 : i32 to index
        %get3A_396 = arith.constant 48 : index
        %get3A_397 = tpu.vector_load %arg22[%get3A_395, %get3A_396] {strides = array<i32>} : memref<128x128xf32, #tpu.memory_space<vmem>>, vector<16xf32>,
        %mul3A_398 = arith.mulf %get3A_397, %gather3A_369 : vector<16xf32>
        %swap3A_399 = arith.index_cast %add3A_373 : i32 to index
        %swap3A_400 = arith.constant 48 : index
        %swap3A_401 = tpu.vector_load %arg22[%swap3A_399, %swap3A_400] {strides = array<i32>} : memref<128x128xf32, #tpu.memory_space<vmem>>, vector<16xf32>,
        tpu.vector_store %arg22[%swap3A_399, %swap3A_400], %mul3A_398 {strides = array<i32>} : memref<128x128xf32, #tpu.memory_space<vmem>>, vector<16xf32>,
        %get3A_402 = arith.index_cast %add3A_373 : i32 to index
        %get3A_403 = arith.constant 64 : index
        %get3A_404 = tpu.vector_load %arg22[%get3A_402, %get3A_403] {strides = array<i32>} : memref<128x128xf32, #tpu.memory_space<vmem>>, vector<16xf32>,
        %mul3A_405 = arith.mulf %get3A_404, %gather3A_369 : vector<16xf32>
        %swap3A_406 = arith.index_cast %add3A_373 : i32 to index
        %swap3A_407 = arith.constant 64 : index
        %swap3A_408 = tpu.vector_load %arg22[%swap3A_406, %swap3A_407] {strides = array<i32>} : memref<128x128xf32, #tpu.memory_space<vmem>>, vector<16xf32>,
        tpu.vector_store %arg22[%swap3A_406, %swap3A_407], %mul3A_405 {strides = array<i32>} : memref<128x128xf32, #tpu.memory_space<vmem>>, vector<16xf32>,
        %get3A_409 = arith.index_cast %add3A_373 : i32 to index
        %get3A_410 = arith.constant 80 : index
        %get3A_411 = tpu.vector_load %arg22[%get3A_409, %get3A_410] {strides = array<i32>} : memref<128x128xf32, #tpu.memory_space<vmem>>, vector<16xf32>,
        %mul3A_412 = arith.mulf %get3A_411, %gather3A_369 : vector<16xf32>
        %swap3A_413 = arith.index_cast %add3A_373 : i32 to index
        %swap3A_414 = arith.constant 80 : index
        %swap3A_415 = tpu.vector_load %arg22[%swap3A_413, %swap3A_414] {strides = array<i32>} : memref<128x128xf32, #tpu.memory_space<vmem>>, vector<16xf32>,
        tpu.vector_store %arg22[%swap3A_413, %swap3A_414], %mul3A_412 {strides = array<i32>} : memref<128x128xf32, #tpu.memory_space<vmem>>, vector<16xf32>,
        %get3A_416 = arith.index_cast %add3A_373 : i32 to index
        %get3A_417 = arith.constant 96 : index
        %get3A_418 = tpu.vector_load %arg22[%get3A_416, %get3A_417] {strides = array<i32>} : memref<128x128xf32, #tpu.memory_space<vmem>>, vector<16xf32>,
        %mul3A_419 = arith.mulf %get3A_418, %gather3A_369 : vector<16xf32>
        %swap3A_420 = arith.index_cast %add3A_373 : i32 to index
        %swap3A_421 = arith.constant 96 : index
        %swap3A_422 = tpu.vector_load %arg22[%swap3A_420, %swap3A_421] {strides = array<i32>} : memref<128x128xf32, #tpu.memory_space<vmem>>, vector<16xf32>,
        tpu.vector_store %arg22[%swap3A_420, %swap3A_421], %mul3A_419 {strides = array<i32>} : memref<128x128xf32, #tpu.memory_space<vmem>>, vector<16xf32>,
        %get3A_423 = arith.index_cast %add3A_373 : i32 to index
        %get3A_424 = arith.constant 112 : index
        %get3A_425 = tpu.vector_load %arg22[%get3A_423, %get3A_424] {strides = array<i32>} : memref<128x128xf32, #tpu.memory_space<vmem>>, vector<16xf32>,
        %mul3A_426 = arith.mulf %get3A_425, %gather3A_369 : vector<16xf32>
        %swap3A_427 = arith.index_cast %add3A_373 : i32 to index
        %swap3A_428 = arith.constant 112 : index
        %swap3A_429 = tpu.vector_load %arg22[%swap3A_427, %swap3A_428] {strides = array<i32>} : memref<128x128xf32, #tpu.memory_space<vmem>>, vector<16xf32>,
        tpu.vector_store %arg22[%swap3A_427, %swap3A_428], %mul3A_426 {strides = array<i32>} : memref<128x128xf32, #tpu.memory_space<vmem>>, vector<16xf32>,
        %broadcast_in_dim3A_430 = arith.constant 1 : i32
        %broadcast_in_dim3A_431 = vector.broadcast %broadcast_in_dim3A_430 : i32 to vector<16x1xi32>
        %gather3A_432 = vector.shape_cast %broadcast_in_dim3A_431 : vector<16x1xi32> to vector<16xi32>
        %gather3A_433 = tpu.dynamic_gather %get3A_367[%gather3A_432] in [0] : vector<16xf32>, vector<16xi32> -> vector<16xf32>
        %mul3A_434 = arith.constant 16 : i32
        %mul3A_435 = arith.muli %scan3A_363, %mul3A_434 : i32
        %add3A_436 = arith.constant 1 : i32
        %add3A_437 = arith.addi %mul3A_435, %add3A_436 : i32
        %get3A_438 = arith.index_cast %add3A_437 : i32 to index
        %get3A_439 = arith.constant 0 : index
        %get3A_440 = tpu.vector_load %arg22[%get3A_438, %get3A_439] {strides = array<i32>} : memref<128x128xf32, #tpu.memory_space<vmem>>, vector<16xf32>,
        %mul3A_441 = arith.mulf %get3A_440, %gather3A_433 : vector<16xf32>
        %swap3A_442 = arith.index_cast %add3A_437 : i32 to index
        %swap3A_443 = arith.constant 0 : index
        %swap3A_444 = tpu.vector_load %arg22[%swap3A_442, %swap3A_443] {strides = array<i32>} : memref<128x128xf32, #tpu.memory_space<vmem>>, vector<16xf32>,
        tpu.vector_store %arg22[%swap3A_442, %swap3A_443], %mul3A_441 {strides = array<i32>} : memref<128x128xf32, #tpu.memory_space<vmem>>, vector<16xf32>,
        %get3A_445 = arith.index_cast %add3A_437 : i32 to index
        %get3A_446 = arith.constant 16 : index
        %get3A_447 = tpu.vector_load %arg22[%get3A_445, %get3A_446] {strides = array<i32>} : memref<128x128xf32, #tpu.memory_space<vmem>>, vector<16xf32>,
        %mul3A_448 = arith.mulf %get3A_447, %gather3A_433 : vector<16xf32>
        %swap3A_449 = arith.index_cast %add3A_437 : i32 to index
        %swap3A_450 = arith.constant 16 : index
        %swap3A_451 = tpu.vector_load %arg22[%swap3A_449, %swap3A_450] {strides = array<i32>} : memref<128x128xf32, #tpu.memory_space<vmem>>, vector<16xf32>,
        tpu.vector_store %arg22[%swap3A_449, %swap3A_450], %mul3A_448 {strides = array<i32>} : memref<128x128xf32, #tpu.memory_space<vmem>>, vector<16xf32>,
        %get3A_452 = arith.index_cast %add3A_437 : i32 to index
        %get3A_453 = arith.constant 32 : index
        %get3A_454 = tpu.vector_load %arg22[%get3A_452, %get3A_453] {strides = array<i32>} : memref<128x128xf32, #tpu.memory_space<vmem>>, vector<16xf32>,
        %mul3A_455 = arith.mulf %get3A_454, %gather3A_433 : vector<16xf32>
        %swap3A_456 = arith.index_cast %add3A_437 : i32 to index
        %swap3A_457 = arith.constant 32 : index
        %swap3A_458 = tpu.vector_load %arg22[%swap3A_456, %swap3A_457] {strides = array<i32>} : memref<128x128xf32, #tpu.memory_space<vmem>>, vector<16xf32>,
        tpu.vector_store %arg22[%swap3A_456, %swap3A_457], %mul3A_455 {strides = array<i32>} : memref<128x128xf32, #tpu.memory_space<vmem>>, vector<16xf32>,
        %get3A_459 = arith.index_cast %add3A_437 : i32 to index
        %get3A_460 = arith.constant 48 : index
        %get3A_461 = tpu.vector_load %arg22[%get3A_459, %get3A_460] {strides = array<i32>} : memref<128x128xf32, #tpu.memory_space<vmem>>, vector<16xf32>,
        %mul3A_462 = arith.mulf %get3A_461, %gather3A_433 : vector<16xf32>
        %swap3A_463 = arith.index_cast %add3A_437 : i32 to index
        %swap3A_464 = arith.constant 48 : index
        %swap3A_465 = tpu.vector_load %arg22[%swap3A_463, %swap3A_464] {strides = array<i32>} : memref<128x128xf32, #tpu.memory_space<vmem>>, vector<16xf32>,
        tpu.vector_store %arg22[%swap3A_463, %swap3A_464], %mul3A_462 {strides = array<i32>} : memref<128x128xf32, #tpu.memory_space<vmem>>, vector<16xf32>,
        %get3A_466 = arith.index_cast %add3A_437 : i32 to index
        %get3A_467 = arith.constant 64 : index
        %get3A_468 = tpu.vector_load %arg22[%get3A_466, %get3A_467] {strides = array<i32>} : memref<128x128xf32, #tpu.memory_space<vmem>>, vector<16xf32>,
        %mul3A_469 = arith.mulf %get3A_468, %gather3A_433 : vector<16xf32>
        %swap3A_470 = arith.index_cast %add3A_437 : i32 to index
        %swap3A_471 = arith.constant 64 : index
        %swap3A_472 = tpu.vector_load %arg22[%swap3A_470, %swap3A_471] {strides = array<i32>} : memref<128x128xf32, #tpu.memory_space<vmem>>, vector<16xf32>,
        tpu.vector_store %arg22[%swap3A_470, %swap3A_471], %mul3A_469 {strides = array<i32>} : memref<128x128xf32, #tpu.memory_space<vmem>>, vector<16xf32>,
        %get3A_473 = arith.index_cast %add3A_437 : i32 to index
        %get3A_474 = arith.constant 80 : index
        %get3A_475 = tpu.vector_load %arg22[%get3A_473, %get3A_474] {strides = array<i32>} : memref<128x128xf32, #tpu.memory_space<vmem>>, vector<16xf32>,
        %mul3A_476 = arith.mulf %get3A_475, %gather3A_433 : vector<16xf32>
        %swap3A_477 = arith.index_cast %add3A_437 : i32 to index
        %swap3A_478 = arith.constant 80 : index
        %swap3A_479 = tpu.vector_load %arg22[%swap3A_477, %swap3A_478] {strides = array<i32>} : memref<128x128xf32, #tpu.memory_space<vmem>>, vector<16xf32>,
        tpu.vector_store %arg22[%swap3A_477, %swap3A_478], %mul3A_476 {strides = array<i32>} : memref<128x128xf32, #tpu.memory_space<vmem>>, vector<16xf32>,
        %get3A_480 = arith.index_cast %add3A_437 : i32 to index
        %get3A_481 = arith.constant 96 : index
        %get3A_482 = tpu.vector_load %arg22[%get3A_480, %get3A_481] {strides = array<i32>} : memref<128x128xf32, #tpu.memory_space<vmem>>, vector<16xf32>,
        %mul3A_483 = arith.mulf %get3A_482, %gather3A_433 : vector<16xf32>
        %swap3A_484 = arith.index_cast %add3A_437 : i32 to index
        %swap3A_485 = arith.constant 96 : index
        %swap3A_486 = tpu.vector_load %arg22[%swap3A_484, %swap3A_485] {strides = array<i32>} : memref<128x128xf32, #tpu.memory_space<vmem>>, vector<16xf32>,
        tpu.vector_store %arg22[%swap3A_484, %swap3A_485], %mul3A_483 {strides = array<i32>} : memref<128x128xf32, #tpu.memory_space<vmem>>, vector<16xf32>,
        %get3A_487 = arith.index_cast %add3A_437 : i32 to index
        %get3A_488 = arith.constant 112 : index
        %get3A_489 = tpu.vector_load %arg22[%get3A_487, %get3A_488] {strides = array<i32>} : memref<128x128xf32, #tpu.memory_space<vmem>>, vector<16xf32>,
        %mul3A_490 = arith.mulf %get3A_489, %gather3A_433 : vector<16xf32>
        %swap3A_491 = arith.index_cast %add3A_437 : i32 to index
        %swap3A_492 = arith.constant 112 : index
        %swap3A_493 = tpu.vector_load %arg22[%swap3A_491, %swap3A_492] {strides = array<i32>} : memref<128x128xf32, #tpu.memory_space<vmem>>, vector<16xf32>,
        tpu.vector_store %arg22[%swap3A_491, %swap3A_492], %mul3A_490 {strides = array<i32>} : memref<128x128xf32, #tpu.memory_space<vmem>>, vector<16xf32>,
        %broadcast_in_dim3A_494 = arith.constant 2 : i32
        %broadcast_in_dim3A_495 = vector.broadcast %broadcast_in_dim3A_494 : i32 to vector<16x1xi32>
        %gather3A_496 = vector.shape_cast %broadcast_in_dim3A_495 : vector<16x1xi32> to vector<16xi32>
        %gather3A_497 = tpu.dynamic_gather %get3A_367[%gather3A_496] in [0] : vector<16xf32>, vector<16xi32> -> vector<16xf32>
        %mul3A_498 = arith.constant 16 : i32
        %mul3A_499 = arith.muli %scan3A_363, %mul3A_498 : i32
        %add3A_500 = arith.constant 2 : i32
        %add3A_501 = arith.addi %mul3A_499, %add3A_500 : i32
        %get3A_502 = arith.index_cast %add3A_501 : i32 to index
        %get3A_503 = arith.constant 0 : index
        %get3A_504 = tpu.vector_load %arg22[%get3A_502, %get3A_503] {strides = array<i32>} : memref<128x128xf32, #tpu.memory_space<vmem>>, vector<16xf32>,
        %mul3A_505 = arith.mulf %get3A_504, %gather3A_497 : vector<16xf32>
        %swap3A_506 = arith.index_cast %add3A_501 : i32 to index
        %swap3A_507 = arith.constant 0 : index
        %swap3A_508 = tpu.vector_load %arg22[%swap3A_506, %swap3A_507] {strides = array<i32>} : memref<128x128xf32, #tpu.memory_space<vmem>>, vector<16xf32>,
        tpu.vector_store %arg22[%swap3A_506, %swap3A_507], %mul3A_505 {strides = array<i32>} : memref<128x128xf32, #tpu.memory_space<vmem>>, vector<16xf32>,
        %get3A_509 = arith.index_cast %add3A_501 : i32 to index
        %get3A_510 = arith.constant 16 : index
        %get3A_511 = tpu.vector_load %arg22[%get3A_509, %get3A_510] {strides = array<i32>} : memref<128x128xf32, #tpu.memory_space<vmem>>, vector<16xf32>,
        %mul3A_512 = arith.mulf %get3A_511, %gather3A_497 : vector<16xf32>
        %swap3A_513 = arith.index_cast %add3A_501 : i32 to index
        %swap3A_514 = arith.constant 16 : index
        %swap3A_515 = tpu.vector_load %arg22[%swap3A_513, %swap3A_514] {strides = array<i32>} : memref<128x128xf32, #tpu.memory_space<vmem>>, vector<16xf32>,
        tpu.vector_store %arg22[%swap3A_513, %swap3A_514], %mul3A_512 {strides = array<i32>} : memref<128x128xf32, #tpu.memory_space<vmem>>, vector<16xf32>,
        %get3A_516 = arith.index_cast %add3A_501 : i32 to index
        %get3A_517 = arith.constant 32 : index
        %get3A_518 = tpu.vector_load %arg22[%get3A_516, %get3A_517] {strides = array<i32>} : memref<128x128xf32, #tpu.memory_space<vmem>>, vector<16xf32>,
        %mul3A_519 = arith.mulf %get3A_518, %gather3A_497 : vector<16xf32>
        %swap3A_520 = arith.index_cast %add3A_501 : i32 to index
        %swap3A_521 = arith.constant 32 : index
        %swap3A_522 = tpu.vector_load %arg22[%swap3A_520, %swap3A_521] {strides = array<i32>} : memref<128x128xf32, #tpu.memory_space<vmem>>, vector<16xf32>,
        tpu.vector_store %arg22[%swap3A_520, %swap3A_521], %mul3A_519 {strides = array<i32>} : memref<128x128xf32, #tpu.memory_space<vmem>>, vector<16xf32>,
        %get3A_523 = arith.index_cast %add3A_501 : i32 to index
        %get3A_524 = arith.constant 48 : index
        %get3A_525 = tpu.vector_load %arg22[%get3A_523, %get3A_524] {strides = array<i32>} : memref<128x128xf32, #tpu.memory_space<vmem>>, vector<16xf32>,
        %mul3A_526 = arith.mulf %get3A_525, %gather3A_497 : vector<16xf32>
        %swap3A_527 = arith.index_cast %add3A_501 : i32 to index
        %swap3A_528 = arith.constant 48 : index
        %swap3A_529 = tpu.vector_load %arg22[%swap3A_527, %swap3A_528] {strides = array<i32>} : memref<128x128xf32, #tpu.memory_space<vmem>>, vector<16xf32>,
        tpu.vector_store %arg22[%swap3A_527, %swap3A_528], %mul3A_526 {strides = array<i32>} : memref<128x128xf32, #tpu.memory_space<vmem>>, vector<16xf32>,
        %get3A_530 = arith.index_cast %add3A_501 : i32 to index
        %get3A_531 = arith.constant 64 : index
        %get3A_532 = tpu.vector_load %arg22[%get3A_530, %get3A_531] {strides = array<i32>} : memref<128x128xf32, #tpu.memory_space<vmem>>, vector<16xf32>,
        %mul3A_533 = arith.mulf %get3A_532, %gather3A_497 : vector<16xf32>
        %swap3A_534 = arith.index_cast %add3A_501 : i32 to index
        %swap3A_535 = arith.constant 64 : index
        %swap3A_536 = tpu.vector_load %arg22[%swap3A_534, %swap3A_535] {strides = array<i32>} : memref<128x128xf32, #tpu.memory_space<vmem>>, vector<16xf32>,
        tpu.vector_store %arg22[%swap3A_534, %swap3A_535], %mul3A_533 {strides = array<i32>} : memref<128x128xf32, #tpu.memory_space<vmem>>, vector<16xf32>,
        %get3A_537 = arith.index_cast %add3A_501 : i32 to index
        %get3A_538 = arith.constant 80 : index
        %get3A_539 = tpu.vector_load %arg22[%get3A_537, %get3A_538] {strides = array<i32>} : memref<128x128xf32, #tpu.memory_space<vmem>>, vector<16xf32>,
        %mul3A_540 = arith.mulf %get3A_539, %gather3A_497 : vector<16xf32>
        %swap3A_541 = arith.index_cast %add3A_501 : i32 to index
        %swap3A_542 = arith.constant 80 : index
        %swap3A_543 = tpu.vector_load %arg22[%swap3A_541, %swap3A_542] {strides = array<i32>} : memref<128x128xf32, #tpu.memory_space<vmem>>, vector<16xf32>,
        tpu.vector_store %arg22[%swap3A_541, %swap3A_542], %mul3A_540 {strides = array<i32>} : memref<128x128xf32, #tpu.memory_space<vmem>>, vector<16xf32>,
        %get3A_544 = arith.index_cast %add3A_501 : i32 to index
        %get3A_545 = arith.constant 96 : index
        %get3A_546 = tpu.vector_load %arg22[%get3A_544, %get3A_545] {strides = array<i32>} : memref<128x128xf32, #tpu.memory_space<vmem>>, vector<16xf32>,
        %mul3A_547 = arith.mulf %get3A_546, %gather3A_497 : vector<16xf32>
        %swap3A_548 = arith.index_cast %add3A_501 : i32 to index
        %swap3A_549 = arith.constant 96 : index
        %swap3A_550 = tpu.vector_load %arg22[%swap3A_548, %swap3A_549] {strides = array<i32>} : memref<128x128xf32, #tpu.memory_space<vmem>>, vector<16xf32>,
        tpu.vector_store %arg22[%swap3A_548, %swap3A_549], %mul3A_547 {strides = array<i32>} : memref<128x128xf32, #tpu.memory_space<vmem>>, vector<16xf32>,
        %get3A_551 = arith.index_cast %add3A_501 : i32 to index
        %get3A_552 = arith.constant 112 : index
        %get3A_553 = tpu.vector_load %arg22[%get3A_551, %get3A_552] {strides = array<i32>} : memref<128x128xf32, #tpu.memory_space<vmem>>, vector<16xf32>,
        %mul3A_554 = arith.mulf %get3A_553, %gather3A_497 : vector<16xf32>
        %swap3A_555 = arith.index_cast %add3A_501 : i32 to index
        %swap3A_556 = arith.constant 112 : index
        %swap3A_557 = tpu.vector_load %arg22[%swap3A_555, %swap3A_556] {strides = array<i32>} : memref<128x128xf32, #tpu.memory_space<vmem>>, vector<16xf32>,
        tpu.vector_store %arg22[%swap3A_555, %swap3A_556], %mul3A_554 {strides = array<i32>} : memref<128x128xf32, #tpu.memory_space<vmem>>, vector<16xf32>,
        %broadcast_in_dim3A_558 = arith.constant 3 : i32
        %broadcast_in_dim3A_559 = vector.broadcast %broadcast_in_dim3A_558 : i32 to vector<16x1xi32>
        %gather3A_560 = vector.shape_cast %broadcast_in_dim3A_559 : vector<16x1xi32> to vector<16xi32>
        %gather3A_561 = tpu.dynamic_gather %get3A_367[%gather3A_560] in [0] : vector<16xf32>, vector<16xi32> -> vector<16xf32>
        %mul3A_562 = arith.constant 16 : i32
        %mul3A_563 = arith.muli %scan3A_363, %mul3A_562 : i32
        %add3A_564 = arith.constant 3 : i32
        %add3A_565 = arith.addi %mul3A_563, %add3A_564 : i32
        %get3A_566 = arith.index_cast %add3A_565 : i32 to index
        %get3A_567 = arith.constant 0 : index
        %get3A_568 = tpu.vector_load %arg22[%get3A_566, %get3A_567] {strides = array<i32>} : memref<128x128xf32, #tpu.memory_space<vmem>>, vector<16xf32>,
        %mul3A_569 = arith.mulf %get3A_568, %gather3A_561 : vector<16xf32>
        %swap3A_570 = arith.index_cast %add3A_565 : i32 to index
        %swap3A_571 = arith.constant 0 : index
        %swap3A_572 = tpu.vector_load %arg22[%swap3A_570, %swap3A_571] {strides = array<i32>} : memref<128x128xf32, #tpu.memory_space<vmem>>, vector<16xf32>,
        tpu.vector_store %arg22[%swap3A_570, %swap3A_571], %mul3A_569 {strides = array<i32>} : memref<128x128xf32, #tpu.memory_space<vmem>>, vector<16xf32>,
        %get3A_573 = arith.index_cast %add3A_565 : i32 to index
        %get3A_574 = arith.constant 16 : index
        %get3A_575 = tpu.vector_load %arg22[%get3A_573, %get3A_574] {strides = array<i32>} : memref<128x128xf32, #tpu.memory_space<vmem>>, vector<16xf32>,
        %mul3A_576 = arith.mulf %get3A_575, %gather3A_561 : vector<16xf32>
        %swap3A_577 = arith.index_cast %add3A_565 : i32 to index
        %swap3A_578 = arith.constant 16 : index
        %swap3A_579 = tpu.vector_load %arg22[%swap3A_577, %swap3A_578] {strides = array<i32>} : memref<128x128xf32, #tpu.memory_space<vmem>>, vector<16xf32>,
        tpu.vector_store %arg22[%swap3A_577, %swap3A_578], %mul3A_576 {strides = array<i32>} : memref<128x128xf32, #tpu.memory_space<vmem>>, vector<16xf32>,
        %get3A_580 = arith.index_cast %add3A_565 : i32 to index
        %get3A_581 = arith.constant 32 : index
        %get3A_582 = tpu.vector_load %arg22[%get3A_580, %get3A_581] {strides = array<i32>} : memref<128x128xf32, #tpu.memory_space<vmem>>, vector<16xf32>,
        %mul3A_583 = arith.mulf %get3A_582, %gather3A_561 : vector<16xf32>
        %swap3A_584 = arith.index_cast %add3A_565 : i32 to index
        %swap3A_585 = arith.constant 32 : index
        %swap3A_586 = tpu.vector_load %arg22[%swap3A_584, %swap3A_585] {strides = array<i32>} : memref<128x128xf32, #tpu.memory_space<vmem>>, vector<16xf32>,
        tpu.vector_store %arg22[%swap3A_584, %swap3A_585], %mul3A_583 {strides = array<i32>} : memref<128x128xf32, #tpu.memory_space<vmem>>, vector<16xf32>,
        %get3A_587 = arith.index_cast %add3A_565 : i32 to index
        %get3A_588 = arith.constant 48 : index
        %get3A_589 = tpu.vector_load %arg22[%get3A_587, %get3A_588] {strides = array<i32>} : memref<128x128xf32, #tpu.memory_space<vmem>>, vector<16xf32>,
        %mul3A_590 = arith.mulf %get3A_589, %gather3A_561 : vector<16xf32>
        %swap3A_591 = arith.index_cast %add3A_565 : i32 to index
        %swap3A_592 = arith.constant 48 : index
        %swap3A_593 = tpu.vector_load %arg22[%swap3A_591, %swap3A_592] {strides = array<i32>} : memref<128x128xf32, #tpu.memory_space<vmem>>, vector<16xf32>,
        tpu.vector_store %arg22[%swap3A_591, %swap3A_592], %mul3A_590 {strides = array<i32>} : memref<128x128xf32, #tpu.memory_space<vmem>>, vector<16xf32>,
        %get3A_594 = arith.index_cast %add3A_565 : i32 to index
        %get3A_595 = arith.constant 64 : index
        %get3A_596 = tpu.vector_load %arg22[%get3A_594, %get3A_595] {strides = array<i32>} : memref<128x128xf32, #tpu.memory_space<vmem>>, vector<16xf32>,
        %mul3A_597 = arith.mulf %get3A_596, %gather3A_561 : vector<16xf32>
        %swap3A_598 = arith.index_cast %add3A_565 : i32 to index
        %swap3A_599 = arith.constant 64 : index
        %swap3A_600 = tpu.vector_load %arg22[%swap3A_598, %swap3A_599] {strides = array<i32>} : memref<128x128xf32, #tpu.memory_space<vmem>>, vector<16xf32>,
        tpu.vector_store %arg22[%swap3A_598, %swap3A_599], %mul3A_597 {strides = array<i32>} : memref<128x128xf32, #tpu.memory_space<vmem>>, vector<16xf32>,
        %get3A_601 = arith.index_cast %add3A_565 : i32 to index
        %get3A_602 = arith.constant 80 : index
        %get3A_603 = tpu.vector_load %arg22[%get3A_601, %get3A_602] {strides = array<i32>} : memref<128x128xf32, #tpu.memory_space<vmem>>, vector<16xf32>,
        %mul3A_604 = arith.mulf %get3A_603, %gather3A_561 : vector<16xf32>
        %swap3A_605 = arith.index_cast %add3A_565 : i32 to index
        %swap3A_606 = arith.constant 80 : index
        %swap3A_607 = tpu.vector_load %arg22[%swap3A_605, %swap3A_606] {strides = array<i32>} : memref<128x128xf32, #tpu.memory_space<vmem>>, vector<16xf32>,
        tpu.vector_store %arg22[%swap3A_605, %swap3A_606], %mul3A_604 {strides = array<i32>} : memref<128x128xf32, #tpu.memory_space<vmem>>, vector<16xf32>,
        %get3A_608 = arith.index_cast %add3A_565 : i32 to index
        %get3A_609 = arith.constant 96 : index
        %get3A_610 = tpu.vector_load %arg22[%get3A_608, %get3A_609] {strides = array<i32>} : memref<128x128xf32, #tpu.memory_space<vmem>>, vector<16xf32>,
        %mul3A_611 = arith.mulf %get3A_610, %gather3A_561 : vector<16xf32>
        %swap3A_612 = arith.index_cast %add3A_565 : i32 to index
        %swap3A_613 = arith.constant 96 : index
        %swap3A_614 = tpu.vector_load %arg22[%swap3A_612, %swap3A_613] {strides = array<i32>} : memref<128x128xf32, #tpu.memory_space<vmem>>, vector<16xf32>,
        tpu.vector_store %arg22[%swap3A_612, %swap3A_613], %mul3A_611 {strides = array<i32>} : memref<128x128xf32, #tpu.memory_space<vmem>>, vector<16xf32>,
        %get3A_615 = arith.index_cast %add3A_565 : i32 to index
        %get3A_616 = arith.constant 112 : index
        %get3A_617 = tpu.vector_load %arg22[%get3A_615, %get3A_616] {strides = array<i32>} : memref<128x128xf32, #tpu.memory_space<vmem>>, vector<16xf32>,
        %mul3A_618 = arith.mulf %get3A_617, %gather3A_561 : vector<16xf32>
        %swap3A_619 = arith.index_cast %add3A_565 : i32 to index
        %swap3A_620 = arith.constant 112 : index
        %swap3A_621 = tpu.vector_load %arg22[%swap3A_619, %swap3A_620] {strides = array<i32>} : memref<128x128xf32, #tpu.memory_space<vmem>>, vector<16xf32>,
        tpu.vector_store %arg22[%swap3A_619, %swap3A_620], %mul3A_618 {strides = array<i32>} : memref<128x128xf32, #tpu.memory_space<vmem>>, vector<16xf32>,
        %broadcast_in_dim3A_622 = arith.constant 4 : i32
        %broadcast_in_dim3A_623 = vector.broadcast %broadcast_in_dim3A_622 : i32 to vector<16x1xi32>
        %gather3A_624 = vector.shape_cast %broadcast_in_dim3A_623 : vector<16x1xi32> to vector<16xi32>
        %gather3A_625 = tpu.dynamic_gather %get3A_367[%gather3A_624] in [0] : vector<16xf32>, vector<16xi32> -> vector<16xf32>
        %mul3A_626 = arith.constant 16 : i32
        %mul3A_627 = arith.muli %scan3A_363, %mul3A_626 : i32
        %add3A_628 = arith.constant 4 : i32
        %add3A_629 = arith.addi %mul3A_627, %add3A_628 : i32
        %get3A_630 = arith.index_cast %add3A_629 : i32 to index
        %get3A_631 = arith.constant 0 : index
        %get3A_632 = tpu.vector_load %arg22[%get3A_630, %get3A_631] {strides = array<i32>} : memref<128x128xf32, #tpu.memory_space<vmem>>, vector<16xf32>,
        %mul3A_633 = arith.mulf %get3A_632, %gather3A_625 : vector<16xf32>
        %swap3A_634 = arith.index_cast %add3A_629 : i32 to index
        %swap3A_635 = arith.constant 0 : index
        %swap3A_636 = tpu.vector_load %arg22[%swap3A_634, %swap3A_635] {strides = array<i32>} : memref<128x128xf32, #tpu.memory_space<vmem>>, vector<16xf32>,
        tpu.vector_store %arg22[%swap3A_634, %swap3A_635], %mul3A_633 {strides = array<i32>} : memref<128x128xf32, #tpu.memory_space<vmem>>, vector<16xf32>,
        %get3A_637 = arith.index_cast %add3A_629 : i32 to index
        %get3A_638 = arith.constant 16 : index
        %get3A_639 = tpu.vector_load %arg22[%get3A_637, %get3A_638] {strides = array<i32>} : memref<128x128xf32, #tpu.memory_space<vmem>>, vector<16xf32>,
        %mul3A_640 = arith.mulf %get3A_639, %gather3A_625 : vector<16xf32>
        %swap3A_641 = arith.index_cast %add3A_629 : i32 to index
        %swap3A_642 = arith.constant 16 : index
        %swap3A_643 = tpu.vector_load %arg22[%swap3A_641, %swap3A_642] {strides = array<i32>} : memref<128x128xf32, #tpu.memory_space<vmem>>, vector<16xf32>,
        tpu.vector_store %arg22[%swap3A_641, %swap3A_642], %mul3A_640 {strides = array<i32>} : memref<128x128xf32, #tpu.memory_space<vmem>>, vector<16xf32>,
        %get3A_644 = arith.index_cast %add3A_629 : i32 to index
        %get3A_645 = arith.constant 32 : index
        %get3A_646 = tpu.vector_load %arg22[%get3A_644, %get3A_645] {strides = array<i32>} : memref<128x128xf32, #tpu.memory_space<vmem>>, vector<16xf32>,
        %mul3A_647 = arith.mulf %get3A_646, %gather3A_625 : vector<16xf32>
        %swap3A_648 = arith.index_cast %add3A_629 : i32 to index
        %swap3A_649 = arith.constant 32 : index
        %swap3A_650 = tpu.vector_load %arg22[%swap3A_648, %swap3A_649] {strides = array<i32>} : memref<128x128xf32, #tpu.memory_space<vmem>>, vector<16xf32>,
        tpu.vector_store %arg22[%swap3A_648, %swap3A_649], %mul3A_647 {strides = array<i32>} : memref<128x128xf32, #tpu.memory_space<vmem>>, vector<16xf32>,
        %get3A_651 = arith.index_cast %add3A_629 : i32 to index
        %get3A_652 = arith.constant 48 : index
        %get3A_653 = tpu.vector_load %arg22[%get3A_651, %get3A_652] {strides = array<i32>} : memref<128x128xf32, #tpu.memory_space<vmem>>, vector<16xf32>,
        %mul3A_654 = arith.mulf %get3A_653, %gather3A_625 : vector<16xf32>
        %swap3A_655 = arith.index_cast %add3A_629 : i32 to index
        %swap3A_656 = arith.constant 48 : index
        %swap3A_657 = tpu.vector_load %arg22[%swap3A_655, %swap3A_656] {strides = array<i32>} : memref<128x128xf32, #tpu.memory_space<vmem>>, vector<16xf32>,
        tpu.vector_store %arg22[%swap3A_655, %swap3A_656], %mul3A_654 {strides = array<i32>} : memref<128x128xf32, #tpu.memory_space<vmem>>, vector<16xf32>,
        %get3A_658 = arith.index_cast %add3A_629 : i32 to index
        %get3A_659 = arith.constant 64 : index
        %get3A_660 = tpu.vector_load %arg22[%get3A_658, %get3A_659] {strides = array<i32>} : memref<128x128xf32, #tpu.memory_space<vmem>>, vector<16xf32>,
        %mul3A_661 = arith.mulf %get3A_660, %gather3A_625 : vector<16xf32>
        %swap3A_662 = arith.index_cast %add3A_629 : i32 to index
        %swap3A_663 = arith.constant 64 : index
        %swap3A_664 = tpu.vector_load %arg22[%swap3A_662, %swap3A_663] {strides = array<i32>} : memref<128x128xf32, #tpu.memory_space<vmem>>, vector<16xf32>,
        tpu.vector_store %arg22[%swap3A_662, %swap3A_663], %mul3A_661 {strides = array<i32>} : memref<128x128xf32, #tpu.memory_space<vmem>>, vector<16xf32>,
        %get3A_665 = arith.index_cast %add3A_629 : i32 to index
        %get3A_666 = arith.constant 80 : index
        %get3A_667 = tpu.vector_load %arg22[%get3A_665, %get3A_666] {strides = array<i32>} : memref<128x128xf32, #tpu.memory_space<vmem>>, vector<16xf32>,
        %mul3A_668 = arith.mulf %get3A_667, %gather3A_625 : vector<16xf32>
        %swap3A_669 = arith.index_cast %add3A_629 : i32 to index
        %swap3A_670 = arith.constant 80 : index
        %swap3A_671 = tpu.vector_load %arg22[%swap3A_669, %swap3A_670] {strides = array<i32>} : memref<128x128xf32, #tpu.memory_space<vmem>>, vector<16xf32>,
        tpu.vector_store %arg22[%swap3A_669, %swap3A_670], %mul3A_668 {strides = array<i32>} : memref<128x128xf32, #tpu.memory_space<vmem>>, vector<16xf32>,
        %get3A_672 = arith.index_cast %add3A_629 : i32 to index
        %get3A_673 = arith.constant 96 : index
        %get3A_674 = tpu.vector_load %arg22[%get3A_672, %get3A_673] {strides = array<i32>} : memref<128x128xf32, #tpu.memory_space<vmem>>, vector<16xf32>,
        %mul3A_675 = arith.mulf %get3A_674, %gather3A_625 : vector<16xf32>
        %swap3A_676 = arith.index_cast %add3A_629 : i32 to index
        %swap3A_677 = arith.constant 96 : index
        %swap3A_678 = tpu.vector_load %arg22[%swap3A_676, %swap3A_677] {strides = array<i32>} : memref<128x128xf32, #tpu.memory_space<vmem>>, vector<16xf32>,
        tpu.vector_store %arg22[%swap3A_676, %swap3A_677], %mul3A_675 {strides = array<i32>} : memref<128x128xf32, #tpu.memory_space<vmem>>, vector<16xf32>,
        %get3A_679 = arith.index_cast %add3A_629 : i32 to index
        %get3A_680 = arith.constant 112 : index
        %get3A_681 = tpu.vector_load %arg22[%get3A_679, %get3A_680] {strides = array<i32>} : memref<128x128xf32, #tpu.memory_space<vmem>>, vector<16xf32>,
        %mul3A_682 = arith.mulf %get3A_681, %gather3A_625 : vector<16xf32>
        %swap3A_683 = arith.index_cast %add3A_629 : i32 to index
        %swap3A_684 = arith.constant 112 : index
        %swap3A_685 = tpu.vector_load %arg22[%swap3A_683, %swap3A_684] {strides = array<i32>} : memref<128x128xf32, #tpu.memory_space<vmem>>, vector<16xf32>,
        tpu.vector_store %arg22[%swap3A_683, %swap3A_684], %mul3A_682 {strides = array<i32>} : memref<128x128xf32, #tpu.memory_space<vmem>>, vector<16xf32>,
        %broadcast_in_dim3A_686 = arith.constant 5 : i32
        %broadcast_in_dim3A_687 = vector.broadcast %broadcast_in_dim3A_686 : i32 to vector<16x1xi32>
        %gather3A_688 = vector.shape_cast %broadcast_in_dim3A_687 : vector<16x1xi32> to vector<16xi32>
        %gather3A_689 = tpu.dynamic_gather %get3A_367[%gather3A_688] in [0] : vector<16xf32>, vector<16xi32> -> vector<16xf32>
        %mul3A_690 = arith.constant 16 : i32
        %mul3A_691 = arith.muli %scan3A_363, %mul3A_690 : i32
        %add3A_692 = arith.constant 5 : i32
        %add3A_693 = arith.addi %mul3A_691, %add3A_692 : i32
        %get3A_694 = arith.index_cast %add3A_693 : i32 to index
        %get3A_695 = arith.constant 0 : index
        %get3A_696 = tpu.vector_load %arg22[%get3A_694, %get3A_695] {strides = array<i32>} : memref<128x128xf32, #tpu.memory_space<vmem>>, vector<16xf32>,
        %mul3A_697 = arith.mulf %get3A_696, %gather3A_689 : vector<16xf32>
        %swap3A_698 = arith.index_cast %add3A_693 : i32 to index
        %swap3A_699 = arith.constant 0 : index
        %swap3A_700 = tpu.vector_load %arg22[%swap3A_698, %swap3A_699] {strides = array<i32>} : memref<128x128xf32, #tpu.memory_space<vmem>>, vector<16xf32>,
        tpu.vector_store %arg22[%swap3A_698, %swap3A_699], %mul3A_697 {strides = array<i32>} : memref<128x128xf32, #tpu.memory_space<vmem>>, vector<16xf32>,
        %get3A_701 = arith.index_cast %add3A_693 : i32 to index
        %get3A_702 = arith.constant 16 : index
        %get3A_703 = tpu.vector_load %arg22[%get3A_701, %get3A_702] {strides = array<i32>} : memref<128x128xf32, #tpu.memory_space<vmem>>, vector<16xf32>,
        %mul3A_704 = arith.mulf %get3A_703, %gather3A_689 : vector<16xf32>
        %swap3A_705 = arith.index_cast %add3A_693 : i32 to index
        %swap3A_706 = arith.constant 16 : index
        %swap3A_707 = tpu.vector_load %arg22[%swap3A_705, %swap3A_706] {strides = array<i32>} : memref<128x128xf32, #tpu.memory_space<vmem>>, vector<16xf32>,
        tpu.vector_store %arg22[%swap3A_705, %swap3A_706], %mul3A_704 {strides = array<i32>} : memref<128x128xf32, #tpu.memory_space<vmem>>, vector<16xf32>,
        %get3A_708 = arith.index_cast %add3A_693 : i32 to index
        %get3A_709 = arith.constant 32 : index
        %get3A_710 = tpu.vector_load %arg22[%get3A_708, %get3A_709] {strides = array<i32>} : memref<128x128xf32, #tpu.memory_space<vmem>>, vector<16xf32>,
        %mul3A_711 = arith.mulf %get3A_710, %gather3A_689 : vector<16xf32>
        %swap3A_712 = arith.index_cast %add3A_693 : i32 to index
        %swap3A_713 = arith.constant 32 : index
        %swap3A_714 = tpu.vector_load %arg22[%swap3A_712, %swap3A_713] {strides = array<i32>} : memref<128x128xf32, #tpu.memory_space<vmem>>, vector<16xf32>,
        tpu.vector_store %arg22[%swap3A_712, %swap3A_713], %mul3A_711 {strides = array<i32>} : memref<128x128xf32, #tpu.memory_space<vmem>>, vector<16xf32>,
        %get3A_715 = arith.index_cast %add3A_693 : i32 to index
        %get3A_716 = arith.constant 48 : index
        %get3A_717 = tpu.vector_load %arg22[%get3A_715, %get3A_716] {strides = array<i32>} : memref<128x128xf32, #tpu.memory_space<vmem>>, vector<16xf32>,
        %mul3A_718 = arith.mulf %get3A_717, %gather3A_689 : vector<16xf32>
        %swap3A_719 = arith.index_cast %add3A_693 : i32 to index
        %swap3A_720 = arith.constant 48 : index
        %swap3A_721 = tpu.vector_load %arg22[%swap3A_719, %swap3A_720] {strides = array<i32>} : memref<128x128xf32, #tpu.memory_space<vmem>>, vector<16xf32>,
        tpu.vector_store %arg22[%swap3A_719, %swap3A_720], %mul3A_718 {strides = array<i32>} : memref<128x128xf32, #tpu.memory_space<vmem>>, vector<16xf32>,
        %get3A_722 = arith.index_cast %add3A_693 : i32 to index
        %get3A_723 = arith.constant 64 : index
        %get3A_724 = tpu.vector_load %arg22[%get3A_722, %get3A_723] {strides = array<i32>} : memref<128x128xf32, #tpu.memory_space<vmem>>, vector<16xf32>,
        %mul3A_725 = arith.mulf %get3A_724, %gather3A_689 : vector<16xf32>
        %swap3A_726 = arith.index_cast %add3A_693 : i32 to index
        %swap3A_727 = arith.constant 64 : index
        %swap3A_728 = tpu.vector_load %arg22[%swap3A_726, %swap3A_727] {strides = array<i32>} : memref<128x128xf32, #tpu.memory_space<vmem>>, vector<16xf32>,
        tpu.vector_store %arg22[%swap3A_726, %swap3A_727], %mul3A_725 {strides = array<i32>} : memref<128x128xf32, #tpu.memory_space<vmem>>, vector<16xf32>,
        %get3A_729 = arith.index_cast %add3A_693 : i32 to index
        %get3A_730 = arith.constant 80 : index
        %get3A_731 = tpu.vector_load %arg22[%get3A_729, %get3A_730] {strides = array<i32>} : memref<128x128xf32, #tpu.memory_space<vmem>>, vector<16xf32>,
        %mul3A_732 = arith.mulf %get3A_731, %gather3A_689 : vector<16xf32>
        %swap3A_733 = arith.index_cast %add3A_693 : i32 to index
        %swap3A_734 = arith.constant 80 : index
        %swap3A_735 = tpu.vector_load %arg22[%swap3A_733, %swap3A_734] {strides = array<i32>} : memref<128x128xf32, #tpu.memory_space<vmem>>, vector<16xf32>,
        tpu.vector_store %arg22[%swap3A_733, %swap3A_734], %mul3A_732 {strides = array<i32>} : memref<128x128xf32, #tpu.memory_space<vmem>>, vector<16xf32>,
        %get3A_736 = arith.index_cast %add3A_693 : i32 to index
        %get3A_737 = arith.constant 96 : index
        %get3A_738 = tpu.vector_load %arg22[%get3A_736, %get3A_737] {strides = array<i32>} : memref<128x128xf32, #tpu.memory_space<vmem>>, vector<16xf32>,
        %mul3A_739 = arith.mulf %get3A_738, %gather3A_689 : vector<16xf32>
        %swap3A_740 = arith.index_cast %add3A_693 : i32 to index
        %swap3A_741 = arith.constant 96 : index
        %swap3A_742 = tpu.vector_load %arg22[%swap3A_740, %swap3A_741] {strides = array<i32>} : memref<128x128xf32, #tpu.memory_space<vmem>>, vector<16xf32>,
        tpu.vector_store %arg22[%swap3A_740, %swap3A_741], %mul3A_739 {strides = array<i32>} : memref<128x128xf32, #tpu.memory_space<vmem>>, vector<16xf32>,
        %get3A_743 = arith.index_cast %add3A_693 : i32 to index
        %get3A_744 = arith.constant 112 : index
        %get3A_745 = tpu.vector_load %arg22[%get3A_743, %get3A_744] {strides = array<i32>} : memref<128x128xf32, #tpu.memory_space<vmem>>, vector<16xf32>,
        %mul3A_746 = arith.mulf %get3A_745, %gather3A_689 : vector<16xf32>
        %swap3A_747 = arith.index_cast %add3A_693 : i32 to index
        %swap3A_748 = arith.constant 112 : index
        %swap3A_749 = tpu.vector_load %arg22[%swap3A_747, %swap3A_748] {strides = array<i32>} : memref<128x128xf32, #tpu.memory_space<vmem>>, vector<16xf32>,
        tpu.vector_store %arg22[%swap3A_747, %swap3A_748], %mul3A_746 {strides = array<i32>} : memref<128x128xf32, #tpu.memory_space<vmem>>, vector<16xf32>,
        %broadcast_in_dim3A_750 = arith.constant 6 : i32
        %broadcast_in_dim3A_751 = vector.broadcast %broadcast_in_dim3A_750 : i32 to vector<16x1xi32>
        %gather3A_752 = vector.shape_cast %broadcast_in_dim3A_751 : vector<16x1xi32> to vector<16xi32>
        %gather3A_753 = tpu.dynamic_gather %get3A_367[%gather3A_752] in [0] : vector<16xf32>, vector<16xi32> -> vector<16xf32>
        %mul3A_754 = arith.constant 16 : i32
        %mul3A_755 = arith.muli %scan3A_363, %mul3A_754 : i32
        %add3A_756 = arith.constant 6 : i32
        %add3A_757 = arith.addi %mul3A_755, %add3A_756 : i32
        %get3A_758 = arith.index_cast %add3A_757 : i32 to index
        %get3A_759 = arith.constant 0 : index
        %get3A_760 = tpu.vector_load %arg22[%get3A_758, %get3A_759] {strides = array<i32>} : memref<128x128xf32, #tpu.memory_space<vmem>>, vector<16xf32>,
        %mul3A_761 = arith.mulf %get3A_760, %gather3A_753 : vector<16xf32>
        %swap3A_762 = arith.index_cast %add3A_757 : i32 to index
        %swap3A_763 = arith.constant 0 : index
        %swap3A_764 = tpu.vector_load %arg22[%swap3A_762, %swap3A_763] {strides = array<i32>} : memref<128x128xf32, #tpu.memory_space<vmem>>, vector<16xf32>,
        tpu.vector_store %arg22[%swap3A_762, %swap3A_763], %mul3A_761 {strides = array<i32>} : memref<128x128xf32, #tpu.memory_space<vmem>>, vector<16xf32>,
        %get3A_765 = arith.index_cast %add3A_757 : i32 to index
        %get3A_766 = arith.constant 16 : index
        %get3A_767 = tpu.vector_load %arg22[%get3A_765, %get3A_766] {strides = array<i32>} : memref<128x128xf32, #tpu.memory_space<vmem>>, vector<16xf32>,
        %mul3A_768 = arith.mulf %get3A_767, %gather3A_753 : vector<16xf32>
        %swap3A_769 = arith.index_cast %add3A_757 : i32 to index
        %swap3A_770 = arith.constant 16 : index
        %swap3A_771 = tpu.vector_load %arg22[%swap3A_769, %swap3A_770] {strides = array<i32>} : memref<128x128xf32, #tpu.memory_space<vmem>>, vector<16xf32>,
        tpu.vector_store %arg22[%swap3A_769, %swap3A_770], %mul3A_768 {strides = array<i32>} : memref<128x128xf32, #tpu.memory_space<vmem>>, vector<16xf32>,
        %get3A_772 = arith.index_cast %add3A_757 : i32 to index
        %get3A_773 = arith.constant 32 : index
        %get3A_774 = tpu.vector_load %arg22[%get3A_772, %get3A_773] {strides = array<i32>} : memref<128x128xf32, #tpu.memory_space<vmem>>, vector<16xf32>,
        %mul3A_775 = arith.mulf %get3A_774, %gather3A_753 : vector<16xf32>
        %swap3A_776 = arith.index_cast %add3A_757 : i32 to index
        %swap3A_777 = arith.constant 32 : index
        %swap3A_778 = tpu.vector_load %arg22[%swap3A_776, %swap3A_777] {strides = array<i32>} : memref<128x128xf32, #tpu.memory_space<vmem>>, vector<16xf32>,
        tpu.vector_store %arg22[%swap3A_776, %swap3A_777], %mul3A_775 {strides = array<i32>} : memref<128x128xf32, #tpu.memory_space<vmem>>, vector<16xf32>,
        %get3A_779 = arith.index_cast %add3A_757 : i32 to index
        %get3A_780 = arith.constant 48 : index
        %get3A_781 = tpu.vector_load %arg22[%get3A_779, %get3A_780] {strides = array<i32>} : memref<128x128xf32, #tpu.memory_space<vmem>>, vector<16xf32>,
        %mul3A_782 = arith.mulf %get3A_781, %gather3A_753 : vector<16xf32>
        %swap3A_783 = arith.index_cast %add3A_757 : i32 to index
        %swap3A_784 = arith.constant 48 : index
        %swap3A_785 = tpu.vector_load %arg22[%swap3A_783, %swap3A_784] {strides = array<i32>} : memref<128x128xf32, #tpu.memory_space<vmem>>, vector<16xf32>,
        tpu.vector_store %arg22[%swap3A_783, %swap3A_784], %mul3A_782 {strides = array<i32>} : memref<128x128xf32, #tpu.memory_space<vmem>>, vector<16xf32>,
        %get3A_786 = arith.index_cast %add3A_757 : i32 to index
        %get3A_787 = arith.constant 64 : index
        %get3A_788 = tpu.vector_load %arg22[%get3A_786, %get3A_787] {strides = array<i32>} : memref<128x128xf32, #tpu.memory_space<vmem>>, vector<16xf32>,
        %mul3A_789 = arith.mulf %get3A_788, %gather3A_753 : vector<16xf32>
        %swap3A_790 = arith.index_cast %add3A_757 : i32 to index
        %swap3A_791 = arith.constant 64 : index
        %swap3A_792 = tpu.vector_load %arg22[%swap3A_790, %swap3A_791] {strides = array<i32>} : memref<128x128xf32, #tpu.memory_space<vmem>>, vector<16xf32>,
        tpu.vector_store %arg22[%swap3A_790, %swap3A_791], %mul3A_789 {strides = array<i32>} : memref<128x128xf32, #tpu.memory_space<vmem>>, vector<16xf32>,
        %get3A_793 = arith.index_cast %add3A_757 : i32 to index
        %get3A_794 = arith.constant 80 : index
        %get3A_795 = tpu.vector_load %arg22[%get3A_793, %get3A_794] {strides = array<i32>} : memref<128x128xf32, #tpu.memory_space<vmem>>, vector<16xf32>,
        %mul3A_796 = arith.mulf %get3A_795, %gather3A_753 : vector<16xf32>
        %swap3A_797 = arith.index_cast %add3A_757 : i32 to index
        %swap3A_798 = arith.constant 80 : index
        %swap3A_799 = tpu.vector_load %arg22[%swap3A_797, %swap3A_798] {strides = array<i32>} : memref<128x128xf32, #tpu.memory_space<vmem>>, vector<16xf32>,
        tpu.vector_store %arg22[%swap3A_797, %swap3A_798], %mul3A_796 {strides = array<i32>} : memref<128x128xf32, #tpu.memory_space<vmem>>, vector<16xf32>,
        %get3A_800 = arith.index_cast %add3A_757 : i32 to index
        %get3A_801 = arith.constant 96 : index
        %get3A_802 = tpu.vector_load %arg22[%get3A_800, %get3A_801] {strides = array<i32>} : memref<128x128xf32, #tpu.memory_space<vmem>>, vector<16xf32>,
        %mul3A_803 = arith.mulf %get3A_802, %gather3A_753 : vector<16xf32>
        %swap3A_804 = arith.index_cast %add3A_757 : i32 to index
        %swap3A_805 = arith.constant 96 : index
        %swap3A_806 = tpu.vector_load %arg22[%swap3A_804, %swap3A_805] {strides = array<i32>} : memref<128x128xf32, #tpu.memory_space<vmem>>, vector<16xf32>,
        tpu.vector_store %arg22[%swap3A_804, %swap3A_805], %mul3A_803 {strides = array<i32>} : memref<128x128xf32, #tpu.memory_space<vmem>>, vector<16xf32>,
        %get3A_807 = arith.index_cast %add3A_757 : i32 to index
        %get3A_808 = arith.constant 112 : index
        %get3A_809 = tpu.vector_load %arg22[%get3A_807, %get3A_808] {strides = array<i32>} : memref<128x128xf32, #tpu.memory_space<vmem>>, vector<16xf32>,
        %mul3A_810 = arith.mulf %get3A_809, %gather3A_753 : vector<16xf32>
        %swap3A_811 = arith.index_cast %add3A_757 : i32 to index
        %swap3A_812 = arith.constant 112 : index
        %swap3A_813 = tpu.vector_load %arg22[%swap3A_811, %swap3A_812] {strides = array<i32>} : memref<128x128xf32, #tpu.memory_space<vmem>>, vector<16xf32>,
        tpu.vector_store %arg22[%swap3A_811, %swap3A_812], %mul3A_810 {strides = array<i32>} : memref<128x128xf32, #tpu.memory_space<vmem>>, vector<16xf32>,
        %broadcast_in_dim3A_814 = arith.constant 7 : i32
        %broadcast_in_dim3A_815 = vector.broadcast %broadcast_in_dim3A_814 : i32 to vector<16x1xi32>
        %gather3A_816 = vector.shape_cast %broadcast_in_dim3A_815 : vector<16x1xi32> to vector<16xi32>
        %gather3A_817 = tpu.dynamic_gather %get3A_367[%gather3A_816] in [0] : vector<16xf32>, vector<16xi32> -> vector<16xf32>
        %mul3A_818 = arith.constant 16 : i32
        %mul3A_819 = arith.muli %scan3A_363, %mul3A_818 : i32
        %add3A_820 = arith.constant 7 : i32
        %add3A_821 = arith.addi %mul3A_819, %add3A_820 : i32
        %get3A_822 = arith.index_cast %add3A_821 : i32 to index
        %get3A_823 = arith.constant 0 : index
        %get3A_824 = tpu.vector_load %arg22[%get3A_822, %get3A_823] {strides = array<i32>} : memref<128x128xf32, #tpu.memory_space<vmem>>, vector<16xf32>,
        %mul3A_825 = arith.mulf %get3A_824, %gather3A_817 : vector<16xf32>
        %swap3A_826 = arith.index_cast %add3A_821 : i32 to index
        %swap3A_827 = arith.constant 0 : index
        %swap3A_828 = tpu.vector_load %arg22[%swap3A_826, %swap3A_827] {strides = array<i32>} : memref<128x128xf32, #tpu.memory_space<vmem>>, vector<16xf32>,
        tpu.vector_store %arg22[%swap3A_826, %swap3A_827], %mul3A_825 {strides = array<i32>} : memref<128x128xf32, #tpu.memory_space<vmem>>, vector<16xf32>,
        %get3A_829 = arith.index_cast %add3A_821 : i32 to index
        %get3A_830 = arith.constant 16 : index
        %get3A_831 = tpu.vector_load %arg22[%get3A_829, %get3A_830] {strides = array<i32>} : memref<128x128xf32, #tpu.memory_space<vmem>>, vector<16xf32>,
        %mul3A_832 = arith.mulf %get3A_831, %gather3A_817 : vector<16xf32>
        %swap3A_833 = arith.index_cast %add3A_821 : i32 to index
        %swap3A_834 = arith.constant 16 : index
        %swap3A_835 = tpu.vector_load %arg22[%swap3A_833, %swap3A_834] {strides = array<i32>} : memref<128x128xf32, #tpu.memory_space<vmem>>, vector<16xf32>,
        tpu.vector_store %arg22[%swap3A_833, %swap3A_834], %mul3A_832 {strides = array<i32>} : memref<128x128xf32, #tpu.memory_space<vmem>>, vector<16xf32>,
        %get3A_836 = arith.index_cast %add3A_821 : i32 to index
        %get3A_837 = arith.constant 32 : index
        %get3A_838 = tpu.vector_load %arg22[%get3A_836, %get3A_837] {strides = array<i32>} : memref<128x128xf32, #tpu.memory_space<vmem>>, vector<16xf32>,
        %mul3A_839 = arith.mulf %get3A_838, %gather3A_817 : vector<16xf32>
        %swap3A_840 = arith.index_cast %add3A_821 : i32 to index
        %swap3A_841 = arith.constant 32 : index
        %swap3A_842 = tpu.vector_load %arg22[%swap3A_840, %swap3A_841] {strides = array<i32>} : memref<128x128xf32, #tpu.memory_space<vmem>>, vector<16xf32>,
        tpu.vector_store %arg22[%swap3A_840, %swap3A_841], %mul3A_839 {strides = array<i32>} : memref<128x128xf32, #tpu.memory_space<vmem>>, vector<16xf32>,
        %get3A_843 = arith.index_cast %add3A_821 : i32 to index
        %get3A_844 = arith.constant 48 : index
        %get3A_845 = tpu.vector_load %arg22[%get3A_843, %get3A_844] {strides = array<i32>} : memref<128x128xf32, #tpu.memory_space<vmem>>, vector<16xf32>,
        %mul3A_846 = arith.mulf %get3A_845, %gather3A_817 : vector<16xf32>
        %swap3A_847 = arith.index_cast %add3A_821 : i32 to index
        %swap3A_848 = arith.constant 48 : index
        %swap3A_849 = tpu.vector_load %arg22[%swap3A_847, %swap3A_848] {strides = array<i32>} : memref<128x128xf32, #tpu.memory_space<vmem>>, vector<16xf32>,
        tpu.vector_store %arg22[%swap3A_847, %swap3A_848], %mul3A_846 {strides = array<i32>} : memref<128x128xf32, #tpu.memory_space<vmem>>, vector<16xf32>,
        %get3A_850 = arith.index_cast %add3A_821 : i32 to index
        %get3A_851 = arith.constant 64 : index
        %get3A_852 = tpu.vector_load %arg22[%get3A_850, %get3A_851] {strides = array<i32>} : memref<128x128xf32, #tpu.memory_space<vmem>>, vector<16xf32>,
        %mul3A_853 = arith.mulf %get3A_852, %gather3A_817 : vector<16xf32>
        %swap3A_854 = arith.index_cast %add3A_821 : i32 to index
        %swap3A_855 = arith.constant 64 : index
        %swap3A_856 = tpu.vector_load %arg22[%swap3A_854, %swap3A_855] {strides = array<i32>} : memref<128x128xf32, #tpu.memory_space<vmem>>, vector<16xf32>,
        tpu.vector_store %arg22[%swap3A_854, %swap3A_855], %mul3A_853 {strides = array<i32>} : memref<128x128xf32, #tpu.memory_space<vmem>>, vector<16xf32>,
        %get3A_857 = arith.index_cast %add3A_821 : i32 to index
        %get3A_858 = arith.constant 80 : index
        %get3A_859 = tpu.vector_load %arg22[%get3A_857, %get3A_858] {strides = array<i32>} : memref<128x128xf32, #tpu.memory_space<vmem>>, vector<16xf32>,
        %mul3A_860 = arith.mulf %get3A_859, %gather3A_817 : vector<16xf32>
        %swap3A_861 = arith.index_cast %add3A_821 : i32 to index
        %swap3A_862 = arith.constant 80 : index
        %swap3A_863 = tpu.vector_load %arg22[%swap3A_861, %swap3A_862] {strides = array<i32>} : memref<128x128xf32, #tpu.memory_space<vmem>>, vector<16xf32>,
        tpu.vector_store %arg22[%swap3A_861, %swap3A_862], %mul3A_860 {strides = array<i32>} : memref<128x128xf32, #tpu.memory_space<vmem>>, vector<16xf32>,
        %get3A_864 = arith.index_cast %add3A_821 : i32 to index
        %get3A_865 = arith.constant 96 : index
        %get3A_866 = tpu.vector_load %arg22[%get3A_864, %get3A_865] {strides = array<i32>} : memref<128x128xf32, #tpu.memory_space<vmem>>, vector<16xf32>,
        %mul3A_867 = arith.mulf %get3A_866, %gather3A_817 : vector<16xf32>
        %swap3A_868 = arith.index_cast %add3A_821 : i32 to index
        %swap3A_869 = arith.constant 96 : index
        %swap3A_870 = tpu.vector_load %arg22[%swap3A_868, %swap3A_869] {strides = array<i32>} : memref<128x128xf32, #tpu.memory_space<vmem>>, vector<16xf32>,
        tpu.vector_store %arg22[%swap3A_868, %swap3A_869], %mul3A_867 {strides = array<i32>} : memref<128x128xf32, #tpu.memory_space<vmem>>, vector<16xf32>,
        %get3A_871 = arith.index_cast %add3A_821 : i32 to index
        %get3A_872 = arith.constant 112 : index
        %get3A_873 = tpu.vector_load %arg22[%get3A_871, %get3A_872] {strides = array<i32>} : memref<128x128xf32, #tpu.memory_space<vmem>>, vector<16xf32>,
        %mul3A_874 = arith.mulf %get3A_873, %gather3A_817 : vector<16xf32>
        %swap3A_875 = arith.index_cast %add3A_821 : i32 to index
        %swap3A_876 = arith.constant 112 : index
        %swap3A_877 = tpu.vector_load %arg22[%swap3A_875, %swap3A_876] {strides = array<i32>} : memref<128x128xf32, #tpu.memory_space<vmem>>, vector<16xf32>,
        tpu.vector_store %arg22[%swap3A_875, %swap3A_876], %mul3A_874 {strides = array<i32>} : memref<128x128xf32, #tpu.memory_space<vmem>>, vector<16xf32>,
        %broadcast_in_dim3A_878 = arith.constant 8 : i32
        %broadcast_in_dim3A_879 = vector.broadcast %broadcast_in_dim3A_878 : i32 to vector<16x1xi32>
        %gather3A_880 = vector.shape_cast %broadcast_in_dim3A_879 : vector<16x1xi32> to vector<16xi32>
        %gather3A_881 = tpu.dynamic_gather %get3A_367[%gather3A_880] in [0] : vector<16xf32>, vector<16xi32> -> vector<16xf32>
        %mul3A_882 = arith.constant 16 : i32
        %mul3A_883 = arith.muli %scan3A_363, %mul3A_882 : i32
        %add3A_884 = arith.constant 8 : i32
        %add3A_885 = arith.addi %mul3A_883, %add3A_884 : i32
        %get3A_886 = arith.index_cast %add3A_885 : i32 to index
        %get3A_887 = arith.constant 0 : index
        %get3A_888 = tpu.vector_load %arg22[%get3A_886, %get3A_887] {strides = array<i32>} : memref<128x128xf32, #tpu.memory_space<vmem>>, vector<16xf32>,
        %mul3A_889 = arith.mulf %get3A_888, %gather3A_881 : vector<16xf32>
        %swap3A_890 = arith.index_cast %add3A_885 : i32 to index
        %swap3A_891 = arith.constant 0 : index
        %swap3A_892 = tpu.vector_load %arg22[%swap3A_890, %swap3A_891] {strides = array<i32>} : memref<128x128xf32, #tpu.memory_space<vmem>>, vector<16xf32>,
        tpu.vector_store %arg22[%swap3A_890, %swap3A_891], %mul3A_889 {strides = array<i32>} : memref<128x128xf32, #tpu.memory_space<vmem>>, vector<16xf32>,
        %get3A_893 = arith.index_cast %add3A_885 : i32 to index
        %get3A_894 = arith.constant 16 : index
        %get3A_895 = tpu.vector_load %arg22[%get3A_893, %get3A_894] {strides = array<i32>} : memref<128x128xf32, #tpu.memory_space<vmem>>, vector<16xf32>,
        %mul3A_896 = arith.mulf %get3A_895, %gather3A_881 : vector<16xf32>
        %swap3A_897 = arith.index_cast %add3A_885 : i32 to index
        %swap3A_898 = arith.constant 16 : index
        %swap3A_899 = tpu.vector_load %arg22[%swap3A_897, %swap3A_898] {strides = array<i32>} : memref<128x128xf32, #tpu.memory_space<vmem>>, vector<16xf32>,
        tpu.vector_store %arg22[%swap3A_897, %swap3A_898], %mul3A_896 {strides = array<i32>} : memref<128x128xf32, #tpu.memory_space<vmem>>, vector<16xf32>,
        %get3A_900 = arith.index_cast %add3A_885 : i32 to index
        %get3A_901 = arith.constant 32 : index
        %get3A_902 = tpu.vector_load %arg22[%get3A_900, %get3A_901] {strides = array<i32>} : memref<128x128xf32, #tpu.memory_space<vmem>>, vector<16xf32>,
        %mul3A_903 = arith.mulf %get3A_902, %gather3A_881 : vector<16xf32>
        %swap3A_904 = arith.index_cast %add3A_885 : i32 to index
        %swap3A_905 = arith.constant 32 : index
        %swap3A_906 = tpu.vector_load %arg22[%swap3A_904, %swap3A_905] {strides = array<i32>} : memref<128x128xf32, #tpu.memory_space<vmem>>, vector<16xf32>,
        tpu.vector_store %arg22[%swap3A_904, %swap3A_905], %mul3A_903 {strides = array<i32>} : memref<128x128xf32, #tpu.memory_space<vmem>>, vector<16xf32>,
        %get3A_907 = arith.index_cast %add3A_885 : i32 to index
        %get3A_908 = arith.constant 48 : index
        %get3A_909 = tpu.vector_load %arg22[%get3A_907, %get3A_908] {strides = array<i32>} : memref<128x128xf32, #tpu.memory_space<vmem>>, vector<16xf32>,
        %mul3A_910 = arith.mulf %get3A_909, %gather3A_881 : vector<16xf32>
        %swap3A_911 = arith.index_cast %add3A_885 : i32 to index
        %swap3A_912 = arith.constant 48 : index
        %swap3A_913 = tpu.vector_load %arg22[%swap3A_911, %swap3A_912] {strides = array<i32>} : memref<128x128xf32, #tpu.memory_space<vmem>>, vector<16xf32>,
        tpu.vector_store %arg22[%swap3A_911, %swap3A_912], %mul3A_910 {strides = array<i32>} : memref<128x128xf32, #tpu.memory_space<vmem>>, vector<16xf32>,
        %get3A_914 = arith.index_cast %add3A_885 : i32 to index
        %get3A_915 = arith.constant 64 : index
        %get3A_916 = tpu.vector_load %arg22[%get3A_914, %get3A_915] {strides = array<i32>} : memref<128x128xf32, #tpu.memory_space<vmem>>, vector<16xf32>,
        %mul3A_917 = arith.mulf %get3A_916, %gather3A_881 : vector<16xf32>
        %swap3A_918 = arith.index_cast %add3A_885 : i32 to index
        %swap3A_919 = arith.constant 64 : index
        %swap3A_920 = tpu.vector_load %arg22[%swap3A_918, %swap3A_919] {strides = array<i32>} : memref<128x128xf32, #tpu.memory_space<vmem>>, vector<16xf32>,
        tpu.vector_store %arg22[%swap3A_918, %swap3A_919], %mul3A_917 {strides = array<i32>} : memref<128x128xf32, #tpu.memory_space<vmem>>, vector<16xf32>,
        %get3A_921 = arith.index_cast %add3A_885 : i32 to index
        %get3A_922 = arith.constant 80 : index
        %get3A_923 = tpu.vector_load %arg22[%get3A_921, %get3A_922] {strides = array<i32>} : memref<128x128xf32, #tpu.memory_space<vmem>>, vector<16xf32>,
        %mul3A_924 = arith.mulf %get3A_923, %gather3A_881 : vector<16xf32>
        %swap3A_925 = arith.index_cast %add3A_885 : i32 to index
        %swap3A_926 = arith.constant 80 : index
        %swap3A_927 = tpu.vector_load %arg22[%swap3A_925, %swap3A_926] {strides = array<i32>} : memref<128x128xf32, #tpu.memory_space<vmem>>, vector<16xf32>,
        tpu.vector_store %arg22[%swap3A_925, %swap3A_926], %mul3A_924 {strides = array<i32>} : memref<128x128xf32, #tpu.memory_space<vmem>>, vector<16xf32>,
        %get3A_928 = arith.index_cast %add3A_885 : i32 to index
        %get3A_929 = arith.constant 96 : index
        %get3A_930 = tpu.vector_load %arg22[%get3A_928, %get3A_929] {strides = array<i32>} : memref<128x128xf32, #tpu.memory_space<vmem>>, vector<16xf32>,
        %mul3A_931 = arith.mulf %get3A_930, %gather3A_881 : vector<16xf32>
        %swap3A_932 = arith.index_cast %add3A_885 : i32 to index
        %swap3A_933 = arith.constant 96 : index
        %swap3A_934 = tpu.vector_load %arg22[%swap3A_932, %swap3A_933] {strides = array<i32>} : memref<128x128xf32, #tpu.memory_space<vmem>>, vector<16xf32>,
        tpu.vector_store %arg22[%swap3A_932, %swap3A_933], %mul3A_931 {strides = array<i32>} : memref<128x128xf32, #tpu.memory_space<vmem>>, vector<16xf32>,
        %get3A_935 = arith.index_cast %add3A_885 : i32 to index
        %get3A_936 = arith.constant 112 : index
        %get3A_937 = tpu.vector_load %arg22[%get3A_935, %get3A_936] {strides = array<i32>} : memref<128x128xf32, #tpu.memory_space<vmem>>, vector<16xf32>,
        %mul3A_938 = arith.mulf %get3A_937, %gather3A_881 : vector<16xf32>
        %swap3A_939 = arith.index_cast %add3A_885 : i32 to index
        %swap3A_940 = arith.constant 112 : index
        %swap3A_941 = tpu.vector_load %arg22[%swap3A_939, %swap3A_940] {strides = array<i32>} : memref<128x128xf32, #tpu.memory_space<vmem>>, vector<16xf32>,
        tpu.vector_store %arg22[%swap3A_939, %swap3A_940], %mul3A_938 {strides = array<i32>} : memref<128x128xf32, #tpu.memory_space<vmem>>, vector<16xf32>,
        %broadcast_in_dim3A_942 = arith.constant 9 : i32
        %broadcast_in_dim3A_943 = vector.broadcast %broadcast_in_dim3A_942 : i32 to vector<16x1xi32>
        %gather3A_944 = vector.shape_cast %broadcast_in_dim3A_943 : vector<16x1xi32> to vector<16xi32>
        %gather3A_945 = tpu.dynamic_gather %get3A_367[%gather3A_944] in [0] : vector<16xf32>, vector<16xi32> -> vector<16xf32>
        %mul3A_946 = arith.constant 16 : i32
        %mul3A_947 = arith.muli %scan3A_363, %mul3A_946 : i32
        %add3A_948 = arith.constant 9 : i32
        %add3A_949 = arith.addi %mul3A_947, %add3A_948 : i32
        %get3A_950 = arith.index_cast %add3A_949 : i32 to index
        %get3A_951 = arith.constant 0 : index
        %get3A_952 = tpu.vector_load %arg22[%get3A_950, %get3A_951] {strides = array<i32>} : memref<128x128xf32, #tpu.memory_space<vmem>>, vector<16xf32>,
        %mul3A_953 = arith.mulf %get3A_952, %gather3A_945 : vector<16xf32>
        %swap3A_954 = arith.index_cast %add3A_949 : i32 to index
        %swap3A_955 = arith.constant 0 : index
        %swap3A_956 = tpu.vector_load %arg22[%swap3A_954, %swap3A_955] {strides = array<i32>} : memref<128x128xf32, #tpu.memory_space<vmem>>, vector<16xf32>,
        tpu.vector_store %arg22[%swap3A_954, %swap3A_955], %mul3A_953 {strides = array<i32>} : memref<128x128xf32, #tpu.memory_space<vmem>>, vector<16xf32>,
        %get3A_957 = arith.index_cast %add3A_949 : i32 to index
        %get3A_958 = arith.constant 16 : index
        %get3A_959 = tpu.vector_load %arg22[%get3A_957, %get3A_958] {strides = array<i32>} : memref<128x128xf32, #tpu.memory_space<vmem>>, vector<16xf32>,
        %mul3A_960 = arith.mulf %get3A_959, %gather3A_945 : vector<16xf32>
        %swap3A_961 = arith.index_cast %add3A_949 : i32 to index
        %swap3A_962 = arith.constant 16 : index
        %swap3A_963 = tpu.vector_load %arg22[%swap3A_961, %swap3A_962] {strides = array<i32>} : memref<128x128xf32, #tpu.memory_space<vmem>>, vector<16xf32>,
        tpu.vector_store %arg22[%swap3A_961, %swap3A_962], %mul3A_960 {strides = array<i32>} : memref<128x128xf32, #tpu.memory_space<vmem>>, vector<16xf32>,
        %get3A_964 = arith.index_cast %add3A_949 : i32 to index
        %get3A_965 = arith.constant 32 : index
        %get3A_966 = tpu.vector_load %arg22[%get3A_964, %get3A_965] {strides = array<i32>} : memref<128x128xf32, #tpu.memory_space<vmem>>, vector<16xf32>,
        %mul3A_967 = arith.mulf %get3A_966, %gather3A_945 : vector<16xf32>
        %swap3A_968 = arith.index_cast %add3A_949 : i32 to index
        %swap3A_969 = arith.constant 32 : index
        %swap3A_970 = tpu.vector_load %arg22[%swap3A_968, %swap3A_969] {strides = array<i32>} : memref<128x128xf32, #tpu.memory_space<vmem>>, vector<16xf32>,
        tpu.vector_store %arg22[%swap3A_968, %swap3A_969], %mul3A_967 {strides = array<i32>} : memref<128x128xf32, #tpu.memory_space<vmem>>, vector<16xf32>,
        %get3A_971 = arith.index_cast %add3A_949 : i32 to index
        %get3A_972 = arith.constant 48 : index
        %get3A_973 = tpu.vector_load %arg22[%get3A_971, %get3A_972] {strides = array<i32>} : memref<128x128xf32, #tpu.memory_space<vmem>>, vector<16xf32>,
        %mul3A_974 = arith.mulf %get3A_973, %gather3A_945 : vector<16xf32>
        %swap3A_975 = arith.index_cast %add3A_949 : i32 to index
        %swap3A_976 = arith.constant 48 : index
        %swap3A_977 = tpu.vector_load %arg22[%swap3A_975, %swap3A_976] {strides = array<i32>} : memref<128x128xf32, #tpu.memory_space<vmem>>, vector<16xf32>,
        tpu.vector_store %arg22[%swap3A_975, %swap3A_976], %mul3A_974 {strides = array<i32>} : memref<128x128xf32, #tpu.memory_space<vmem>>, vector<16xf32>,
        %get3A_978 = arith.index_cast %add3A_949 : i32 to index
        %get3A_979 = arith.constant 64 : index
        %get3A_980 = tpu.vector_load %arg22[%get3A_978, %get3A_979] {strides = array<i32>} : memref<128x128xf32, #tpu.memory_space<vmem>>, vector<16xf32>,
        %mul3A_981 = arith.mulf %get3A_980, %gather3A_945 : vector<16xf32>
        %swap3A_982 = arith.index_cast %add3A_949 : i32 to index
        %swap3A_983 = arith.constant 64 : index
        %swap3A_984 = tpu.vector_load %arg22[%swap3A_982, %swap3A_983] {strides = array<i32>} : memref<128x128xf32, #tpu.memory_space<vmem>>, vector<16xf32>,
        tpu.vector_store %arg22[%swap3A_982, %swap3A_983], %mul3A_981 {strides = array<i32>} : memref<128x128xf32, #tpu.memory_space<vmem>>, vector<16xf32>,
        %get3A_985 = arith.index_cast %add3A_949 : i32 to index
        %get3A_986 = arith.constant 80 : index
        %get3A_987 = tpu.vector_load %arg22[%get3A_985, %get3A_986] {strides = array<i32>} : memref<128x128xf32, #tpu.memory_space<vmem>>, vector<16xf32>,
        %mul3A_988 = arith.mulf %get3A_987, %gather3A_945 : vector<16xf32>
        %swap3A_989 = arith.index_cast %add3A_949 : i32 to index
        %swap3A_990 = arith.constant 80 : index
        %swap3A_991 = tpu.vector_load %arg22[%swap3A_989, %swap3A_990] {strides = array<i32>} : memref<128x128xf32, #tpu.memory_space<vmem>>, vector<16xf32>,
        tpu.vector_store %arg22[%swap3A_989, %swap3A_990], %mul3A_988 {strides = array<i32>} : memref<128x128xf32, #tpu.memory_space<vmem>>, vector<16xf32>,
        %get3A_992 = arith.index_cast %add3A_949 : i32 to index
        %get3A_993 = arith.constant 96 : index
        %get3A_994 = tpu.vector_load %arg22[%get3A_992, %get3A_993] {strides = array<i32>} : memref<128x128xf32, #tpu.memory_space<vmem>>, vector<16xf32>,
        %mul3A_995 = arith.mulf %get3A_994, %gather3A_945 : vector<16xf32>
        %swap3A_996 = arith.index_cast %add3A_949 : i32 to index
        %swap3A_997 = arith.constant 96 : index
        %swap3A_998 = tpu.vector_load %arg22[%swap3A_996, %swap3A_997] {strides = array<i32>} : memref<128x128xf32, #tpu.memory_space<vmem>>, vector<16xf32>,
        tpu.vector_store %arg22[%swap3A_996, %swap3A_997], %mul3A_995 {strides = array<i32>} : memref<128x128xf32, #tpu.memory_space<vmem>>, vector<16xf32>,
        %get3A_999 = arith.index_cast %add3A_949 : i32 to index
        %get3A_1000 = arith.constant 112 : index
        %get3A_1001 = tpu.vector_load %arg22[%get3A_999, %get3A_1000] {strides = array<i32>} : memref<128x128xf32, #tpu.memory_space<vmem>>, vector<16xf32>,
        %mul3A_1002 = arith.mulf %get3A_1001, %gather3A_945 : vector<16xf32>
        %swap3A_1003 = arith.index_cast %add3A_949 : i32 to index
        %swap3A_1004 = arith.constant 112 : index
        %swap3A_1005 = tpu.vector_load %arg22[%swap3A_1003, %swap3A_1004] {strides = array<i32>} : memref<128x128xf32, #tpu.memory_space<vmem>>, vector<16xf32>,
        tpu.vector_store %arg22[%swap3A_1003, %swap3A_1004], %mul3A_1002 {strides = array<i32>} : memref<128x128xf32, #tpu.memory_space<vmem>>, vector<16xf32>,
        %broadcast_in_dim3A_1006 = arith.constant 10 : i32
        %broadcast_in_dim3A_1007 = vector.broadcast %broadcast_in_dim3A_1006 : i32 to vector<16x1xi32>
        %gather3A_1008 = vector.shape_cast %broadcast_in_dim3A_1007 : vector<16x1xi32> to vector<16xi32>
        %gather3A_1009 = tpu.dynamic_gather %get3A_367[%gather3A_1008] in [0] : vector<16xf32>, vector<16xi32> -> vector<16xf32>
        %mul3A_1010 = arith.constant 16 : i32
        %mul3A_1011 = arith.muli %scan3A_363, %mul3A_1010 : i32
        %add3A_1012 = arith.constant 10 : i32
        %add3A_1013 = arith.addi %mul3A_1011, %add3A_1012 : i32
        %get3A_1014 = arith.index_cast %add3A_1013 : i32 to index
        %get3A_1015 = arith.constant 0 : index
        %get3A_1016 = tpu.vector_load %arg22[%get3A_1014, %get3A_1015] {strides = array<i32>} : memref<128x128xf32, #tpu.memory_space<vmem>>, vector<16xf32>,
        %mul3A_1017 = arith.mulf %get3A_1016, %gather3A_1009 : vector<16xf32>
        %swap3A_1018 = arith.index_cast %add3A_1013 : i32 to index
        %swap3A_1019 = arith.constant 0 : index
        %swap3A_1020 = tpu.vector_load %arg22[%swap3A_1018, %swap3A_1019] {strides = array<i32>} : memref<128x128xf32, #tpu.memory_space<vmem>>, vector<16xf32>,
        tpu.vector_store %arg22[%swap3A_1018, %swap3A_1019], %mul3A_1017 {strides = array<i32>} : memref<128x128xf32, #tpu.memory_space<vmem>>, vector<16xf32>,
        %get3A_1021 = arith.index_cast %add3A_1013 : i32 to index
        %get3A_1022 = arith.constant 16 : index
        %get3A_1023 = tpu.vector_load %arg22[%get3A_1021, %get3A_1022] {strides = array<i32>} : memref<128x128xf32, #tpu.memory_space<vmem>>, vector<16xf32>,
        %mul3A_1024 = arith.mulf %get3A_1023, %gather3A_1009 : vector<16xf32>
        %swap3A_1025 = arith.index_cast %add3A_1013 : i32 to index
        %swap3A_1026 = arith.constant 16 : index
        %swap3A_1027 = tpu.vector_load %arg22[%swap3A_1025, %swap3A_1026] {strides = array<i32>} : memref<128x128xf32, #tpu.memory_space<vmem>>, vector<16xf32>,
        tpu.vector_store %arg22[%swap3A_1025, %swap3A_1026], %mul3A_1024 {strides = array<i32>} : memref<128x128xf32, #tpu.memory_space<vmem>>, vector<16xf32>,
        %get3A_1028 = arith.index_cast %add3A_1013 : i32 to index
        %get3A_1029 = arith.constant 32 : index
        %get3A_1030 = tpu.vector_load %arg22[%get3A_1028, %get3A_1029] {strides = array<i32>} : memref<128x128xf32, #tpu.memory_space<vmem>>, vector<16xf32>,
        %mul3A_1031 = arith.mulf %get3A_1030, %gather3A_1009 : vector<16xf32>
        %swap3A_1032 = arith.index_cast %add3A_1013 : i32 to index
        %swap3A_1033 = arith.constant 32 : index
        %swap3A_1034 = tpu.vector_load %arg22[%swap3A_1032, %swap3A_1033] {strides = array<i32>} : memref<128x128xf32, #tpu.memory_space<vmem>>, vector<16xf32>,
        tpu.vector_store %arg22[%swap3A_1032, %swap3A_1033], %mul3A_1031 {strides = array<i32>} : memref<128x128xf32, #tpu.memory_space<vmem>>, vector<16xf32>,
        %get3A_1035 = arith.index_cast %add3A_1013 : i32 to index
        %get3A_1036 = arith.constant 48 : index
        %get3A_1037 = tpu.vector_load %arg22[%get3A_1035, %get3A_1036] {strides = array<i32>} : memref<128x128xf32, #tpu.memory_space<vmem>>, vector<16xf32>,
        %mul3A_1038 = arith.mulf %get3A_1037, %gather3A_1009 : vector<16xf32>
        %swap3A_1039 = arith.index_cast %add3A_1013 : i32 to index
        %swap3A_1040 = arith.constant 48 : index
        %swap3A_1041 = tpu.vector_load %arg22[%swap3A_1039, %swap3A_1040] {strides = array<i32>} : memref<128x128xf32, #tpu.memory_space<vmem>>, vector<16xf32>,
        tpu.vector_store %arg22[%swap3A_1039, %swap3A_1040], %mul3A_1038 {strides = array<i32>} : memref<128x128xf32, #tpu.memory_space<vmem>>, vector<16xf32>,
        %get3A_1042 = arith.index_cast %add3A_1013 : i32 to index
        %get3A_1043 = arith.constant 64 : index
        %get3A_1044 = tpu.vector_load %arg22[%get3A_1042, %get3A_1043] {strides = array<i32>} : memref<128x128xf32, #tpu.memory_space<vmem>>, vector<16xf32>,
        %mul3A_1045 = arith.mulf %get3A_1044, %gather3A_1009 : vector<16xf32>
        %swap3A_1046 = arith.index_cast %add3A_1013 : i32 to index
        %swap3A_1047 = arith.constant 64 : index
        %swap3A_1048 = tpu.vector_load %arg22[%swap3A_1046, %swap3A_1047] {strides = array<i32>} : memref<128x128xf32, #tpu.memory_space<vmem>>, vector<16xf32>,
        tpu.vector_store %arg22[%swap3A_1046, %swap3A_1047], %mul3A_1045 {strides = array<i32>} : memref<128x128xf32, #tpu.memory_space<vmem>>, vector<16xf32>,
        %get3A_1049 = arith.index_cast %add3A_1013 : i32 to index
        %get3A_1050 = arith.constant 80 : index
        %get3A_1051 = tpu.vector_load %arg22[%get3A_1049, %get3A_1050] {strides = array<i32>} : memref<128x128xf32, #tpu.memory_space<vmem>>, vector<16xf32>,
        %mul3A_1052 = arith.mulf %get3A_1051, %gather3A_1009 : vector<16xf32>
        %swap3A_1053 = arith.index_cast %add3A_1013 : i32 to index
        %swap3A_1054 = arith.constant 80 : index
        %swap3A_1055 = tpu.vector_load %arg22[%swap3A_1053, %swap3A_1054] {strides = array<i32>} : memref<128x128xf32, #tpu.memory_space<vmem>>, vector<16xf32>,
        tpu.vector_store %arg22[%swap3A_1053, %swap3A_1054], %mul3A_1052 {strides = array<i32>} : memref<128x128xf32, #tpu.memory_space<vmem>>, vector<16xf32>,
        %get3A_1056 = arith.index_cast %add3A_1013 : i32 to index
        %get3A_1057 = arith.constant 96 : index
        %get3A_1058 = tpu.vector_load %arg22[%get3A_1056, %get3A_1057] {strides = array<i32>} : memref<128x128xf32, #tpu.memory_space<vmem>>, vector<16xf32>,
        %mul3A_1059 = arith.mulf %get3A_1058, %gather3A_1009 : vector<16xf32>
        %swap3A_1060 = arith.index_cast %add3A_1013 : i32 to index
        %swap3A_1061 = arith.constant 96 : index
        %swap3A_1062 = tpu.vector_load %arg22[%swap3A_1060, %swap3A_1061] {strides = array<i32>} : memref<128x128xf32, #tpu.memory_space<vmem>>, vector<16xf32>,
        tpu.vector_store %arg22[%swap3A_1060, %swap3A_1061], %mul3A_1059 {strides = array<i32>} : memref<128x128xf32, #tpu.memory_space<vmem>>, vector<16xf32>,
        %get3A_1063 = arith.index_cast %add3A_1013 : i32 to index
        %get3A_1064 = arith.constant 112 : index
        %get3A_1065 = tpu.vector_load %arg22[%get3A_1063, %get3A_1064] {strides = array<i32>} : memref<128x128xf32, #tpu.memory_space<vmem>>, vector<16xf32>,
        %mul3A_1066 = arith.mulf %get3A_1065, %gather3A_1009 : vector<16xf32>
        %swap3A_1067 = arith.index_cast %add3A_1013 : i32 to index
        %swap3A_1068 = arith.constant 112 : index
        %swap3A_1069 = tpu.vector_load %arg22[%swap3A_1067, %swap3A_1068] {strides = array<i32>} : memref<128x128xf32, #tpu.memory_space<vmem>>, vector<16xf32>,
        tpu.vector_store %arg22[%swap3A_1067, %swap3A_1068], %mul3A_1066 {strides = array<i32>} : memref<128x128xf32, #tpu.memory_space<vmem>>, vector<16xf32>,
        %broadcast_in_dim3A_1070 = arith.constant 11 : i32
        %broadcast_in_dim3A_1071 = vector.broadcast %broadcast_in_dim3A_1070 : i32 to vector<16x1xi32>
        %gather3A_1072 = vector.shape_cast %broadcast_in_dim3A_1071 : vector<16x1xi32> to vector<16xi32>
        %gather3A_1073 = tpu.dynamic_gather %get3A_367[%gather3A_1072] in [0] : vector<16xf32>, vector<16xi32> -> vector<16xf32>
        %mul3A_1074 = arith.constant 16 : i32
        %mul3A_1075 = arith.muli %scan3A_363, %mul3A_1074 : i32
        %add3A_1076 = arith.constant 11 : i32
        %add3A_1077 = arith.addi %mul3A_1075, %add3A_1076 : i32
        %get3A_1078 = arith.index_cast %add3A_1077 : i32 to index
        %get3A_1079 = arith.constant 0 : index
        %get3A_1080 = tpu.vector_load %arg22[%get3A_1078, %get3A_1079] {strides = array<i32>} : memref<128x128xf32, #tpu.memory_space<vmem>>, vector<16xf32>,
        %mul3A_1081 = arith.mulf %get3A_1080, %gather3A_1073 : vector<16xf32>
        %swap3A_1082 = arith.index_cast %add3A_1077 : i32 to index
        %swap3A_1083 = arith.constant 0 : index
        %swap3A_1084 = tpu.vector_load %arg22[%swap3A_1082, %swap3A_1083] {strides = array<i32>} : memref<128x128xf32, #tpu.memory_space<vmem>>, vector<16xf32>,
        tpu.vector_store %arg22[%swap3A_1082, %swap3A_1083], %mul3A_1081 {strides = array<i32>} : memref<128x128xf32, #tpu.memory_space<vmem>>, vector<16xf32>,
        %get3A_1085 = arith.index_cast %add3A_1077 : i32 to index
        %get3A_1086 = arith.constant 16 : index
        %get3A_1087 = tpu.vector_load %arg22[%get3A_1085, %get3A_1086] {strides = array<i32>} : memref<128x128xf32, #tpu.memory_space<vmem>>, vector<16xf32>,
        %mul3A_1088 = arith.mulf %get3A_1087, %gather3A_1073 : vector<16xf32>
        %swap3A_1089 = arith.index_cast %add3A_1077 : i32 to index
        %swap3A_1090 = arith.constant 16 : index
        %swap3A_1091 = tpu.vector_load %arg22[%swap3A_1089, %swap3A_1090] {strides = array<i32>} : memref<128x128xf32, #tpu.memory_space<vmem>>, vector<16xf32>,
        tpu.vector_store %arg22[%swap3A_1089, %swap3A_1090], %mul3A_1088 {strides = array<i32>} : memref<128x128xf32, #tpu.memory_space<vmem>>, vector<16xf32>,
        %get3A_1092 = arith.index_cast %add3A_1077 : i32 to index
        %get3A_1093 = arith.constant 32 : index
        %get3A_1094 = tpu.vector_load %arg22[%get3A_1092, %get3A_1093] {strides = array<i32>} : memref<128x128xf32, #tpu.memory_space<vmem>>, vector<16xf32>,
        %mul3A_1095 = arith.mulf %get3A_1094, %gather3A_1073 : vector<16xf32>
        %swap3A_1096 = arith.index_cast %add3A_1077 : i32 to index
        %swap3A_1097 = arith.constant 32 : index
        %swap3A_1098 = tpu.vector_load %arg22[%swap3A_1096, %swap3A_1097] {strides = array<i32>} : memref<128x128xf32, #tpu.memory_space<vmem>>, vector<16xf32>,
        tpu.vector_store %arg22[%swap3A_1096, %swap3A_1097], %mul3A_1095 {strides = array<i32>} : memref<128x128xf32, #tpu.memory_space<vmem>>, vector<16xf32>,
        %get3A_1099 = arith.index_cast %add3A_1077 : i32 to index
        %get3A_1100 = arith.constant 48 : index
        %get3A_1101 = tpu.vector_load %arg22[%get3A_1099, %get3A_1100] {strides = array<i32>} : memref<128x128xf32, #tpu.memory_space<vmem>>, vector<16xf32>,
        %mul3A_1102 = arith.mulf %get3A_1101, %gather3A_1073 : vector<16xf32>
        %swap3A_1103 = arith.index_cast %add3A_1077 : i32 to index
        %swap3A_1104 = arith.constant 48 : index
        %swap3A_1105 = tpu.vector_load %arg22[%swap3A_1103, %swap3A_1104] {strides = array<i32>} : memref<128x128xf32, #tpu.memory_space<vmem>>, vector<16xf32>,
        tpu.vector_store %arg22[%swap3A_1103, %swap3A_1104], %mul3A_1102 {strides = array<i32>} : memref<128x128xf32, #tpu.memory_space<vmem>>, vector<16xf32>,
        %get3A_1106 = arith.index_cast %add3A_1077 : i32 to index
        %get3A_1107 = arith.constant 64 : index
        %get3A_1108 = tpu.vector_load %arg22[%get3A_1106, %get3A_1107] {strides = array<i32>} : memref<128x128xf32, #tpu.memory_space<vmem>>, vector<16xf32>,
        %mul3A_1109 = arith.mulf %get3A_1108, %gather3A_1073 : vector<16xf32>
        %swap3A_1110 = arith.index_cast %add3A_1077 : i32 to index
        %swap3A_1111 = arith.constant 64 : index
        %swap3A_1112 = tpu.vector_load %arg22[%swap3A_1110, %swap3A_1111] {strides = array<i32>} : memref<128x128xf32, #tpu.memory_space<vmem>>, vector<16xf32>,
        tpu.vector_store %arg22[%swap3A_1110, %swap3A_1111], %mul3A_1109 {strides = array<i32>} : memref<128x128xf32, #tpu.memory_space<vmem>>, vector<16xf32>,
        %get3A_1113 = arith.index_cast %add3A_1077 : i32 to index
        %get3A_1114 = arith.constant 80 : index
        %get3A_1115 = tpu.vector_load %arg22[%get3A_1113, %get3A_1114] {strides = array<i32>} : memref<128x128xf32, #tpu.memory_space<vmem>>, vector<16xf32>,
        %mul3A_1116 = arith.mulf %get3A_1115, %gather3A_1073 : vector<16xf32>
        %swap3A_1117 = arith.index_cast %add3A_1077 : i32 to index
        %swap3A_1118 = arith.constant 80 : index
        %swap3A_1119 = tpu.vector_load %arg22[%swap3A_1117, %swap3A_1118] {strides = array<i32>} : memref<128x128xf32, #tpu.memory_space<vmem>>, vector<16xf32>,
        tpu.vector_store %arg22[%swap3A_1117, %swap3A_1118], %mul3A_1116 {strides = array<i32>} : memref<128x128xf32, #tpu.memory_space<vmem>>, vector<16xf32>,
        %get3A_1120 = arith.index_cast %add3A_1077 : i32 to index
        %get3A_1121 = arith.constant 96 : index
        %get3A_1122 = tpu.vector_load %arg22[%get3A_1120, %get3A_1121] {strides = array<i32>} : memref<128x128xf32, #tpu.memory_space<vmem>>, vector<16xf32>,
        %mul3A_1123 = arith.mulf %get3A_1122, %gather3A_1073 : vector<16xf32>
        %swap3A_1124 = arith.index_cast %add3A_1077 : i32 to index
        %swap3A_1125 = arith.constant 96 : index
        %swap3A_1126 = tpu.vector_load %arg22[%swap3A_1124, %swap3A_1125] {strides = array<i32>} : memref<128x128xf32, #tpu.memory_space<vmem>>, vector<16xf32>,
        tpu.vector_store %arg22[%swap3A_1124, %swap3A_1125], %mul3A_1123 {strides = array<i32>} : memref<128x128xf32, #tpu.memory_space<vmem>>, vector<16xf32>,
        %get3A_1127 = arith.index_cast %add3A_1077 : i32 to index
        %get3A_1128 = arith.constant 112 : index
        %get3A_1129 = tpu.vector_load %arg22[%get3A_1127, %get3A_1128] {strides = array<i32>} : memref<128x128xf32, #tpu.memory_space<vmem>>, vector<16xf32>,
        %mul3A_1130 = arith.mulf %get3A_1129, %gather3A_1073 : vector<16xf32>
        %swap3A_1131 = arith.index_cast %add3A_1077 : i32 to index
        %swap3A_1132 = arith.constant 112 : index
        %swap3A_1133 = tpu.vector_load %arg22[%swap3A_1131, %swap3A_1132] {strides = array<i32>} : memref<128x128xf32, #tpu.memory_space<vmem>>, vector<16xf32>,
        tpu.vector_store %arg22[%swap3A_1131, %swap3A_1132], %mul3A_1130 {strides = array<i32>} : memref<128x128xf32, #tpu.memory_space<vmem>>, vector<16xf32>,
        %broadcast_in_dim3A_1134 = arith.constant 12 : i32
        %broadcast_in_dim3A_1135 = vector.broadcast %broadcast_in_dim3A_1134 : i32 to vector<16x1xi32>
        %gather3A_1136 = vector.shape_cast %broadcast_in_dim3A_1135 : vector<16x1xi32> to vector<16xi32>
        %gather3A_1137 = tpu.dynamic_gather %get3A_367[%gather3A_1136] in [0] : vector<16xf32>, vector<16xi32> -> vector<16xf32>
        %mul3A_1138 = arith.constant 16 : i32
        %mul3A_1139 = arith.muli %scan3A_363, %mul3A_1138 : i32
        %add3A_1140 = arith.constant 12 : i32
        %add3A_1141 = arith.addi %mul3A_1139, %add3A_1140 : i32
        %get3A_1142 = arith.index_cast %add3A_1141 : i32 to index
        %get3A_1143 = arith.constant 0 : index
        %get3A_1144 = tpu.vector_load %arg22[%get3A_1142, %get3A_1143] {strides = array<i32>} : memref<128x128xf32, #tpu.memory_space<vmem>>, vector<16xf32>,
        %mul3A_1145 = arith.mulf %get3A_1144, %gather3A_1137 : vector<16xf32>
        %swap3A_1146 = arith.index_cast %add3A_1141 : i32 to index
        %swap3A_1147 = arith.constant 0 : index
        %swap3A_1148 = tpu.vector_load %arg22[%swap3A_1146, %swap3A_1147] {strides = array<i32>} : memref<128x128xf32, #tpu.memory_space<vmem>>, vector<16xf32>,
        tpu.vector_store %arg22[%swap3A_1146, %swap3A_1147], %mul3A_1145 {strides = array<i32>} : memref<128x128xf32, #tpu.memory_space<vmem>>, vector<16xf32>,
        %get3A_1149 = arith.index_cast %add3A_1141 : i32 to index
        %get3A_1150 = arith.constant 16 : index
        %get3A_1151 = tpu.vector_load %arg22[%get3A_1149, %get3A_1150] {strides = array<i32>} : memref<128x128xf32, #tpu.memory_space<vmem>>, vector<16xf32>,
        %mul3A_1152 = arith.mulf %get3A_1151, %gather3A_1137 : vector<16xf32>
        %swap3A_1153 = arith.index_cast %add3A_1141 : i32 to index
        %swap3A_1154 = arith.constant 16 : index
        %swap3A_1155 = tpu.vector_load %arg22[%swap3A_1153, %swap3A_1154] {strides = array<i32>} : memref<128x128xf32, #tpu.memory_space<vmem>>, vector<16xf32>,
        tpu.vector_store %arg22[%swap3A_1153, %swap3A_1154], %mul3A_1152 {strides = array<i32>} : memref<128x128xf32, #tpu.memory_space<vmem>>, vector<16xf32>,
        %get3A_1156 = arith.index_cast %add3A_1141 : i32 to index
        %get3A_1157 = arith.constant 32 : index
        %get3A_1158 = tpu.vector_load %arg22[%get3A_1156, %get3A_1157] {strides = array<i32>} : memref<128x128xf32, #tpu.memory_space<vmem>>, vector<16xf32>,
        %mul3A_1159 = arith.mulf %get3A_1158, %gather3A_1137 : vector<16xf32>
        %swap3A_1160 = arith.index_cast %add3A_1141 : i32 to index
        %swap3A_1161 = arith.constant 32 : index
        %swap3A_1162 = tpu.vector_load %arg22[%swap3A_1160, %swap3A_1161] {strides = array<i32>} : memref<128x128xf32, #tpu.memory_space<vmem>>, vector<16xf32>,
        tpu.vector_store %arg22[%swap3A_1160, %swap3A_1161], %mul3A_1159 {strides = array<i32>} : memref<128x128xf32, #tpu.memory_space<vmem>>, vector<16xf32>,
        %get3A_1163 = arith.index_cast %add3A_1141 : i32 to index
        %get3A_1164 = arith.constant 48 : index
        %get3A_1165 = tpu.vector_load %arg22[%get3A_1163, %get3A_1164] {strides = array<i32>} : memref<128x128xf32, #tpu.memory_space<vmem>>, vector<16xf32>,
        %mul3A_1166 = arith.mulf %get3A_1165, %gather3A_1137 : vector<16xf32>
        %swap3A_1167 = arith.index_cast %add3A_1141 : i32 to index
        %swap3A_1168 = arith.constant 48 : index
        %swap3A_1169 = tpu.vector_load %arg22[%swap3A_1167, %swap3A_1168] {strides = array<i32>} : memref<128x128xf32, #tpu.memory_space<vmem>>, vector<16xf32>,
        tpu.vector_store %arg22[%swap3A_1167, %swap3A_1168], %mul3A_1166 {strides = array<i32>} : memref<128x128xf32, #tpu.memory_space<vmem>>, vector<16xf32>,
        %get3A_1170 = arith.index_cast %add3A_1141 : i32 to index
        %get3A_1171 = arith.constant 64 : index
        %get3A_1172 = tpu.vector_load %arg22[%get3A_1170, %get3A_1171] {strides = array<i32>} : memref<128x128xf32, #tpu.memory_space<vmem>>, vector<16xf32>,
        %mul3A_1173 = arith.mulf %get3A_1172, %gather3A_1137 : vector<16xf32>
        %swap3A_1174 = arith.index_cast %add3A_1141 : i32 to index
        %swap3A_1175 = arith.constant 64 : index
        %swap3A_1176 = tpu.vector_load %arg22[%swap3A_1174, %swap3A_1175] {strides = array<i32>} : memref<128x128xf32, #tpu.memory_space<vmem>>, vector<16xf32>,
        tpu.vector_store %arg22[%swap3A_1174, %swap3A_1175], %mul3A_1173 {strides = array<i32>} : memref<128x128xf32, #tpu.memory_space<vmem>>, vector<16xf32>,
        %get3A_1177 = arith.index_cast %add3A_1141 : i32 to index
        %get3A_1178 = arith.constant 80 : index
        %get3A_1179 = tpu.vector_load %arg22[%get3A_1177, %get3A_1178] {strides = array<i32>} : memref<128x128xf32, #tpu.memory_space<vmem>>, vector<16xf32>,
        %mul3A_1180 = arith.mulf %get3A_1179, %gather3A_1137 : vector<16xf32>
        %swap3A_1181 = arith.index_cast %add3A_1141 : i32 to index
        %swap3A_1182 = arith.constant 80 : index
        %swap3A_1183 = tpu.vector_load %arg22[%swap3A_1181, %swap3A_1182] {strides = array<i32>} : memref<128x128xf32, #tpu.memory_space<vmem>>, vector<16xf32>,
        tpu.vector_store %arg22[%swap3A_1181, %swap3A_1182], %mul3A_1180 {strides = array<i32>} : memref<128x128xf32, #tpu.memory_space<vmem>>, vector<16xf32>,
        %get3A_1184 = arith.index_cast %add3A_1141 : i32 to index
        %get3A_1185 = arith.constant 96 : index
        %get3A_1186 = tpu.vector_load %arg22[%get3A_1184, %get3A_1185] {strides = array<i32>} : memref<128x128xf32, #tpu.memory_space<vmem>>, vector<16xf32>,
        %mul3A_1187 = arith.mulf %get3A_1186, %gather3A_1137 : vector<16xf32>
        %swap3A_1188 = arith.index_cast %add3A_1141 : i32 to index
        %swap3A_1189 = arith.constant 96 : index
        %swap3A_1190 = tpu.vector_load %arg22[%swap3A_1188, %swap3A_1189] {strides = array<i32>} : memref<128x128xf32, #tpu.memory_space<vmem>>, vector<16xf32>,
        tpu.vector_store %arg22[%swap3A_1188, %swap3A_1189], %mul3A_1187 {strides = array<i32>} : memref<128x128xf32, #tpu.memory_space<vmem>>, vector<16xf32>,
        %get3A_1191 = arith.index_cast %add3A_1141 : i32 to index
        %get3A_1192 = arith.constant 112 : index
        %get3A_1193 = tpu.vector_load %arg22[%get3A_1191, %get3A_1192] {strides = array<i32>} : memref<128x128xf32, #tpu.memory_space<vmem>>, vector<16xf32>,
        %mul3A_1194 = arith.mulf %get3A_1193, %gather3A_1137 : vector<16xf32>
        %swap3A_1195 = arith.index_cast %add3A_1141 : i32 to index
        %swap3A_1196 = arith.constant 112 : index
        %swap3A_1197 = tpu.vector_load %arg22[%swap3A_1195, %swap3A_1196] {strides = array<i32>} : memref<128x128xf32, #tpu.memory_space<vmem>>, vector<16xf32>,
        tpu.vector_store %arg22[%swap3A_1195, %swap3A_1196], %mul3A_1194 {strides = array<i32>} : memref<128x128xf32, #tpu.memory_space<vmem>>, vector<16xf32>,
        %broadcast_in_dim3A_1198 = arith.constant 13 : i32
        %broadcast_in_dim3A_1199 = vector.broadcast %broadcast_in_dim3A_1198 : i32 to vector<16x1xi32>
        %gather3A_1200 = vector.shape_cast %broadcast_in_dim3A_1199 : vector<16x1xi32> to vector<16xi32>
        %gather3A_1201 = tpu.dynamic_gather %get3A_367[%gather3A_1200] in [0] : vector<16xf32>, vector<16xi32> -> vector<16xf32>
        %mul3A_1202 = arith.constant 16 : i32
        %mul3A_1203 = arith.muli %scan3A_363, %mul3A_1202 : i32
        %add3A_1204 = arith.constant 13 : i32
        %add3A_1205 = arith.addi %mul3A_1203, %add3A_1204 : i32
        %get3A_1206 = arith.index_cast %add3A_1205 : i32 to index
        %get3A_1207 = arith.constant 0 : index
        %get3A_1208 = tpu.vector_load %arg22[%get3A_1206, %get3A_1207] {strides = array<i32>} : memref<128x128xf32, #tpu.memory_space<vmem>>, vector<16xf32>,
        %mul3A_1209 = arith.mulf %get3A_1208, %gather3A_1201 : vector<16xf32>
        %swap3A_1210 = arith.index_cast %add3A_1205 : i32 to index
        %swap3A_1211 = arith.constant 0 : index
        %swap3A_1212 = tpu.vector_load %arg22[%swap3A_1210, %swap3A_1211] {strides = array<i32>} : memref<128x128xf32, #tpu.memory_space<vmem>>, vector<16xf32>,
        tpu.vector_store %arg22[%swap3A_1210, %swap3A_1211], %mul3A_1209 {strides = array<i32>} : memref<128x128xf32, #tpu.memory_space<vmem>>, vector<16xf32>,
        %get3A_1213 = arith.index_cast %add3A_1205 : i32 to index
        %get3A_1214 = arith.constant 16 : index
        %get3A_1215 = tpu.vector_load %arg22[%get3A_1213, %get3A_1214] {strides = array<i32>} : memref<128x128xf32, #tpu.memory_space<vmem>>, vector<16xf32>,
        %mul3A_1216 = arith.mulf %get3A_1215, %gather3A_1201 : vector<16xf32>
        %swap3A_1217 = arith.index_cast %add3A_1205 : i32 to index
        %swap3A_1218 = arith.constant 16 : index
        %swap3A_1219 = tpu.vector_load %arg22[%swap3A_1217, %swap3A_1218] {strides = array<i32>} : memref<128x128xf32, #tpu.memory_space<vmem>>, vector<16xf32>,
        tpu.vector_store %arg22[%swap3A_1217, %swap3A_1218], %mul3A_1216 {strides = array<i32>} : memref<128x128xf32, #tpu.memory_space<vmem>>, vector<16xf32>,
        %get3A_1220 = arith.index_cast %add3A_1205 : i32 to index
        %get3A_1221 = arith.constant 32 : index
        %get3A_1222 = tpu.vector_load %arg22[%get3A_1220, %get3A_1221] {strides = array<i32>} : memref<128x128xf32, #tpu.memory_space<vmem>>, vector<16xf32>,
        %mul3A_1223 = arith.mulf %get3A_1222, %gather3A_1201 : vector<16xf32>
        %swap3A_1224 = arith.index_cast %add3A_1205 : i32 to index
        %swap3A_1225 = arith.constant 32 : index
        %swap3A_1226 = tpu.vector_load %arg22[%swap3A_1224, %swap3A_1225] {strides = array<i32>} : memref<128x128xf32, #tpu.memory_space<vmem>>, vector<16xf32>,
        tpu.vector_store %arg22[%swap3A_1224, %swap3A_1225], %mul3A_1223 {strides = array<i32>} : memref<128x128xf32, #tpu.memory_space<vmem>>, vector<16xf32>,
        %get3A_1227 = arith.index_cast %add3A_1205 : i32 to index
        %get3A_1228 = arith.constant 48 : index
        %get3A_1229 = tpu.vector_load %arg22[%get3A_1227, %get3A_1228] {strides = array<i32>} : memref<128x128xf32, #tpu.memory_space<vmem>>, vector<16xf32>,
        %mul3A_1230 = arith.mulf %get3A_1229, %gather3A_1201 : vector<16xf32>
        %swap3A_1231 = arith.index_cast %add3A_1205 : i32 to index
        %swap3A_1232 = arith.constant 48 : index
        %swap3A_1233 = tpu.vector_load %arg22[%swap3A_1231, %swap3A_1232] {strides = array<i32>} : memref<128x128xf32, #tpu.memory_space<vmem>>, vector<16xf32>,
        tpu.vector_store %arg22[%swap3A_1231, %swap3A_1232], %mul3A_1230 {strides = array<i32>} : memref<128x128xf32, #tpu.memory_space<vmem>>, vector<16xf32>,
        %get3A_1234 = arith.index_cast %add3A_1205 : i32 to index
        %get3A_1235 = arith.constant 64 : index
        %get3A_1236 = tpu.vector_load %arg22[%get3A_1234, %get3A_1235] {strides = array<i32>} : memref<128x128xf32, #tpu.memory_space<vmem>>, vector<16xf32>,
        %mul3A_1237 = arith.mulf %get3A_1236, %gather3A_1201 : vector<16xf32>
        %swap3A_1238 = arith.index_cast %add3A_1205 : i32 to index
        %swap3A_1239 = arith.constant 64 : index
        %swap3A_1240 = tpu.vector_load %arg22[%swap3A_1238, %swap3A_1239] {strides = array<i32>} : memref<128x128xf32, #tpu.memory_space<vmem>>, vector<16xf32>,
        tpu.vector_store %arg22[%swap3A_1238, %swap3A_1239], %mul3A_1237 {strides = array<i32>} : memref<128x128xf32, #tpu.memory_space<vmem>>, vector<16xf32>,
        %get3A_1241 = arith.index_cast %add3A_1205 : i32 to index
        %get3A_1242 = arith.constant 80 : index
        %get3A_1243 = tpu.vector_load %arg22[%get3A_1241, %get3A_1242] {strides = array<i32>} : memref<128x128xf32, #tpu.memory_space<vmem>>, vector<16xf32>,
        %mul3A_1244 = arith.mulf %get3A_1243, %gather3A_1201 : vector<16xf32>
        %swap3A_1245 = arith.index_cast %add3A_1205 : i32 to index
        %swap3A_1246 = arith.constant 80 : index
        %swap3A_1247 = tpu.vector_load %arg22[%swap3A_1245, %swap3A_1246] {strides = array<i32>} : memref<128x128xf32, #tpu.memory_space<vmem>>, vector<16xf32>,
        tpu.vector_store %arg22[%swap3A_1245, %swap3A_1246], %mul3A_1244 {strides = array<i32>} : memref<128x128xf32, #tpu.memory_space<vmem>>, vector<16xf32>,
        %get3A_1248 = arith.index_cast %add3A_1205 : i32 to index
        %get3A_1249 = arith.constant 96 : index
        %get3A_1250 = tpu.vector_load %arg22[%get3A_1248, %get3A_1249] {strides = array<i32>} : memref<128x128xf32, #tpu.memory_space<vmem>>, vector<16xf32>,
        %mul3A_1251 = arith.mulf %get3A_1250, %gather3A_1201 : vector<16xf32>
        %swap3A_1252 = arith.index_cast %add3A_1205 : i32 to index
        %swap3A_1253 = arith.constant 96 : index
        %swap3A_1254 = tpu.vector_load %arg22[%swap3A_1252, %swap3A_1253] {strides = array<i32>} : memref<128x128xf32, #tpu.memory_space<vmem>>, vector<16xf32>,
        tpu.vector_store %arg22[%swap3A_1252, %swap3A_1253], %mul3A_1251 {strides = array<i32>} : memref<128x128xf32, #tpu.memory_space<vmem>>, vector<16xf32>,
        %get3A_1255 = arith.index_cast %add3A_1205 : i32 to index
        %get3A_1256 = arith.constant 112 : index
        %get3A_1257 = tpu.vector_load %arg22[%get3A_1255, %get3A_1256] {strides = array<i32>} : memref<128x128xf32, #tpu.memory_space<vmem>>, vector<16xf32>,
        %mul3A_1258 = arith.mulf %get3A_1257, %gather3A_1201 : vector<16xf32>
        %swap3A_1259 = arith.index_cast %add3A_1205 : i32 to index
        %swap3A_1260 = arith.constant 112 : index
        %swap3A_1261 = tpu.vector_load %arg22[%swap3A_1259, %swap3A_1260] {strides = array<i32>} : memref<128x128xf32, #tpu.memory_space<vmem>>, vector<16xf32>,
        tpu.vector_store %arg22[%swap3A_1259, %swap3A_1260], %mul3A_1258 {strides = array<i32>} : memref<128x128xf32, #tpu.memory_space<vmem>>, vector<16xf32>,
        %broadcast_in_dim3A_1262 = arith.constant 14 : i32
        %broadcast_in_dim3A_1263 = vector.broadcast %broadcast_in_dim3A_1262 : i32 to vector<16x1xi32>
        %gather3A_1264 = vector.shape_cast %broadcast_in_dim3A_1263 : vector<16x1xi32> to vector<16xi32>
        %gather3A_1265 = tpu.dynamic_gather %get3A_367[%gather3A_1264] in [0] : vector<16xf32>, vector<16xi32> -> vector<16xf32>
        %mul3A_1266 = arith.constant 16 : i32
        %mul3A_1267 = arith.muli %scan3A_363, %mul3A_1266 : i32
        %add3A_1268 = arith.constant 14 : i32
        %add3A_1269 = arith.addi %mul3A_1267, %add3A_1268 : i32
        %get3A_1270 = arith.index_cast %add3A_1269 : i32 to index
        %get3A_1271 = arith.constant 0 : index
        %get3A_1272 = tpu.vector_load %arg22[%get3A_1270, %get3A_1271] {strides = array<i32>} : memref<128x128xf32, #tpu.memory_space<vmem>>, vector<16xf32>,
        %mul3A_1273 = arith.mulf %get3A_1272, %gather3A_1265 : vector<16xf32>
        %swap3A_1274 = arith.index_cast %add3A_1269 : i32 to index
        %swap3A_1275 = arith.constant 0 : index
        %swap3A_1276 = tpu.vector_load %arg22[%swap3A_1274, %swap3A_1275] {strides = array<i32>} : memref<128x128xf32, #tpu.memory_space<vmem>>, vector<16xf32>,
        tpu.vector_store %arg22[%swap3A_1274, %swap3A_1275], %mul3A_1273 {strides = array<i32>} : memref<128x128xf32, #tpu.memory_space<vmem>>, vector<16xf32>,
        %get3A_1277 = arith.index_cast %add3A_1269 : i32 to index
        %get3A_1278 = arith.constant 16 : index
        %get3A_1279 = tpu.vector_load %arg22[%get3A_1277, %get3A_1278] {strides = array<i32>} : memref<128x128xf32, #tpu.memory_space<vmem>>, vector<16xf32>,
        %mul3A_1280 = arith.mulf %get3A_1279, %gather3A_1265 : vector<16xf32>
        %swap3A_1281 = arith.index_cast %add3A_1269 : i32 to index
        %swap3A_1282 = arith.constant 16 : index
        %swap3A_1283 = tpu.vector_load %arg22[%swap3A_1281, %swap3A_1282] {strides = array<i32>} : memref<128x128xf32, #tpu.memory_space<vmem>>, vector<16xf32>,
        tpu.vector_store %arg22[%swap3A_1281, %swap3A_1282], %mul3A_1280 {strides = array<i32>} : memref<128x128xf32, #tpu.memory_space<vmem>>, vector<16xf32>,
        %get3A_1284 = arith.index_cast %add3A_1269 : i32 to index
        %get3A_1285 = arith.constant 32 : index
        %get3A_1286 = tpu.vector_load %arg22[%get3A_1284, %get3A_1285] {strides = array<i32>} : memref<128x128xf32, #tpu.memory_space<vmem>>, vector<16xf32>,
        %mul3A_1287 = arith.mulf %get3A_1286, %gather3A_1265 : vector<16xf32>
        %swap3A_1288 = arith.index_cast %add3A_1269 : i32 to index
        %swap3A_1289 = arith.constant 32 : index
        %swap3A_1290 = tpu.vector_load %arg22[%swap3A_1288, %swap3A_1289] {strides = array<i32>} : memref<128x128xf32, #tpu.memory_space<vmem>>, vector<16xf32>,
        tpu.vector_store %arg22[%swap3A_1288, %swap3A_1289], %mul3A_1287 {strides = array<i32>} : memref<128x128xf32, #tpu.memory_space<vmem>>, vector<16xf32>,
        %get3A_1291 = arith.index_cast %add3A_1269 : i32 to index
        %get3A_1292 = arith.constant 48 : index
        %get3A_1293 = tpu.vector_load %arg22[%get3A_1291, %get3A_1292] {strides = array<i32>} : memref<128x128xf32, #tpu.memory_space<vmem>>, vector<16xf32>,
        %mul3A_1294 = arith.mulf %get3A_1293, %gather3A_1265 : vector<16xf32>
        %swap3A_1295 = arith.index_cast %add3A_1269 : i32 to index
        %swap3A_1296 = arith.constant 48 : index
        %swap3A_1297 = tpu.vector_load %arg22[%swap3A_1295, %swap3A_1296] {strides = array<i32>} : memref<128x128xf32, #tpu.memory_space<vmem>>, vector<16xf32>,
        tpu.vector_store %arg22[%swap3A_1295, %swap3A_1296], %mul3A_1294 {strides = array<i32>} : memref<128x128xf32, #tpu.memory_space<vmem>>, vector<16xf32>,
        %get3A_1298 = arith.index_cast %add3A_1269 : i32 to index
        %get3A_1299 = arith.constant 64 : index
        %get3A_1300 = tpu.vector_load %arg22[%get3A_1298, %get3A_1299] {strides = array<i32>} : memref<128x128xf32, #tpu.memory_space<vmem>>, vector<16xf32>,
        %mul3A_1301 = arith.mulf %get3A_1300, %gather3A_1265 : vector<16xf32>
        %swap3A_1302 = arith.index_cast %add3A_1269 : i32 to index
        %swap3A_1303 = arith.constant 64 : index
        %swap3A_1304 = tpu.vector_load %arg22[%swap3A_1302, %swap3A_1303] {strides = array<i32>} : memref<128x128xf32, #tpu.memory_space<vmem>>, vector<16xf32>,
        tpu.vector_store %arg22[%swap3A_1302, %swap3A_1303], %mul3A_1301 {strides = array<i32>} : memref<128x128xf32, #tpu.memory_space<vmem>>, vector<16xf32>,
        %get3A_1305 = arith.index_cast %add3A_1269 : i32 to index
        %get3A_1306 = arith.constant 80 : index
        %get3A_1307 = tpu.vector_load %arg22[%get3A_1305, %get3A_1306] {strides = array<i32>} : memref<128x128xf32, #tpu.memory_space<vmem>>, vector<16xf32>,
        %mul3A_1308 = arith.mulf %get3A_1307, %gather3A_1265 : vector<16xf32>
        %swap3A_1309 = arith.index_cast %add3A_1269 : i32 to index
        %swap3A_1310 = arith.constant 80 : index
        %swap3A_1311 = tpu.vector_load %arg22[%swap3A_1309, %swap3A_1310] {strides = array<i32>} : memref<128x128xf32, #tpu.memory_space<vmem>>, vector<16xf32>,
        tpu.vector_store %arg22[%swap3A_1309, %swap3A_1310], %mul3A_1308 {strides = array<i32>} : memref<128x128xf32, #tpu.memory_space<vmem>>, vector<16xf32>,
        %get3A_1312 = arith.index_cast %add3A_1269 : i32 to index
        %get3A_1313 = arith.constant 96 : index
        %get3A_1314 = tpu.vector_load %arg22[%get3A_1312, %get3A_1313] {strides = array<i32>} : memref<128x128xf32, #tpu.memory_space<vmem>>, vector<16xf32>,
        %mul3A_1315 = arith.mulf %get3A_1314, %gather3A_1265 : vector<16xf32>
        %swap3A_1316 = arith.index_cast %add3A_1269 : i32 to index
        %swap3A_1317 = arith.constant 96 : index
        %swap3A_1318 = tpu.vector_load %arg22[%swap3A_1316, %swap3A_1317] {strides = array<i32>} : memref<128x128xf32, #tpu.memory_space<vmem>>, vector<16xf32>,
        tpu.vector_store %arg22[%swap3A_1316, %swap3A_1317], %mul3A_1315 {strides = array<i32>} : memref<128x128xf32, #tpu.memory_space<vmem>>, vector<16xf32>,
        %get3A_1319 = arith.index_cast %add3A_1269 : i32 to index
        %get3A_1320 = arith.constant 112 : index
        %get3A_1321 = tpu.vector_load %arg22[%get3A_1319, %get3A_1320] {strides = array<i32>} : memref<128x128xf32, #tpu.memory_space<vmem>>, vector<16xf32>,
        %mul3A_1322 = arith.mulf %get3A_1321, %gather3A_1265 : vector<16xf32>
        %swap3A_1323 = arith.index_cast %add3A_1269 : i32 to index
        %swap3A_1324 = arith.constant 112 : index
        %swap3A_1325 = tpu.vector_load %arg22[%swap3A_1323, %swap3A_1324] {strides = array<i32>} : memref<128x128xf32, #tpu.memory_space<vmem>>, vector<16xf32>,
        tpu.vector_store %arg22[%swap3A_1323, %swap3A_1324], %mul3A_1322 {strides = array<i32>} : memref<128x128xf32, #tpu.memory_space<vmem>>, vector<16xf32>,
        %broadcast_in_dim3A_1326 = arith.constant 15 : i32
        %broadcast_in_dim3A_1327 = vector.broadcast %broadcast_in_dim3A_1326 : i32 to vector<16x1xi32>
        %gather3A_1328 = vector.shape_cast %broadcast_in_dim3A_1327 : vector<16x1xi32> to vector<16xi32>
        %gather3A_1329 = tpu.dynamic_gather %get3A_367[%gather3A_1328] in [0] : vector<16xf32>, vector<16xi32> -> vector<16xf32>
        %mul3A_1330 = arith.constant 16 : i32
        %mul3A_1331 = arith.muli %scan3A_363, %mul3A_1330 : i32
        %add3A_1332 = arith.constant 15 : i32
        %add3A_1333 = arith.addi %mul3A_1331, %add3A_1332 : i32
        %get3A_1334 = arith.index_cast %add3A_1333 : i32 to index
        %get3A_1335 = arith.constant 0 : index
        %get3A_1336 = tpu.vector_load %arg22[%get3A_1334, %get3A_1335] {strides = array<i32>} : memref<128x128xf32, #tpu.memory_space<vmem>>, vector<16xf32>,
        %mul3A_1337 = arith.mulf %get3A_1336, %gather3A_1329 : vector<16xf32>
        %swap3A_1338 = arith.index_cast %add3A_1333 : i32 to index
        %swap3A_1339 = arith.constant 0 : index
        %swap3A_1340 = tpu.vector_load %arg22[%swap3A_1338, %swap3A_1339] {strides = array<i32>} : memref<128x128xf32, #tpu.memory_space<vmem>>, vector<16xf32>,
        tpu.vector_store %arg22[%swap3A_1338, %swap3A_1339], %mul3A_1337 {strides = array<i32>} : memref<128x128xf32, #tpu.memory_space<vmem>>, vector<16xf32>,
        %get3A_1341 = arith.index_cast %add3A_1333 : i32 to index
        %get3A_1342 = arith.constant 16 : index
        %get3A_1343 = tpu.vector_load %arg22[%get3A_1341, %get3A_1342] {strides = array<i32>} : memref<128x128xf32, #tpu.memory_space<vmem>>, vector<16xf32>,
        %mul3A_1344 = arith.mulf %get3A_1343, %gather3A_1329 : vector<16xf32>
        %swap3A_1345 = arith.index_cast %add3A_1333 : i32 to index
        %swap3A_1346 = arith.constant 16 : index
        %swap3A_1347 = tpu.vector_load %arg22[%swap3A_1345, %swap3A_1346] {strides = array<i32>} : memref<128x128xf32, #tpu.memory_space<vmem>>, vector<16xf32>,
        tpu.vector_store %arg22[%swap3A_1345, %swap3A_1346], %mul3A_1344 {strides = array<i32>} : memref<128x128xf32, #tpu.memory_space<vmem>>, vector<16xf32>,
        %get3A_1348 = arith.index_cast %add3A_1333 : i32 to index
        %get3A_1349 = arith.constant 32 : index
        %get3A_1350 = tpu.vector_load %arg22[%get3A_1348, %get3A_1349] {strides = array<i32>} : memref<128x128xf32, #tpu.memory_space<vmem>>, vector<16xf32>,
        %mul3A_1351 = arith.mulf %get3A_1350, %gather3A_1329 : vector<16xf32>
        %swap3A_1352 = arith.index_cast %add3A_1333 : i32 to index
        %swap3A_1353 = arith.constant 32 : index
        %swap3A_1354 = tpu.vector_load %arg22[%swap3A_1352, %swap3A_1353] {strides = array<i32>} : memref<128x128xf32, #tpu.memory_space<vmem>>, vector<16xf32>,
        tpu.vector_store %arg22[%swap3A_1352, %swap3A_1353], %mul3A_1351 {strides = array<i32>} : memref<128x128xf32, #tpu.memory_space<vmem>>, vector<16xf32>,
        %get3A_1355 = arith.index_cast %add3A_1333 : i32 to index
        %get3A_1356 = arith.constant 48 : index
        %get3A_1357 = tpu.vector_load %arg22[%get3A_1355, %get3A_1356] {strides = array<i32>} : memref<128x128xf32, #tpu.memory_space<vmem>>, vector<16xf32>,
        %mul3A_1358 = arith.mulf %get3A_1357, %gather3A_1329 : vector<16xf32>
        %swap3A_1359 = arith.index_cast %add3A_1333 : i32 to index
        %swap3A_1360 = arith.constant 48 : index
        %swap3A_1361 = tpu.vector_load %arg22[%swap3A_1359, %swap3A_1360] {strides = array<i32>} : memref<128x128xf32, #tpu.memory_space<vmem>>, vector<16xf32>,
        tpu.vector_store %arg22[%swap3A_1359, %swap3A_1360], %mul3A_1358 {strides = array<i32>} : memref<128x128xf32, #tpu.memory_space<vmem>>, vector<16xf32>,
        %get3A_1362 = arith.index_cast %add3A_1333 : i32 to index
        %get3A_1363 = arith.constant 64 : index
        %get3A_1364 = tpu.vector_load %arg22[%get3A_1362, %get3A_1363] {strides = array<i32>} : memref<128x128xf32, #tpu.memory_space<vmem>>, vector<16xf32>,
        %mul3A_1365 = arith.mulf %get3A_1364, %gather3A_1329 : vector<16xf32>
        %swap3A_1366 = arith.index_cast %add3A_1333 : i32 to index
        %swap3A_1367 = arith.constant 64 : index
        %swap3A_1368 = tpu.vector_load %arg22[%swap3A_1366, %swap3A_1367] {strides = array<i32>} : memref<128x128xf32, #tpu.memory_space<vmem>>, vector<16xf32>,
        tpu.vector_store %arg22[%swap3A_1366, %swap3A_1367], %mul3A_1365 {strides = array<i32>} : memref<128x128xf32, #tpu.memory_space<vmem>>, vector<16xf32>,
        %get3A_1369 = arith.index_cast %add3A_1333 : i32 to index
        %get3A_1370 = arith.constant 80 : index
        %get3A_1371 = tpu.vector_load %arg22[%get3A_1369, %get3A_1370] {strides = array<i32>} : memref<128x128xf32, #tpu.memory_space<vmem>>, vector<16xf32>,
        %mul3A_1372 = arith.mulf %get3A_1371, %gather3A_1329 : vector<16xf32>
        %swap3A_1373 = arith.index_cast %add3A_1333 : i32 to index
        %swap3A_1374 = arith.constant 80 : index
        %swap3A_1375 = tpu.vector_load %arg22[%swap3A_1373, %swap3A_1374] {strides = array<i32>} : memref<128x128xf32, #tpu.memory_space<vmem>>, vector<16xf32>,
        tpu.vector_store %arg22[%swap3A_1373, %swap3A_1374], %mul3A_1372 {strides = array<i32>} : memref<128x128xf32, #tpu.memory_space<vmem>>, vector<16xf32>,
        %get3A_1376 = arith.index_cast %add3A_1333 : i32 to index
        %get3A_1377 = arith.constant 96 : index
        %get3A_1378 = tpu.vector_load %arg22[%get3A_1376, %get3A_1377] {strides = array<i32>} : memref<128x128xf32, #tpu.memory_space<vmem>>, vector<16xf32>,
        %mul3A_1379 = arith.mulf %get3A_1378, %gather3A_1329 : vector<16xf32>
        %swap3A_1380 = arith.index_cast %add3A_1333 : i32 to index
        %swap3A_1381 = arith.constant 96 : index
        %swap3A_1382 = tpu.vector_load %arg22[%swap3A_1380, %swap3A_1381] {strides = array<i32>} : memref<128x128xf32, #tpu.memory_space<vmem>>, vector<16xf32>,
        tpu.vector_store %arg22[%swap3A_1380, %swap3A_1381], %mul3A_1379 {strides = array<i32>} : memref<128x128xf32, #tpu.memory_space<vmem>>, vector<16xf32>,
        %get3A_1383 = arith.index_cast %add3A_1333 : i32 to index
        %get3A_1384 = arith.constant 112 : index
        %get3A_1385 = tpu.vector_load %arg22[%get3A_1383, %get3A_1384] {strides = array<i32>} : memref<128x128xf32, #tpu.memory_space<vmem>>, vector<16xf32>,
        %mul3A_1386 = arith.mulf %get3A_1385, %gather3A_1329 : vector<16xf32>
        %swap3A_1387 = arith.index_cast %add3A_1333 : i32 to index
        %swap3A_1388 = arith.constant 112 : index
        %swap3A_1389 = tpu.vector_load %arg22[%swap3A_1387, %swap3A_1388] {strides = array<i32>} : memref<128x128xf32, #tpu.memory_space<vmem>>, vector<16xf32>,
        tpu.vector_store %arg22[%swap3A_1387, %swap3A_1388], %mul3A_1386 {strides = array<i32>} : memref<128x128xf32, #tpu.memory_space<vmem>>, vector<16xf32>,
      }
      %scan3A_356 = arith.constant 8 : i32
      %dma_start3A_357 = arith.constant 0 : i32
      %dma_start3A_358 = tpu.memref_slice %arg16[%add3A_332, %dma_start3A_357] : memref<40x128xi32, #tpu.memory_space<vmem>> -> memref<1x128xi32, #tpu.memory_space<vmem>>
      %dma_start3A_359 = tpu.memref_squeeze %dma_start3A_358 : memref<1x128xi32, #tpu.memory_space<vmem>> -> memref<128xi32, #tpu.memory_space<vmem>>
      %dma_start3A_360 = arith.constant 0 : i32
      %dma_start3A_361 = arith.constant 0 : i32
      %dma_start3A_362 = tpu.memref_slice %arg29[%dma_start3A_360, %dma_start3A_361] : memref<10016x128xf32, #tpu.memory_space<vmem_shared>> -> memref<10016x128xf32, #tpu.memory_space<vmem_shared>>
      tpu.enqueue_indirect_dma source(%arg22 : memref<128x128xf32, #tpu.memory_space<vmem>>) target(%dma_start3A_362 : memref<10016x128xf32, #tpu.memory_space<vmem_shared>>) offsets(%dma_start3A_359 : memref<128xi32, #tpu.memory_space<vmem>>) semaphore(%arg26 : memref<!tpu.dma_semaphore, #tpu.memory_space<semaphore_mem>>) {add = true}
    }
    %scan3A_273 = arith.constant 20 : i32
    %dma_wait3A = arith.constant 39 : i32
    %dma_wait3A_274 = arith.constant 0 : i32
    %dma_wait3A_275 = tpu.memref_slice %arg16[%dma_wait3A, %dma_wait3A_274] : memref<40x128xi32, #tpu.memory_space<vmem>> -> memref<1x128xi32, #tpu.memory_space<vmem>>
    %dma_wait3A_276 = tpu.memref_squeeze %dma_wait3A_275 : memref<1x128xi32, #tpu.memory_space<vmem>> -> memref<128xi32, #tpu.memory_space<vmem>>
    %dma_wait3A_277 = arith.constant 0 : i32
    %dma_wait3A_278 = arith.constant 0 : i32
    %dma_wait3A_279 = tpu.memref_slice %arg29[%dma_wait3A_277, %dma_wait3A_278] : memref<10016x128xf32, #tpu.memory_space<vmem_shared>> -> memref<10016x128xf32, #tpu.memory_space<vmem_shared>>
    tpu.wait_indirect_dma semaphore(%arg26 : memref<!tpu.dma_semaphore, #tpu.memory_space<semaphore_mem>>) src(%arg22 : memref<128x128xf32, #tpu.memory_space<vmem>>) dst(%dma_wait3A_279 : memref<10016x128xf32, #tpu.memory_space<vmem_shared>>)
    %barrier3A_280 = arith.constant 0 : index
    tpu.barrier barrier_id(%barrier3A_280)
    %lt3A_281 = arith.constant 15 : i32
    %lt3A_282 = arith.cmpi slt, %arg1, %lt3A_281 : i32
    %convert_element_type3A_283 = arith.extui %lt3A_282 : i1 to i32
    %cond3A_284 = arith.constant 0 : i32
    %cond3A_285 = arith.cmpi ne, %convert_element_type3A_283, %cond3A_284 : i32
    scf.if %cond3A_285 {
      %mul3A_295 = arith.constant 640 : i32
      %mul3A_296 = arith.muli %arg1, %mul3A_295 : i32
      %mul3A_297 = arith.constant 640 : i32
      %mul3A_298 = arith.muli %arg1, %mul3A_297 : i32
      "tpu.region"() ({
        %run_scoped3A_299 = tpu.sem_alloc : memref<!tpu.dma_semaphore, #tpu.memory_space<semaphore_mem>>
        %dma_start3A_300 = arith.constant 0 : i32
        %dma_start3A_301 = arith.constant 0 : i32
        %dma_start3A_302 = tpu.memref_slice %arg11[%arg0, %dma_start3A_300, %dma_start3A_301] : memref<2x10240x128xf32, #tpu.memory_space<hbm>> -> memref<1x10240x128xf32, #tpu.memory_space<hbm>>
        %dma_start3A_303 = tpu.memref_squeeze %dma_start3A_302 : memref<1x10240x128xf32, #tpu.memory_space<hbm>> -> memref<10240x128xf32, #tpu.memory_space<hbm>>
        %dma_start3A_304 = arith.constant 0 : i32
        %dma_start3A_305 = tpu.memref_slice %dma_start3A_303[%mul3A_298, %dma_start3A_304] : memref<10240x128xf32, #tpu.memory_space<hbm>> -> memref<640x128xf32, #tpu.memory_space<hbm>>
        %dma_start3A_306 = arith.constant 0 : i32
        %dma_start3A_307 = tpu.memref_slice %arg29[%mul3A_296, %dma_start3A_306] : memref<10016x128xf32, #tpu.memory_space<vmem_shared>> -> memref<640x128xf32, #tpu.memory_space<vmem_shared>>
        tpu.enqueue_dma source(%dma_start3A_307 : memref<640x128xf32, #tpu.memory_space<vmem_shared>>) target(%dma_start3A_305 : memref<640x128xf32, #tpu.memory_space<hbm>>) target_semaphore(%run_scoped3A_299 : memref<!tpu.dma_semaphore, #tpu.memory_space<semaphore_mem>>)
        %dma_wait3A_308 = arith.constant 0 : i32
        %dma_wait3A_309 = arith.constant 0 : i32
        %dma_wait3A_310 = tpu.memref_slice %arg11[%arg0, %dma_wait3A_308, %dma_wait3A_309] : memref<2x10240x128xf32, #tpu.memory_space<hbm>> -> memref<1x10240x128xf32, #tpu.memory_space<hbm>>
        %dma_wait3A_311 = tpu.memref_squeeze %dma_wait3A_310 : memref<1x10240x128xf32, #tpu.memory_space<hbm>> -> memref<10240x128xf32, #tpu.memory_space<hbm>>
        %dma_wait3A_312 = arith.constant 0 : i32
        %dma_wait3A_313 = tpu.memref_slice %dma_wait3A_311[%mul3A_298, %dma_wait3A_312] : memref<10240x128xf32, #tpu.memory_space<hbm>> -> memref<640x128xf32, #tpu.memory_space<hbm>>
        %dma_wait3A_314 = arith.constant 0 : i32
        %dma_wait3A_315 = tpu.memref_slice %arg29[%mul3A_296, %dma_wait3A_314] : memref<10016x128xf32, #tpu.memory_space<vmem_shared>> -> memref<640x128xf32, #tpu.memory_space<vmem_shared>>
        tpu.wait_dma2 semaphore(%run_scoped3A_299 : memref<!tpu.dma_semaphore, #tpu.memory_space<semaphore_mem>>) src(%dma_wait3A_315 : memref<640x128xf32, #tpu.memory_space<vmem_shared>>) dst(%dma_wait3A_313 : memref<640x128xf32, #tpu.memory_space<hbm>>)
        tpu.yield
      }) : () -> ()
    } else {
    }
    %eq3A_286 = arith.constant 15 : i32
    %eq3A_287 = arith.cmpi eq, %arg1, %eq3A_286 : i32
    %convert_element_type3A_288 = arith.extui %eq3A_287 : i1 to i32
    %cond3A_289 = arith.constant 0 : i32
    %cond3A_290 = arith.cmpi ne, %convert_element_type3A_288, %cond3A_289 : i32
    scf.if %cond3A_290 {
      "tpu.region"() ({
        %run_scoped3A_295 = tpu.sem_alloc : memref<!tpu.dma_semaphore, #tpu.memory_space<semaphore_mem>>
        %dma_start3A_296 = arith.constant 0 : i32
        %dma_start3A_297 = arith.constant 0 : i32
        %dma_start3A_298 = tpu.memref_slice %arg11[%arg0, %dma_start3A_296, %dma_start3A_297] : memref<2x10240x128xf32, #tpu.memory_space<hbm>> -> memref<1x10240x128xf32, #tpu.memory_space<hbm>>
        %dma_start3A_299 = tpu.memref_squeeze %dma_start3A_298 : memref<1x10240x128xf32, #tpu.memory_space<hbm>> -> memref<10240x128xf32, #tpu.memory_space<hbm>>
        %dma_start3A_300 = arith.constant 9600 : i32
        %dma_start3A_301 = arith.constant 0 : i32
        %dma_start3A_302 = tpu.memref_slice %dma_start3A_299[%dma_start3A_300, %dma_start3A_301] : memref<10240x128xf32, #tpu.memory_space<hbm>> -> memref<416x128xf32, #tpu.memory_space<hbm>>
        %dma_start3A_303 = arith.constant 9600 : i32
        %dma_start3A_304 = arith.constant 0 : i32
        %dma_start3A_305 = tpu.memref_slice %arg29[%dma_start3A_303, %dma_start3A_304] : memref<10016x128xf32, #tpu.memory_space<vmem_shared>> -> memref<416x128xf32, #tpu.memory_space<vmem_shared>>
        tpu.enqueue_dma source(%dma_start3A_305 : memref<416x128xf32, #tpu.memory_space<vmem_shared>>) target(%dma_start3A_302 : memref<416x128xf32, #tpu.memory_space<hbm>>) target_semaphore(%run_scoped3A_295 : memref<!tpu.dma_semaphore, #tpu.memory_space<semaphore_mem>>)
        %dma_wait3A_306 = arith.constant 0 : i32
        %dma_wait3A_307 = arith.constant 0 : i32
        %dma_wait3A_308 = tpu.memref_slice %arg11[%arg0, %dma_wait3A_306, %dma_wait3A_307] : memref<2x10240x128xf32, #tpu.memory_space<hbm>> -> memref<1x10240x128xf32, #tpu.memory_space<hbm>>
        %dma_wait3A_309 = tpu.memref_squeeze %dma_wait3A_308 : memref<1x10240x128xf32, #tpu.memory_space<hbm>> -> memref<10240x128xf32, #tpu.memory_space<hbm>>
        %dma_wait3A_310 = arith.constant 9600 : i32
        %dma_wait3A_311 = arith.constant 0 : i32
        %dma_wait3A_312 = tpu.memref_slice %dma_wait3A_309[%dma_wait3A_310, %dma_wait3A_311] : memref<10240x128xf32, #tpu.memory_space<hbm>> -> memref<416x128xf32, #tpu.memory_space<hbm>>
        %dma_wait3A_313 = arith.constant 9600 : i32
        %dma_wait3A_314 = arith.constant 0 : i32
        %dma_wait3A_315 = tpu.memref_slice %arg29[%dma_wait3A_313, %dma_wait3A_314] : memref<10016x128xf32, #tpu.memory_space<vmem_shared>> -> memref<416x128xf32, #tpu.memory_space<vmem_shared>>
        tpu.wait_dma2 semaphore(%run_scoped3A_295 : memref<!tpu.dma_semaphore, #tpu.memory_space<semaphore_mem>>) src(%dma_wait3A_315 : memref<416x128xf32, #tpu.memory_space<vmem_shared>>) dst(%dma_wait3A_312 : memref<416x128xf32, #tpu.memory_space<hbm>>)
        tpu.yield
      }) : () -> ()
    } else {
    }
    %mul3A_291 = arith.constant 640 : i32
    %mul3A_292 = arith.muli %arg1, %mul3A_291 : i32
    %mul3A_293 = arith.constant 640 : i32
    %mul3A_294 = arith.muli %arg1, %mul3A_293 : i32
    "tpu.region"() ({
      %run_scoped3A_295 = tpu.sem_alloc : memref<!tpu.dma_semaphore, #tpu.memory_space<semaphore_mem>>
      %dma_start3A_296 = arith.constant 0 : i32
      %dma_start3A_297 = tpu.memref_slice %arg12[%arg0, %dma_start3A_296] : memref<2x10240xf32, #tpu.memory_space<hbm>> -> memref<1x10240xf32, #tpu.memory_space<hbm>>
      %dma_start3A_298 = tpu.memref_squeeze %dma_start3A_297 : memref<1x10240xf32, #tpu.memory_space<hbm>> -> memref<10240xf32, #tpu.memory_space<hbm>>
      %dma_start3A_299 = tpu.memref_slice %dma_start3A_298[%mul3A_294] : memref<10240xf32, #tpu.memory_space<hbm>> -> memref<640xf32, #tpu.memory_space<hbm>>
      %dma_start3A_300 = tpu.memref_slice %arg30[%mul3A_292] : memref<10240xf32, #tpu.memory_space<vmem_shared>> -> memref<640xf32, #tpu.memory_space<vmem_shared>>
      tpu.enqueue_dma source(%dma_start3A_300 : memref<640xf32, #tpu.memory_space<vmem_shared>>) target(%dma_start3A_299 : memref<640xf32, #tpu.memory_space<hbm>>) target_semaphore(%run_scoped3A_295 : memref<!tpu.dma_semaphore, #tpu.memory_space<semaphore_mem>>)
      %dma_wait3A_301 = arith.constant 0 : i32
      %dma_wait3A_302 = tpu.memref_slice %arg12[%arg0, %dma_wait3A_301] : memref<2x10240xf32, #tpu.memory_space<hbm>> -> memref<1x10240xf32, #tpu.memory_space<hbm>>
      %dma_wait3A_303 = tpu.memref_squeeze %dma_wait3A_302 : memref<1x10240xf32, #tpu.memory_space<hbm>> -> memref<10240xf32, #tpu.memory_space<hbm>>
      %dma_wait3A_304 = tpu.memref_slice %dma_wait3A_303[%mul3A_294] : memref<10240xf32, #tpu.memory_space<hbm>> -> memref<640xf32, #tpu.memory_space<hbm>>
      %dma_wait3A_305 = tpu.memref_slice %arg30[%mul3A_292] : memref<10240xf32, #tpu.memory_space<vmem_shared>> -> memref<640xf32, #tpu.memory_space<vmem_shared>>
      tpu.wait_dma2 semaphore(%run_scoped3A_295 : memref<!tpu.dma_semaphore, #tpu.memory_space<semaphore_mem>>) src(%dma_wait3A_305 : memref<640xf32, #tpu.memory_space<vmem_shared>>) dst(%dma_wait3A_304 : memref<640xf32, #tpu.memory_space<hbm>>)
      tpu.yield
    }) : () -> ()
    return
  }
}

module attributes {stable_mosaic.version = 14 : i64} {
  func.func @_proj_body(%arg0: i32, %arg1: memref<256x128xf32, #tpu.memory_space<vmem>>, %arg2: memref<128x128xf32, #tpu.memory_space<vmem>>, %arg3: memref<128x128xf32, #tpu.memory_space<vmem>>, %arg4: memref<128x128xf32, #tpu.memory_space<vmem>>, %arg5: memref<128x128xf32, #tpu.memory_space<vmem>>, %arg6: memref<128x1xf32, #tpu.memory_space<vmem>>, %arg7: memref<128x1xf32, #tpu.memory_space<vmem>>, %arg8: memref<256x128xf32, #tpu.memory_space<vmem>>, %arg9: memref<256x128xf32, #tpu.memory_space<vmem>>, %arg10: memref<256x128xf32, #tpu.memory_space<vmem>>, %arg11: memref<256x128xf32, #tpu.memory_space<vmem>>, %arg12: memref<256x1xf32, #tpu.memory_space<vmem>>, %arg13: memref<256x1xf32, #tpu.memory_space<vmem>>, %arg14: memref<256x1xf32, #tpu.memory_space<vmem>>, %arg15: memref<256x1xf32, #tpu.memory_space<vmem>>) attributes {dimension_semantics = [#tpu.dimension_semantics<arbitrary>], iteration_bounds = array<i64: 40>, scalar_prefetch = 0 : i64, scratch_operands = 0 : i64, tpu.core_type = #tpu.core_type<tc>, window_params = [{transform_indices = @transform_0, window_bounds = array<i64: 256, 128>}, {pipeline_mode = #tpu.pipeline_mode<synchronous>, transform_indices = @transform_1, window_bounds = array<i64: 128, 128>}, {pipeline_mode = #tpu.pipeline_mode<synchronous>, transform_indices = @transform_2, window_bounds = array<i64: 128, 128>}, {pipeline_mode = #tpu.pipeline_mode<synchronous>, transform_indices = @transform_3, window_bounds = array<i64: 128, 128>}, {pipeline_mode = #tpu.pipeline_mode<synchronous>, transform_indices = @transform_4, window_bounds = array<i64: 128, 128>}, {pipeline_mode = #tpu.pipeline_mode<synchronous>, transform_indices = @transform_5, window_bounds = array<i64: 128, 1>}, {pipeline_mode = #tpu.pipeline_mode<synchronous>, transform_indices = @transform_6, window_bounds = array<i64: 128, 1>}, {transform_indices = @transform_7, window_bounds = array<i64: 256, 128>}, {transform_indices = @transform_8, window_bounds = array<i64: 256, 128>}, {transform_indices = @transform_9, window_bounds = array<i64: 256, 128>}, {transform_indices = @transform_10, window_bounds = array<i64: 256, 128>}, {transform_indices = @transform_11, window_bounds = array<i64: 256, 1>}, {transform_indices = @transform_12, window_bounds = array<i64: 256, 1>}, {transform_indices = @transform_13, window_bounds = array<i64: 256, 1>}, {transform_indices = @transform_14, window_bounds = array<i64: 256, 1>}]} {
    %get3A = arith.constant 0 : index
    %get3A_0 = arith.constant 0 : index
    %get3A_1 = vector.load %arg1[%get3A, %get3A_0] : memref<256x128xf32, #tpu.memory_space<vmem>>, vector<256x128xf32>
    %get3A_2 = arith.constant 0 : index
    %get3A_3 = arith.constant 0 : index
    %get3A_4 = vector.load %arg2[%get3A_2, %get3A_3] : memref<128x128xf32, #tpu.memory_space<vmem>>, vector<128x128xf32>
    %dot_general3A = arith.constant dense<0.000000e+00> : vector<256x128xf32>
    %dot_general3A_5 = tpu.matmul %get3A_1, %get3A_4, %dot_general3A {dimension_numbers = #tpu.dot_dimension_numbers<[1], [0], [0], [1], [0, 0, 1, 1], [], []>, transpose_lhs_hint = false} : vector<256x128xf32>, vector<128x128xf32>, vector<256x128xf32> -> vector<256x128xf32>
    %swap3A = arith.constant 0 : index
    %swap3A_6 = arith.constant 0 : index
    %swap3A_7 = vector.load %arg8[%swap3A, %swap3A_6] : memref<256x128xf32, #tpu.memory_space<vmem>>, vector<256x128xf32>
    tpu.vector_store %arg8[%swap3A, %swap3A_6], %dot_general3A_5 {strides = array<i32>} : memref<256x128xf32, #tpu.memory_space<vmem>>, vector<256x128xf32>,
    %get3A_8 = arith.constant 0 : index
    %get3A_9 = arith.constant 0 : index
    %get3A_10 = vector.load %arg3[%get3A_8, %get3A_9] : memref<128x128xf32, #tpu.memory_space<vmem>>, vector<128x128xf32>
    %dot_general3A_11 = arith.constant dense<0.000000e+00> : vector<256x128xf32>
    %dot_general3A_12 = tpu.matmul %get3A_1, %get3A_10, %dot_general3A_11 {dimension_numbers = #tpu.dot_dimension_numbers<[1], [0], [0], [1], [0, 0, 1, 1], [], []>, transpose_lhs_hint = false} : vector<256x128xf32>, vector<128x128xf32>, vector<256x128xf32> -> vector<256x128xf32>
    %swap3A_13 = arith.constant 0 : index
    %swap3A_14 = arith.constant 0 : index
    %swap3A_15 = vector.load %arg9[%swap3A_13, %swap3A_14] : memref<256x128xf32, #tpu.memory_space<vmem>>, vector<256x128xf32>
    tpu.vector_store %arg9[%swap3A_13, %swap3A_14], %dot_general3A_12 {strides = array<i32>} : memref<256x128xf32, #tpu.memory_space<vmem>>, vector<256x128xf32>,
    %get3A_16 = arith.constant 0 : index
    %get3A_17 = arith.constant 0 : index
    %get3A_18 = vector.load %arg4[%get3A_16, %get3A_17] : memref<128x128xf32, #tpu.memory_space<vmem>>, vector<128x128xf32>
    %dot_general3A_19 = arith.constant dense<0.000000e+00> : vector<256x128xf32>
    %dot_general3A_20 = tpu.matmul %get3A_1, %get3A_18, %dot_general3A_19 {dimension_numbers = #tpu.dot_dimension_numbers<[1], [0], [0], [1], [0, 0, 1, 1], [], []>, transpose_lhs_hint = false} : vector<256x128xf32>, vector<128x128xf32>, vector<256x128xf32> -> vector<256x128xf32>
    %swap3A_21 = arith.constant 0 : index
    %swap3A_22 = arith.constant 0 : index
    %swap3A_23 = vector.load %arg10[%swap3A_21, %swap3A_22] : memref<256x128xf32, #tpu.memory_space<vmem>>, vector<256x128xf32>
    tpu.vector_store %arg10[%swap3A_21, %swap3A_22], %dot_general3A_20 {strides = array<i32>} : memref<256x128xf32, #tpu.memory_space<vmem>>, vector<256x128xf32>,
    %get3A_24 = arith.constant 0 : index
    %get3A_25 = arith.constant 0 : index
    %get3A_26 = vector.load %arg5[%get3A_24, %get3A_25] : memref<128x128xf32, #tpu.memory_space<vmem>>, vector<128x128xf32>
    %dot_general3A_27 = arith.constant dense<0.000000e+00> : vector<256x128xf32>
    %dot_general3A_28 = tpu.matmul %get3A_1, %get3A_26, %dot_general3A_27 {dimension_numbers = #tpu.dot_dimension_numbers<[1], [0], [0], [1], [0, 0, 1, 1], [], []>, transpose_lhs_hint = false} : vector<256x128xf32>, vector<128x128xf32>, vector<256x128xf32> -> vector<256x128xf32>
    %swap3A_29 = arith.constant 0 : index
    %swap3A_30 = arith.constant 0 : index
    %swap3A_31 = vector.load %arg11[%swap3A_29, %swap3A_30] : memref<256x128xf32, #tpu.memory_space<vmem>>, vector<256x128xf32>
    tpu.vector_store %arg11[%swap3A_29, %swap3A_30], %dot_general3A_28 {strides = array<i32>} : memref<256x128xf32, #tpu.memory_space<vmem>>, vector<256x128xf32>,
    %get3A_32 = arith.constant 0 : index
    %get3A_33 = arith.constant 0 : index
    %get3A_34 = vector.load %arg6[%get3A_32, %get3A_33] : memref<128x1xf32, #tpu.memory_space<vmem>>, vector<128x1xf32>
    %dot_general3A_35 = arith.constant dense<0.000000e+00> : vector<256x1xf32>
    %dot_general3A_36 = tpu.matmul %dot_general3A_5, %get3A_34, %dot_general3A_35 {dimension_numbers = #tpu.dot_dimension_numbers<[1], [0], [0], [1], [0, 0, 1, 1], [], []>, transpose_lhs_hint = false} : vector<256x128xf32>, vector<128x1xf32>, vector<256x1xf32> -> vector<256x1xf32>
    %swap3A_37 = arith.constant 0 : index
    %swap3A_38 = arith.constant 0 : index
    %swap3A_39 = vector.load %arg12[%swap3A_37, %swap3A_38] : memref<256x1xf32, #tpu.memory_space<vmem>>, vector<256x1xf32>
    tpu.vector_store %arg12[%swap3A_37, %swap3A_38], %dot_general3A_36 {strides = array<i32>} : memref<256x1xf32, #tpu.memory_space<vmem>>, vector<256x1xf32>,
    %get3A_40 = arith.constant 0 : index
    %get3A_41 = arith.constant 0 : index
    %get3A_42 = vector.load %arg7[%get3A_40, %get3A_41] : memref<128x1xf32, #tpu.memory_space<vmem>>, vector<128x1xf32>
    %dot_general3A_43 = arith.constant dense<0.000000e+00> : vector<256x1xf32>
    %dot_general3A_44 = tpu.matmul %dot_general3A_5, %get3A_42, %dot_general3A_43 {dimension_numbers = #tpu.dot_dimension_numbers<[1], [0], [0], [1], [0, 0, 1, 1], [], []>, transpose_lhs_hint = false} : vector<256x128xf32>, vector<128x1xf32>, vector<256x1xf32> -> vector<256x1xf32>
    %swap3A_45 = arith.constant 0 : index
    %swap3A_46 = arith.constant 0 : index
    %swap3A_47 = vector.load %arg13[%swap3A_45, %swap3A_46] : memref<256x1xf32, #tpu.memory_space<vmem>>, vector<256x1xf32>
    tpu.vector_store %arg13[%swap3A_45, %swap3A_46], %dot_general3A_44 {strides = array<i32>} : memref<256x1xf32, #tpu.memory_space<vmem>>, vector<256x1xf32>,
    %mul3A = arith.mulf %dot_general3A_12, %dot_general3A_12 : vector<256x128xf32>
    %reduce_sum3A = arith.constant dense<0.000000e+00> : vector<256xf32>
    %reduce_sum3A_48 = vector.multi_reduction <add>, %mul3A, %reduce_sum3A [1] : vector<256x128xf32> to vector<256xf32>
    %broadcast_in_dim3A = vector.shape_cast %reduce_sum3A_48 : vector<256xf32> to vector<256x1xf32>
    %sqrt3A = math.sqrt %broadcast_in_dim3A : vector<256x1xf32>
    %swap3A_49 = arith.constant 0 : index
    %swap3A_50 = arith.constant 0 : index
    %swap3A_51 = vector.load %arg14[%swap3A_49, %swap3A_50] : memref<256x1xf32, #tpu.memory_space<vmem>>, vector<256x1xf32>
    tpu.vector_store %arg14[%swap3A_49, %swap3A_50], %sqrt3A {strides = array<i32>} : memref<256x1xf32, #tpu.memory_space<vmem>>, vector<256x1xf32>,
    %mul3A_52 = arith.mulf %dot_general3A_20, %dot_general3A_20 : vector<256x128xf32>
    %reduce_sum3A_53 = arith.constant dense<0.000000e+00> : vector<256xf32>
    %reduce_sum3A_54 = vector.multi_reduction <add>, %mul3A_52, %reduce_sum3A_53 [1] : vector<256x128xf32> to vector<256xf32>
    %broadcast_in_dim3A_55 = vector.shape_cast %reduce_sum3A_54 : vector<256xf32> to vector<256x1xf32>
    %sqrt3A_56 = math.sqrt %broadcast_in_dim3A_55 : vector<256x1xf32>
    %swap3A_57 = arith.constant 0 : index
    %swap3A_58 = arith.constant 0 : index
    %swap3A_59 = vector.load %arg15[%swap3A_57, %swap3A_58] : memref<256x1xf32, #tpu.memory_space<vmem>>, vector<256x1xf32>
    tpu.vector_store %arg15[%swap3A_57, %swap3A_58], %sqrt3A_56 {strides = array<i32>} : memref<256x1xf32, #tpu.memory_space<vmem>>, vector<256x1xf32>,
    return
  }
  func.func @transform_0(%arg0: i32) -> (i32, i32) {
    %c0_i32 = arith.constant 0 : i32
    %c0_i32_0 = arith.constant 0 : i32
    return %arg0, %c0_i32 : i32, i32
  }
  func.func @transform_1(%arg0: i32) -> (i32, i32) {
    %c0_i32 = arith.constant 0 : i32
    %c0_i32_0 = arith.constant 0 : i32
    %c0_i32_1 = arith.constant 0 : i32
    return %c0_i32, %c0_i32_0 : i32, i32
  }
  func.func @transform_2(%arg0: i32) -> (i32, i32) {
    %c0_i32 = arith.constant 0 : i32
    %c0_i32_0 = arith.constant 0 : i32
    %c0_i32_1 = arith.constant 0 : i32
    return %c0_i32, %c0_i32_0 : i32, i32
  }
  func.func @transform_3(%arg0: i32) -> (i32, i32) {
    %c0_i32 = arith.constant 0 : i32
    %c0_i32_0 = arith.constant 0 : i32
    %c0_i32_1 = arith.constant 0 : i32
    return %c0_i32, %c0_i32_0 : i32, i32
  }
  func.func @transform_4(%arg0: i32) -> (i32, i32) {
    %c0_i32 = arith.constant 0 : i32
    %c0_i32_0 = arith.constant 0 : i32
    %c0_i32_1 = arith.constant 0 : i32
    return %c0_i32, %c0_i32_0 : i32, i32
  }
  func.func @transform_5(%arg0: i32) -> (i32, i32) {
    %c0_i32 = arith.constant 0 : i32
    %c0_i32_0 = arith.constant 0 : i32
    %c0_i32_1 = arith.constant 0 : i32
    return %c0_i32, %c0_i32_0 : i32, i32
  }
  func.func @transform_6(%arg0: i32) -> (i32, i32) {
    %c0_i32 = arith.constant 0 : i32
    %c0_i32_0 = arith.constant 0 : i32
    %c0_i32_1 = arith.constant 0 : i32
    return %c0_i32, %c0_i32_0 : i32, i32
  }
  func.func @transform_7(%arg0: i32) -> (i32, i32) {
    %c0_i32 = arith.constant 0 : i32
    %c0_i32_0 = arith.constant 0 : i32
    return %arg0, %c0_i32 : i32, i32
  }
  func.func @transform_8(%arg0: i32) -> (i32, i32) {
    %c0_i32 = arith.constant 0 : i32
    %c0_i32_0 = arith.constant 0 : i32
    return %arg0, %c0_i32 : i32, i32
  }
  func.func @transform_9(%arg0: i32) -> (i32, i32) {
    %c0_i32 = arith.constant 0 : i32
    %c0_i32_0 = arith.constant 0 : i32
    return %arg0, %c0_i32 : i32, i32
  }
  func.func @transform_10(%arg0: i32) -> (i32, i32) {
    %c0_i32 = arith.constant 0 : i32
    %c0_i32_0 = arith.constant 0 : i32
    return %arg0, %c0_i32 : i32, i32
  }
  func.func @transform_11(%arg0: i32) -> (i32, i32) {
    %c0_i32 = arith.constant 0 : i32
    %c0_i32_0 = arith.constant 0 : i32
    return %arg0, %c0_i32 : i32, i32
  }
  func.func @transform_12(%arg0: i32) -> (i32, i32) {
    %c0_i32 = arith.constant 0 : i32
    %c0_i32_0 = arith.constant 0 : i32
    return %arg0, %c0_i32 : i32, i32
  }
  func.func @transform_13(%arg0: i32) -> (i32, i32) {
    %c0_i32 = arith.constant 0 : i32
    %c0_i32_0 = arith.constant 0 : i32
    return %arg0, %c0_i32 : i32, i32
  }
  func.func @transform_14(%arg0: i32) -> (i32, i32) {
    %c0_i32 = arith.constant 0 : i32
    %c0_i32_0 = arith.constant 0 : i32
    return %arg0, %c0_i32 : i32, i32
  }
}

module attributes {stable_mosaic.version = 14 : i64} {
  func.func @_flash_body(%arg0: i32, %arg1: i32, %arg2: memref<256x128xbf16, #tpu.memory_space<vmem>>, %arg3: memref<256x128xbf16, #tpu.memory_space<vmem>>, %arg4: memref<256x128xbf16, #tpu.memory_space<vmem>>, %arg5: memref<256x1xf32, #tpu.memory_space<vmem>>, %arg6: memref<256x128xf32, #tpu.memory_space<vmem>>, %arg7: memref<256x128xf32, #tpu.memory_space<vmem>>, %arg8: memref<256x1xf32, #tpu.memory_space<vmem>>) attributes {dimension_semantics = [#tpu.dimension_semantics<parallel>, #tpu.dimension_semantics<arbitrary>], iteration_bounds = array<i64: 40, 40>, scalar_prefetch = 0 : i64, scratch_operands = 2 : i64, tpu.core_type = #tpu.core_type<tc>, window_params = [{transform_indices = @transform_0, window_bounds = array<i64: 256, 128>}, {transform_indices = @transform_1, window_bounds = array<i64: 256, 128>}, {transform_indices = @transform_2, window_bounds = array<i64: 256, 128>}, {transform_indices = @transform_3, window_bounds = array<i64: 256, 1>}, {transform_indices = @transform_4, window_bounds = array<i64: 256, 128>}]} {
    %eq3A = arith.constant 0 : i32
    %eq3A_0 = arith.cmpi eq, %arg1, %eq3A : i32
    %convert_element_type3A = arith.extui %eq3A_0 : i1 to i32
    %cond3A = arith.constant 0 : i32
    %cond3A_1 = arith.cmpi ne, %convert_element_type3A, %cond3A : i32
    scf.if %cond3A_1 {
      %broadcast_in_dim3A_36 = arith.constant 0.000000e+00 : f32
      %broadcast_in_dim3A_37 = vector.broadcast %broadcast_in_dim3A_36 : f32 to vector<256x128xf32>
      %swap3A_38 = arith.constant 0 : index
      %swap3A_39 = arith.constant 0 : index
      %swap3A_40 = vector.load %arg7[%swap3A_38, %swap3A_39] : memref<256x128xf32, #tpu.memory_space<vmem>>, vector<256x128xf32>
      tpu.vector_store %arg7[%swap3A_38, %swap3A_39], %broadcast_in_dim3A_37 {strides = array<i32>} : memref<256x128xf32, #tpu.memory_space<vmem>>, vector<256x128xf32>,
      %broadcast_in_dim3A_41 = arith.constant 0.000000e+00 : f32
      %broadcast_in_dim3A_42 = vector.broadcast %broadcast_in_dim3A_41 : f32 to vector<256x1xf32>
      %swap3A_43 = arith.constant 0 : index
      %swap3A_44 = arith.constant 0 : index
      %swap3A_45 = vector.load %arg8[%swap3A_43, %swap3A_44] : memref<256x1xf32, #tpu.memory_space<vmem>>, vector<256x1xf32>
      tpu.vector_store %arg8[%swap3A_43, %swap3A_44], %broadcast_in_dim3A_42 {strides = array<i32>} : memref<256x1xf32, #tpu.memory_space<vmem>>, vector<256x1xf32>,
    } else {
    }
    %get3A = arith.constant 0 : index
    %get3A_2 = arith.constant 0 : index
    %get3A_3 = vector.load %arg2[%get3A, %get3A_2] : memref<256x128xbf16, #tpu.memory_space<vmem>>, vector<256x128xbf16>
    %get3A_4 = arith.constant 0 : index
    %get3A_5 = arith.constant 0 : index
    %get3A_6 = vector.load %arg3[%get3A_4, %get3A_5] : memref<256x128xbf16, #tpu.memory_space<vmem>>, vector<256x128xbf16>
    %dot_general3A = arith.constant dense<0.000000e+00> : vector<256x256xf32>
    %dot_general3A_7 = tpu.matmul %get3A_3, %get3A_6, %dot_general3A {dimension_numbers = #tpu.dot_dimension_numbers<[1], [1], [0], [0], [0, 0, 1, 0], [], []>, transpose_lhs_hint = false} : vector<256x128xbf16>, vector<256x128xbf16>, vector<256x256xf32> -> vector<256x256xf32>
    %get3A_8 = arith.constant 0 : index
    %get3A_9 = arith.constant 0 : index
    %get3A_10 = vector.load %arg5[%get3A_8, %get3A_9] : memref<256x1xf32, #tpu.memory_space<vmem>>, vector<256x1xf32>
    %sub3A = vector.broadcast %get3A_10 : vector<256x1xf32> to vector<256x256xf32>
    %sub3A_11 = arith.subf %dot_general3A_7, %sub3A : vector<256x256xf32>
    %exp3A = math.exp %sub3A_11 : vector<256x256xf32>
    %get3A_12 = arith.constant 0 : index
    %get3A_13 = arith.constant 0 : index
    %get3A_14 = vector.load %arg8[%get3A_12, %get3A_13] : memref<256x1xf32, #tpu.memory_space<vmem>>, vector<256x1xf32>
    %reduce_sum3A = arith.constant dense<0.000000e+00> : vector<256xf32>
    %reduce_sum3A_15 = vector.multi_reduction <add>, %exp3A, %reduce_sum3A [1] : vector<256x256xf32> to vector<256xf32>
    %broadcast_in_dim3A = vector.shape_cast %reduce_sum3A_15 : vector<256xf32> to vector<256x1xf32>
    %add3A = arith.addf %get3A_14, %broadcast_in_dim3A : vector<256x1xf32>
    %swap3A = arith.constant 0 : index
    %swap3A_16 = arith.constant 0 : index
    %swap3A_17 = vector.load %arg8[%swap3A, %swap3A_16] : memref<256x1xf32, #tpu.memory_space<vmem>>, vector<256x1xf32>
    tpu.vector_store %arg8[%swap3A, %swap3A_16], %add3A {strides = array<i32>} : memref<256x1xf32, #tpu.memory_space<vmem>>, vector<256x1xf32>,
    %get3A_18 = arith.constant 0 : index
    %get3A_19 = arith.constant 0 : index
    %get3A_20 = vector.load %arg7[%get3A_18, %get3A_19] : memref<256x128xf32, #tpu.memory_space<vmem>>, vector<256x128xf32>
    %convert_element_type3A_21 = arith.truncf %exp3A : vector<256x256xf32> to vector<256x256xbf16>
    %get3A_22 = arith.constant 0 : index
    %get3A_23 = arith.constant 0 : index
    %get3A_24 = vector.load %arg4[%get3A_22, %get3A_23] : memref<256x128xbf16, #tpu.memory_space<vmem>>, vector<256x128xbf16>
    %dot_general3A_25 = arith.constant dense<0.000000e+00> : vector<256x128xf32>
    %dot_general3A_26 = tpu.matmul %convert_element_type3A_21, %get3A_24, %dot_general3A_25 {dimension_numbers = #tpu.dot_dimension_numbers<[1], [0], [0], [1], [0, 0, 1, 1], [], []>, transpose_lhs_hint = false} : vector<256x256xbf16>, vector<256x128xbf16>, vector<256x128xf32> -> vector<256x128xf32>
    %add3A_27 = arith.addf %get3A_20, %dot_general3A_26 : vector<256x128xf32>
    %swap3A_28 = arith.constant 0 : index
    %swap3A_29 = arith.constant 0 : index
    %swap3A_30 = vector.load %arg7[%swap3A_28, %swap3A_29] : memref<256x128xf32, #tpu.memory_space<vmem>>, vector<256x128xf32>
    tpu.vector_store %arg7[%swap3A_28, %swap3A_29], %add3A_27 {strides = array<i32>} : memref<256x128xf32, #tpu.memory_space<vmem>>, vector<256x128xf32>,
    %eq3A_31 = arith.constant 39 : i32
    %eq3A_32 = arith.cmpi eq, %arg1, %eq3A_31 : i32
    %convert_element_type3A_33 = arith.extui %eq3A_32 : i1 to i32
    %cond3A_34 = arith.constant 0 : i32
    %cond3A_35 = arith.cmpi ne, %convert_element_type3A_33, %cond3A_34 : i32
    scf.if %cond3A_35 {
      %get3A_36 = arith.constant 0 : index
      %get3A_37 = arith.constant 0 : index
      %get3A_38 = vector.load %arg5[%get3A_36, %get3A_37] : memref<256x1xf32, #tpu.memory_space<vmem>>, vector<256x1xf32>
      %neg3A = arith.constant 0.000000e+00 : f32
      %neg3A_39 = vector.broadcast %neg3A : f32 to vector<256x1xf32>
      %neg3A_40 = arith.subf %neg3A_39, %get3A_38 : vector<256x1xf32>
      %exp3A_41 = math.exp %neg3A_40 : vector<256x1xf32>
      %mul3A = arith.constant 2.400000e+02 : f32
      %mul3A_42 = vector.broadcast %mul3A : f32 to vector<256x1xf32>
      %mul3A_43 = arith.mulf %exp3A_41, %mul3A_42 : vector<256x1xf32>
      %get3A_44 = arith.constant 0 : index
      %get3A_45 = arith.constant 0 : index
      %get3A_46 = vector.load %arg7[%get3A_44, %get3A_45] : memref<256x128xf32, #tpu.memory_space<vmem>>, vector<256x128xf32>
      %get3A_47 = arith.constant 0 : index
      %get3A_48 = arith.constant 0 : index
      %get3A_49 = vector.load %arg8[%get3A_47, %get3A_48] : memref<256x1xf32, #tpu.memory_space<vmem>>, vector<256x1xf32>
      %sub3A_50 = arith.subf %get3A_49, %mul3A_43 : vector<256x1xf32>
      %div3A = vector.broadcast %sub3A_50 : vector<256x1xf32> to vector<256x128xf32>
      %div3A_51 = arith.divf %get3A_46, %div3A : vector<256x128xf32>
      %swap3A_52 = arith.constant 0 : index
      %swap3A_53 = arith.constant 0 : index
      %swap3A_54 = vector.load %arg6[%swap3A_52, %swap3A_53] : memref<256x128xf32, #tpu.memory_space<vmem>>, vector<256x128xf32>
      tpu.vector_store %arg6[%swap3A_52, %swap3A_53], %div3A_51 {strides = array<i32>} : memref<256x128xf32, #tpu.memory_space<vmem>>, vector<256x128xf32>,
    } else {
    }
    return
  }
  func.func @transform_0(%arg0: i32, %arg1: i32) -> (i32, i32) {
    %c0_i32 = arith.constant 0 : i32
    %c0_i32_0 = arith.constant 0 : i32
    return %arg0, %c0_i32 : i32, i32
  }
  func.func @transform_1(%arg0: i32, %arg1: i32) -> (i32, i32) {
    %c0_i32 = arith.constant 0 : i32
    %c0_i32_0 = arith.constant 0 : i32
    return %arg1, %c0_i32 : i32, i32
  }
  func.func @transform_2(%arg0: i32, %arg1: i32) -> (i32, i32) {
    %c0_i32 = arith.constant 0 : i32
    %c0_i32_0 = arith.constant 0 : i32
    return %arg1, %c0_i32 : i32, i32
  }
  func.func @transform_3(%arg0: i32, %arg1: i32) -> (i32, i32) {
    %c0_i32 = arith.constant 0 : i32
    %c0_i32_0 = arith.constant 0 : i32
    return %arg0, %c0_i32 : i32, i32
  }
  func.func @transform_4(%arg0: i32, %arg1: i32) -> (i32, i32) {
    %c0_i32 = arith.constant 0 : i32
    %c0_i32_0 = arith.constant 0 : i32
    return %arg0, %c0_i32 : i32, i32
  }
}

module attributes {stable_mosaic.version = 14 : i64} {
  func.func @_epilogue_body(%arg0: i32, %arg1: memref<256x128xf32, #tpu.memory_space<vmem>>, %arg2: memref<256x128xf32, #tpu.memory_space<vmem>>, %arg3: memref<256x128xf32, #tpu.memory_space<vmem>>, %arg4: memref<256x128xf32, #tpu.memory_space<vmem>>, %arg5: memref<256x1xf32, #tpu.memory_space<vmem>>, %arg6: memref<256x128xf32, #tpu.memory_space<vmem>>) attributes {dimension_semantics = [#tpu.dimension_semantics<arbitrary>], iteration_bounds = array<i64: 40>, scalar_prefetch = 0 : i64, scratch_operands = 0 : i64, tpu.core_type = #tpu.core_type<tc>, window_params = [{transform_indices = @transform_0, window_bounds = array<i64: 256, 128>}, {transform_indices = @transform_1, window_bounds = array<i64: 256, 128>}, {transform_indices = @transform_2, window_bounds = array<i64: 256, 128>}, {transform_indices = @transform_3, window_bounds = array<i64: 256, 128>}, {transform_indices = @transform_4, window_bounds = array<i64: 256, 1>}, {transform_indices = @transform_5, window_bounds = array<i64: 256, 128>}]} {
    %get3A = arith.constant 0 : index
    %get3A_0 = arith.constant 0 : index
    %get3A_1 = vector.load %arg5[%get3A, %get3A_0] : memref<256x1xf32, #tpu.memory_space<vmem>>, vector<256x1xf32>
    %eq3A = arith.constant 0.000000e+00 : f32
    %eq3A_2 = vector.broadcast %eq3A : f32 to vector<256x1xf32>
    %eq3A_3 = arith.cmpf oeq, %get3A_1, %eq3A_2 : vector<256x1xf32>
    %jit3A = arith.constant 1.000000e+00 : f32
    %broadcast_in_dim3A = vector.broadcast %jit3A : f32 to vector<256x1xf32>
    %select_n3A = arith.select %eq3A_3, %broadcast_in_dim3A, %get3A_1 : vector<256x1xi1>, vector<256x1xf32>
    %get3A_4 = arith.constant 0 : index
    %get3A_5 = arith.constant 0 : index
    %get3A_6 = vector.load %arg3[%get3A_4, %get3A_5] : memref<256x128xf32, #tpu.memory_space<vmem>>, vector<256x128xf32>
    %get3A_7 = arith.constant 0 : index
    %get3A_8 = arith.constant 0 : index
    %get3A_9 = vector.load %arg4[%get3A_7, %get3A_8] : memref<256x128xf32, #tpu.memory_space<vmem>>, vector<256x128xf32>
    %add3A = arith.addf %get3A_6, %get3A_9 : vector<256x128xf32>
    %div3A = vector.broadcast %select_n3A : vector<256x1xf32> to vector<256x128xf32>
    %div3A_10 = arith.divf %add3A, %div3A : vector<256x128xf32>
    %get3A_11 = arith.constant 0 : index
    %get3A_12 = arith.constant 0 : index
    %get3A_13 = vector.load %arg1[%get3A_11, %get3A_12] : memref<256x128xf32, #tpu.memory_space<vmem>>, vector<256x128xf32>
    %add3A_14 = arith.addf %div3A_10, %get3A_13 : vector<256x128xf32>
    %get3A_15 = arith.constant 0 : index
    %get3A_16 = arith.constant 0 : index
    %get3A_17 = vector.load %arg2[%get3A_15, %get3A_16] : memref<256x128xf32, #tpu.memory_space<vmem>>, vector<256x128xf32>
    %add3A_18 = arith.addf %add3A_14, %get3A_17 : vector<256x128xf32>
    %max3A = arith.constant 0.000000e+00 : f32
    %max3A_19 = vector.broadcast %max3A : f32 to vector<256x128xf32>
    %max3A_20 = arith.maximumf %add3A_18, %max3A_19 : vector<256x128xf32>
    %min3A = arith.constant 0.000000e+00 : f32
    %min3A_21 = vector.broadcast %min3A : f32 to vector<256x128xf32>
    %min3A_22 = arith.minimumf %add3A_18, %min3A_21 : vector<256x128xf32>
    %mul3A = arith.constant 0.00999999977 : f32
    %mul3A_23 = vector.broadcast %mul3A : f32 to vector<256x128xf32>
    %mul3A_24 = arith.mulf %mul3A_23, %min3A_22 : vector<256x128xf32>
    %add3A_25 = arith.addf %max3A_20, %mul3A_24 : vector<256x128xf32>
    %swap3A = arith.constant 0 : index
    %swap3A_26 = arith.constant 0 : index
    %swap3A_27 = vector.load %arg6[%swap3A, %swap3A_26] : memref<256x128xf32, #tpu.memory_space<vmem>>, vector<256x128xf32>
    tpu.vector_store %arg6[%swap3A, %swap3A_26], %add3A_25 {strides = array<i32>} : memref<256x128xf32, #tpu.memory_space<vmem>>, vector<256x128xf32>,
    return
  }
  func.func @transform_0(%arg0: i32) -> (i32, i32) {
    %c0_i32 = arith.constant 0 : i32
    %c0_i32_0 = arith.constant 0 : i32
    return %arg0, %c0_i32 : i32, i32
  }
  func.func @transform_1(%arg0: i32) -> (i32, i32) {
    %c0_i32 = arith.constant 0 : i32
    %c0_i32_0 = arith.constant 0 : i32
    return %arg0, %c0_i32 : i32, i32
  }
  func.func @transform_2(%arg0: i32) -> (i32, i32) {
    %c0_i32 = arith.constant 0 : i32
    %c0_i32_0 = arith.constant 0 : i32
    return %arg0, %c0_i32 : i32, i32
  }
  func.func @transform_3(%arg0: i32) -> (i32, i32) {
    %c0_i32 = arith.constant 0 : i32
    %c0_i32_0 = arith.constant 0 : i32
    return %arg0, %c0_i32 : i32, i32
  }
  func.func @transform_4(%arg0: i32) -> (i32, i32) {
    %c0_i32 = arith.constant 0 : i32
    %c0_i32_0 = arith.constant 0 : i32
    return %arg0, %c0_i32 : i32, i32
  }
  func.func @transform_5(%arg0: i32) -> (i32, i32) {
    %c0_i32 = arith.constant 0 : i32
    %c0_i32_0 = arith.constant 0 : i32
    return %arg0, %c0_i32 : i32, i32
  }
}

</mosaic_0001>

<sc_bundles>
// kernel: kernel.6.cloned.1.call-start
scs
__scs_entry_jumppad:
0x0: {  	(pc) =	sbr.rel $0x88, $3  }
0x1: {  	(tag) =	ssettag $0x0;
	lr =	simm.s32 $0x1  }
0x2: {  	[smem:$0x3F9A] =	sst lr;
	_ =	strace $0xD0000000  }
0x3: {  	_ = 	snop  }
0x4: {  	_ = 	snop  }
0x5: {  	_ = 	snop  }
0x6: {  	_ = 	snop  }
0x7: {  	_ = 	snop  }
__scs_overlays_trampoline_lowered:
0x8: {  	[smem:$0x3FA9] =	sst s0  }
0x9: {  	[smem:$0x3FAA] =	sst s1  }
0xa: {  	[smem:$0x3FAB] =	sst s2  }
0xb: {  	[smem:$0x3FAC] =	sst s3  }
0xc: {  	[smem:$0x3FAD] =	sst s4  }
0xd: {  	[smem:$0x3FAE] =	sst s5  }
0xe: {  	[smem:$0x3FAF] =	sst s6  }
0xf: {  	[smem:$0x3FB0] =	sst s7  }
0x10: {  	[smem:$0x3FB1] =	sst s8  }
0x11: {  	[smem:$0x3FB2] =	sst s9;
	s0 =	simm.s32 @!p0 $0x0  }
0x12: {  	s1 =	sld [smem:$0x3F98];
	s0 =	simm.s32 @p0 $0x1  }
0x13: {  	[smem:$0x3FB3] =	sst s0;
	s0 =	simm.s32 @!p1 $0x0  }
0x14: {  	s2 =	sld [smem:$0x3F97];
	s0 =	simm.s32 @p1 $0x1  }
0x15: {  	[smem:$0x3FB4] =	sst s0;
	s0 =	simm.s32 @!p2 $0x0  }
0x16: {  	s3 =	sld [smem:$0x3FDB];
	s0 =	simm.s32 @p2 $0x1  }
0x17: {  	s4 =	simm.s32 $0x1BF5;
	[smem:$0x3FB6] =	sst s0  }
0x18: {  	s0 =	sld [smem:$0x3F99];
	_ =	swait.ge [sflag:s4], $0x0  }
0x19: {  	s7 =	sld [smem:$0x3F9A]  }
0x1a: {  	s8 =	sadd.s32 $0xFFFFE003, lr  }
0x1b: {  	s9 =	sadd.s32 $0xFFFFFEF7, lr;
	s5 =	simm.s32 $0xFFFFFFFF;
	p2 =	slt.u32 s8, $0xFFFFF086  }
0x1c: {  	p1 =	slt.u32 s9, $0xF7A;
	s5 =	simm.s32 @!p2 $0x0  }
0x1d: {  	s5 =	simm.s32 @p1 $0x1;
	p0 =	seq.s32 s7, s2  }
0x1e: {  	s7 =	smul.u32 @!p0 $0xF7A, s2;
	p2 =	seq.s32 @!p0 s5, $0x0  }
0x1f: {  	s9 =	smul.u32 $0xF7A, s1;
	s8 =	simm.s32 @!p0 $0x1BF5;
	p2 =	por !p2, p0  }
0x20: {  	[sflag:s8] =	ssyncset.s32 @!p0 $0xFFFFF086;
	s6 =	sadd.s32 @!p0 s3, s7;
	s7 =	simm.s32 @!p0 $0x108  }
0x21: {  	s3 =	sadd.s32 s3, s9;
	s6 =	sadd.s32 @!p0 $0x88, s6;
	s7 =	simm.s32 @p2 $0x1082  }
0x22: {  	[simem:s7], [sflag:s8] =	dma.local @!p0 [hbm:s6], $0xF7A  }
0x23: {  	s9 =	sor.u32 $0xD0000000, s2;
	s6 =	simm.s32 $0x108;
	_ =	swait.ge @!p0 [sflag:s8], $0x0  }
0x24: {  	s3 =	sadd.s32 $0x88, s3;
	s6 =	simm.s32 @!p1 $0x1082;
	[sflag:s4] =	ssyncset.s32 $0xFFFFF086  }
0x25: {  	[simem:s6], [sflag:s4] =	dma.local [hbm:s3], $0xF7A  }
0x26: {  	[smem:$0x3F9A] =	sst s1;
	(tag) =	ssettag s2;
	_ =	strace s9  }
0x27: {  	s1 =	sld [smem:$0x3FAA]  }
0x28: {  	s2 =	sld [smem:$0x3FAB]  }
0x29: {  	s4 =	sld [smem:$0x3FAD]  }
0x2a: {  	p0 =	seq.s32 s5, $0x0;
	s5 =	sld [smem:$0x3FAE]  }
0x2b: {  	s6 =	sld [smem:$0x3FAF]  }
0x2c: {  	s7 =	sld [smem:$0x3FB0]  }
0x2d: {  	s3 =	simm.s32 $0x108;
	s8 =	sld [smem:$0x3FB1]  }
0x2e: {  	s3 =	simm.s32 @!p0 $0x1082;
	s9 =	sld [smem:$0x3FB2]  }
0x2f: {  	lr =	sadd.s32 s0, s3;
	s0 =	sld [smem:$0x3FA9]  }
0x30: {  	s3 =	sld [smem:$0x3FAC]  }
0x31: {  	[smem:$0x3FB5] =	sst s10  }
0x32: {  	s10 =	sld [smem:$0x3FB3];
	_ =	sdelay $0x3  }
0x33: {  	p0 =	seq.s32 s10, $0x1;
	s10 =	sld [smem:$0x3FB5];
	_ =	sdelay $0x3  }
0x34: {  	[smem:$0x3FB5] =	sst s10  }
0x35: {  	s10 =	sld [smem:$0x3FB4];
	_ =	sdelay $0x3  }
0x36: {  	p1 =	seq.s32 s10, $0x1;
	s10 =	sld [smem:$0x3FB5];
	_ =	sdelay $0x3  }
0x37: {  	[smem:$0x3FB5] =	sst s10  }
0x38: {  	s10 =	sld [smem:$0x3FB6]  }
0x39: {  	_ = 	snop;
	(pc) =	sbr.ind lr, $3  }
0x3a: {  	_ = 	snop  }
0x3b: {  	_ = 	snop  }
0x3c: {  	p2 =	seq.s32 s10, $0x1;
	s10 =	sld [smem:$0x3FB5]  }
0x3d: {  	_ =	shalt  }
0x3e: {  	_ =	shalt  }
0x3f: {  	_ =	shalt  }
0x40: {  	_ =	shalt  }
0x41: {  	_ =	shalt  }
0x42: {  	_ =	shalt  }
0x43: {  	_ =	shalt  }
0x44: {  	_ =	shalt  }
0x45: {  	_ =	shalt  }
0x46: {  	_ =	shalt  }
0x47: {  	_ =	shalt  }
0x48: {  	_ =	shalt  }
0x49: {  	_ =	shalt  }
0x4a: {  	_ =	shalt  }
0x4b: {  	_ =	shalt  }
0x4c: {  	_ =	shalt  }
0x4d: {  	_ =	shalt  }
0x4e: {  	_ =	shalt  }
0x4f: {  	_ =	shalt  }
0x50: {  	_ =	shalt  }
0x51: {  	_ =	shalt  }
0x52: {  	_ =	shalt  }
0x53: {  	_ =	shalt  }
0x54: {  	_ =	shalt  }
0x55: {  	_ =	shalt  }
0x56: {  	_ =	shalt  }
0x57: {  	_ =	shalt  }
0x58: {  	_ =	shalt  }
0x59: {  	_ =	shalt  }
0x5a: {  	_ =	shalt  }
0x5b: {  	_ =	shalt  }
0x5c: {  	_ =	shalt  }
0x5d: {  	_ =	shalt  }
0x5e: {  	_ =	shalt  }
0x5f: {  	_ =	shalt  }
0x60: {  	_ =	shalt  }
0x61: {  	_ =	shalt  }
0x62: {  	_ =	shalt  }
0x63: {  	_ =	shalt  }
0x64: {  	_ =	shalt  }
0x65: {  	_ =	shalt  }
0x66: {  	_ =	shalt  }
0x67: {  	_ =	shalt  }
0x68: {  	_ =	shalt  }
0x69: {  	_ =	shalt  }
0x6a: {  	_ =	shalt  }
0x6b: {  	_ =	shalt  }
0x6c: {  	_ =	shalt  }
0x6d: {  	_ =	shalt  }
0x6e: {  	_ =	shalt  }
0x6f: {  	_ =	shalt  }
0x70: {  	_ =	shalt  }
0x71: {  	_ =	shalt  }
0x72: {  	_ =	shalt  }
0x73: {  	_ =	shalt  }
0x74: {  	_ =	shalt  }
0x75: {  	_ =	shalt  }
0x76: {  	_ =	shalt  }
0x77: {  	_ =	shalt  }
0x78: {  	_ =	shalt  }
0x79: {  	_ =	shalt  }
0x7a: {  	_ =	shalt  }
0x7b: {  	_ =	shalt  }
0x7c: {  	_ =	shalt  }
0x7d: {  	_ =	shalt  }
0x7e: {  	_ =	shalt  }
0x7f: {  	_ =	shalt  }
0x80: {  	_ =	shalt  }
0x81: {  	_ =	shalt  }
0x82: {  	_ =	shalt  }
0x83: {  	_ =	shalt  }
0x84: {  	_ =	shalt  }
0x85: {  	_ =	shalt  }
0x86: {  	_ =	shalt  }
0x87: {  	_ =	shalt  }
.Lfunc_end0:
.L_simem_size_0:
called_computation_lowered:
.L_overlay_start_0:
0x88: {  	s2 =	sld [smem:$0x3FD9]  }
0x89: {  	s3 =	sld [smem:$0x3FFE];
	_ =	sdelay $0x1  }
0x8a: {  	s1 =	srdreg.scid  }
0x8b: {  	s0 =	sand.u32 $0x1, s1  }
0x8c: {  	s17 =	sshll.u32 s0, $0xA;
	s2 =	sadd.s32 s3, s2  }
0x8d: {  	s2 =	sadd.s32 s2, s17  }
0x8e: {  	[smem:$0x3FC1] =	sst s2  }
0x8f: {  	_ = 	snop  }
0x90: {  	s2 =	sld [smem:$0x3FD0];
	(tm) =	ssettm $0x1  }
0x91: {  	s18 =	sld [smem:$0x3FFB];
	_ =	sdelay $0x3  }
0x92: {  	_ =	strace s18  }
0x93: {  	s3 =	sld [smem:$0x3FFC];
	_ =	sdelay $0x3  }
0x94: {  	_ =	strace s3  }
0x95: {  	s3 =	sld [smem:$0x3FFD];
	_ =	sdelay $0x3  }
0x96: {  	_ =	strace s3  }
0x97: {  	_ =	strace $0x8FFFFFFF  }
0x98: {  	s19 =	sld [smem:$0x3FDB];
	_ =	sdelay $0x1  }
0x99: {  	s4 =	simm.s32 $_scs_section_size  }
0x9a: {  	s5 =	simm.s32 $_size__tile_overlayer_lowered;
	s6 =	simm.s32 $_tile_overlayer_lowered  }
0x9b: {  	s22 =	simm.s32 $0x1BFF;
	s21 =	sshll.u32 s6, $0x1;
	s3 =	sadd.s32 s4, s19  }
0x9c: {  	s7 =	simm.s32 $0x0;
	s20 =	sshll.u32 s5, $0x1;
	s5 =	sadd.s32 s21, s3  }
0x9d: {  	[timem:s7], [sflag:s22] =	dma.local [hbm:s5], s20  }
0x9e: {  	_ =	swait.ge [sflag:s22], s20  }
0x9f: {  	s4 =	ssub.s32 $0x0, s20;
	[sflag:s22] =	ssyncset.done $0x0  }
0xa0: {  	[sflag:s22] =	ssyncadd.s32 s4;
	_ =	sdelay $0x1  }
0xa1: {  	s23 =	simm.s32 $0x1B8B  }
0xa2: {  	_ =	swait.ge [sflag:s23], $0x1  }
0xa3: {  	[sflag:s23] =	ssyncset.done $0x0  }
0xa4: {  	s25 =	simm.s32 $0x1B8E;
	s24 =	sld [smem:$0x3FFE];
	[sflag:s23] =	ssyncadd.s32 $0xFFFFFFFF  }
0xa5: {  	s26 =	simm.s32 $execute0_lowered;
	[smem:$0x3FD2] =	sst s25  }
0xa6: {  	s5 =	sshll.u32 s26, $0x1;
	_ =	strace $0x80000046;
	[dreg:$0x1] =	wrdreg $0xFFFFFFFF  }
0xa7: {  	s28 =	simm.s32 $_size_execute0_lowered;
	s3 =	sadd.s32 s3, s5;
	[dreg:$0x0] =	wrdreg $0x0  }
0xa8: {  	s5 =	sshll.u32 s28, $0x1;
	[dreg:$0x2] =	wrdreg s3  }
0xa9: {  	[dreg:$0x3] =	wrdreg s5  }
0xaa: {  	[dreg:$0x4] =	wrdreg $0xC0  }
0xab: {  	_ =	task [dreg:s7], $0x5FFFF  }
0xac: {  	[dreg:$0x1] =	wrdreg $0xFFFFFFFF  }
0xad: {  	[dreg:$0x0] =	wrdreg $0x60  }
0xae: {  	[dreg:$0x2] =	wrdreg s24  }
0xaf: {  	[dreg:$0x3] =	wrdreg s2  }
0xb0: {  	[dreg:$0x4] =	wrdreg $0xC3800  }
0xb1: {  	[dreg:$0x5] =	wrdreg $0x1FC800  }
0xb2: {  	[dreg:$0x6] =	wrdreg $0xBE800  }
0xb3: {  	[dreg:$0x7] =	wrdreg $0xC1000  }
0xb4: {  	[dreg:$0x8] =	wrdreg $0x9  }
0xb5: {  	_ =	task.clear_ibuf [dreg:s7], $0x9FFFF;
	_ =	strace $0x90000046  }
0xb6: {  	s29 =	simm.s32 $0x9;
	_ =	strace $0x80000048  }
0xb7: {  	_ =	swait.ge [sflag:s29], $0x1  }
0xb8: {  	[sflag:s29] =	ssyncadd.s32 $0xFFFFFFFF  }
0xb9: {  	_ =	strace $0x90000048  }
0xba: {  	_ =	sfence  }
0xbb: {  	s30 =	sld [smem:$0x0];
	_ =	sdelay $0x2  }
0xbc: {  	s31 =	sshll.u32 s1, $0xD;
	s1 =	sshrl.u32 s1, $0x2  }
0xbd: {  	s3 =	sand.u32 $0x4000, s31;
	s1 =	sadd.s32 s1, s30  }
0xbe: {  	s0 =	sor.u32 s3, s0;
	s1 =	sshll.u32 s1, $0x11  }
0xbf: {  	s0 =	sor.u32 s1, s0  }
0xc0: {  	s0 =	sadd.s32 $0x8F2B, s0  }
0xc1: {  	[sflag:s0] =	ssyncadd.remote.s32 $0x1  }
0xc2: {  	_ =	sfence.sel $0xFFFF  }
0xc3: {  	[dreg:$0x0] =	wrdreg $0xFFFFFFFF;
	(pc) =	sbr.abs _section_cstart, $3  }
0xc4: {  	[dreg:$0x1] =	wrdreg $0xFFFFFFFF  }
0xc5: {  	_ =	task.clear_ibuf [dreg:s7], $0x2FFFF;
	_ =	strace $0x9FFFFFFF  }
0xc6: {  	(tm) =	ssettm $0x7FFFFFFF  }
0xc7: {  	_ =	shalt  }
tec
execute0_lowered:
.L_overlay_start_1:
0x0: {  	(tag) =	ssettag $0x1  }
0x1: {  	s0 =	rddreg [dreg:$0x0]  }
0x2: {  	s9 =	rddreg [dreg:$0x1]  }
0x3: {  	s1 =	rddreg [dreg:$0x2]  }
0x4: {  	s3 =	rddreg [dreg:$0x3]  }
0x5: {  	s4 =	rddreg [dreg:$0x4]  }
0x6: {  	s5 =	rddreg [dreg:$0x5]  }
0x7: {  	s2 =	stileid.u32;
	s7 =	srdreg.scid;
	s6 =	simm.s32 $0x0  }
0x8: {  	s28 =	simm.s32 $0x180;
	s31 =	simm.s32 $0x80;
	s29 =	simm.s32 $0x2  }
0x9: {  	s30 =	simm.s32 $0x0;
	s10 =	sand.u32 $0x1, s7;
	s11 =	smul.u32 $0x280, s2  }
0xa: {  	s24 =	sshll.u32 s2, $0x1;
	[smem:$0x7FF] =	sst s6;
	s8 =	smul.u32 $0x2800, s2  }
0xb: {  	s14 =	sadd.s32 $0x32E00, s0;
	s17 =	smul.u32 $0x50000, s2;
	s26 =	sadd.s32 $0x12C000, s1  }
0xc: {  	s20 =	smul.u32 $0xA0, s2;
	p0 =	seq.s32 s2, $0xF;
	s7 =	sor.u32 s10, s24  }
0xd: {  	_ =	strace $0x80000047;
	[dreg:$0x7] =	wrdreg s14;
	s25 =	smul.u32 $0x28000, s10  }
0xe: {  	s18 =	sshll.u32 s10, $0x4;
	s10 =	ssub.s32 $0x2, s10;
	[dreg:$0xa] =	wrdreg s26  }
0xf: {  	s12 =	smul.u32 $0x280, s7;
	s7 =	sadd.s32 $0xC8000, s0;
	s13 =	sshrl.u32 s11, $0x3  }
0x10: {  	s16 =	sadd.s32 s8, s0;
	s18 =	sadd.s32 s18, s0;
	s17 =	sshrl.u32 s17, $0x2  }
0x11: {  	s19 =	sshrl.u32 s10, $0x1;
	s13 =	sadd.s32 s13, s0;
	s17 =	sadd.s32 s17, s1  }
0x12: {  	s14 =	sadd.s32 s25, s0;
	s16 =	sadd.s32 $0x33000, s16;
	[dreg:$0x8] =	wrdreg s17  }
0x13: {  	s15 =	sadd.s32 s12, s0;
	[dreg:$0x9] =	wrdreg s16;
	s0 =	sadd.s32 $0x58800, s0  }
0x14: {  	s10 =	ssub.s32 s10, s19;
	s16 =	sadd.s32 s11, s3;
	[dreg:$0xb] =	wrdreg s0  }
0x15: {  	s19 =	sadd.s32 s11, s4;
	s17 =	sadd.s32 $0x5A200, s13;
	[dreg:$0xc] =	wrdreg s16  }
0x16: {  	s22 =	sadd.s32 $0xAA800, s18;
	s9 =	sadd.s32 s9, s12;
	[dreg:$0xd] =	wrdreg s17  }
0x17: {  	s21 =	sadd.s32 $0x28000, s13;
	s11 =	sadd.s32 s11, s5;
	[dreg:$0xe] =	wrdreg s9  }
0x18: {  	s23 =	sadd.s32 $0x32800, s13;
	s26 =	smax.u32 s10, $0x1;
	[dreg:$0xf] =	wrdreg s21  }
0x19: {  	s10 =	simm.s32 $0x3E00;
	s12 =	simm.s32 $0x100;
	[dreg:$0x10] =	wrdreg s23  }
0x1a: {  	v0 =	vimm.s32 $0x0;
	s13 =	simm.s32 $0x1;
	s9 =	sadd.s32 s20, s22;
	[dreg:$0x14] =	wrdreg s26  }
0x1b: {  	v1 =	vimm.s32 $0x1;
	v2 =	vimm.s32 $0x2;
	v3 =	vimm.s32 $0x3;
	s24 =	sadd.s32 $0x2D600, s15;
	s25 =	sadd.s32 $0x28600, s15;
	[dreg:$0x11] =	wrdreg s9  }
0x1c: {  	v4 =	vimm.s32 $0x4;
	v5 =	vimm.s32 $0x5;
	v6 =	vimm.s32 $0x6;
	s22 =	sadd.s32 $0x5A800, s14;
	s0 =	sshrl.u32 s19, $0x3;
	[dreg:$0x12] =	wrdreg s24  }
0x1d: {  	v7 =	vimm.s32 $0x7;
	v8 =	vimm.s32 $0x8;
	v9 =	vimm.s32 $0x9;
	s26 =	simm.s32 $0x5;
	s14 =	simm.s32 $0x3;
	[dreg:$0x13] =	wrdreg s25  }
0x1e: {  	v10 =	vimm.s32 $0xA;
	v11 =	vimm.s32 $0xB;
	v12 =	vimm.s32 $0xC;
	s15 =	simm.s32 $0x4;
	[dreg:$0x15] =	wrdreg s0;
	s25 =	sshrl.u32 s11, $0x3  }
0x1f: {  	v13 =	vimm.s32 $0xD;
	v14 =	vimm.s32 $0xE;
	v15 =	vimm.s32 $0xF;
	s0 =	simm.s32 $0x3E80;
	s9 =	simm.s32 $0x3D80;
	s11 =	simm.s32 $0x7E80  }
.LBB2_1:
0x20: {  	s16 =	rddreg [dreg:$0xa]  }
0x21: {  	s17 =	simm.s32 @p0 $0x1FC5;
	s18 =	rddreg [dreg:$0xb];
	s16 =	sshrl.u32 @p0 s16, $0x3  }
0x22: {  	[spmem:s16], [sflag:s17] =	dma.local @p0 [hbm:s18], $0x1A00  }
0x23: {  	s17 =	simm.s32 @p0 $0x5  }
0x24: {  	_ =	swait.ge @p0 [sflag:s17], $0x1A00  }
0x25: {  	[sflag:s17] =	ssyncset.done @p0 $0x0  }
0x26: {  	s18 =	sshll.u32 @!p0 s2, $0x6;
	[sflag:s17] =	ssyncadd.s32 @p0 $0xFFFFE600;
	s17 =	rddreg [dreg:$0x8]  }
0x27: {  	s18 =	sor.u32 @!p0 $0x1C05, s18;
	s19 =	rddreg [dreg:$0x9];
	s17 =	sshrl.u32 @!p0 s17, $0x3  }
0x28: {  	[spmem:s17], [sflag:s18] =	dma.local @!p0 [hbm:s19], $0x2800  }
0x29: {  	s18 =	simm.s32 @!p0 $0x5  }
0x2a: {  	_ =	swait.ge @!p0 [sflag:s18], $0x2800  }
0x2b: {  	s23 =	rddreg [dreg:$0xc]  }
0x2c: {  	s21 =	sshll.u32 s2, $0x6;
	[sflag:s18] =	ssyncset.done @!p0 $0x0;
	s20 =	rddreg [dreg:$0xd]  }
0x2d: {  	[sflag:s18] =	ssyncadd.s32 @!p0 $0xFFFFD800;
	s18 =	sor.u32 $0x1C05, s21;
	s19 =	sshrl.u32 s23, $0x3  }
0x2e: {  	[spmem:s19], [sflag:s18] =	dma.local [hbm:s20], $0x50  }
0x2f: {  	_ =	swait.ge [sflag:s26], $0x50  }
0x30: {  	[sflag:s26] =	ssyncset.done $0x0;
	s24 =	rddreg [dreg:$0xf]  }
0x31: {  	s21 =	rddreg [dreg:$0x15];
	[sflag:s26] =	ssyncadd.s32 $0xFFFFFFB0  }
0x32: {  	[spmem:s21], [sflag:s18] =	dma.local [hbm:s24], $0x50  }
0x33: {  	_ =	swait.ge [sflag:s26], $0x50  }
0x34: {  	[sflag:s26] =	ssyncset.done $0x0  }
0x35: {  	s23 =	rddreg [dreg:$0x10];
	[sflag:s26] =	ssyncadd.s32 $0xFFFFFFB0  }
0x36: {  	[spmem:s25], [sflag:s18] =	dma.local [hbm:s23], $0x50  }
0x37: {  	_ =	swait.ge [sflag:s26], $0x50  }
0x38: {  	[sflag:s26] =	ssyncset.done $0x0  }
0x39: {  	s24 =	rddreg [dreg:$0x7];
	[sflag:s26] =	ssyncadd.s32 $0xFFFFFFB0  }
0x3a: {  	[tilespmem:s6], [sflag:$0x5] =	stream.linear.gather [hbm4b:s24+s6], $0x80, $0x38;
	[tilespmem:$0x1FF00] =	vst v63  }
0x3b: {  	_ =	swait.ge [sflag:s26], $0x80  }
0x3c: {  	[sflag:s26] =	ssyncset.done $0x0  }
0x3d: {  	s21 =	rddreg [dreg:$0xe];
	[sflag:s26] =	ssyncadd.s32 $0xFFFFFF80  }
0x3e: {  	[tilespmem:s28], [sflag:$0x5] =	stream.linear.gather [hbm4b:s21+s6], $0x1400, $0x38;
	[tilespmem:$0x1FF00] =	vst v63  }
0x3f: {  	_ =	swait.ge [sflag:s26], $0x1400  }
0x40: {  	[sflag:s26] =	ssyncset.done $0x0  }
0x41: {  	s21 =	simm.s32 $0x1580;
	s23 =	rddreg [dreg:$0x12];
	[sflag:s26] =	ssyncadd.s32 $0xFFFFEC00  }
0x42: {  	[tilespmem:s21], [sflag:$0x5] =	stream.linear.gather [hbm4b:s23+s6], $0x1400, $0x38;
	[tilespmem:$0x1FF00] =	vst v63  }
0x43: {  	_ =	swait.ge [sflag:s26], $0x1400  }
0x44: {  	[sflag:s26] =	ssyncset.done $0x0  }
0x45: {  	s23 =	simm.s32 $0x2980;
	s24 =	rddreg [dreg:$0x13];
	[sflag:s26] =	ssyncadd.s32 $0xFFFFEC00  }
0x46: {  	[tilespmem:s23], [sflag:$0x5] =	stream.linear.gather [hbm4b:s24+s6], $0x1400, $0x38;
	[tilespmem:$0x1FF00] =	vst v63  }
0x47: {  	_ =	swait.ge [sflag:s26], $0x1400  }
0x48: {  	[sflag:s26] =	ssyncset.done $0x0  }
0x49: {  	[sflag:s26] =	ssyncadd.s32 $0xFFFFEC00  }
0x4a: {  	v16 =	vld [tilespmem:$0x0];
	[bflag:$0x0] =	sbarrier.arrive $0xFFFF  }
0x4b: {  	[tilespmem:s0], [sflag:$0x1] =	stream.indirect.gather [hbm4b:s7+s31], $0x80, s23, s31, $0xb8;
	[tilespmem:$0x1FF00] =	vst v63  }
0x4c: {  	_ = 	snop  }
0x4d: {  	[tilespmem:s9], [sflag:$0x5] =	stream.indirect.gather [spmem:s4], $0x1, s28, s31, $0xb8;
	[tilespmem:$0x1FF00] =	vst v63  }
0x4e: {  	_ =	swait.ge [sflag:s26], $0x80  }
0x4f: {  	[sflag:s26] =	ssyncset.done $0x0  }
0x50: {  	[sflag:s26] =	ssyncadd.s32 $0xFFFFFF80  }
0x51: {  	[tilespmem:s10], [sflag:$0x5] =	stream.indirect.gather [spmem:s5], $0x1, s21, s31, $0xb8;
	[tilespmem:$0x1FF00] =	vst v63  }
0x52: {  	_ =	swait.ge [sflag:s26], $0x80  }
0x53: {  	[sflag:s26] =	ssyncset.done $0x0  }
0x54: {  	[sflag:s26] =	ssyncadd.s32 $0xFFFFFF80  }
0x55: {  	v17 =	vld [tilespmem:$0x3D80]  }
0x56: {  	v18 =	vld [tilespmem:$0x3E00]  }
0x57: {  	v19 =	vld [tilespmem:$0x3D90]  }
0x58: {  	v20 =	vld [tilespmem:$0x3E10]  }
0x59: {  	v21 =	vld [tilespmem:$0x3DA0]  }
0x5a: {  	v22 =	vld [tilespmem:$0x3E20]  }
0x5b: {  	v26 =	vld [tilespmem:$0x3DB0]  }
0x5c: {  	v61 =	vld [tilespmem:$0x3DC0]  }
0x5d: {  	v28 =	vld [tilespmem:$0x3DD0]  }
0x5e: {  	v35 =	vld [tilespmem:$0x3E50]  }
0x5f: {  	v18 =	vadd.f32 v18, v17;
	v17 =	vadd.f32 v17, v16  }
0x60: {  	v20 =	vadd.f32 v20, v19;
	v19 =	vadd.f32 v19, v16  }
0x61: {  	v22 =	vadd.f32 v22, v21;
	v21 =	vadd.f32 v21, v16  }
0x62: {  	v60 =	vadd.f32 v26, v16;
	v36 =	vadd.f32 v61, v16  }
0x63: {  	v41 =	vadd.f32 v35, v28;
	v43 =	vadd.f32 v28, v16;
	v23 =	vmin.f32 v18, $0.0e+00  }
0x64: {  	v24 =	vmin.f32 v17, $0.0e+00;
	v18 =	vmax.f32 v18, $0.0e+00;
	v17 =	vmax.f32 v17, $0.0e+00  }
0x65: {  	v25 =	vmin.f32 v20, $0.0e+00;
	v20 =	vmax.f32 v20, $0.0e+00;
	v54 =	vmin.f32 v19, $0.0e+00  }
0x66: {  	v19 =	vmax.f32 v19, $0.0e+00;
	v56 =	vmin.f32 v22, $0.0e+00;
	v57 =	vmax.f32 v22, $0.0e+00  }
0x67: {  	v59 =	vmin.f32 v21, $0.0e+00;
	v21 =	vmax.f32 v21, $0.0e+00;
	v27 =	vmin.f32 v60, $0.0e+00  }
0x68: {  	v53 =	vld [tilespmem:$0x3E30];
	v40 =	vmin.f32 v36, $0.0e+00;
	v22 =	vmax.f32 v36, $0.0e+00;
	v23 =	vmul.f32 $9.999999770e-03, v23  }
0x69: {  	v44 =	vld [tilespmem:$0x3DF0];
	v42 =	vmin.f32 v41, $0.0e+00;
	v24 =	vmul.f32 $9.999999770e-03, v24;
	v52 =	vmul.f32 $9.999999770e-03, v25  }
0x6a: {  	v48 =	vmin.f32 v43, $0.0e+00;
	v55 =	vmul.f32 $9.999999770e-03, v54;
	v58 =	vmul.f32 $9.999999770e-03, v56  }
0x6b: {  	v51 =	vmax.f32 v43, $0.0e+00;
	v62 =	vmul.f32 $9.999999770e-03, v59;
	v34 =	vmul.f32 $9.999999770e-03, v27  }
0x6c: {  	v25 =	vmax.f32 v60, $0.0e+00;
	v18 =	vadd.f32 v23, v18;
	v17 =	vadd.f32 v24, v17  }
0x6d: {  	v46 =	vmul.f32 $9.999999770e-03, v42;
	v19 =	vadd.f32 v55, v19;
	v24 =	vadd.f32 v53, v26  }
0x6e: {  	v37 =	vld [tilespmem:$0x3DE0];
	v50 =	vmul.f32 $9.999999770e-03, v48;
	v23 =	vadd.f32 v34, v25;
	v55 =	vadd.f32 v44, v16  }
0x6f: {  	v63 =	vld [tilespmem:$0x3E40];
	v25 =	vmax.f32 v41, $0.0e+00;
	v17 =	vsub.f32 v18, v17;
	v18 =	vadd.f32 v52, v20  }
0x70: {  	v49 =	vadd.f32 v46, v25;
	v32 =	vmin.f32 v24, $0.0e+00;
	v20 =	vadd.f32 v62, v21  }
0x71: {  	v24 =	vmax.f32 v24, $0.0e+00;
	v33 =	vmul.f32 $9.999999770e-03, v32;
	v18 =	vsub.f32 v18, v19  }
0x72: {  	v38 =	vld [tilespmem:$0x3E60];
	v19 =	vadd.f32 v58, v57;
	v17 =	vmul.f32 $1.442695020e+00, v17;
	v58 =	vmin.f32 v55, $0.0e+00  }
0x73: {  	v21 =	vadd.f32 v33, v24;
	v24 =	vadd.f32 v37, v16;
	v60 =	vmul.f32 $9.999999770e-03, v58  }
0x74: {  	v47 =	vld [tilespmem:$0x3E70];
	v18 =	vmul.f32 $1.442695020e+00, v18;
	(erf) = vpow2.f32 v17;
	v17 =	vadd.f32 v63, v61  }
0x75: {  	v61 =	vmax.f32 v55, $0.0e+00;
	v54 =	vmin.f32 v24, $0.0e+00;
	v24 =	vmax.f32 v24, $0.0e+00  }
0x76: {  	(erf) = vpow2.f32 v18;
	v18 =	vsub.f32 v19, v20;
	v19 =	vsub.f32 v21, v23  }
0x77: {  	v39 =	vmin.f32 v17, $0.0e+00;
	v23 =	vmul.f32 $9.999999770e-03, v40;
	v20 =	vadd.f32 v38, v37  }
0x78: {  	v17 =	vmax.f32 v17, $0.0e+00;
	v56 =	vmul.f32 $9.999999770e-03, v54;
	v21 =	vmul.f32 $9.999999770e-03, v39  }
0x79: {  	v45 =	vadd.f32 v23, v22;
	v52 =	vmin.f32 v20, $0.0e+00;
	v23 =	vadd.f32 v47, v44  }
0x7a: {  	v22 =	vadd.f32 v50, v51;
	v20 =	vmax.f32 v20, $0.0e+00;
	v18 =	vmul.f32 $1.442695020e+00, v18  }
0x7b: {  	v17 =	vadd.f32 v21, v17;
	v53 =	vmul.f32 $9.999999770e-03, v52;
	v57 =	vmin.f32 v23, $0.0e+00  }
0x7c: {  	v21 =	vsub.f32 v49, v22;
	v22 =	vadd.f32 v56, v24;
	v59 =	vmul.f32 $9.999999770e-03, v57  }
0x7d: {  	v23 =	vmax.f32 v23, $0.0e+00;
	v17 =	vsub.f32 v17, v45;
	v20 =	vadd.f32 v53, v20  }
0x7e: {  	v62 =	vadd.f32 v60, v61;
	v19 =	vmul.f32 $1.442695020e+00, v19;
	v23 =	vadd.f32 v59, v23  }
0x7f: {  	(erf) = vpow2.f32 v18;
	v18 =	vsub.f32 v20, v22;
	v17 =	vmul.f32 $1.442695020e+00, v17  }
0x80: {  	(erf) = vpow2.f32 v19;
	v63 =	vmul.f32 $1.442695020e+00, v21;
	v19 =	vsub.f32 v23, v62  }
0x81: {  	(erf) = vpow2.f32 v17;
	v17 =	vmul.f32 $1.442695020e+00, v18  }
0x82: {  	(erf) = vpow2.f32 v63;
	v18 =	vmul.f32 $1.442695020e+00, v19  }
0x83: {  	(erf) = vpow2.f32 v17  }
0x84: {  	(erf) = vpow2.f32 v18;
	_ =	sdelay $0x1  }
0x85: {  	v17 =	vpop (erf)  }
0x86: {  	[tilespmem:$0x80] =	vst v17;
	v18 =	vpop (erf)  }
0x87: {  	v17 =	vpop (erf);
	[tilespmem:$0x90] =	vst v18  }
0x88: {  	v18 =	vpop (erf);
	[tilespmem:$0xA0] =	vst v17  }
0x89: {  	v17 =	vpop (erf);
	[tilespmem:$0xB0] =	vst v18  }
0x8a: {  	v18 =	vpop (erf);
	[tilespmem:$0xC0] =	vst v17  }
0x8b: {  	v17 =	vpop (erf);
	[tilespmem:$0xD0] =	vst v18  }
0x8c: {  	[tilespmem:$0xE0] =	vst v17;
	v17 =	vpop (erf)  }
0x8d: {  	[tilespmem:$0xF0] =	vst v17  }
0x8e: {  	[spmem:s3] =	stream.indirect.scatter.add.f32 [tilespmem:s31], [sflag:$0x5], $0x1, s28, s31, $0xb8;
	[tilespmem:$0x1FF00] =	vst v63  }
0x8f: {  	_ =	swait.ge [sflag:s26], $0x80  }
0x90: {  	[sflag:s26] =	ssyncset.done $0x0  }
0x91: {  	s20 =	simm.s32 $0x0;
	[sflag:s26] =	ssyncadd.s32 $0xFFFFFF80  }
.LBB2_2:
0x92: {  	p1 =	seq.s32 s20, $0x0  }
0x93: {  	s21 =	sshll.u32 s20, $0x1;
	s23 =	simm.s32 @!p1 $0x4  }
0x94: {  	s21 =	sor.u32 $0x1, s21;
	_ =	swait.ge @!p1 [sflag:s23], $0x4000  }
0x95: {  	s21 =	sshll.u32 s21, $0x7;
	[sflag:s23] =	ssyncset.done @!p1 $0x0  }
0x96: {  	s24 =	sadd.s32 $0x2980, s21;
	[sflag:s23] =	ssyncadd.s32 @!p1 $0xFFFFC000  }
0x97: {  	[tilespmem:s11], [sflag:$0x2] =	stream.indirect.gather [hbm4b:s7+s31], $0x80, s24, s31, $0xb8;
	[tilespmem:$0x1FF00] =	vst v63  }
0x98: {  	s23 =	sadd.s32 $0x180, s21  }
0x99: {  	[tilespmem:s9], [sflag:$0x5] =	stream.indirect.gather [spmem:s4], $0x1, s23, s31, $0xb8;
	[tilespmem:$0x1FF00] =	vst v63  }
0x9a: {  	_ =	swait.ge [sflag:s26], $0x80  }
0x9b: {  	[sflag:s26] =	ssyncset.done $0x0  }
0x9c: {  	s24 =	sadd.s32 $0x1580, s21;
	[sflag:s26] =	ssyncadd.s32 $0xFFFFFF80  }
0x9d: {  	[tilespmem:s10], [sflag:$0x5] =	stream.indirect.gather [spmem:s5], $0x1, s24, s31, $0xb8;
	[tilespmem:$0x1FF00] =	vst v63  }
0x9e: {  	_ =	swait.ge [sflag:s26], $0x80  }
0x9f: {  	[sflag:s26] =	ssyncset.done $0x0  }
0xa0: {  	[sflag:s26] =	ssyncadd.s32 $0xFFFFFF80  }
0xa1: {  	v17 =	vld [tilespmem:$0x3D80]  }
0xa2: {  	v18 =	vld [tilespmem:$0x3E00]  }
0xa3: {  	v19 =	vld [tilespmem:$0x3D90]  }
0xa4: {  	v20 =	vld [tilespmem:$0x3E10]  }
0xa5: {  	v21 =	vld [tilespmem:$0x3DA0]  }
0xa6: {  	v22 =	vld [tilespmem:$0x3E20]  }
0xa7: {  	v26 =	vld [tilespmem:$0x3DB0]  }
0xa8: {  	v61 =	vld [tilespmem:$0x3DC0]  }
0xa9: {  	v28 =	vld [tilespmem:$0x3DD0]  }
0xaa: {  	v35 =	vld [tilespmem:$0x3E50]  }
0xab: {  	v18 =	vadd.f32 v18, v17;
	v17 =	vadd.f32 v17, v16  }
0xac: {  	v20 =	vadd.f32 v20, v19;
	v19 =	vadd.f32 v19, v16  }
0xad: {  	v22 =	vadd.f32 v22, v21;
	v21 =	vadd.f32 v21, v16  }
0xae: {  	v60 =	vadd.f32 v26, v16;
	v36 =	vadd.f32 v61, v16  }
0xaf: {  	v41 =	vadd.f32 v35, v28;
	v43 =	vadd.f32 v28, v16;
	v23 =	vmin.f32 v18, $0.0e+00  }
0xb0: {  	v24 =	vmin.f32 v17, $0.0e+00;
	v18 =	vmax.f32 v18, $0.0e+00;
	v17 =	vmax.f32 v17, $0.0e+00  }
0xb1: {  	v25 =	vmin.f32 v20, $0.0e+00;
	v20 =	vmax.f32 v20, $0.0e+00;
	v54 =	vmin.f32 v19, $0.0e+00  }
0xb2: {  	v19 =	vmax.f32 v19, $0.0e+00;
	v56 =	vmin.f32 v22, $0.0e+00;
	v57 =	vmax.f32 v22, $0.0e+00  }
0xb3: {  	v59 =	vmin.f32 v21, $0.0e+00;
	v21 =	vmax.f32 v21, $0.0e+00;
	v27 =	vmin.f32 v60, $0.0e+00  }
0xb4: {  	v53 =	vld [tilespmem:$0x3E30];
	v40 =	vmin.f32 v36, $0.0e+00;
	v22 =	vmax.f32 v36, $0.0e+00;
	v23 =	vmul.f32 $9.999999770e-03, v23  }
0xb5: {  	v44 =	vld [tilespmem:$0x3DF0];
	v42 =	vmin.f32 v41, $0.0e+00;
	v24 =	vmul.f32 $9.999999770e-03, v24;
	v52 =	vmul.f32 $9.999999770e-03, v25  }
0xb6: {  	v48 =	vmin.f32 v43, $0.0e+00;
	v55 =	vmul.f32 $9.999999770e-03, v54;
	v58 =	vmul.f32 $9.999999770e-03, v56  }
0xb7: {  	v51 =	vmax.f32 v43, $0.0e+00;
	v62 =	vmul.f32 $9.999999770e-03, v59;
	v34 =	vmul.f32 $9.999999770e-03, v27  }
0xb8: {  	v25 =	vmax.f32 v60, $0.0e+00;
	v18 =	vadd.f32 v23, v18;
	v17 =	vadd.f32 v24, v17  }
0xb9: {  	v46 =	vmul.f32 $9.999999770e-03, v42;
	v19 =	vadd.f32 v55, v19;
	v24 =	vadd.f32 v53, v26  }
0xba: {  	v37 =	vld [tilespmem:$0x3DE0];
	v50 =	vmul.f32 $9.999999770e-03, v48;
	v23 =	vadd.f32 v34, v25;
	v55 =	vadd.f32 v44, v16  }
0xbb: {  	v63 =	vld [tilespmem:$0x3E40];
	v25 =	vmax.f32 v41, $0.0e+00;
	v17 =	vsub.f32 v18, v17;
	v18 =	vadd.f32 v52, v20  }
0xbc: {  	v49 =	vadd.f32 v46, v25;
	v32 =	vmin.f32 v24, $0.0e+00;
	v20 =	vadd.f32 v62, v21  }
0xbd: {  	v24 =	vmax.f32 v24, $0.0e+00;
	v33 =	vmul.f32 $9.999999770e-03, v32;
	v18 =	vsub.f32 v18, v19  }
0xbe: {  	v38 =	vld [tilespmem:$0x3E60];
	v19 =	vadd.f32 v58, v57;
	v17 =	vmul.f32 $1.442695020e+00, v17;
	v58 =	vmin.f32 v55, $0.0e+00  }
0xbf: {  	v21 =	vadd.f32 v33, v24;
	v24 =	vadd.f32 v37, v16;
	v60 =	vmul.f32 $9.999999770e-03, v58  }
0xc0: {  	v47 =	vld [tilespmem:$0x3E70];
	v18 =	vmul.f32 $1.442695020e+00, v18;
	(erf) = vpow2.f32 v17;
	v17 =	vadd.f32 v63, v61  }
0xc1: {  	v61 =	vmax.f32 v55, $0.0e+00;
	v54 =	vmin.f32 v24, $0.0e+00;
	v24 =	vmax.f32 v24, $0.0e+00  }
0xc2: {  	(erf) = vpow2.f32 v18;
	v18 =	vsub.f32 v19, v20;
	v19 =	vsub.f32 v21, v23  }
0xc3: {  	v39 =	vmin.f32 v17, $0.0e+00;
	v23 =	vmul.f32 $9.999999770e-03, v40;
	v20 =	vadd.f32 v38, v37  }
0xc4: {  	v17 =	vmax.f32 v17, $0.0e+00;
	v56 =	vmul.f32 $9.999999770e-03, v54;
	v21 =	vmul.f32 $9.999999770e-03, v39  }
0xc5: {  	v45 =	vadd.f32 v23, v22;
	v52 =	vmin.f32 v20, $0.0e+00;
	v23 =	vadd.f32 v47, v44  }
0xc6: {  	v22 =	vadd.f32 v50, v51;
	v20 =	vmax.f32 v20, $0.0e+00;
	v18 =	vmul.f32 $1.442695020e+00, v18  }
0xc7: {  	v17 =	vadd.f32 v21, v17;
	v53 =	vmul.f32 $9.999999770e-03, v52;
	v57 =	vmin.f32 v23, $0.0e+00  }
0xc8: {  	v21 =	vsub.f32 v49, v22;
	v22 =	vadd.f32 v56, v24;
	v59 =	vmul.f32 $9.999999770e-03, v57  }
0xc9: {  	v23 =	vmax.f32 v23, $0.0e+00;
	v17 =	vsub.f32 v17, v45;
	v20 =	vadd.f32 v53, v20  }
0xca: {  	v62 =	vadd.f32 v60, v61;
	v19 =	vmul.f32 $1.442695020e+00, v19;
	v23 =	vadd.f32 v59, v23  }
0xcb: {  	(erf) = vpow2.f32 v18;
	v18 =	vsub.f32 v20, v22;
	v17 =	vmul.f32 $1.442695020e+00, v17  }
0xcc: {  	(erf) = vpow2.f32 v19;
	v63 =	vmul.f32 $1.442695020e+00, v21;
	v19 =	vsub.f32 v23, v62  }
0xcd: {  	(erf) = vpow2.f32 v17;
	v17 =	vmul.f32 $1.442695020e+00, v18  }
0xce: {  	(erf) = vpow2.f32 v63;
	v18 =	vmul.f32 $1.442695020e+00, v19  }
0xcf: {  	(erf) = vpow2.f32 v17  }
0xd0: {  	(erf) = vpow2.f32 v18;
	_ =	sdelay $0x1  }
0xd1: {  	v17 =	vpop (erf)  }
0xd2: {  	[tilespmem:$0x100] =	vst v17;
	v18 =	vpop (erf)  }
0xd3: {  	v17 =	vpop (erf);
	[tilespmem:$0x110] =	vst v18  }
0xd4: {  	v18 =	vpop (erf);
	[tilespmem:$0x120] =	vst v17  }
0xd5: {  	v17 =	vpop (erf);
	[tilespmem:$0x130] =	vst v18  }
0xd6: {  	v18 =	vpop (erf);
	[tilespmem:$0x140] =	vst v17  }
0xd7: {  	v17 =	vpop (erf);
	[tilespmem:$0x150] =	vst v18  }
0xd8: {  	[tilespmem:$0x160] =	vst v17;
	v17 =	vpop (erf)  }
0xd9: {  	[tilespmem:$0x170] =	vst v17  }
0xda: {  	[spmem:s3] =	stream.indirect.scatter.add.f32 [tilespmem:s12], [sflag:$0x5], $0x1, s23, s31, $0xb8;
	[tilespmem:$0x1FF00] =	vst v63  }
0xdb: {  	_ =	swait.ge [sflag:s26], $0x80  }
0xdc: {  	[sflag:s26] =	ssyncset.done $0x0  }
0xdd: {  	[sflag:s26] =	ssyncadd.s32 $0xFFFFFF80  }
0xde: {  	_ =	swait.ge [sflag:s13], $0x4000  }
0xdf: {  	[sflag:s13] =	ssyncset.done $0x0  }
0xe0: {  	s23 =	simm.s32 $0x0;
	[sflag:s13] =	ssyncadd.s32 $0xFFFFC000  }
.LBB2_3:
0xe1: {  	s24 =	sshll.u32 s23, $0x4  }
0xe2: {  	s24 =	sand.u32 $0x3FFFFFF0, s24  }
0xe3: {  	v17 =	vld [tilespmem:s24+$0x80];
	s24 =	sshll.u32 s23, $0xB  }
0xe4: {  	s24 =	sand.u32 $0x3FFFF800, s24  }
0xe5: {  	v18 =	vld [tilespmem:s24+$0x3E80]  }
0xe6: {  	v19 =	vld [tilespmem:s24+$0x3E90]  }
0xe7: {  	v20 =	vld [tilespmem:s24+$0x3EA0]  }
0xe8: {  	v22 =	vld [tilespmem:s24+$0x3EB0];
	v21 =	vperm.xlane v17, v0  }
0xe9: {  	v23 =	vld [tilespmem:s24+$0x3EC0]  }
0xea: {  	v24 =	vld [tilespmem:s24+$0x3ED0];
	v18 =	vmul.f32 v18, v21  }
0xeb: {  	v25 =	vld [tilespmem:s24+$0x3EE0];
	v19 =	vmul.f32 v19, v21  }
0xec: {  	v38 =	vld [tilespmem:s24+$0x3EF0];
	[tilespmem:s24+$0x3E80] =	vst v18;
	v18 =	vmul.f32 v20, v21  }
0xed: {  	v39 =	vld [tilespmem:s24+$0x3F00];
	[tilespmem:s24+$0x3E90] =	vst v19;
	v19 =	vmul.f32 v22, v21  }
0xee: {  	v40 =	vld [tilespmem:s24+$0x3F10];
	[tilespmem:s24+$0x3EA0] =	vst v18;
	v18 =	vmul.f32 v23, v21  }
0xef: {  	v41 =	vld [tilespmem:s24+$0x3F20];
	[tilespmem:s24+$0x3EB0] =	vst v19;
	v19 =	vmul.f32 v24, v21  }
0xf0: {  	v26 =	vld [tilespmem:s24+$0x3F30];
	v42 =	vperm.xlane v17, v1;
	[tilespmem:s24+$0x3EC0] =	vst v18;
	v18 =	vmul.f32 v25, v21  }
0xf1: {  	v43 =	vld [tilespmem:s24+$0x3F40];
	[tilespmem:s24+$0x3ED0] =	vst v19;
	v19 =	vmul.f32 v38, v21  }
0xf2: {  	v44 =	vld [tilespmem:s24+$0x3F50];
	[tilespmem:s24+$0x3EE0] =	vst v18;
	v18 =	vmul.f32 v39, v42  }
0xf3: {  	v45 =	vld [tilespmem:s24+$0x3F60];
	[tilespmem:s24+$0x3EF0] =	vst v19;
	v19 =	vmul.f32 v40, v42  }
0xf4: {  	v46 =	vld [tilespmem:s24+$0x3F70];
	[tilespmem:s24+$0x3F00] =	vst v18;
	v18 =	vmul.f32 v41, v42  }
0xf5: {  	v47 =	vld [tilespmem:s24+$0x3F80];
	[tilespmem:s24+$0x3F10] =	vst v19;
	v19 =	vmul.f32 v26, v42  }
0xf6: {  	v48 =	vld [tilespmem:s24+$0x3F90];
	[tilespmem:s24+$0x3F20] =	vst v18;
	v18 =	vmul.f32 v43, v42  }
0xf7: {  	v49 =	vld [tilespmem:s24+$0x3FA0];
	[tilespmem:s24+$0x3F30] =	vst v19;
	v19 =	vmul.f32 v44, v42  }
0xf8: {  	v51 =	vld [tilespmem:s24+$0x3FB0];
	v50 =	vperm.xlane v17, v2;
	[tilespmem:s24+$0x3F40] =	vst v18;
	v18 =	vmul.f32 v45, v42  }
0xf9: {  	v52 =	vld [tilespmem:s24+$0x3FC0];
	[tilespmem:s24+$0x3F50] =	vst v19;
	v19 =	vmul.f32 v46, v42  }
0xfa: {  	v53 =	vld [tilespmem:s24+$0x3FD0];
	[tilespmem:s24+$0x3F60] =	vst v18;
	v18 =	vmul.f32 v47, v50  }
0xfb: {  	v54 =	vld [tilespmem:s24+$0x3FE0];
	[tilespmem:s24+$0x3F70] =	vst v19;
	v19 =	vmul.f32 v48, v50  }
0xfc: {  	v55 =	vld [tilespmem:s24+$0x3FF0];
	[tilespmem:s24+$0x3F80] =	vst v18;
	v18 =	vmul.f32 v49, v50  }
0xfd: {  	v56 =	vld [tilespmem:s24+$0x4000];
	[tilespmem:s24+$0x3F90] =	vst v19;
	v19 =	vmul.f32 v51, v50  }
0xfe: {  	v57 =	vld [tilespmem:s24+$0x4010];
	[tilespmem:s24+$0x3FA0] =	vst v18;
	v18 =	vmul.f32 v52, v50  }
0xff: {  	v58 =	vld [tilespmem:s24+$0x4020];
	[tilespmem:s24+$0x3FB0] =	vst v19;
	v19 =	vmul.f32 v53, v50  }
0x100: {  	v60 =	vld [tilespmem:s24+$0x4030];
	v59 =	vperm.xlane v17, v3;
	[tilespmem:s24+$0x3FC0] =	vst v18;
	v18 =	vmul.f32 v54, v50  }
0x101: {  	v61 =	vld [tilespmem:s24+$0x4040];
	[tilespmem:s24+$0x3FD0] =	vst v19;
	v19 =	vmul.f32 v55, v50  }
0x102: {  	v62 =	vld [tilespmem:s24+$0x4050];
	[tilespmem:s24+$0x3FE0] =	vst v18;
	v18 =	vmul.f32 v56, v59  }
0x103: {  	v63 =	vld [tilespmem:s24+$0x4060];
	[tilespmem:s24+$0x3FF0] =	vst v19;
	v19 =	vmul.f32 v57, v59  }
0x104: {  	v28 =	vld [tilespmem:s24+$0x4070];
	[tilespmem:s24+$0x4000] =	vst v18;
	v18 =	vmul.f32 v58, v59  }
0x105: {  	v29 =	vld [tilespmem:s24+$0x4080];
	[tilespmem:s24+$0x4010] =	vst v19;
	v19 =	vmul.f32 v60, v59  }
0x106: {  	v30 =	vld [tilespmem:s24+$0x4090];
	[tilespmem:s24+$0x4020] =	vst v18;
	v18 =	vmul.f32 v61, v59  }
0x107: {  	v31 =	vld [tilespmem:s24+$0x40A0];
	[tilespmem:s24+$0x4030] =	vst v19;
	v19 =	vmul.f32 v62, v59  }
0x108: {  	v33 =	vld [tilespmem:s24+$0x40B0];
	v32 =	vperm.xlane v17, v4;
	[tilespmem:s24+$0x4040] =	vst v18;
	v18 =	vmul.f32 v63, v59  }
0x109: {  	v34 =	vld [tilespmem:s24+$0x40C0];
	[tilespmem:s24+$0x4050] =	vst v19;
	v19 =	vmul.f32 v28, v59  }
0x10a: {  	v35 =	vld [tilespmem:s24+$0x40D0];
	[tilespmem:s24+$0x4060] =	vst v18;
	v18 =	vmul.f32 v29, v32  }
0x10b: {  	v36 =	vld [tilespmem:s24+$0x40E0];
	[tilespmem:s24+$0x4070] =	vst v19;
	v19 =	vmul.f32 v30, v32  }
0x10c: {  	v37 =	vld [tilespmem:s24+$0x40F0];
	[tilespmem:s24+$0x4080] =	vst v18;
	v18 =	vmul.f32 v31, v32  }
0x10d: {  	v38 =	vld [tilespmem:s24+$0x4100];
	[tilespmem:s24+$0x4090] =	vst v19;
	v19 =	vmul.f32 v33, v32  }
0x10e: {  	v39 =	vld [tilespmem:s24+$0x4110];
	[tilespmem:s24+$0x40A0] =	vst v18;
	v18 =	vmul.f32 v34, v32  }
0x10f: {  	v40 =	vld [tilespmem:s24+$0x4120];
	[tilespmem:s24+$0x40B0] =	vst v19;
	v19 =	vmul.f32 v35, v32  }
0x110: {  	v41 =	vperm.xlane v17, v5;
	v42 =	vld [tilespmem:s24+$0x4130];
	[tilespmem:s24+$0x40C0] =	vst v18;
	v18 =	vmul.f32 v36, v32  }
0x111: {  	v43 =	vld [tilespmem:s24+$0x4140];
	[tilespmem:s24+$0x40D0] =	vst v19;
	v19 =	vmul.f32 v37, v32  }
0x112: {  	v44 =	vld [tilespmem:s24+$0x4150];
	[tilespmem:s24+$0x40E0] =	vst v18;
	v18 =	vmul.f32 v38, v41  }
0x113: {  	v45 =	vld [tilespmem:s24+$0x4160];
	[tilespmem:s24+$0x40F0] =	vst v19;
	v19 =	vmul.f32 v39, v41  }
0x114: {  	v46 =	vld [tilespmem:s24+$0x4170];
	[tilespmem:s24+$0x4100] =	vst v18;
	v18 =	vmul.f32 v40, v41  }
0x115: {  	v47 =	vld [tilespmem:s24+$0x4180];
	[tilespmem:s24+$0x4110] =	vst v19;
	v19 =	vmul.f32 v42, v41  }
0x116: {  	v48 =	vld [tilespmem:s24+$0x4190];
	[tilespmem:s24+$0x4120] =	vst v18;
	v18 =	vmul.f32 v43, v41  }
0x117: {  	v49 =	vld [tilespmem:s24+$0x41A0];
	[tilespmem:s24+$0x4130] =	vst v19;
	v19 =	vmul.f32 v44, v41  }
0x118: {  	v51 =	vld [tilespmem:s24+$0x41B0];
	v50 =	vperm.xlane v17, v6;
	[tilespmem:s24+$0x4140] =	vst v18;
	v18 =	vmul.f32 v45, v41  }
0x119: {  	v52 =	vld [tilespmem:s24+$0x41C0];
	[tilespmem:s24+$0x4150] =	vst v19;
	v19 =	vmul.f32 v46, v41  }
0x11a: {  	v53 =	vld [tilespmem:s24+$0x41D0];
	[tilespmem:s24+$0x4160] =	vst v18;
	v18 =	vmul.f32 v47, v50  }
0x11b: {  	v54 =	vld [tilespmem:s24+$0x41E0];
	[tilespmem:s24+$0x4170] =	vst v19;
	v19 =	vmul.f32 v48, v50  }
0x11c: {  	v55 =	vld [tilespmem:s24+$0x41F0];
	[tilespmem:s24+$0x4180] =	vst v18;
	v18 =	vmul.f32 v49, v50  }
0x11d: {  	v56 =	vld [tilespmem:s24+$0x4200];
	[tilespmem:s24+$0x4190] =	vst v19;
	v19 =	vmul.f32 v51, v50  }
0x11e: {  	v57 =	vld [tilespmem:s24+$0x4210];
	[tilespmem:s24+$0x41A0] =	vst v18;
	v18 =	vmul.f32 v52, v50  }
0x11f: {  	v58 =	vld [tilespmem:s24+$0x4220];
	[tilespmem:s24+$0x41B0] =	vst v19;
	v19 =	vmul.f32 v53, v50  }
0x120: {  	v60 =	vld [tilespmem:s24+$0x4230];
	v59 =	vperm.xlane v17, v7;
	[tilespmem:s24+$0x41C0] =	vst v18;
	v18 =	vmul.f32 v54, v50  }
0x121: {  	v61 =	vld [tilespmem:s24+$0x4240];
	[tilespmem:s24+$0x41D0] =	vst v19;
	v19 =	vmul.f32 v55, v50  }
0x122: {  	v62 =	vld [tilespmem:s24+$0x4250];
	[tilespmem:s24+$0x41E0] =	vst v18;
	v18 =	vmul.f32 v56, v59  }
0x123: {  	v63 =	vld [tilespmem:s24+$0x4260];
	[tilespmem:s24+$0x41F0] =	vst v19;
	v19 =	vmul.f32 v57, v59  }
0x124: {  	v28 =	vld [tilespmem:s24+$0x4270];
	[tilespmem:s24+$0x4200] =	vst v18;
	v18 =	vmul.f32 v58, v59  }
0x125: {  	v29 =	vld [tilespmem:s24+$0x4280];
	[tilespmem:s24+$0x4210] =	vst v19;
	v19 =	vmul.f32 v60, v59  }
0x126: {  	v30 =	vld [tilespmem:s24+$0x4290];
	[tilespmem:s24+$0x4220] =	vst v18;
	v18 =	vmul.f32 v61, v59  }
0x127: {  	v31 =	vld [tilespmem:s24+$0x42A0];
	[tilespmem:s24+$0x4230] =	vst v19;
	v19 =	vmul.f32 v62, v59  }
0x128: {  	v33 =	vld [tilespmem:s24+$0x42B0];
	v32 =	vperm.xlane v17, v8;
	[tilespmem:s24+$0x4240] =	vst v18;
	v18 =	vmul.f32 v63, v59  }
0x129: {  	v34 =	vld [tilespmem:s24+$0x42C0];
	[tilespmem:s24+$0x4250] =	vst v19;
	v19 =	vmul.f32 v28, v59  }
0x12a: {  	v35 =	vld [tilespmem:s24+$0x42D0];
	[tilespmem:s24+$0x4260] =	vst v18;
	v18 =	vmul.f32 v29, v32  }
0x12b: {  	v36 =	vld [tilespmem:s24+$0x42E0];
	[tilespmem:s24+$0x4270] =	vst v19;
	v19 =	vmul.f32 v30, v32  }
0x12c: {  	v37 =	vld [tilespmem:s24+$0x42F0];
	[tilespmem:s24+$0x4280] =	vst v18;
	v18 =	vmul.f32 v31, v32  }
0x12d: {  	v38 =	vld [tilespmem:s24+$0x4300];
	[tilespmem:s24+$0x4290] =	vst v19;
	v19 =	vmul.f32 v33, v32  }
0x12e: {  	v39 =	vld [tilespmem:s24+$0x4310];
	[tilespmem:s24+$0x42A0] =	vst v18;
	v18 =	vmul.f32 v34, v32  }
0x12f: {  	v40 =	vld [tilespmem:s24+$0x4320];
	[tilespmem:s24+$0x42B0] =	vst v19;
	v19 =	vmul.f32 v35, v32  }
0x130: {  	v42 =	vld [tilespmem:s24+$0x4330];
	v41 =	vperm.xlane v17, v9;
	[tilespmem:s24+$0x42C0] =	vst v18;
	v18 =	vmul.f32 v36, v32  }
0x131: {  	v43 =	vld [tilespmem:s24+$0x4340];
	[tilespmem:s24+$0x42D0] =	vst v19;
	v19 =	vmul.f32 v37, v32  }
0x132: {  	v44 =	vld [tilespmem:s24+$0x4350];
	[tilespmem:s24+$0x42E0] =	vst v18;
	v18 =	vmul.f32 v38, v41  }
0x133: {  	v45 =	vld [tilespmem:s24+$0x4360];
	[tilespmem:s24+$0x42F0] =	vst v19;
	v19 =	vmul.f32 v39, v41  }
0x134: {  	v46 =	vld [tilespmem:s24+$0x4370];
	[tilespmem:s24+$0x4300] =	vst v18;
	v18 =	vmul.f32 v40, v41  }
0x135: {  	v47 =	vld [tilespmem:s24+$0x4380];
	[tilespmem:s24+$0x4310] =	vst v19;
	v19 =	vmul.f32 v42, v41  }
0x136: {  	v48 =	vld [tilespmem:s24+$0x4390];
	[tilespmem:s24+$0x4320] =	vst v18;
	v18 =	vmul.f32 v43, v41  }
0x137: {  	v49 =	vld [tilespmem:s24+$0x43A0];
	[tilespmem:s24+$0x4330] =	vst v19;
	v19 =	vmul.f32 v44, v41  }
0x138: {  	v51 =	vld [tilespmem:s24+$0x43B0];
	v50 =	vperm.xlane v17, v10;
	[tilespmem:s24+$0x4340] =	vst v18;
	v18 =	vmul.f32 v45, v41  }
0x139: {  	v52 =	vld [tilespmem:s24+$0x43C0];
	[tilespmem:s24+$0x4350] =	vst v19;
	v19 =	vmul.f32 v46, v41  }
0x13a: {  	v53 =	vld [tilespmem:s24+$0x43D0];
	[tilespmem:s24+$0x4360] =	vst v18;
	v18 =	vmul.f32 v47, v50  }
0x13b: {  	v54 =	vld [tilespmem:s24+$0x43E0];
	[tilespmem:s24+$0x4370] =	vst v19;
	v19 =	vmul.f32 v48, v50  }
0x13c: {  	v55 =	vld [tilespmem:s24+$0x43F0];
	[tilespmem:s24+$0x4380] =	vst v18;
	v18 =	vmul.f32 v49, v50  }
0x13d: {  	v56 =	vld [tilespmem:s24+$0x4400];
	[tilespmem:s24+$0x4390] =	vst v19;
	v19 =	vmul.f32 v51, v50  }
0x13e: {  	v57 =	vld [tilespmem:s24+$0x4410];
	[tilespmem:s24+$0x43A0] =	vst v18;
	v18 =	vmul.f32 v52, v50  }
0x13f: {  	v58 =	vld [tilespmem:s24+$0x4420];
	[tilespmem:s24+$0x43B0] =	vst v19;
	v19 =	vmul.f32 v53, v50  }
0x140: {  	v60 =	vld [tilespmem:s24+$0x4430];
	v59 =	vperm.xlane v17, v11;
	[tilespmem:s24+$0x43C0] =	vst v18;
	v18 =	vmul.f32 v54, v50  }
0x141: {  	v61 =	vld [tilespmem:s24+$0x4440];
	[tilespmem:s24+$0x43D0] =	vst v19;
	v19 =	vmul.f32 v55, v50  }
0x142: {  	v62 =	vld [tilespmem:s24+$0x4450];
	[tilespmem:s24+$0x43E0] =	vst v18;
	v18 =	vmul.f32 v56, v59  }
0x143: {  	v63 =	vld [tilespmem:s24+$0x4460];
	[tilespmem:s24+$0x43F0] =	vst v19;
	v19 =	vmul.f32 v57, v59  }
0x144: {  	v28 =	vld [tilespmem:s24+$0x4470];
	[tilespmem:s24+$0x4400] =	vst v18;
	v18 =	vmul.f32 v58, v59  }
0x145: {  	v29 =	vld [tilespmem:s24+$0x4480];
	[tilespmem:s24+$0x4410] =	vst v19;
	v19 =	vmul.f32 v60, v59  }
0x146: {  	v30 =	vld [tilespmem:s24+$0x4490];
	[tilespmem:s24+$0x4420] =	vst v18;
	v18 =	vmul.f32 v61, v59  }
0x147: {  	v31 =	vld [tilespmem:s24+$0x44A0];
	[tilespmem:s24+$0x4430] =	vst v19;
	v19 =	vmul.f32 v62, v59  }
0x148: {  	v33 =	vld [tilespmem:s24+$0x44B0];
	v32 =	vperm.xlane v17, v12;
	[tilespmem:s24+$0x4440] =	vst v18;
	v18 =	vmul.f32 v63, v59  }
0x149: {  	v34 =	vld [tilespmem:s24+$0x44C0];
	[tilespmem:s24+$0x4450] =	vst v19;
	v19 =	vmul.f32 v28, v59  }
0x14a: {  	v35 =	vld [tilespmem:s24+$0x44D0];
	[tilespmem:s24+$0x4460] =	vst v18;
	v18 =	vmul.f32 v29, v32  }
0x14b: {  	v36 =	vld [tilespmem:s24+$0x44E0];
	[tilespmem:s24+$0x4470] =	vst v19;
	v19 =	vmul.f32 v30, v32  }
0x14c: {  	v37 =	vld [tilespmem:s24+$0x44F0];
	[tilespmem:s24+$0x4480] =	vst v18;
	v18 =	vmul.f32 v31, v32  }
0x14d: {  	v38 =	vld [tilespmem:s24+$0x4500];
	[tilespmem:s24+$0x4490] =	vst v19;
	v19 =	vmul.f32 v33, v32  }
0x14e: {  	v39 =	vld [tilespmem:s24+$0x4510];
	[tilespmem:s24+$0x44A0] =	vst v18;
	v18 =	vmul.f32 v34, v32  }
0x14f: {  	v40 =	vld [tilespmem:s24+$0x4520];
	[tilespmem:s24+$0x44B0] =	vst v19;
	v19 =	vmul.f32 v35, v32  }
0x150: {  	v42 =	vld [tilespmem:s24+$0x4530];
	v41 =	vperm.xlane v17, v13;
	[tilespmem:s24+$0x44C0] =	vst v18;
	v18 =	vmul.f32 v36, v32  }
0x151: {  	v43 =	vld [tilespmem:s24+$0x4540];
	[tilespmem:s24+$0x44D0] =	vst v19;
	v19 =	vmul.f32 v37, v32  }
0x152: {  	v44 =	vld [tilespmem:s24+$0x4550];
	[tilespmem:s24+$0x44E0] =	vst v18;
	v18 =	vmul.f32 v38, v41  }
0x153: {  	v45 =	vld [tilespmem:s24+$0x4560];
	[tilespmem:s24+$0x44F0] =	vst v19;
	v19 =	vmul.f32 v39, v41  }
0x154: {  	v46 =	vld [tilespmem:s24+$0x4570];
	[tilespmem:s24+$0x4500] =	vst v18;
	v18 =	vmul.f32 v40, v41  }
0x155: {  	v47 =	vld [tilespmem:s24+$0x4580];
	[tilespmem:s24+$0x4510] =	vst v19;
	v19 =	vmul.f32 v42, v41  }
0x156: {  	v48 =	vld [tilespmem:s24+$0x4590];
	[tilespmem:s24+$0x4520] =	vst v18;
	v18 =	vmul.f32 v43, v41  }
0x157: {  	v49 =	vld [tilespmem:s24+$0x45A0];
	[tilespmem:s24+$0x4530] =	vst v19;
	v19 =	vmul.f32 v44, v41  }
0x158: {  	v51 =	vld [tilespmem:s24+$0x45B0];
	v50 =	vperm.xlane v17, v14;
	[tilespmem:s24+$0x4540] =	vst v18;
	v18 =	vmul.f32 v45, v41  }
0x159: {  	v52 =	vld [tilespmem:s24+$0x45C0];
	[tilespmem:s24+$0x4550] =	vst v19;
	v19 =	vmul.f32 v46, v41  }
0x15a: {  	v53 =	vld [tilespmem:s24+$0x45D0];
	[tilespmem:s24+$0x4560] =	vst v18;
	v18 =	vmul.f32 v47, v50  }
0x15b: {  	v54 =	vld [tilespmem:s24+$0x45E0];
	[tilespmem:s24+$0x4570] =	vst v19;
	v19 =	vmul.f32 v48, v50  }
0x15c: {  	v55 =	vld [tilespmem:s24+$0x45F0];
	[tilespmem:s24+$0x4580] =	vst v18;
	v18 =	vmul.f32 v49, v50  }
0x15d: {  	v56 =	vld [tilespmem:s24+$0x4600];
	[tilespmem:s24+$0x4590] =	vst v19;
	v19 =	vmul.f32 v51, v50  }
0x15e: {  	v57 =	vld [tilespmem:s24+$0x4610];
	[tilespmem:s24+$0x45A0] =	vst v18;
	v18 =	vmul.f32 v52, v50  }
0x15f: {  	v58 =	vld [tilespmem:s24+$0x4620];
	[tilespmem:s24+$0x45B0] =	vst v19;
	v19 =	vmul.f32 v53, v50  }
0x160: {  	v17 =	vperm.xlane v17, v15;
	v59 =	vld [tilespmem:s24+$0x4630];
	[tilespmem:s24+$0x45C0] =	vst v18;
	v18 =	vmul.f32 v54, v50  }
0x161: {  	v60 =	vld [tilespmem:s24+$0x4640];
	[tilespmem:s24+$0x45D0] =	vst v19;
	v19 =	vmul.f32 v55, v50  }
0x162: {  	v61 =	vld [tilespmem:s24+$0x4650];
	[tilespmem:s24+$0x45E0] =	vst v18;
	v18 =	vmul.f32 v56, v17  }
0x163: {  	v62 =	vld [tilespmem:s24+$0x4660];
	[tilespmem:s24+$0x45F0] =	vst v19;
	v19 =	vmul.f32 v57, v17  }
0x164: {  	v63 =	vld [tilespmem:s24+$0x4670];
	[tilespmem:s24+$0x4600] =	vst v18;
	v18 =	vmul.f32 v58, v17  }
0x165: {  	[tilespmem:s24+$0x4610] =	vst v19;
	v19 =	vmul.f32 v59, v17  }
0x166: {  	p1 =	sne.s32 s23, $0x7;
	[tilespmem:s24+$0x4620] =	vst v18;
	v18 =	vmul.f32 v60, v17  }
.Ltmp0:
0x167: {  	[tilespmem:s24+$0x4630] =	vst v19;
	v19 =	vmul.f32 v61, v17;
	(pc) =	sbr.rel @p1 .LBB2_3-.Ltmp0, $4  }
0x168: {  	[tilespmem:s24+$0x4640] =	vst v18;
	v18 =	vmul.f32 v62, v17  }
0x169: {  	[tilespmem:s24+$0x4650] =	vst v19;
	v17 =	vmul.f32 v63, v17  }
0x16a: {  	[tilespmem:s24+$0x4660] =	vst v18  }
0x16b: {  	s23 =	sadd.s32 $0x1, s23;
	[tilespmem:s24+$0x4670] =	vst v17  }
0x16c: {  	s24 =	sshll.u32 s20, $0x8  }
0x16d: {  	p1 =	seq.s32 s20, $0x13;
	s23 =	sand.u32 $0x3FFFFF00, s24  }
.Ltmp1:
0x16e: {  	s23 =	sadd.s32 $0x180, s23;
	(pc) =	sbr.rel @p1 .LBB2_6-.Ltmp1, $4  }
0x16f: {  	[spmem:s1] =	stream.indirect.scatter.add.f32 [tilespmem:s0], [sflag:$0x3], $0x80, s23, s31, $0xb8;
	[tilespmem:$0x1FF00] =	vst v63  }
0x170: {  	_ =	swait.ge [sflag:s14], $0x4000  }
0x171: {  	[sflag:s14] =	ssyncset.done $0x0  }
0x172: {  	[sflag:s14] =	ssyncadd.s32 $0xFFFFC000  }
0x173: {  	s23 =	sadd.s32 $0x2A80, s24  }
0x174: {  	[tilespmem:s0], [sflag:$0x1] =	stream.indirect.gather [hbm4b:s7+s31], $0x80, s23, s31, $0xb8;
	[tilespmem:$0x1FF00] =	vst v63  }
0x175: {  	s23 =	sadd.s32 $0x280, s24  }
0x176: {  	[tilespmem:s9], [sflag:$0x5] =	stream.indirect.gather [spmem:s4], $0x1, s23, s31, $0xb8;
	[tilespmem:$0x1FF00] =	vst v63  }
0x177: {  	_ =	swait.ge [sflag:s26], $0x80  }
0x178: {  	[sflag:s26] =	ssyncset.done $0x0  }
0x179: {  	s24 =	sadd.s32 $0x1680, s24;
	[sflag:s26] =	ssyncadd.s32 $0xFFFFFF80  }
0x17a: {  	[tilespmem:s10], [sflag:$0x5] =	stream.indirect.gather [spmem:s5], $0x1, s24, s31, $0xb8;
	[tilespmem:$0x1FF00] =	vst v63  }
0x17b: {  	_ =	swait.ge [sflag:s26], $0x80  }
0x17c: {  	[sflag:s26] =	ssyncset.done $0x0  }
0x17d: {  	[sflag:s26] =	ssyncadd.s32 $0xFFFFFF80  }
0x17e: {  	v17 =	vld [tilespmem:$0x3D80]  }
0x17f: {  	v18 =	vld [tilespmem:$0x3E00]  }
0x180: {  	v19 =	vld [tilespmem:$0x3D90]  }
0x181: {  	v20 =	vld [tilespmem:$0x3E10]  }
0x182: {  	v21 =	vld [tilespmem:$0x3DA0]  }
0x183: {  	v22 =	vld [tilespmem:$0x3E20]  }
0x184: {  	v26 =	vld [tilespmem:$0x3DB0]  }
0x185: {  	v61 =	vld [tilespmem:$0x3DC0]  }
0x186: {  	v28 =	vld [tilespmem:$0x3DD0]  }
0x187: {  	v35 =	vld [tilespmem:$0x3E50]  }
0x188: {  	v18 =	vadd.f32 v18, v17;
	v17 =	vadd.f32 v17, v16  }
0x189: {  	v20 =	vadd.f32 v20, v19;
	v19 =	vadd.f32 v19, v16  }
0x18a: {  	v22 =	vadd.f32 v22, v21;
	v21 =	vadd.f32 v21, v16  }
0x18b: {  	v60 =	vadd.f32 v26, v16;
	v36 =	vadd.f32 v61, v16  }
0x18c: {  	v41 =	vadd.f32 v35, v28;
	v43 =	vadd.f32 v28, v16;
	v23 =	vmin.f32 v18, $0.0e+00  }
0x18d: {  	v24 =	vmin.f32 v17, $0.0e+00;
	v18 =	vmax.f32 v18, $0.0e+00;
	v17 =	vmax.f32 v17, $0.0e+00  }
0x18e: {  	v25 =	vmin.f32 v20, $0.0e+00;
	v20 =	vmax.f32 v20, $0.0e+00;
	v54 =	vmin.f32 v19, $0.0e+00  }
0x18f: {  	v19 =	vmax.f32 v19, $0.0e+00;
	v56 =	vmin.f32 v22, $0.0e+00;
	v57 =	vmax.f32 v22, $0.0e+00  }
0x190: {  	v59 =	vmin.f32 v21, $0.0e+00;
	v21 =	vmax.f32 v21, $0.0e+00;
	v27 =	vmin.f32 v60, $0.0e+00  }
0x191: {  	v53 =	vld [tilespmem:$0x3E30];
	v40 =	vmin.f32 v36, $0.0e+00;
	v22 =	vmax.f32 v36, $0.0e+00;
	v23 =	vmul.f32 $9.999999770e-03, v23  }
0x192: {  	v44 =	vld [tilespmem:$0x3DF0];
	v42 =	vmin.f32 v41, $0.0e+00;
	v24 =	vmul.f32 $9.999999770e-03, v24;
	v52 =	vmul.f32 $9.999999770e-03, v25  }
0x193: {  	v48 =	vmin.f32 v43, $0.0e+00;
	v55 =	vmul.f32 $9.999999770e-03, v54;
	v58 =	vmul.f32 $9.999999770e-03, v56  }
0x194: {  	v51 =	vmax.f32 v43, $0.0e+00;
	v62 =	vmul.f32 $9.999999770e-03, v59;
	v34 =	vmul.f32 $9.999999770e-03, v27  }
0x195: {  	v25 =	vmax.f32 v60, $0.0e+00;
	v18 =	vadd.f32 v23, v18;
	v17 =	vadd.f32 v24, v17  }
0x196: {  	v46 =	vmul.f32 $9.999999770e-03, v42;
	v19 =	vadd.f32 v55, v19;
	v24 =	vadd.f32 v53, v26  }
0x197: {  	v37 =	vld [tilespmem:$0x3DE0];
	v50 =	vmul.f32 $9.999999770e-03, v48;
	v23 =	vadd.f32 v34, v25;
	v55 =	vadd.f32 v44, v16  }
0x198: {  	v63 =	vld [tilespmem:$0x3E40];
	v25 =	vmax.f32 v41, $0.0e+00;
	v17 =	vsub.f32 v18, v17;
	v18 =	vadd.f32 v52, v20  }
0x199: {  	v49 =	vadd.f32 v46, v25;
	v32 =	vmin.f32 v24, $0.0e+00;
	v20 =	vadd.f32 v62, v21  }
0x19a: {  	v24 =	vmax.f32 v24, $0.0e+00;
	v33 =	vmul.f32 $9.999999770e-03, v32;
	v18 =	vsub.f32 v18, v19  }
0x19b: {  	v38 =	vld [tilespmem:$0x3E60];
	v19 =	vadd.f32 v58, v57;
	v17 =	vmul.f32 $1.442695020e+00, v17;
	v58 =	vmin.f32 v55, $0.0e+00  }
0x19c: {  	v21 =	vadd.f32 v33, v24;
	v24 =	vadd.f32 v37, v16;
	v60 =	vmul.f32 $9.999999770e-03, v58  }
0x19d: {  	v47 =	vld [tilespmem:$0x3E70];
	v18 =	vmul.f32 $1.442695020e+00, v18;
	(erf) = vpow2.f32 v17;
	v17 =	vadd.f32 v63, v61  }
0x19e: {  	v61 =	vmax.f32 v55, $0.0e+00;
	v54 =	vmin.f32 v24, $0.0e+00;
	v24 =	vmax.f32 v24, $0.0e+00  }
0x19f: {  	(erf) = vpow2.f32 v18;
	v18 =	vsub.f32 v19, v20;
	v19 =	vsub.f32 v21, v23  }
0x1a0: {  	v39 =	vmin.f32 v17, $0.0e+00;
	v23 =	vmul.f32 $9.999999770e-03, v40;
	v20 =	vadd.f32 v38, v37  }
0x1a1: {  	v17 =	vmax.f32 v17, $0.0e+00;
	v56 =	vmul.f32 $9.999999770e-03, v54;
	v21 =	vmul.f32 $9.999999770e-03, v39  }
0x1a2: {  	v45 =	vadd.f32 v23, v22;
	v52 =	vmin.f32 v20, $0.0e+00;
	v23 =	vadd.f32 v47, v44  }
0x1a3: {  	v22 =	vadd.f32 v50, v51;
	v20 =	vmax.f32 v20, $0.0e+00;
	v18 =	vmul.f32 $1.442695020e+00, v18  }
0x1a4: {  	v17 =	vadd.f32 v21, v17;
	v53 =	vmul.f32 $9.999999770e-03, v52;
	v57 =	vmin.f32 v23, $0.0e+00  }
0x1a5: {  	v21 =	vsub.f32 v49, v22;
	v22 =	vadd.f32 v56, v24;
	v59 =	vmul.f32 $9.999999770e-03, v57  }
0x1a6: {  	v23 =	vmax.f32 v23, $0.0e+00;
	v17 =	vsub.f32 v17, v45;
	v20 =	vadd.f32 v53, v20  }
0x1a7: {  	v62 =	vadd.f32 v60, v61;
	v19 =	vmul.f32 $1.442695020e+00, v19;
	v23 =	vadd.f32 v59, v23  }
0x1a8: {  	(erf) = vpow2.f32 v18;
	v18 =	vsub.f32 v20, v22;
	v17 =	vmul.f32 $1.442695020e+00, v17  }
0x1a9: {  	(erf) = vpow2.f32 v19;
	v63 =	vmul.f32 $1.442695020e+00, v21;
	v19 =	vsub.f32 v23, v62  }
0x1aa: {  	(erf) = vpow2.f32 v17;
	v17 =	vmul.f32 $1.442695020e+00, v18  }
0x1ab: {  	(erf) = vpow2.f32 v63;
	v18 =	vmul.f32 $1.442695020e+00, v19  }
0x1ac: {  	(erf) = vpow2.f32 v17  }
0x1ad: {  	(erf) = vpow2.f32 v18;
	_ =	sdelay $0x1  }
0x1ae: {  	v17 =	vpop (erf)  }
0x1af: {  	[tilespmem:$0x80] =	vst v17;
	v18 =	vpop (erf)  }
0x1b0: {  	v17 =	vpop (erf);
	[tilespmem:$0x90] =	vst v18  }
0x1b1: {  	v18 =	vpop (erf);
	[tilespmem:$0xA0] =	vst v17  }
0x1b2: {  	v17 =	vpop (erf);
	[tilespmem:$0xB0] =	vst v18  }
0x1b3: {  	v18 =	vpop (erf);
	[tilespmem:$0xC0] =	vst v17  }
0x1b4: {  	v17 =	vpop (erf);
	[tilespmem:$0xD0] =	vst v18  }
0x1b5: {  	[tilespmem:$0xE0] =	vst v17;
	v17 =	vpop (erf)  }
0x1b6: {  	[tilespmem:$0xF0] =	vst v17  }
0x1b7: {  	[spmem:s3] =	stream.indirect.scatter.add.f32 [tilespmem:s31], [sflag:$0x5], $0x1, s23, s31, $0xb8;
	[tilespmem:$0x1FF00] =	vst v63  }
0x1b8: {  	_ =	swait.ge [sflag:s26], $0x80  }
0x1b9: {  	[sflag:s26] =	ssyncset.done $0x0  }
0x1ba: {  	[sflag:s26] =	ssyncadd.s32 $0xFFFFFF80  }
.LBB2_6:
0x1bb: {  	_ =	swait.ge [sflag:s29], $0x4000  }
0x1bc: {  	[sflag:s29] =	ssyncset.done $0x0  }
0x1bd: {  	s23 =	simm.s32 $0x0;
	[sflag:s29] =	ssyncadd.s32 $0xFFFFC000  }
.LBB2_7:
0x1be: {  	s24 =	sshll.u32 s23, $0x4  }
0x1bf: {  	s24 =	sand.u32 $0x3FFFFFF0, s24  }
0x1c0: {  	v17 =	vld [tilespmem:s24+$0x100];
	s24 =	sshll.u32 s23, $0xB  }
0x1c1: {  	s24 =	sand.u32 $0x3FFFF800, s24  }
0x1c2: {  	v18 =	vld [tilespmem:s24+$0x7E80]  }
0x1c3: {  	v19 =	vld [tilespmem:s24+$0x7E90]  }
0x1c4: {  	v20 =	vld [tilespmem:s24+$0x7EA0]  }
0x1c5: {  	v22 =	vld [tilespmem:s24+$0x7EB0];
	v21 =	vperm.xlane v17, v0  }
0x1c6: {  	v23 =	vld [tilespmem:s24+$0x7EC0]  }
0x1c7: {  	v24 =	vld [tilespmem:s24+$0x7ED0];
	v18 =	vmul.f32 v18, v21  }
0x1c8: {  	v25 =	vld [tilespmem:s24+$0x7EE0];
	v19 =	vmul.f32 v19, v21  }
0x1c9: {  	v38 =	vld [tilespmem:s24+$0x7EF0];
	[tilespmem:s24+$0x7E80] =	vst v18;
	v18 =	vmul.f32 v20, v21  }
0x1ca: {  	v39 =	vld [tilespmem:s24+$0x7F00];
	[tilespmem:s24+$0x7E90] =	vst v19;
	v19 =	vmul.f32 v22, v21  }
0x1cb: {  	v40 =	vld [tilespmem:s24+$0x7F10];
	[tilespmem:s24+$0x7EA0] =	vst v18;
	v18 =	vmul.f32 v23, v21  }
0x1cc: {  	v41 =	vld [tilespmem:s24+$0x7F20];
	[tilespmem:s24+$0x7EB0] =	vst v19;
	v19 =	vmul.f32 v24, v21  }
0x1cd: {  	v26 =	vld [tilespmem:s24+$0x7F30];
	v42 =	vperm.xlane v17, v1;
	[tilespmem:s24+$0x7EC0] =	vst v18;
	v18 =	vmul.f32 v25, v21  }
0x1ce: {  	v43 =	vld [tilespmem:s24+$0x7F40];
	[tilespmem:s24+$0x7ED0] =	vst v19;
	v19 =	vmul.f32 v38, v21  }
0x1cf: {  	v44 =	vld [tilespmem:s24+$0x7F50];
	[tilespmem:s24+$0x7EE0] =	vst v18;
	v18 =	vmul.f32 v39, v42  }
0x1d0: {  	v45 =	vld [tilespmem:s24+$0x7F60];
	[tilespmem:s24+$0x7EF0] =	vst v19;
	v19 =	vmul.f32 v40, v42  }
0x1d1: {  	v46 =	vld [tilespmem:s24+$0x7F70];
	[tilespmem:s24+$0x7F00] =	vst v18;
	v18 =	vmul.f32 v41, v42  }
0x1d2: {  	v47 =	vld [tilespmem:s24+$0x7F80];
	[tilespmem:s24+$0x7F10] =	vst v19;
	v19 =	vmul.f32 v26, v42  }
0x1d3: {  	v48 =	vld [tilespmem:s24+$0x7F90];
	[tilespmem:s24+$0x7F20] =	vst v18;
	v18 =	vmul.f32 v43, v42  }
0x1d4: {  	v49 =	vld [tilespmem:s24+$0x7FA0];
	[tilespmem:s24+$0x7F30] =	vst v19;
	v19 =	vmul.f32 v44, v42  }
0x1d5: {  	v51 =	vld [tilespmem:s24+$0x7FB0];
	v50 =	vperm.xlane v17, v2;
	[tilespmem:s24+$0x7F40] =	vst v18;
	v18 =	vmul.f32 v45, v42  }
0x1d6: {  	v52 =	vld [tilespmem:s24+$0x7FC0];
	[tilespmem:s24+$0x7F50] =	vst v19;
	v19 =	vmul.f32 v46, v42  }
0x1d7: {  	v53 =	vld [tilespmem:s24+$0x7FD0];
	[tilespmem:s24+$0x7F60] =	vst v18;
	v18 =	vmul.f32 v47, v50  }
0x1d8: {  	v54 =	vld [tilespmem:s24+$0x7FE0];
	[tilespmem:s24+$0x7F70] =	vst v19;
	v19 =	vmul.f32 v48, v50  }
0x1d9: {  	v55 =	vld [tilespmem:s24+$0x7FF0];
	[tilespmem:s24+$0x7F80] =	vst v18;
	v18 =	vmul.f32 v49, v50  }
0x1da: {  	v56 =	vld [tilespmem:s24+$0x8000];
	[tilespmem:s24+$0x7F90] =	vst v19;
	v19 =	vmul.f32 v51, v50  }
0x1db: {  	v57 =	vld [tilespmem:s24+$0x8010];
	[tilespmem:s24+$0x7FA0] =	vst v18;
	v18 =	vmul.f32 v52, v50  }
0x1dc: {  	v58 =	vld [tilespmem:s24+$0x8020];
	[tilespmem:s24+$0x7FB0] =	vst v19;
	v19 =	vmul.f32 v53, v50  }
0x1dd: {  	v60 =	vld [tilespmem:s24+$0x8030];
	v59 =	vperm.xlane v17, v3;
	[tilespmem:s24+$0x7FC0] =	vst v18;
	v18 =	vmul.f32 v54, v50  }
0x1de: {  	v61 =	vld [tilespmem:s24+$0x8040];
	[tilespmem:s24+$0x7FD0] =	vst v19;
	v19 =	vmul.f32 v55, v50  }
0x1df: {  	v62 =	vld [tilespmem:s24+$0x8050];
	[tilespmem:s24+$0x7FE0] =	vst v18;
	v18 =	vmul.f32 v56, v59  }
0x1e0: {  	v63 =	vld [tilespmem:s24+$0x8060];
	[tilespmem:s24+$0x7FF0] =	vst v19;
	v19 =	vmul.f32 v57, v59  }
0x1e1: {  	v28 =	vld [tilespmem:s24+$0x8070];
	[tilespmem:s24+$0x8000] =	vst v18;
	v18 =	vmul.f32 v58, v59  }
0x1e2: {  	v29 =	vld [tilespmem:s24+$0x8080];
	[tilespmem:s24+$0x8010] =	vst v19;
	v19 =	vmul.f32 v60, v59  }
0x1e3: {  	v30 =	vld [tilespmem:s24+$0x8090];
	[tilespmem:s24+$0x8020] =	vst v18;
	v18 =	vmul.f32 v61, v59  }
0x1e4: {  	v31 =	vld [tilespmem:s24+$0x80A0];
	[tilespmem:s24+$0x8030] =	vst v19;
	v19 =	vmul.f32 v62, v59  }
0x1e5: {  	v33 =	vld [tilespmem:s24+$0x80B0];
	v32 =	vperm.xlane v17, v4;
	[tilespmem:s24+$0x8040] =	vst v18;
	v18 =	vmul.f32 v63, v59  }
0x1e6: {  	v34 =	vld [tilespmem:s24+$0x80C0];
	[tilespmem:s24+$0x8050] =	vst v19;
	v19 =	vmul.f32 v28, v59  }
0x1e7: {  	v35 =	vld [tilespmem:s24+$0x80D0];
	[tilespmem:s24+$0x8060] =	vst v18;
	v18 =	vmul.f32 v29, v32  }
0x1e8: {  	v36 =	vld [tilespmem:s24+$0x80E0];
	[tilespmem:s24+$0x8070] =	vst v19;
	v19 =	vmul.f32 v30, v32  }
0x1e9: {  	v37 =	vld [tilespmem:s24+$0x80F0];
	[tilespmem:s24+$0x8080] =	vst v18;
	v18 =	vmul.f32 v31, v32  }
0x1ea: {  	v38 =	vld [tilespmem:s24+$0x8100];
	[tilespmem:s24+$0x8090] =	vst v19;
	v19 =	vmul.f32 v33, v32  }
0x1eb: {  	v39 =	vld [tilespmem:s24+$0x8110];
	[tilespmem:s24+$0x80A0] =	vst v18;
	v18 =	vmul.f32 v34, v32  }
0x1ec: {  	v40 =	vld [tilespmem:s24+$0x8120];
	[tilespmem:s24+$0x80B0] =	vst v19;
	v19 =	vmul.f32 v35, v32  }
0x1ed: {  	v41 =	vperm.xlane v17, v5;
	v42 =	vld [tilespmem:s24+$0x8130];
	[tilespmem:s24+$0x80C0] =	vst v18;
	v18 =	vmul.f32 v36, v32  }
0x1ee: {  	v43 =	vld [tilespmem:s24+$0x8140];
	[tilespmem:s24+$0x80D0] =	vst v19;
	v19 =	vmul.f32 v37, v32  }
0x1ef: {  	v44 =	vld [tilespmem:s24+$0x8150];
	[tilespmem:s24+$0x80E0] =	vst v18;
	v18 =	vmul.f32 v38, v41  }
0x1f0: {  	v45 =	vld [tilespmem:s24+$0x8160];
	[tilespmem:s24+$0x80F0] =	vst v19;
	v19 =	vmul.f32 v39, v41  }
0x1f1: {  	v46 =	vld [tilespmem:s24+$0x8170];
	[tilespmem:s24+$0x8100] =	vst v18;
	v18 =	vmul.f32 v40, v41  }
0x1f2: {  	v47 =	vld [tilespmem:s24+$0x8180];
	[tilespmem:s24+$0x8110] =	vst v19;
	v19 =	vmul.f32 v42, v41  }
0x1f3: {  	v48 =	vld [tilespmem:s24+$0x8190];
	[tilespmem:s24+$0x8120] =	vst v18;
	v18 =	vmul.f32 v43, v41  }
0x1f4: {  	v49 =	vld [tilespmem:s24+$0x81A0];
	[tilespmem:s24+$0x8130] =	vst v19;
	v19 =	vmul.f32 v44, v41  }
0x1f5: {  	v51 =	vld [tilespmem:s24+$0x81B0];
	v50 =	vperm.xlane v17, v6;
	[tilespmem:s24+$0x8140] =	vst v18;
	v18 =	vmul.f32 v45, v41  }
0x1f6: {  	v52 =	vld [tilespmem:s24+$0x81C0];
	[tilespmem:s24+$0x8150] =	vst v19;
	v19 =	vmul.f32 v46, v41  }
0x1f7: {  	v53 =	vld [tilespmem:s24+$0x81D0];
	[tilespmem:s24+$0x8160] =	vst v18;
	v18 =	vmul.f32 v47, v50  }
0x1f8: {  	v54 =	vld [tilespmem:s24+$0x81E0];
	[tilespmem:s24+$0x8170] =	vst v19;
	v19 =	vmul.f32 v48, v50  }
0x1f9: {  	v55 =	vld [tilespmem:s24+$0x81F0];
	[tilespmem:s24+$0x8180] =	vst v18;
	v18 =	vmul.f32 v49, v50  }
0x1fa: {  	v56 =	vld [tilespmem:s24+$0x8200];
	[tilespmem:s24+$0x8190] =	vst v19;
	v19 =	vmul.f32 v51, v50  }
0x1fb: {  	v57 =	vld [tilespmem:s24+$0x8210];
	[tilespmem:s24+$0x81A0] =	vst v18;
	v18 =	vmul.f32 v52, v50  }
0x1fc: {  	v58 =	vld [tilespmem:s24+$0x8220];
	[tilespmem:s24+$0x81B0] =	vst v19;
	v19 =	vmul.f32 v53, v50  }
0x1fd: {  	v60 =	vld [tilespmem:s24+$0x8230];
	v59 =	vperm.xlane v17, v7;
	[tilespmem:s24+$0x81C0] =	vst v18;
	v18 =	vmul.f32 v54, v50  }
0x1fe: {  	v61 =	vld [tilespmem:s24+$0x8240];
	[tilespmem:s24+$0x81D0] =	vst v19;
	v19 =	vmul.f32 v55, v50  }
0x1ff: {  	v62 =	vld [tilespmem:s24+$0x8250];
	[tilespmem:s24+$0x81E0] =	vst v18;
	v18 =	vmul.f32 v56, v59  }
0x200: {  	v63 =	vld [tilespmem:s24+$0x8260];
	[tilespmem:s24+$0x81F0] =	vst v19;
	v19 =	vmul.f32 v57, v59  }
0x201: {  	v28 =	vld [tilespmem:s24+$0x8270];
	[tilespmem:s24+$0x8200] =	vst v18;
	v18 =	vmul.f32 v58, v59  }
0x202: {  	v29 =	vld [tilespmem:s24+$0x8280];
	[tilespmem:s24+$0x8210] =	vst v19;
	v19 =	vmul.f32 v60, v59  }
0x203: {  	v30 =	vld [tilespmem:s24+$0x8290];
	[tilespmem:s24+$0x8220] =	vst v18;
	v18 =	vmul.f32 v61, v59  }
0x204: {  	v31 =	vld [tilespmem:s24+$0x82A0];
	[tilespmem:s24+$0x8230] =	vst v19;
	v19 =	vmul.f32 v62, v59  }
0x205: {  	v33 =	vld [tilespmem:s24+$0x82B0];
	v32 =	vperm.xlane v17, v8;
	[tilespmem:s24+$0x8240] =	vst v18;
	v18 =	vmul.f32 v63, v59  }
0x206: {  	v34 =	vld [tilespmem:s24+$0x82C0];
	[tilespmem:s24+$0x8250] =	vst v19;
	v19 =	vmul.f32 v28, v59  }
0x207: {  	v35 =	vld [tilespmem:s24+$0x82D0];
	[tilespmem:s24+$0x8260] =	vst v18;
	v18 =	vmul.f32 v29, v32  }
0x208: {  	v36 =	vld [tilespmem:s24+$0x82E0];
	[tilespmem:s24+$0x8270] =	vst v19;
	v19 =	vmul.f32 v30, v32  }
0x209: {  	v37 =	vld [tilespmem:s24+$0x82F0];
	[tilespmem:s24+$0x8280] =	vst v18;
	v18 =	vmul.f32 v31, v32  }
0x20a: {  	v38 =	vld [tilespmem:s24+$0x8300];
	[tilespmem:s24+$0x8290] =	vst v19;
	v19 =	vmul.f32 v33, v32  }
0x20b: {  	v39 =	vld [tilespmem:s24+$0x8310];
	[tilespmem:s24+$0x82A0] =	vst v18;
	v18 =	vmul.f32 v34, v32  }
0x20c: {  	v40 =	vld [tilespmem:s24+$0x8320];
	[tilespmem:s24+$0x82B0] =	vst v19;
	v19 =	vmul.f32 v35, v32  }
0x20d: {  	v42 =	vld [tilespmem:s24+$0x8330];
	v41 =	vperm.xlane v17, v9;
	[tilespmem:s24+$0x82C0] =	vst v18;
	v18 =	vmul.f32 v36, v32  }
0x20e: {  	v43 =	vld [tilespmem:s24+$0x8340];
	[tilespmem:s24+$0x82D0] =	vst v19;
	v19 =	vmul.f32 v37, v32  }
0x20f: {  	v44 =	vld [tilespmem:s24+$0x8350];
	[tilespmem:s24+$0x82E0] =	vst v18;
	v18 =	vmul.f32 v38, v41  }
0x210: {  	v45 =	vld [tilespmem:s24+$0x8360];
	[tilespmem:s24+$0x82F0] =	vst v19;
	v19 =	vmul.f32 v39, v41  }
0x211: {  	v46 =	vld [tilespmem:s24+$0x8370];
	[tilespmem:s24+$0x8300] =	vst v18;
	v18 =	vmul.f32 v40, v41  }
0x212: {  	v47 =	vld [tilespmem:s24+$0x8380];
	[tilespmem:s24+$0x8310] =	vst v19;
	v19 =	vmul.f32 v42, v41  }
0x213: {  	v48 =	vld [tilespmem:s24+$0x8390];
	[tilespmem:s24+$0x8320] =	vst v18;
	v18 =	vmul.f32 v43, v41  }
0x214: {  	v49 =	vld [tilespmem:s24+$0x83A0];
	[tilespmem:s24+$0x8330] =	vst v19;
	v19 =	vmul.f32 v44, v41  }
0x215: {  	v51 =	vld [tilespmem:s24+$0x83B0];
	v50 =	vperm.xlane v17, v10;
	[tilespmem:s24+$0x8340] =	vst v18;
	v18 =	vmul.f32 v45, v41  }
0x216: {  	v52 =	vld [tilespmem:s24+$0x83C0];
	[tilespmem:s24+$0x8350] =	vst v19;
	v19 =	vmul.f32 v46, v41  }
0x217: {  	v53 =	vld [tilespmem:s24+$0x83D0];
	[tilespmem:s24+$0x8360] =	vst v18;
	v18 =	vmul.f32 v47, v50  }
0x218: {  	v54 =	vld [tilespmem:s24+$0x83E0];
	[tilespmem:s24+$0x8370] =	vst v19;
	v19 =	vmul.f32 v48, v50  }
0x219: {  	v55 =	vld [tilespmem:s24+$0x83F0];
	[tilespmem:s24+$0x8380] =	vst v18;
	v18 =	vmul.f32 v49, v50  }
0x21a: {  	v56 =	vld [tilespmem:s24+$0x8400];
	[tilespmem:s24+$0x8390] =	vst v19;
	v19 =	vmul.f32 v51, v50  }
0x21b: {  	v57 =	vld [tilespmem:s24+$0x8410];
	[tilespmem:s24+$0x83A0] =	vst v18;
	v18 =	vmul.f32 v52, v50  }
0x21c: {  	v58 =	vld [tilespmem:s24+$0x8420];
	[tilespmem:s24+$0x83B0] =	vst v19;
	v19 =	vmul.f32 v53, v50  }
0x21d: {  	v60 =	vld [tilespmem:s24+$0x8430];
	v59 =	vperm.xlane v17, v11;
	[tilespmem:s24+$0x83C0] =	vst v18;
	v18 =	vmul.f32 v54, v50  }
0x21e: {  	v61 =	vld [tilespmem:s24+$0x8440];
	[tilespmem:s24+$0x83D0] =	vst v19;
	v19 =	vmul.f32 v55, v50  }
0x21f: {  	v62 =	vld [tilespmem:s24+$0x8450];
	[tilespmem:s24+$0x83E0] =	vst v18;
	v18 =	vmul.f32 v56, v59  }
0x220: {  	v63 =	vld [tilespmem:s24+$0x8460];
	[tilespmem:s24+$0x83F0] =	vst v19;
	v19 =	vmul.f32 v57, v59  }
0x221: {  	v28 =	vld [tilespmem:s24+$0x8470];
	[tilespmem:s24+$0x8400] =	vst v18;
	v18 =	vmul.f32 v58, v59  }
0x222: {  	v29 =	vld [tilespmem:s24+$0x8480];
	[tilespmem:s24+$0x8410] =	vst v19;
	v19 =	vmul.f32 v60, v59  }
0x223: {  	v30 =	vld [tilespmem:s24+$0x8490];
	[tilespmem:s24+$0x8420] =	vst v18;
	v18 =	vmul.f32 v61, v59  }
0x224: {  	v31 =	vld [tilespmem:s24+$0x84A0];
	[tilespmem:s24+$0x8430] =	vst v19;
	v19 =	vmul.f32 v62, v59  }
0x225: {  	v33 =	vld [tilespmem:s24+$0x84B0];
	v32 =	vperm.xlane v17, v12;
	[tilespmem:s24+$0x8440] =	vst v18;
	v18 =	vmul.f32 v63, v59  }
0x226: {  	v34 =	vld [tilespmem:s24+$0x84C0];
	[tilespmem:s24+$0x8450] =	vst v19;
	v19 =	vmul.f32 v28, v59  }
0x227: {  	v35 =	vld [tilespmem:s24+$0x84D0];
	[tilespmem:s24+$0x8460] =	vst v18;
	v18 =	vmul.f32 v29, v32  }
0x228: {  	v36 =	vld [tilespmem:s24+$0x84E0];
	[tilespmem:s24+$0x8470] =	vst v19;
	v19 =	vmul.f32 v30, v32  }
0x229: {  	v37 =	vld [tilespmem:s24+$0x84F0];
	[tilespmem:s24+$0x8480] =	vst v18;
	v18 =	vmul.f32 v31, v32  }
0x22a: {  	v38 =	vld [tilespmem:s24+$0x8500];
	[tilespmem:s24+$0x8490] =	vst v19;
	v19 =	vmul.f32 v33, v32  }
0x22b: {  	v39 =	vld [tilespmem:s24+$0x8510];
	[tilespmem:s24+$0x84A0] =	vst v18;
	v18 =	vmul.f32 v34, v32  }
0x22c: {  	v40 =	vld [tilespmem:s24+$0x8520];
	[tilespmem:s24+$0x84B0] =	vst v19;
	v19 =	vmul.f32 v35, v32  }
0x22d: {  	v42 =	vld [tilespmem:s24+$0x8530];
	v41 =	vperm.xlane v17, v13;
	[tilespmem:s24+$0x84C0] =	vst v18;
	v18 =	vmul.f32 v36, v32  }
0x22e: {  	v43 =	vld [tilespmem:s24+$0x8540];
	[tilespmem:s24+$0x84D0] =	vst v19;
	v19 =	vmul.f32 v37, v32  }
0x22f: {  	v44 =	vld [tilespmem:s24+$0x8550];
	[tilespmem:s24+$0x84E0] =	vst v18;
	v18 =	vmul.f32 v38, v41  }
0x230: {  	v45 =	vld [tilespmem:s24+$0x8560];
	[tilespmem:s24+$0x84F0] =	vst v19;
	v19 =	vmul.f32 v39, v41  }
0x231: {  	v46 =	vld [tilespmem:s24+$0x8570];
	[tilespmem:s24+$0x8500] =	vst v18;
	v18 =	vmul.f32 v40, v41  }
0x232: {  	v47 =	vld [tilespmem:s24+$0x8580];
	[tilespmem:s24+$0x8510] =	vst v19;
	v19 =	vmul.f32 v42, v41  }
0x233: {  	v48 =	vld [tilespmem:s24+$0x8590];
	[tilespmem:s24+$0x8520] =	vst v18;
	v18 =	vmul.f32 v43, v41  }
0x234: {  	v49 =	vld [tilespmem:s24+$0x85A0];
	[tilespmem:s24+$0x8530] =	vst v19;
	v19 =	vmul.f32 v44, v41  }
0x235: {  	v51 =	vld [tilespmem:s24+$0x85B0];
	v50 =	vperm.xlane v17, v14;
	[tilespmem:s24+$0x8540] =	vst v18;
	v18 =	vmul.f32 v45, v41  }
0x236: {  	v52 =	vld [tilespmem:s24+$0x85C0];
	[tilespmem:s24+$0x8550] =	vst v19;
	v19 =	vmul.f32 v46, v41  }
0x237: {  	v53 =	vld [tilespmem:s24+$0x85D0];
	[tilespmem:s24+$0x8560] =	vst v18;
	v18 =	vmul.f32 v47, v50  }
0x238: {  	v54 =	vld [tilespmem:s24+$0x85E0];
	[tilespmem:s24+$0x8570] =	vst v19;
	v19 =	vmul.f32 v48, v50  }
0x239: {  	v55 =	vld [tilespmem:s24+$0x85F0];
	[tilespmem:s24+$0x8580] =	vst v18;
	v18 =	vmul.f32 v49, v50  }
0x23a: {  	v56 =	vld [tilespmem:s24+$0x8600];
	[tilespmem:s24+$0x8590] =	vst v19;
	v19 =	vmul.f32 v51, v50  }
0x23b: {  	v57 =	vld [tilespmem:s24+$0x8610];
	[tilespmem:s24+$0x85A0] =	vst v18;
	v18 =	vmul.f32 v52, v50  }
0x23c: {  	v58 =	vld [tilespmem:s24+$0x8620];
	[tilespmem:s24+$0x85B0] =	vst v19;
	v19 =	vmul.f32 v53, v50  }
0x23d: {  	v17 =	vperm.xlane v17, v15;
	v59 =	vld [tilespmem:s24+$0x8630];
	[tilespmem:s24+$0x85C0] =	vst v18;
	v18 =	vmul.f32 v54, v50  }
0x23e: {  	v60 =	vld [tilespmem:s24+$0x8640];
	[tilespmem:s24+$0x85D0] =	vst v19;
	v19 =	vmul.f32 v55, v50  }
0x23f: {  	v61 =	vld [tilespmem:s24+$0x8650];
	[tilespmem:s24+$0x85E0] =	vst v18;
	v18 =	vmul.f32 v56, v17  }
0x240: {  	v62 =	vld [tilespmem:s24+$0x8660];
	[tilespmem:s24+$0x85F0] =	vst v19;
	v19 =	vmul.f32 v57, v17  }
0x241: {  	v63 =	vld [tilespmem:s24+$0x8670];
	[tilespmem:s24+$0x8600] =	vst v18;
	v18 =	vmul.f32 v58, v17  }
0x242: {  	[tilespmem:s24+$0x8610] =	vst v19;
	v19 =	vmul.f32 v59, v17  }
0x243: {  	p1 =	sne.s32 s23, $0x7;
	[tilespmem:s24+$0x8620] =	vst v18;
	v18 =	vmul.f32 v60, v17  }
.Ltmp2:
0x244: {  	[tilespmem:s24+$0x8630] =	vst v19;
	v19 =	vmul.f32 v61, v17;
	(pc) =	sbr.rel @p1 .LBB2_7-.Ltmp2, $4  }
0x245: {  	[tilespmem:s24+$0x8640] =	vst v18;
	v18 =	vmul.f32 v62, v17  }
0x246: {  	[tilespmem:s24+$0x8650] =	vst v19;
	v17 =	vmul.f32 v63, v17  }
0x247: {  	[tilespmem:s24+$0x8660] =	vst v18  }
0x248: {  	s23 =	sadd.s32 $0x1, s23;
	[tilespmem:s24+$0x8670] =	vst v17  }
0x249: {  	s20 =	sadd.s32 $0x1, s20  }
0x24a: {  	p1 =	sne.s32 s20, $0x14  }
.Ltmp3:
0x24b: {  	_ = 	snop;
	(pc) =	sbr.rel @p1 .LBB2_2-.Ltmp3, $4  }
0x24c: {  	_ = 	snop  }
0x24d: {  	s21 =	sand.u32 $0x3FFFFF80, s21  }
0x24e: {  	s21 =	sadd.s32 $0x180, s21  }
0x24f: {  	[spmem:s1] =	stream.indirect.scatter.add.f32 [tilespmem:s11], [sflag:$0x4], $0x80, s21, s31, $0xb8;
	[tilespmem:$0x1FF00] =	vst v63  }
0x250: {  	_ =	swait.ge [sflag:s15], $0x4000  }
0x251: {  	[sflag:s15] =	ssyncset.done $0x0  }
0x252: {  	[sflag:s15] =	ssyncadd.s32 $0xFFFFC000  }
0x253: {  	s20 =	sadd.s32 @p0 $0x25800, s22;
	[bflag:$0x0] =	sbarrier.arrive $0xFFFF  }
0x254: {  	[hbm:s20], [sflag:s18] =	dma.local @p0 [spmem:s16], $0x1A00  }
0x255: {  	s16 =	simm.s32 @p0 $0x5  }
0x256: {  	_ =	swait.ge @p0 [sflag:s16], $0x1A00  }
0x257: {  	[sflag:s16] =	ssyncset.done @p0 $0x0  }
0x258: {  	[sflag:s16] =	ssyncadd.s32 @p0 $0xFFFFE600;
	s16 =	sadd.s32 @!p0 s8, s22  }
0x259: {  	[hbm:s16], [sflag:s18] =	dma.local @!p0 [spmem:s17], $0x2800  }
0x25a: {  	s16 =	simm.s32 @!p0 $0x5  }
0x25b: {  	_ =	swait.ge @!p0 [sflag:s16], $0x2800  }
0x25c: {  	s21 =	simm.s32 $0x20;
	[sflag:s16] =	ssyncset.done @!p0 $0x0  }
0x25d: {  	s23 =	simm.s32 $0x10;
	s20 =	rddreg [dreg:$0x11];
	[sflag:s16] =	ssyncadd.s32 @!p0 $0xFFFFD800  }
0x25e: {  	[hbm:s20@s21], [sflag:s18] =	dma.strided [spmem:s19@s23], $0x50, s13, $0x10   }
0x25f: {  	_ =	swait.ge [sflag:s26], $0x50  }
0x260: {  	s30 =	sadd.s32 $0x1, s30;
	s24 =	rddreg [dreg:$0x14]  }
0x261: {  	p1 =	sne.s32 s30, s24  }
.Ltmp4:
0x262: {  	_ = 	snop;
	(pc) =	sbr.rel @p1 .LBB2_1-.Ltmp4, $3  }
0x263: {  	_ =	sdelay $0x1  }
0x264: {  	[sflag:s26] =	ssyncset.done $0x0  }
0x265: {  	[sflag:s26] =	ssyncadd.s32 $0xFFFFFFB0  }
0x266: {  	_ =	sfence.sel $0x180000  }
0x267: {  	[bflag:$0x0] =	sbarrier.arrive $0xFFFF  }
0x268: {  	_ =	strace $0x90000047  }
0x269: {  	[bflag:$0x2] =	sbarrier.arrive $0xFFFF  }
0x26a: {  	p0 =	sne.s32 s2, $0x0;
	s0 =	rddreg [dreg:$0x6]  }
0x26b: {  	s0 =	sadd.s32 @!p0 $0x100000, s0  }
0x26c: {  	[sflag:s0] =	ssyncadd.tile.s32 @!p0 $0x1;
	_ =	shalt  }
.Lfunc_end2:
_tile_overlayer_lowered:
.L_overlay_start_2:
0x26d: {  	(tag) =	ssettag $0x2  }
0x26e: {  	s0 =	rddreg [dreg:$0x0];
	s2 =	stileid.u32  }
0x26f: {  	s1 =	rddreg [dreg:$0x1];
	p0 =	sne.s32 s2, $0x0  }
0x270: {  	s3 =	rddreg [dreg:$0x2];
	[bflag:$0x3] =	sbarrier.arrive $0xFFFF;
	s2 =	simm.s32 @!p0 $0x1C05  }
0x271: {  	[timem:s3], [sflag:s2] =	dma.local @!p0 [hbm:s0], s1  }
0x272: {  	s0 =	simm.s32 @!p0 $0x5  }
0x273: {  	_ =	swait.ge @!p0 [sflag:s0], s1  }
0x274: {  	s1 =	ssub.s32 @!p0 $0x0, s1;
	[sflag:s0] =	ssyncset.done @!p0 $0x0  }
0x275: {  	[sflag:s0] =	ssyncadd.s32 @!p0 s1  }
0x276: {  	[bflag:$0x3] =	sbarrier.arrive $0xFFFF  }
0x277: {  	_ =	shalt  }

</sc_bundles>
